<compile_context>
chip_gen: v7x
topology: tpu7x:2x2x1
jax: 0.10.2.dev20260603
libtpu: 0.0.44.dev20260713+nightly
codegen_flags: <defaults>
</compile_context>

<pallas_src>
import functools

import jax
import jax.numpy as jnp
from jax import lax
from jax.experimental import pallas as pl
from jax.experimental.pallas import tpu as pltpu
from jax.experimental.pallas import tpu_sc as plsc

N = 10000
E = 320000
MAX_NB = 32
ATOM_FDIM = 133
BOND_FDIM = 147
HID = 64
DEPTH = 3
N_MOLS = 512
H2 = 2 * HID

NC = 2
NS = 16
NW = NC * NS

_SC_MESH = dict(core_axis_name="c", subcore_axis_name="s")



def _tc_init(fbT_sv, fbT_su, W_i):
    BE = 2560
    dnT = (((0,), (0,)), ((), ()))

    def body(a, b, wi, inp0_o):
        xa = lax.dot_general(a[...], wi[...], dnT,
                             preferred_element_type=jnp.float32)
        xb = lax.dot_general(b[...], wi[...], dnT,
                             preferred_element_type=jnp.float32)
        inp0_o[...] = jnp.concatenate([xa, xb], axis=1)

    return pl.pallas_call(
        body,
        grid=(E // BE,),
        in_specs=[
            pl.BlockSpec((BOND_FDIM, BE), lambda i: (0, i)),
            pl.BlockSpec((BOND_FDIM, BE), lambda i: (0, i)),
            pl.BlockSpec((BOND_FDIM, HID), lambda i: (0, 0)),
        ],
        out_specs=pl.BlockSpec((BE, H2), lambda i: (i, 0)),
        out_shape=jax.ShapeDtypeStruct((E, H2), jnp.float32),
        compiler_params=pltpu.CompilerParams(
            dimension_semantics=("parallel",)),
    )(fbT_sv, fbT_su, W_i)


def _tc_matmul(msg, Wh2, relu_first=False):
    BE = 4000

    def body(m, wh, p_o):
        x = jnp.maximum(m[...], 0.0) if relu_first else m[...]
        p_o[...] = jnp.dot(x, wh[...], preferred_element_type=jnp.float32)

    return pl.pallas_call(
        body,
        grid=(E // BE,),
        in_specs=[
            pl.BlockSpec((BE, H2), lambda i: (i, 0)),
            pl.BlockSpec((H2, H2), lambda i: (0, 0)),
        ],
        out_specs=pl.BlockSpec((BE, H2), lambda i: (i, 0)),
        out_shape=jax.ShapeDtypeStruct((E, H2), jnp.float32),
        compiler_params=pltpu.CompilerParams(
            dimension_semantics=("parallel",)),
    )(msg, Wh2)


def _tc_q(am, Wh2):

    def body(a, wh, q_o):
        q_o[...] = jnp.dot(a[...], wh[...], preferred_element_type=jnp.float32)

    return pl.pallas_call(
        body,
        out_shape=jax.ShapeDtypeStruct((N, H2), jnp.float32),
    )(am, Wh2)


def _tc_final(f_atoms, am, seg_col, Wo_a, Wo_m, b_o_row, half):
    BN = 2000
    nblk = N // BN
    lo = half * HID

    def body(fa, a, seg, woa, wom, bo, ah_o, mv_o, acc, cnt):
        i = pl.program_id(0)
        amh = a[:, lo:lo + HID]
        ah = jnp.maximum(
            jnp.dot(fa[...], woa[...], preferred_element_type=jnp.float32)
            + jnp.dot(amh, wom[...], preferred_element_type=jnp.float32)
            + bo[...], 0.0)
        ah_o[...] = ah

        onehot = (lax.broadcasted_iota(jnp.int32, (BN, N_MOLS), 1)
                  == seg[...]).astype(jnp.float32)

        @pl.when(i == 0)
        def _():
            acc[...] = jnp.zeros_like(acc)
            cnt[...] = jnp.zeros_like(cnt)

        dn = (((0,), (0,)), ((), ()))
        acc[...] += lax.dot_general(onehot, ah, dn,
                                    preferred_element_type=jnp.float32)
        cnt[...] += lax.dot_general(onehot, jnp.ones((BN, HID), jnp.float32),
                                    dn, preferred_element_type=jnp.float32)

        @pl.when(i == nblk - 1)
        def _():
            mv_o[...] = acc[...] / jnp.maximum(cnt[...], 1.0)

    return pl.pallas_call(
        body,
        grid=(nblk,),
        in_specs=[
            pl.BlockSpec((BN, ATOM_FDIM), lambda i: (i, 0)),
            pl.BlockSpec((BN, H2), lambda i: (i, 0)),
            pl.BlockSpec((BN, 1), lambda i: (i, 0)),
            pl.BlockSpec((ATOM_FDIM, HID), lambda i: (0, 0)),
            pl.BlockSpec((HID, HID), lambda i: (0, 0)),
            pl.BlockSpec((1, HID), lambda i: (0, 0)),
        ],
        out_specs=[
            pl.BlockSpec((BN, HID), lambda i: (i, 0)),
            pl.BlockSpec((N_MOLS, HID), lambda i: (0, 0)),
        ],
        out_shape=[
            jax.ShapeDtypeStruct((N, HID), jnp.float32),
            jax.ShapeDtypeStruct((N_MOLS, HID), jnp.float32),
        ],
        scratch_shapes=[
            pltpu.VMEM((N_MOLS, HID), jnp.float32),
            pltpu.VMEM((N_MOLS, HID), jnp.float32),
        ],
    )(f_atoms, am, seg_col, Wo_a, Wo_m, b_o_row)



_APW = 320
_GS_CA = 8
_GS_NCH = _APW // _GS_CA
_GS_R = _GS_CA * MAX_NB


def _sc_gather_sum(table, a2b_sv, a2b_su, apply_relu):
    mesh = plsc.VectorSubcoreMesh(**_SC_MESH)

    @functools.partial(
        pl.kernel,
        out_type=jax.ShapeDtypeStruct((N, H2), jnp.float32),
        mesh=mesh,
        scratch_types=[
            pltpu.VMEM((_APW * MAX_NB,), jnp.int32),
            pltpu.VMEM((_APW * MAX_NB,), jnp.int32),
            pltpu.VMEM((_GS_R, H2), jnp.float32),
            pltpu.VMEM((_GS_R, H2), jnp.float32),
            pltpu.VMEM((_GS_CA, H2), jnp.float32),
            pltpu.SemaphoreType.DMA,
            pltpu.SemaphoreType.DMA,
        ],
    )
    def k(table_h, a2b_sv_h, a2b_su_h, out_h,
          idx0_v, idx1_v, rows0_v, rows1_v, out_v, sem0, sem1):
        c = lax.axis_index("c")
        s = lax.axis_index("s")
        wid = s * NC + c
        start = wid * _APW
        rs = jnp.minimum(start, N - _APW)
        idx_v = (idx0_v, idx1_v)
        rows_v = (rows0_v, rows1_v)
        sems = (sem0, sem1)

        pltpu.sync_copy(a2b_sv_h.at[pl.ds(rs * MAX_NB, _APW * MAX_NB)],
                        idx0_v)
        pltpu.sync_copy(a2b_su_h.at[pl.ds(rs * MAX_NB, _APW * MAX_NB)],
                        idx1_v)

        def chunk_base(ci):
            return jnp.minimum(start + ci * _GS_CA, N - _GS_CA)

        def issue(ci, half):
            lb = chunk_base(ci) - rs
            pltpu.async_copy(
                table_h.at[idx_v[half].at[pl.ds(lb * MAX_NB, _GS_R)]],
                rows_v[half], sems[half])

        def reduce_half(half):
            cols = tuple(pl.ds((4 * half + j) * 16, 16) for j in range(4))

            def per_atom(ai, _):
                def per_row(kk, accs):
                    r = ai * MAX_NB + kk
                    vs = [rows_v[half][r, sl] for sl in cols]
                    if apply_relu:
                        vs = [jnp.maximum(v, 0.0) for v in vs]
                    return tuple(a + v for a, v in zip(accs, vs))

                accs = lax.fori_loop(
                    0, MAX_NB, per_row,
                    tuple(jnp.zeros((16,), jnp.float32) for _ in range(4)))
                for sl, a in zip(cols, accs):
                    out_v[ai, sl] = a
                return 0

            lax.fori_loop(0, _GS_CA, per_atom, 0)

        def wait(half):
            pltpu.make_async_copy(
                table_h.at[idx_v[half].at[pl.ds(0, _GS_R)]],
                rows_v[half], sems[half]).wait()

        issue(0, 0)

        def chunk(ci, _):
            wait(0)
            issue(ci, 1)
            reduce_half(0)
            wait(1)
            issue(lax.rem(ci + 1, _GS_NCH), 0)
            reduce_half(1)
            pltpu.sync_copy(out_v, out_h.at[pl.ds(chunk_base(ci), _GS_CA)])
            return 0

        lax.fori_loop(0, _GS_NCH, chunk, 0)
        wait(0)

    return k(table, a2b_sv, a2b_su)


_BPW = E // NW
_MU_CB = 80
_MU_NCH = _BPW // _MU_CB
_MU_NIT = (_MU_NCH + 1) // 2


def _sc_msg_update(inp0, P, Q, b2a_sv, b2revb_sv, b2a_su, b2revb_su):
    mesh = plsc.VectorSubcoreMesh(**_SC_MESH)

    @functools.partial(
        pl.kernel,
        out_type=jax.ShapeDtypeStruct((E, H2), jnp.float32),
        mesh=mesh,
        scratch_types=[
            pltpu.VMEM((_BPW,), jnp.int32),
            pltpu.VMEM((_BPW,), jnp.int32),
            pltpu.VMEM((_BPW,), jnp.int32),
            pltpu.VMEM((_BPW,), jnp.int32),
            pltpu.VMEM((_MU_CB, H2), jnp.float32),
            pltpu.VMEM((_MU_CB, H2), jnp.float32),
            pltpu.VMEM((_MU_CB, H2), jnp.float32),
            pltpu.VMEM((_MU_CB, H2), jnp.float32),
            pltpu.VMEM((_MU_CB, H2), jnp.float32),
            pltpu.VMEM((_MU_CB, H2), jnp.float32),
            pltpu.VMEM((_MU_CB, H2), jnp.float32),
            pltpu.VMEM((_MU_CB, H2), jnp.float32),
            pltpu.SemaphoreType.DMA,
            pltpu.SemaphoreType.DMA,
            pltpu.SemaphoreType.DMA,
            pltpu.SemaphoreType.DMA,
            pltpu.SemaphoreType.DMA,
            pltpu.SemaphoreType.DMA,
            pltpu.SemaphoreType.DMA,
            pltpu.SemaphoreType.DMA,
        ],
    )
    def k(inp0_h, p_h, q_h, b2a_sv_h, b2revb_sv_h, b2a_su_h,
          b2revb_su_h, out_h,
          ia0_v, ia1_v, ir0_v, ir1_v, x0_v, x1_v,
          p0_v, p1_v, p2_v, p3_v, q0_v, q1_v,
          sx0, sx1, sp0, sp1, sp2, sp3, sq0, sq1):
        c = lax.axis_index("c")
        s = lax.axis_index("s")
        wid = s * NC + c
        start = wid * _BPW

        pltpu.sync_copy(b2a_sv_h.at[pl.ds(start, _BPW)], ia0_v)
        pltpu.sync_copy(b2a_su_h.at[pl.ds(start, _BPW)], ia1_v)
        pltpu.sync_copy(b2revb_sv_h.at[pl.ds(start, _BPW)], ir0_v)
        pltpu.sync_copy(b2revb_su_h.at[pl.ds(start, _BPW)], ir1_v)

        ia = (ia0_v, ia1_v)
        ir = (ir0_v, ir1_v)
        xs = (x0_v, x1_v)
        ps = (p0_v, p1_v, p2_v, p3_v)
        qs = (q0_v, q1_v)
        sxs = (sx0, sx1)
        sps = (sp0, sp1, sp2, sp3)
        sqs = (sq0, sq1)

        def cl(ci):
            return jnp.minimum(ci, _MU_NCH - 1)

        def issue_x(b, ci):
            pltpu.async_copy(
                inp0_h.at[pl.ds(start + cl(ci) * _MU_CB, _MU_CB)],
                xs[b], sxs[b])

        def wait_x(b):
            pltpu.make_async_copy(inp0_h.at[pl.ds(start, _MU_CB)],
                                  xs[b], sxs[b]).wait()

        def issue_p(b, ci, half):
            off = pl.ds(cl(ci) * _MU_CB, _MU_CB)
            pltpu.async_copy(p_h.at[ir[half].at[off]], ps[b], sps[b])

        def wait_p(b, half):
            off = pl.ds(0, _MU_CB)
            pltpu.make_async_copy(p_h.at[ir[half].at[off]],
                                  ps[b], sps[b]).wait()

        def issue_q(ci, half):
            off = pl.ds(cl(ci) * _MU_CB, _MU_CB)
            pltpu.async_copy(q_h.at[ia[half].at[off]], qs[half], sqs[half])

        def wait_q(half):
            off = pl.ds(0, _MU_CB)
            pltpu.make_async_copy(q_h.at[ia[half].at[off]], qs[half],
                                  sqs[half]).wait()

        def compute(xb, pb, half):
            def per_row(r, _):
                for j in range(4):
                    slx = pl.ds((4 * half + j) * 16, 16)
                    xs[xb][r, slx] = jnp.maximum(
                        xs[xb][r, slx] + qs[half][r, slx] - ps[pb][r, slx],
                        0.0)
                return 0

            lax.fori_loop(0, _MU_CB, per_row, 0)

        def store_x(xb, ci):
            pltpu.sync_copy(xs[xb],
                            out_h.at[pl.ds(start + ci * _MU_CB, _MU_CB)])

        issue_x(0, 0)
        issue_p(0, 0, 0)
        issue_p(1, 0, 1)
        issue_q(0, 0)

        def iteration(i, _):
            c0 = 2 * i
            c1 = cl(2 * i + 1)
            c2 = 2 * i + 2
            wait_x(0)
            wait_p(0, 0)
            wait_q(0)
            issue_p(2, c1, 0)
            issue_q(c0, 1)
            issue_x(1, c1)
            compute(0, 0, 0)
            wait_p(1, 1)
            wait_q(1)
            issue_p(3, c1, 1)
            issue_q(c1, 0)
            compute(0, 1, 1)
            store_x(0, c0)
            wait_x(1)
            wait_p(2, 0)
            wait_q(0)
            issue_p(0, c2, 0)
            issue_q(c1, 1)
            issue_x(0, c2)
            compute(1, 2, 0)
            wait_p(3, 1)
            wait_q(1)
            issue_p(1, c2, 1)
            issue_q(c2, 0)
            compute(1, 3, 1)
            store_x(1, c1)
            return 0

        lax.fori_loop(0, _MU_NIT, iteration, 0)
        wait_x(0)
        wait_p(0, 0)
        wait_p(1, 1)
        wait_q(0)

    return k(inp0, P, Q, b2a_sv, b2revb_sv, b2a_su, b2revb_su)



def kernel(f_atoms_solvent, f_bonds_solvent, a2b_solvent, b2a_solvent,
           b2revb_solvent, atom_seg_solvent, f_atoms_solute, f_bonds_solute,
           a2b_solute, b2a_solute, b2revb_solute, atom_seg_solute,
           W_i, W_h, W_o, b_o):
    a2b_sv = a2b_solvent.reshape(-1).astype(jnp.int32)
    a2b_su = a2b_solute.reshape(-1).astype(jnp.int32)
    b2a_sv = b2a_solvent.astype(jnp.int32)
    b2a_su = b2a_solute.astype(jnp.int32)
    b2revb_sv = b2revb_solvent.astype(jnp.int32)
    b2revb_su = b2revb_solute.astype(jnp.int32)
    seg_sv = atom_seg_solvent.astype(jnp.int32).reshape(N, 1)
    seg_su = atom_seg_solute.astype(jnp.int32).reshape(N, 1)

    Wh2 = jnp.zeros((H2, H2), jnp.float32)
    Wh2 = Wh2.at[:HID, :HID].set(W_h).at[HID:, HID:].set(W_h)
    Wo_a = W_o[:ATOM_FDIM]
    Wo_m = W_o[ATOM_FDIM:]
    b_o_row = b_o.reshape(1, HID)

    inp0 = _tc_init(f_bonds_solvent.T, f_bonds_solute.T, W_i)
    msg = inp0
    for t in range(DEPTH - 1):
        am = _sc_gather_sum(msg, a2b_sv, a2b_su, apply_relu=(t == 0))
        P = _tc_matmul(msg, Wh2, relu_first=(t == 0))
        Q = _tc_q(am, Wh2)
        msg = _sc_msg_update(inp0, P, Q,
                             b2a_sv, b2revb_sv, b2a_su, b2revb_su)
    am_f = _sc_gather_sum(msg, a2b_sv, a2b_su, apply_relu=False)
    ah_sv, mv_sv = _tc_final(f_atoms_solvent, am_f, seg_sv, Wo_a, Wo_m,
                             b_o_row, half=0)
    ah_su, mv_su = _tc_final(f_atoms_solute, am_f, seg_su, Wo_a, Wo_m,
                             b_o_row, half=1)
    return (mv_sv, mv_su, ah_sv, ah_su)

# --- scband reference (transcript-rebuilt; emitter-appended) ---
"""Pipeline reference for scband-mpnencoder-attention-33148557590926 (READ-ONLY COPY).

The authoritative reference and input builder live on the scoring server;
editing this copy changes nothing except your own understanding.
"""

import jax, jax.numpy as jnp
import numpy as np

N = 10000
E = 320000
MAX_NB = 32
ATOM_FDIM = 133
BOND_FDIM = 147
HIDDEN = 64
DEPTH = 3
N_MOLS = 512


def setup_inputs(seed: int = 0) -> dict:
    key = jax.random.key(seed)
    ks = jax.random.split(key, 18)
    inp = {}
    inp["f_atoms_solvent"] = jax.random.normal(ks[0], (N, ATOM_FDIM), dtype=jnp.float32)
    inp["f_bonds_solvent"] = jax.random.normal(ks[1], (E, BOND_FDIM), dtype=jnp.float32)
    inp["a2b_solvent"] = jax.random.randint(ks[2], (N, MAX_NB), 0, E, dtype=jnp.int64)
    inp["b2a_solvent"] = jax.random.randint(ks[3], (E,), 0, N, dtype=jnp.int64)
    inp["b2revb_solvent"] = jax.random.randint(ks[4], (E,), 0, E, dtype=jnp.int64)
    inp["atom_seg_solvent"] = jnp.sort(jax.random.randint(ks[5], (N,), 0, N_MOLS, dtype=jnp.int64))
    inp["f_atoms_solute"] = jax.random.normal(ks[6], (N, ATOM_FDIM), dtype=jnp.float32)
    inp["f_bonds_solute"] = jax.random.normal(ks[7], (E, BOND_FDIM), dtype=jnp.float32)
    inp["a2b_solute"] = jax.random.randint(ks[8], (N, MAX_NB), 0, E, dtype=jnp.int64)
    inp["b2a_solute"] = jax.random.randint(ks[9], (E,), 0, N, dtype=jnp.int64)
    inp["b2revb_solute"] = jax.random.randint(ks[10], (E,), 0, E, dtype=jnp.int64)
    inp["atom_seg_solute"] = jnp.sort(jax.random.randint(ks[11], (N,), 0, N_MOLS, dtype=jnp.int64))
    # learned parameters (bias=False for W_i/W_h, bias=True for W_o, per chemprop default)
    inp["W_i"] = jax.random.normal(ks[12], (BOND_FDIM, HIDDEN), dtype=jnp.float32) * 0.05
    inp["W_h"] = jax.random.normal(ks[13], (HIDDEN, HIDDEN), dtype=jnp.float32) * 0.05
    inp["W_o"] = jax.random.normal(ks[14], (ATOM_FDIM + HIDDEN, HIDDEN), dtype=jnp.float32) * 0.05
    inp["b_o"] = jnp.zeros((HIDDEN,), dtype=jnp.float32)
    return inp


def _encode(f_atoms, f_bonds, a2b, b2a, b2revb, seg, W_i, W_h, W_o, b_o):
    # bond-message D-MPNN (atom_messages=False, undirected=False, dropout eval mode)
    inp0 = f_bonds @ W_i                      # W_i(f_bonds)
    message = jax.nn.relu(inp0)
    for _ in range(DEPTH - 1):
        nei_a_message = message[a2b]          # index_select_ND(message, a2b) -> [N, MAX_NB, H]
        a_message = nei_a_message.sum(axis=1)  # [N, H]
        rev_message = message[b2revb]          # [E, H]
        message = a_message[b2a] - rev_message
        message = message @ W_h
        message = jax.nn.relu(inp0 + message)
    nei_a_message = message[a2b]
    a_message = nei_a_message.sum(axis=1)
    a_input = jnp.concatenate([f_atoms, a_message], axis=1)
    atom_hiddens = jax.nn.relu(a_input @ W_o + b_o)
    # a_scope pooling: per-molecule mean (zero vector for empty molecules)
    sums = jax.ops.segment_sum(atom_hiddens, seg, num_segments=N_MOLS)
    counts = jax.ops.segment_sum(jnp.ones((atom_hiddens.shape[0],), jnp.float32), seg, num_segments=N_MOLS)
    mol_vecs = sums / jnp.maximum(counts, 1.0)[:, None]
    return mol_vecs, atom_hiddens


def reference(f_atoms_solvent, f_bonds_solvent, a2b_solvent, b2a_solvent, b2revb_solvent, atom_seg_solvent,
              f_atoms_solute, f_bonds_solute, a2b_solute, b2a_solute, b2revb_solute, atom_seg_solute,
              W_i, W_h, W_o, b_o):
    mv_sv, ah_sv = _encode(f_atoms_solvent, f_bonds_solvent, a2b_solvent, b2a_solvent, b2revb_solvent,
                           atom_seg_solvent, W_i, W_h, W_o, b_o)
    mv_su, ah_su = _encode(f_atoms_solute, f_bonds_solute, a2b_solute, b2a_solute, b2revb_solute,
                           atom_seg_solute, W_i, W_h, W_o, b_o)
    return (mv_sv, mv_su, ah_sv, ah_su)

if __name__ == "__main__":
    import jax
    _d = setup_inputs()
    print(jax.jit(kernel)(*tuple(_d.values())))

</pallas_src>

<mosaic_0001>
#map = affine_map<(d0, d1) -> (0, 0)>
#map1 = affine_map<(d0, d1) -> (0)>
module attributes {stable_mosaic.version = 14 : i64} {
  func.func @k(%arg0: i32, %arg1: i32, %arg2: memref<320000x128xf32, #tpu.memory_space<hbm>>, %arg3: memref<320000xi32, #tpu.memory_space<hbm>>, %arg4: memref<320000xi32, #tpu.memory_space<hbm>>, %arg5: memref<10000x128xf32, #tpu.memory_space<hbm>>, %arg6: memref<10240xi32, #tpu.memory_space<vmem>>, %arg7: memref<10240xi32, #tpu.memory_space<vmem>>, %arg8: memref<256x128xf32, #tpu.memory_space<vmem>>, %arg9: memref<256x128xf32, #tpu.memory_space<vmem>>, %arg10: memref<8x128xf32, #tpu.memory_space<vmem>>, %arg11: memref<!tpu.dma_semaphore, #tpu.memory_space<semaphore_mem>>, %arg12: memref<!tpu.dma_semaphore, #tpu.memory_space<semaphore_mem>>) attributes {dimension_semantics = [#tpu.dimension_semantics<core_parallel>, #tpu.dimension_semantics<subcore_parallel>], iteration_bounds = array<i64: 2, 16>, scalar_prefetch = 0 : i64, scratch_operands = 7 : i64, tpu.core_type = #tpu.core_type<sc_vector_subcore>, window_params = [{transform_indices = #map}, {transform_indices = #map1}, {transform_indices = #map1}, {transform_indices = #map}]} {
    %mul3A = arith.constant 2 : i32
    %mul3A_0 = arith.muli %arg1, %mul3A : i32
    %add3A = arith.addi %mul3A_0, %arg0 : i32
    %mul3A_1 = arith.constant 320 : i32
    %mul3A_2 = arith.muli %add3A, %mul3A_1 : i32
    %min3A = arith.constant 9680 : i32
    %min3A_3 = arith.minsi %mul3A_2, %min3A : i32
    %mul3A_4 = arith.constant 32 : i32
    %mul3A_5 = arith.muli %min3A_3, %mul3A_4 : i32
    "tpu.region"() ({
      %run_scoped3A = tpu.sem_alloc : memref<!tpu.dma_semaphore, #tpu.memory_space<semaphore_mem>>
      %dma_start3A_27 = tpu.memref_slice %arg3[%mul3A_5] : memref<320000xi32, #tpu.memory_space<hbm>> -> memref<10240xi32, #tpu.memory_space<hbm>>
      %dma_start3A_28 = tpu.memref_slice %arg3[%mul3A_5] : memref<320000xi32, #tpu.memory_space<hbm>> -> memref<10240xi32, #tpu.memory_space<hbm>>
      tpu.enqueue_dma source(%dma_start3A_28 : memref<10240xi32, #tpu.memory_space<hbm>>) target(%arg6 : memref<10240xi32, #tpu.memory_space<vmem>>) target_semaphore(%run_scoped3A : memref<!tpu.dma_semaphore, #tpu.memory_space<semaphore_mem>>)
      %dma_wait3A_29 = tpu.memref_slice %arg3[%mul3A_5] : memref<320000xi32, #tpu.memory_space<hbm>> -> memref<10240xi32, #tpu.memory_space<hbm>>
      %dma_wait3A_30 = tpu.memref_slice %arg3[%mul3A_5] : memref<320000xi32, #tpu.memory_space<hbm>> -> memref<10240xi32, #tpu.memory_space<hbm>>
      tpu.wait_dma2 semaphore(%run_scoped3A : memref<!tpu.dma_semaphore, #tpu.memory_space<semaphore_mem>>) src(%dma_wait3A_30 : memref<10240xi32, #tpu.memory_space<hbm>>) dst(%arg6 : memref<10240xi32, #tpu.memory_space<vmem>>)
      tpu.yield
    }) : () -> ()
    %mul3A_6 = arith.constant 32 : i32
    %mul3A_7 = arith.muli %min3A_3, %mul3A_6 : i32
    "tpu.region"() ({
      %run_scoped3A = tpu.sem_alloc : memref<!tpu.dma_semaphore, #tpu.memory_space<semaphore_mem>>
      %dma_start3A_27 = tpu.memref_slice %arg4[%mul3A_7] : memref<320000xi32, #tpu.memory_space<hbm>> -> memref<10240xi32, #tpu.memory_space<hbm>>
      %dma_start3A_28 = tpu.memref_slice %arg4[%mul3A_7] : memref<320000xi32, #tpu.memory_space<hbm>> -> memref<10240xi32, #tpu.memory_space<hbm>>
      tpu.enqueue_dma source(%dma_start3A_28 : memref<10240xi32, #tpu.memory_space<hbm>>) target(%arg7 : memref<10240xi32, #tpu.memory_space<vmem>>) target_semaphore(%run_scoped3A : memref<!tpu.dma_semaphore, #tpu.memory_space<semaphore_mem>>)
      %dma_wait3A_29 = tpu.memref_slice %arg4[%mul3A_7] : memref<320000xi32, #tpu.memory_space<hbm>> -> memref<10240xi32, #tpu.memory_space<hbm>>
      %dma_wait3A_30 = tpu.memref_slice %arg4[%mul3A_7] : memref<320000xi32, #tpu.memory_space<hbm>> -> memref<10240xi32, #tpu.memory_space<hbm>>
      tpu.wait_dma2 semaphore(%run_scoped3A : memref<!tpu.dma_semaphore, #tpu.memory_space<semaphore_mem>>) src(%dma_wait3A_30 : memref<10240xi32, #tpu.memory_space<hbm>>) dst(%arg7 : memref<10240xi32, #tpu.memory_space<vmem>>)
      tpu.yield
    }) : () -> ()
    %add3A_8 = arith.constant 0 : i32
    %add3A_9 = arith.addi %mul3A_2, %add3A_8 : i32
    %min3A_10 = arith.constant 9992 : i32
    %min3A_11 = arith.minsi %add3A_9, %min3A_10 : i32
    %sub3A = arith.subi %min3A_11, %min3A_3 : i32
    %mul3A_12 = arith.constant 32 : i32
    %mul3A_13 = arith.muli %sub3A, %mul3A_12 : i32
    %dma_start3A = tpu.memref_slice %arg6[%mul3A_13] : memref<10240xi32, #tpu.memory_space<vmem>> -> memref<256xi32, #tpu.memory_space<vmem>>
    %dma_start3A_14 = arith.constant 0 : i32
    %dma_start3A_15 = arith.constant 0 : i32
    %dma_start3A_16 = tpu.memref_slice %arg2[%dma_start3A_14, %dma_start3A_15] : memref<320000x128xf32, #tpu.memory_space<hbm>> -> memref<320000x128xf32, #tpu.memory_space<hbm>>
    tpu.enqueue_indirect_dma source(%dma_start3A_16 : memref<320000x128xf32, #tpu.memory_space<hbm>>) target(%arg8 : memref<256x128xf32, #tpu.memory_space<vmem>>) offsets(%dma_start3A : memref<256xi32, #tpu.memory_space<vmem>>) semaphore(%arg11 : memref<!tpu.dma_semaphore, #tpu.memory_space<semaphore_mem>>)
    %scan3A = arith.constant 0 : i32
    %scan3A_17 = arith.constant 0 : i32
    %scan3A_18 = arith.constant 40 : i32
    %scan3A_19 = arith.addi %scan3A_17, %scan3A_18 : i32
    %scan3A_20 = arith.constant 1 : i32
    %scan3A_21 = scf.for %scan3A_27 = %scan3A_17 to %scan3A_19 step %scan3A_20 iter_args(%scan3A_28 = %scan3A) -> (i32)  : i32 {
      %dma_wait3A_29 = arith.constant 0 : i32
      %dma_wait3A_30 = tpu.memref_slice %arg6[%dma_wait3A_29] : memref<10240xi32, #tpu.memory_space<vmem>> -> memref<256xi32, #tpu.memory_space<vmem>>
      %dma_wait3A_31 = arith.constant 0 : i32
      %dma_wait3A_32 = arith.constant 0 : i32
      %dma_wait3A_33 = tpu.memref_slice %arg2[%dma_wait3A_31, %dma_wait3A_32] : memref<320000x128xf32, #tpu.memory_space<hbm>> -> memref<320000x128xf32, #tpu.memory_space<hbm>>
      tpu.wait_indirect_dma semaphore(%arg11 : memref<!tpu.dma_semaphore, #tpu.memory_space<semaphore_mem>>) src(%dma_wait3A_33 : memref<320000x128xf32, #tpu.memory_space<hbm>>) dst(%arg8 : memref<256x128xf32, #tpu.memory_space<vmem>>)
      %mul3A_34 = arith.constant 8 : i32
      %mul3A_35 = arith.muli %scan3A_27, %mul3A_34 : i32
      %add3A_36 = arith.addi %mul3A_2, %mul3A_35 : i32
      %min3A_37 = arith.constant 9992 : i32
      %min3A_38 = arith.minsi %add3A_36, %min3A_37 : i32
      %sub3A_39 = arith.subi %min3A_38, %min3A_3 : i32
      %mul3A_40 = arith.constant 32 : i32
      %mul3A_41 = arith.muli %sub3A_39, %mul3A_40 : i32
      %dma_start3A_42 = tpu.memref_slice %arg7[%mul3A_41] : memref<10240xi32, #tpu.memory_space<vmem>> -> memref<256xi32, #tpu.memory_space<vmem>>
      %dma_start3A_43 = arith.constant 0 : i32
      %dma_start3A_44 = arith.constant 0 : i32
      %dma_start3A_45 = tpu.memref_slice %arg2[%dma_start3A_43, %dma_start3A_44] : memref<320000x128xf32, #tpu.memory_space<hbm>> -> memref<320000x128xf32, #tpu.memory_space<hbm>>
      tpu.enqueue_indirect_dma source(%dma_start3A_45 : memref<320000x128xf32, #tpu.memory_space<hbm>>) target(%arg9 : memref<256x128xf32, #tpu.memory_space<vmem>>) offsets(%dma_start3A_42 : memref<256xi32, #tpu.memory_space<vmem>>) semaphore(%arg12 : memref<!tpu.dma_semaphore, #tpu.memory_space<semaphore_mem>>)
      %scan3A_46 = arith.constant 0 : i32
      %scan3A_47 = arith.constant 0 : i32
      %scan3A_48 = arith.constant 8 : i32
      %scan3A_49 = arith.addi %scan3A_47, %scan3A_48 : i32
      %scan3A_50 = arith.constant 1 : i32
      %scan3A_51 = scf.for %scan3A_86 = %scan3A_47 to %scan3A_49 step %scan3A_50 iter_args(%scan3A_87 = %scan3A_46) -> (i32)  : i32 {
        %broadcast_in_dim3A = arith.constant 0.000000e+00 : f32
        %broadcast_in_dim3A_88 = vector.broadcast %broadcast_in_dim3A : f32 to vector<16xf32>
        %broadcast_in_dim3A_89 = arith.constant 0.000000e+00 : f32
        %broadcast_in_dim3A_90 = vector.broadcast %broadcast_in_dim3A_89 : f32 to vector<16xf32>
        %broadcast_in_dim3A_91 = arith.constant 0.000000e+00 : f32
        %broadcast_in_dim3A_92 = vector.broadcast %broadcast_in_dim3A_91 : f32 to vector<16xf32>
        %broadcast_in_dim3A_93 = arith.constant 0.000000e+00 : f32
        %broadcast_in_dim3A_94 = vector.broadcast %broadcast_in_dim3A_93 : f32 to vector<16xf32>
        %scan3A_95 = arith.constant 0 : i32
        %scan3A_96 = arith.constant 32 : i32
        %scan3A_97 = arith.addi %scan3A_95, %scan3A_96 : i32
        %scan3A_98 = arith.constant 1 : i32
        %scan3A_99:4 = scf.for %scan3A_121 = %scan3A_95 to %scan3A_97 step %scan3A_98 iter_args(%scan3A_122 = %broadcast_in_dim3A_88, %scan3A_123 = %broadcast_in_dim3A_90, %scan3A_124 = %broadcast_in_dim3A_92, %scan3A_125 = %broadcast_in_dim3A_94) -> (vector<16xf32>, vector<16xf32>, vector<16xf32>, vector<16xf32>)  : i32 {
          %mul3A_126 = arith.constant 32 : i32
          %mul3A_127 = arith.muli %scan3A_86, %mul3A_126 : i32
          %add3A_128 = arith.addi %mul3A_127, %scan3A_121 : i32
          %get3A = arith.index_cast %add3A_128 : i32 to index
          %get3A_129 = arith.constant 0 : index
          %get3A_130 = tpu.vector_load %arg8[%get3A, %get3A_129] {strides = array<i32>} : memref<256x128xf32, #tpu.memory_space<vmem>>, vector<1x16xf32>,
          %get3A_131 = vector.shape_cast %get3A_130 : vector<1x16xf32> to vector<16xf32>
          %get3A_132 = arith.index_cast %add3A_128 : i32 to index
          %get3A_133 = arith.constant 16 : index
          %get3A_134 = tpu.vector_load %arg8[%get3A_132, %get3A_133] {strides = array<i32>} : memref<256x128xf32, #tpu.memory_space<vmem>>, vector<1x16xf32>,
          %get3A_135 = vector.shape_cast %get3A_134 : vector<1x16xf32> to vector<16xf32>
          %get3A_136 = arith.index_cast %add3A_128 : i32 to index
          %get3A_137 = arith.constant 32 : index
          %get3A_138 = tpu.vector_load %arg8[%get3A_136, %get3A_137] {strides = array<i32>} : memref<256x128xf32, #tpu.memory_space<vmem>>, vector<1x16xf32>,
          %get3A_139 = vector.shape_cast %get3A_138 : vector<1x16xf32> to vector<16xf32>
          %get3A_140 = arith.index_cast %add3A_128 : i32 to index
          %get3A_141 = arith.constant 48 : index
          %get3A_142 = tpu.vector_load %arg8[%get3A_140, %get3A_141] {strides = array<i32>} : memref<256x128xf32, #tpu.memory_space<vmem>>, vector<1x16xf32>,
          %get3A_143 = vector.shape_cast %get3A_142 : vector<1x16xf32> to vector<16xf32>
          %add3A_144 = arith.addf %scan3A_122, %get3A_131 : vector<16xf32>
          %add3A_145 = arith.addf %scan3A_123, %get3A_135 : vector<16xf32>
          %add3A_146 = arith.addf %scan3A_124, %get3A_139 : vector<16xf32>
          %add3A_147 = arith.addf %scan3A_125, %get3A_143 : vector<16xf32>
          scf.yield %add3A_144, %add3A_145, %add3A_146, %add3A_147 : vector<16xf32>, vector<16xf32>, vector<16xf32>, vector<16xf32>
        }
        %scan3A_100 = arith.constant 32 : i32
        %swap3A = arith.index_cast %scan3A_86 : i32 to index
        %swap3A_101 = arith.constant 0 : index
        %swap3A_102 = tpu.vector_load %arg10[%swap3A, %swap3A_101] {strides = array<i32>} : memref<8x128xf32, #tpu.memory_space<vmem>>, vector<1x16xf32>,
        %swap3A_103 = vector.shape_cast %swap3A_102 : vector<1x16xf32> to vector<16xf32>
        %swap3A_104 = vector.shape_cast %scan3A_99#0 : vector<16xf32> to vector<1x16xf32>
        tpu.vector_store %arg10[%swap3A, %swap3A_101], %swap3A_104 {strides = array<i32>} : memref<8x128xf32, #tpu.memory_space<vmem>>, vector<1x16xf32>,
        %swap3A_105 = arith.index_cast %scan3A_86 : i32 to index
        %swap3A_106 = arith.constant 16 : index
        %swap3A_107 = tpu.vector_load %arg10[%swap3A_105, %swap3A_106] {strides = array<i32>} : memref<8x128xf32, #tpu.memory_space<vmem>>, vector<1x16xf32>,
        %swap3A_108 = vector.shape_cast %swap3A_107 : vector<1x16xf32> to vector<16xf32>
        %swap3A_109 = vector.shape_cast %scan3A_99#1 : vector<16xf32> to vector<1x16xf32>
        tpu.vector_store %arg10[%swap3A_105, %swap3A_106], %swap3A_109 {strides = array<i32>} : memref<8x128xf32, #tpu.memory_space<vmem>>, vector<1x16xf32>,
        %swap3A_110 = arith.index_cast %scan3A_86 : i32 to index
        %swap3A_111 = arith.constant 32 : index
        %swap3A_112 = tpu.vector_load %arg10[%swap3A_110, %swap3A_111] {strides = array<i32>} : memref<8x128xf32, #tpu.memory_space<vmem>>, vector<1x16xf32>,
        %swap3A_113 = vector.shape_cast %swap3A_112 : vector<1x16xf32> to vector<16xf32>
        %swap3A_114 = vector.shape_cast %scan3A_99#2 : vector<16xf32> to vector<1x16xf32>
        tpu.vector_store %arg10[%swap3A_110, %swap3A_111], %swap3A_114 {strides = array<i32>} : memref<8x128xf32, #tpu.memory_space<vmem>>, vector<1x16xf32>,
        %swap3A_115 = arith.index_cast %scan3A_86 : i32 to index
        %swap3A_116 = arith.constant 48 : index
        %swap3A_117 = tpu.vector_load %arg10[%swap3A_115, %swap3A_116] {strides = array<i32>} : memref<8x128xf32, #tpu.memory_space<vmem>>, vector<1x16xf32>,
        %swap3A_118 = vector.shape_cast %swap3A_117 : vector<1x16xf32> to vector<16xf32>
        %swap3A_119 = vector.shape_cast %scan3A_99#3 : vector<16xf32> to vector<1x16xf32>
        tpu.vector_store %arg10[%swap3A_115, %swap3A_116], %swap3A_119 {strides = array<i32>} : memref<8x128xf32, #tpu.memory_space<vmem>>, vector<1x16xf32>,
        %scan3A_120 = arith.constant 0 : i32
        scf.yield %scan3A_120 : i32
      }
      %scan3A_52 = arith.constant 8 : i32
      %dma_wait3A_53 = arith.constant 0 : i32
      %dma_wait3A_54 = tpu.memref_slice %arg7[%dma_wait3A_53] : memref<10240xi32, #tpu.memory_space<vmem>> -> memref<256xi32, #tpu.memory_space<vmem>>
      %dma_wait3A_55 = arith.constant 0 : i32
      %dma_wait3A_56 = arith.constant 0 : i32
      %dma_wait3A_57 = tpu.memref_slice %arg2[%dma_wait3A_55, %dma_wait3A_56] : memref<320000x128xf32, #tpu.memory_space<hbm>> -> memref<320000x128xf32, #tpu.memory_space<hbm>>
      tpu.wait_indirect_dma semaphore(%arg12 : memref<!tpu.dma_semaphore, #tpu.memory_space<semaphore_mem>>) src(%dma_wait3A_57 : memref<320000x128xf32, #tpu.memory_space<hbm>>) dst(%arg9 : memref<256x128xf32, #tpu.memory_space<vmem>>)
      %add3A_58 = arith.constant 1 : i32
      %add3A_59 = arith.addi %scan3A_27, %add3A_58 : i32
      %rem3A = arith.constant 40 : i32
      %rem3A_60 = arith.remsi %add3A_59, %rem3A : i32
      %mul3A_61 = arith.constant 8 : i32
      %mul3A_62 = arith.muli %rem3A_60, %mul3A_61 : i32
      %add3A_63 = arith.addi %mul3A_2, %mul3A_62 : i32
      %min3A_64 = arith.constant 9992 : i32
      %min3A_65 = arith.minsi %add3A_63, %min3A_64 : i32
      %sub3A_66 = arith.subi %min3A_65, %min3A_3 : i32
      %mul3A_67 = arith.constant 32 : i32
      %mul3A_68 = arith.muli %sub3A_66, %mul3A_67 : i32
      %dma_start3A_69 = tpu.memref_slice %arg6[%mul3A_68] : memref<10240xi32, #tpu.memory_space<vmem>> -> memref<256xi32, #tpu.memory_space<vmem>>
      %dma_start3A_70 = arith.constant 0 : i32
      %dma_start3A_71 = arith.constant 0 : i32
      %dma_start3A_72 = tpu.memref_slice %arg2[%dma_start3A_70, %dma_start3A_71] : memref<320000x128xf32, #tpu.memory_space<hbm>> -> memref<320000x128xf32, #tpu.memory_space<hbm>>
      tpu.enqueue_indirect_dma source(%dma_start3A_72 : memref<320000x128xf32, #tpu.memory_space<hbm>>) target(%arg8 : memref<256x128xf32, #tpu.memory_space<vmem>>) offsets(%dma_start3A_69 : memref<256xi32, #tpu.memory_space<vmem>>) semaphore(%arg11 : memref<!tpu.dma_semaphore, #tpu.memory_space<semaphore_mem>>)
      %scan3A_73 = arith.constant 0 : i32
      %scan3A_74 = arith.constant 0 : i32
      %scan3A_75 = arith.constant 8 : i32
      %scan3A_76 = arith.addi %scan3A_74, %scan3A_75 : i32
      %scan3A_77 = arith.constant 1 : i32
      %scan3A_78 = scf.for %scan3A_86 = %scan3A_74 to %scan3A_76 step %scan3A_77 iter_args(%scan3A_87 = %scan3A_73) -> (i32)  : i32 {
        %broadcast_in_dim3A = arith.constant 0.000000e+00 : f32
        %broadcast_in_dim3A_88 = vector.broadcast %broadcast_in_dim3A : f32 to vector<16xf32>
        %broadcast_in_dim3A_89 = arith.constant 0.000000e+00 : f32
        %broadcast_in_dim3A_90 = vector.broadcast %broadcast_in_dim3A_89 : f32 to vector<16xf32>
        %broadcast_in_dim3A_91 = arith.constant 0.000000e+00 : f32
        %broadcast_in_dim3A_92 = vector.broadcast %broadcast_in_dim3A_91 : f32 to vector<16xf32>
        %broadcast_in_dim3A_93 = arith.constant 0.000000e+00 : f32
        %broadcast_in_dim3A_94 = vector.broadcast %broadcast_in_dim3A_93 : f32 to vector<16xf32>
        %scan3A_95 = arith.constant 0 : i32
        %scan3A_96 = arith.constant 32 : i32
        %scan3A_97 = arith.addi %scan3A_95, %scan3A_96 : i32
        %scan3A_98 = arith.constant 1 : i32
        %scan3A_99:4 = scf.for %scan3A_121 = %scan3A_95 to %scan3A_97 step %scan3A_98 iter_args(%scan3A_122 = %broadcast_in_dim3A_88, %scan3A_123 = %broadcast_in_dim3A_90, %scan3A_124 = %broadcast_in_dim3A_92, %scan3A_125 = %broadcast_in_dim3A_94) -> (vector<16xf32>, vector<16xf32>, vector<16xf32>, vector<16xf32>)  : i32 {
          %mul3A_126 = arith.constant 32 : i32
          %mul3A_127 = arith.muli %scan3A_86, %mul3A_126 : i32
          %add3A_128 = arith.addi %mul3A_127, %scan3A_121 : i32
          %get3A = arith.index_cast %add3A_128 : i32 to index
          %get3A_129 = arith.constant 64 : index
          %get3A_130 = tpu.vector_load %arg9[%get3A, %get3A_129] {strides = array<i32>} : memref<256x128xf32, #tpu.memory_space<vmem>>, vector<1x16xf32>,
          %get3A_131 = vector.shape_cast %get3A_130 : vector<1x16xf32> to vector<16xf32>
          %get3A_132 = arith.index_cast %add3A_128 : i32 to index
          %get3A_133 = arith.constant 80 : index
          %get3A_134 = tpu.vector_load %arg9[%get3A_132, %get3A_133] {strides = array<i32>} : memref<256x128xf32, #tpu.memory_space<vmem>>, vector<1x16xf32>,
          %get3A_135 = vector.shape_cast %get3A_134 : vector<1x16xf32> to vector<16xf32>
          %get3A_136 = arith.index_cast %add3A_128 : i32 to index
          %get3A_137 = arith.constant 96 : index
          %get3A_138 = tpu.vector_load %arg9[%get3A_136, %get3A_137] {strides = array<i32>} : memref<256x128xf32, #tpu.memory_space<vmem>>, vector<1x16xf32>,
          %get3A_139 = vector.shape_cast %get3A_138 : vector<1x16xf32> to vector<16xf32>
          %get3A_140 = arith.index_cast %add3A_128 : i32 to index
          %get3A_141 = arith.constant 112 : index
          %get3A_142 = tpu.vector_load %arg9[%get3A_140, %get3A_141] {strides = array<i32>} : memref<256x128xf32, #tpu.memory_space<vmem>>, vector<1x16xf32>,
          %get3A_143 = vector.shape_cast %get3A_142 : vector<1x16xf32> to vector<16xf32>
          %add3A_144 = arith.addf %scan3A_122, %get3A_131 : vector<16xf32>
          %add3A_145 = arith.addf %scan3A_123, %get3A_135 : vector<16xf32>
          %add3A_146 = arith.addf %scan3A_124, %get3A_139 : vector<16xf32>
          %add3A_147 = arith.addf %scan3A_125, %get3A_143 : vector<16xf32>
          scf.yield %add3A_144, %add3A_145, %add3A_146, %add3A_147 : vector<16xf32>, vector<16xf32>, vector<16xf32>, vector<16xf32>
        }
        %scan3A_100 = arith.constant 32 : i32
        %swap3A = arith.index_cast %scan3A_86 : i32 to index
        %swap3A_101 = arith.constant 64 : index
        %swap3A_102 = tpu.vector_load %arg10[%swap3A, %swap3A_101] {strides = array<i32>} : memref<8x128xf32, #tpu.memory_space<vmem>>, vector<1x16xf32>,
        %swap3A_103 = vector.shape_cast %swap3A_102 : vector<1x16xf32> to vector<16xf32>
        %swap3A_104 = vector.shape_cast %scan3A_99#0 : vector<16xf32> to vector<1x16xf32>
        tpu.vector_store %arg10[%swap3A, %swap3A_101], %swap3A_104 {strides = array<i32>} : memref<8x128xf32, #tpu.memory_space<vmem>>, vector<1x16xf32>,
        %swap3A_105 = arith.index_cast %scan3A_86 : i32 to index
        %swap3A_106 = arith.constant 80 : index
        %swap3A_107 = tpu.vector_load %arg10[%swap3A_105, %swap3A_106] {strides = array<i32>} : memref<8x128xf32, #tpu.memory_space<vmem>>, vector<1x16xf32>,
        %swap3A_108 = vector.shape_cast %swap3A_107 : vector<1x16xf32> to vector<16xf32>
        %swap3A_109 = vector.shape_cast %scan3A_99#1 : vector<16xf32> to vector<1x16xf32>
        tpu.vector_store %arg10[%swap3A_105, %swap3A_106], %swap3A_109 {strides = array<i32>} : memref<8x128xf32, #tpu.memory_space<vmem>>, vector<1x16xf32>,
        %swap3A_110 = arith.index_cast %scan3A_86 : i32 to index
        %swap3A_111 = arith.constant 96 : index
        %swap3A_112 = tpu.vector_load %arg10[%swap3A_110, %swap3A_111] {strides = array<i32>} : memref<8x128xf32, #tpu.memory_space<vmem>>, vector<1x16xf32>,
        %swap3A_113 = vector.shape_cast %swap3A_112 : vector<1x16xf32> to vector<16xf32>
        %swap3A_114 = vector.shape_cast %scan3A_99#2 : vector<16xf32> to vector<1x16xf32>
        tpu.vector_store %arg10[%swap3A_110, %swap3A_111], %swap3A_114 {strides = array<i32>} : memref<8x128xf32, #tpu.memory_space<vmem>>, vector<1x16xf32>,
        %swap3A_115 = arith.index_cast %scan3A_86 : i32 to index
        %swap3A_116 = arith.constant 112 : index
        %swap3A_117 = tpu.vector_load %arg10[%swap3A_115, %swap3A_116] {strides = array<i32>} : memref<8x128xf32, #tpu.memory_space<vmem>>, vector<1x16xf32>,
        %swap3A_118 = vector.shape_cast %swap3A_117 : vector<1x16xf32> to vector<16xf32>
        %swap3A_119 = vector.shape_cast %scan3A_99#3 : vector<16xf32> to vector<1x16xf32>
        tpu.vector_store %arg10[%swap3A_115, %swap3A_116], %swap3A_119 {strides = array<i32>} : memref<8x128xf32, #tpu.memory_space<vmem>>, vector<1x16xf32>,
        %scan3A_120 = arith.constant 0 : i32
        scf.yield %scan3A_120 : i32
      }
      %scan3A_79 = arith.constant 8 : i32
      %mul3A_80 = arith.constant 8 : i32
      %mul3A_81 = arith.muli %scan3A_27, %mul3A_80 : i32
      %add3A_82 = arith.addi %mul3A_2, %mul3A_81 : i32
      %min3A_83 = arith.constant 9992 : i32
      %min3A_84 = arith.minsi %add3A_82, %min3A_83 : i32
      "tpu.region"() ({
        %run_scoped3A = tpu.sem_alloc : memref<!tpu.dma_semaphore, #tpu.memory_space<semaphore_mem>>
        %dma_start3A_86 = arith.constant 0 : i32
        %dma_start3A_87 = tpu.memref_slice %arg5[%min3A_84, %dma_start3A_86] : memref<10000x128xf32, #tpu.memory_space<hbm>> -> memref<8x128xf32, #tpu.memory_space<hbm>>
        %dma_start3A_88 = arith.constant 0 : i32
        %dma_start3A_89 = tpu.memref_slice %arg5[%min3A_84, %dma_start3A_88] : memref<10000x128xf32, #tpu.memory_space<hbm>> -> memref<8x128xf32, #tpu.memory_space<hbm>>
        tpu.enqueue_dma source(%arg10 : memref<8x128xf32, #tpu.memory_space<vmem>>) target(%dma_start3A_89 : memref<8x128xf32, #tpu.memory_space<hbm>>) target_semaphore(%run_scoped3A : memref<!tpu.dma_semaphore, #tpu.memory_space<semaphore_mem>>)
        %dma_wait3A_90 = arith.constant 0 : i32
        %dma_wait3A_91 = tpu.memref_slice %arg5[%min3A_84, %dma_wait3A_90] : memref<10000x128xf32, #tpu.memory_space<hbm>> -> memref<8x128xf32, #tpu.memory_space<hbm>>
        %dma_wait3A_92 = arith.constant 0 : i32
        %dma_wait3A_93 = tpu.memref_slice %arg5[%min3A_84, %dma_wait3A_92] : memref<10000x128xf32, #tpu.memory_space<hbm>> -> memref<8x128xf32, #tpu.memory_space<hbm>>
        tpu.wait_dma2 semaphore(%run_scoped3A : memref<!tpu.dma_semaphore, #tpu.memory_space<semaphore_mem>>) src(%arg10 : memref<8x128xf32, #tpu.memory_space<vmem>>) dst(%dma_wait3A_93 : memref<8x128xf32, #tpu.memory_space<hbm>>)
        tpu.yield
      }) : () -> ()
      %scan3A_85 = arith.constant 0 : i32
      scf.yield %scan3A_85 : i32
    }
    %scan3A_22 = arith.constant 40 : i32
    %dma_wait3A = arith.constant 0 : i32
    %dma_wait3A_23 = tpu.memref_slice %arg6[%dma_wait3A] : memref<10240xi32, #tpu.memory_space<vmem>> -> memref<256xi32, #tpu.memory_space<vmem>>
    %dma_wait3A_24 = arith.constant 0 : i32
    %dma_wait3A_25 = arith.constant 0 : i32
    %dma_wait3A_26 = tpu.memref_slice %arg2[%dma_wait3A_24, %dma_wait3A_25] : memref<320000x128xf32, #tpu.memory_space<hbm>> -> memref<320000x128xf32, #tpu.memory_space<hbm>>
    tpu.wait_indirect_dma semaphore(%arg11 : memref<!tpu.dma_semaphore, #tpu.memory_space<semaphore_mem>>) src(%dma_wait3A_26 : memref<320000x128xf32, #tpu.memory_space<hbm>>) dst(%arg8 : memref<256x128xf32, #tpu.memory_space<vmem>>)
    return
  }
}

#map = affine_map<(d0, d1) -> (0, 0)>
#map1 = affine_map<(d0, d1) -> (0)>
module attributes {stable_mosaic.version = 14 : i64} {
  func.func @k(%arg0: i32, %arg1: i32, %arg2: memref<320000x128xf32, #tpu.memory_space<hbm>>, %arg3: memref<320000x128xf32, #tpu.memory_space<hbm>>, %arg4: memref<10000x128xf32, #tpu.memory_space<hbm>>, %arg5: memref<320000xi32, #tpu.memory_space<hbm>>, %arg6: memref<320000xi32, #tpu.memory_space<hbm>>, %arg7: memref<320000xi32, #tpu.memory_space<hbm>>, %arg8: memref<320000xi32, #tpu.memory_space<hbm>>, %arg9: memref<320000x128xf32, #tpu.memory_space<hbm>>, %arg10: memref<10000xi32, #tpu.memory_space<vmem>>, %arg11: memref<10000xi32, #tpu.memory_space<vmem>>, %arg12: memref<10000xi32, #tpu.memory_space<vmem>>, %arg13: memref<10000xi32, #tpu.memory_space<vmem>>, %arg14: memref<80x128xf32, #tpu.memory_space<vmem>>, %arg15: memref<80x128xf32, #tpu.memory_space<vmem>>, %arg16: memref<80x128xf32, #tpu.memory_space<vmem>>, %arg17: memref<80x128xf32, #tpu.memory_space<vmem>>, %arg18: memref<80x128xf32, #tpu.memory_space<vmem>>, %arg19: memref<80x128xf32, #tpu.memory_space<vmem>>, %arg20: memref<80x128xf32, #tpu.memory_space<vmem>>, %arg21: memref<80x128xf32, #tpu.memory_space<vmem>>, %arg22: memref<!tpu.dma_semaphore, #tpu.memory_space<semaphore_mem>>, %arg23: memref<!tpu.dma_semaphore, #tpu.memory_space<semaphore_mem>>, %arg24: memref<!tpu.dma_semaphore, #tpu.memory_space<semaphore_mem>>, %arg25: memref<!tpu.dma_semaphore, #tpu.memory_space<semaphore_mem>>, %arg26: memref<!tpu.dma_semaphore, #tpu.memory_space<semaphore_mem>>, %arg27: memref<!tpu.dma_semaphore, #tpu.memory_space<semaphore_mem>>, %arg28: memref<!tpu.dma_semaphore, #tpu.memory_space<semaphore_mem>>, %arg29: memref<!tpu.dma_semaphore, #tpu.memory_space<semaphore_mem>>) attributes {dimension_semantics = [#tpu.dimension_semantics<core_parallel>, #tpu.dimension_semantics<subcore_parallel>], iteration_bounds = array<i64: 2, 16>, scalar_prefetch = 0 : i64, scratch_operands = 20 : i64, tpu.core_type = #tpu.core_type<sc_vector_subcore>, window_params = [{transform_indices = #map}, {transform_indices = #map}, {transform_indices = #map}, {transform_indices = #map1}, {transform_indices = #map1}, {transform_indices = #map1}, {transform_indices = #map1}, {transform_indices = #map}]} {
    %mul3A = arith.constant 2 : i32
    %mul3A_0 = arith.muli %arg1, %mul3A : i32
    %add3A = arith.addi %mul3A_0, %arg0 : i32
    %mul3A_1 = arith.constant 10000 : i32
    %mul3A_2 = arith.muli %add3A, %mul3A_1 : i32
    "tpu.region"() ({
      %run_scoped3A = tpu.sem_alloc : memref<!tpu.dma_semaphore, #tpu.memory_space<semaphore_mem>>
      %dma_start3A_62 = tpu.memref_slice %arg5[%mul3A_2] : memref<320000xi32, #tpu.memory_space<hbm>> -> memref<10000xi32, #tpu.memory_space<hbm>>
      %dma_start3A_63 = tpu.memref_slice %arg5[%mul3A_2] : memref<320000xi32, #tpu.memory_space<hbm>> -> memref<10000xi32, #tpu.memory_space<hbm>>
      tpu.enqueue_dma source(%dma_start3A_63 : memref<10000xi32, #tpu.memory_space<hbm>>) target(%arg10 : memref<10000xi32, #tpu.memory_space<vmem>>) target_semaphore(%run_scoped3A : memref<!tpu.dma_semaphore, #tpu.memory_space<semaphore_mem>>)
      %dma_wait3A_64 = tpu.memref_slice %arg5[%mul3A_2] : memref<320000xi32, #tpu.memory_space<hbm>> -> memref<10000xi32, #tpu.memory_space<hbm>>
      %dma_wait3A_65 = tpu.memref_slice %arg5[%mul3A_2] : memref<320000xi32, #tpu.memory_space<hbm>> -> memref<10000xi32, #tpu.memory_space<hbm>>
      tpu.wait_dma2 semaphore(%run_scoped3A : memref<!tpu.dma_semaphore, #tpu.memory_space<semaphore_mem>>) src(%dma_wait3A_65 : memref<10000xi32, #tpu.memory_space<hbm>>) dst(%arg10 : memref<10000xi32, #tpu.memory_space<vmem>>)
      tpu.yield
    }) : () -> ()
    "tpu.region"() ({
      %run_scoped3A = tpu.sem_alloc : memref<!tpu.dma_semaphore, #tpu.memory_space<semaphore_mem>>
      %dma_start3A_62 = tpu.memref_slice %arg7[%mul3A_2] : memref<320000xi32, #tpu.memory_space<hbm>> -> memref<10000xi32, #tpu.memory_space<hbm>>
      %dma_start3A_63 = tpu.memref_slice %arg7[%mul3A_2] : memref<320000xi32, #tpu.memory_space<hbm>> -> memref<10000xi32, #tpu.memory_space<hbm>>
      tpu.enqueue_dma source(%dma_start3A_63 : memref<10000xi32, #tpu.memory_space<hbm>>) target(%arg11 : memref<10000xi32, #tpu.memory_space<vmem>>) target_semaphore(%run_scoped3A : memref<!tpu.dma_semaphore, #tpu.memory_space<semaphore_mem>>)
      %dma_wait3A_64 = tpu.memref_slice %arg7[%mul3A_2] : memref<320000xi32, #tpu.memory_space<hbm>> -> memref<10000xi32, #tpu.memory_space<hbm>>
      %dma_wait3A_65 = tpu.memref_slice %arg7[%mul3A_2] : memref<320000xi32, #tpu.memory_space<hbm>> -> memref<10000xi32, #tpu.memory_space<hbm>>
      tpu.wait_dma2 semaphore(%run_scoped3A : memref<!tpu.dma_semaphore, #tpu.memory_space<semaphore_mem>>) src(%dma_wait3A_65 : memref<10000xi32, #tpu.memory_space<hbm>>) dst(%arg11 : memref<10000xi32, #tpu.memory_space<vmem>>)
      tpu.yield
    }) : () -> ()
    "tpu.region"() ({
      %run_scoped3A = tpu.sem_alloc : memref<!tpu.dma_semaphore, #tpu.memory_space<semaphore_mem>>
      %dma_start3A_62 = tpu.memref_slice %arg6[%mul3A_2] : memref<320000xi32, #tpu.memory_space<hbm>> -> memref<10000xi32, #tpu.memory_space<hbm>>
      %dma_start3A_63 = tpu.memref_slice %arg6[%mul3A_2] : memref<320000xi32, #tpu.memory_space<hbm>> -> memref<10000xi32, #tpu.memory_space<hbm>>
      tpu.enqueue_dma source(%dma_start3A_63 : memref<10000xi32, #tpu.memory_space<hbm>>) target(%arg12 : memref<10000xi32, #tpu.memory_space<vmem>>) target_semaphore(%run_scoped3A : memref<!tpu.dma_semaphore, #tpu.memory_space<semaphore_mem>>)
      %dma_wait3A_64 = tpu.memref_slice %arg6[%mul3A_2] : memref<320000xi32, #tpu.memory_space<hbm>> -> memref<10000xi32, #tpu.memory_space<hbm>>
      %dma_wait3A_65 = tpu.memref_slice %arg6[%mul3A_2] : memref<320000xi32, #tpu.memory_space<hbm>> -> memref<10000xi32, #tpu.memory_space<hbm>>
      tpu.wait_dma2 semaphore(%run_scoped3A : memref<!tpu.dma_semaphore, #tpu.memory_space<semaphore_mem>>) src(%dma_wait3A_65 : memref<10000xi32, #tpu.memory_space<hbm>>) dst(%arg12 : memref<10000xi32, #tpu.memory_space<vmem>>)
      tpu.yield
    }) : () -> ()
    "tpu.region"() ({
      %run_scoped3A = tpu.sem_alloc : memref<!tpu.dma_semaphore, #tpu.memory_space<semaphore_mem>>
      %dma_start3A_62 = tpu.memref_slice %arg8[%mul3A_2] : memref<320000xi32, #tpu.memory_space<hbm>> -> memref<10000xi32, #tpu.memory_space<hbm>>
      %dma_start3A_63 = tpu.memref_slice %arg8[%mul3A_2] : memref<320000xi32, #tpu.memory_space<hbm>> -> memref<10000xi32, #tpu.memory_space<hbm>>
      tpu.enqueue_dma source(%dma_start3A_63 : memref<10000xi32, #tpu.memory_space<hbm>>) target(%arg13 : memref<10000xi32, #tpu.memory_space<vmem>>) target_semaphore(%run_scoped3A : memref<!tpu.dma_semaphore, #tpu.memory_space<semaphore_mem>>)
      %dma_wait3A_64 = tpu.memref_slice %arg8[%mul3A_2] : memref<320000xi32, #tpu.memory_space<hbm>> -> memref<10000xi32, #tpu.memory_space<hbm>>
      %dma_wait3A_65 = tpu.memref_slice %arg8[%mul3A_2] : memref<320000xi32, #tpu.memory_space<hbm>> -> memref<10000xi32, #tpu.memory_space<hbm>>
      tpu.wait_dma2 semaphore(%run_scoped3A : memref<!tpu.dma_semaphore, #tpu.memory_space<semaphore_mem>>) src(%dma_wait3A_65 : memref<10000xi32, #tpu.memory_space<hbm>>) dst(%arg13 : memref<10000xi32, #tpu.memory_space<vmem>>)
      tpu.yield
    }) : () -> ()
    %min3A = arith.constant 0 : i32
    %min3A_3 = arith.constant 124 : i32
    %min3A_4 = arith.minsi %min3A, %min3A_3 : i32
    %mul3A_5 = arith.constant 80 : i32
    %mul3A_6 = arith.muli %min3A_4, %mul3A_5 : i32
    %add3A_7 = arith.addi %mul3A_2, %mul3A_6 : i32
    %dma_start3A = arith.constant 0 : i32
    %dma_start3A_8 = tpu.memref_slice %arg2[%add3A_7, %dma_start3A] : memref<320000x128xf32, #tpu.memory_space<hbm>> -> memref<80x128xf32, #tpu.memory_space<hbm>>
    %dma_start3A_9 = arith.constant 0 : i32
    %dma_start3A_10 = tpu.memref_slice %arg2[%add3A_7, %dma_start3A_9] : memref<320000x128xf32, #tpu.memory_space<hbm>> -> memref<80x128xf32, #tpu.memory_space<hbm>>
    tpu.enqueue_dma source(%dma_start3A_10 : memref<80x128xf32, #tpu.memory_space<hbm>>) target(%arg14 : memref<80x128xf32, #tpu.memory_space<vmem>>) target_semaphore(%arg22 : memref<!tpu.dma_semaphore, #tpu.memory_space<semaphore_mem>>)
    %min3A_11 = arith.constant 0 : i32
    %min3A_12 = arith.constant 124 : i32
    %min3A_13 = arith.minsi %min3A_11, %min3A_12 : i32
    %mul3A_14 = arith.constant 80 : i32
    %mul3A_15 = arith.muli %min3A_13, %mul3A_14 : i32
    %dma_start3A_16 = tpu.memref_slice %arg12[%mul3A_15] : memref<10000xi32, #tpu.memory_space<vmem>> -> memref<80xi32, #tpu.memory_space<vmem>>
    %dma_start3A_17 = arith.constant 0 : i32
    %dma_start3A_18 = arith.constant 0 : i32
    %dma_start3A_19 = tpu.memref_slice %arg3[%dma_start3A_17, %dma_start3A_18] : memref<320000x128xf32, #tpu.memory_space<hbm>> -> memref<320000x128xf32, #tpu.memory_space<hbm>>
    tpu.enqueue_indirect_dma source(%dma_start3A_19 : memref<320000x128xf32, #tpu.memory_space<hbm>>) target(%arg16 : memref<80x128xf32, #tpu.memory_space<vmem>>) offsets(%dma_start3A_16 : memref<80xi32, #tpu.memory_space<vmem>>) semaphore(%arg24 : memref<!tpu.dma_semaphore, #tpu.memory_space<semaphore_mem>>)
    %min3A_20 = arith.constant 0 : i32
    %min3A_21 = arith.constant 124 : i32
    %min3A_22 = arith.minsi %min3A_20, %min3A_21 : i32
    %mul3A_23 = arith.constant 80 : i32
    %mul3A_24 = arith.muli %min3A_22, %mul3A_23 : i32
    %dma_start3A_25 = tpu.memref_slice %arg13[%mul3A_24] : memref<10000xi32, #tpu.memory_space<vmem>> -> memref<80xi32, #tpu.memory_space<vmem>>
    %dma_start3A_26 = arith.constant 0 : i32
    %dma_start3A_27 = arith.constant 0 : i32
    %dma_start3A_28 = tpu.memref_slice %arg3[%dma_start3A_26, %dma_start3A_27] : memref<320000x128xf32, #tpu.memory_space<hbm>> -> memref<320000x128xf32, #tpu.memory_space<hbm>>
    tpu.enqueue_indirect_dma source(%dma_start3A_28 : memref<320000x128xf32, #tpu.memory_space<hbm>>) target(%arg17 : memref<80x128xf32, #tpu.memory_space<vmem>>) offsets(%dma_start3A_25 : memref<80xi32, #tpu.memory_space<vmem>>) semaphore(%arg25 : memref<!tpu.dma_semaphore, #tpu.memory_space<semaphore_mem>>)
    %min3A_29 = arith.constant 0 : i32
    %min3A_30 = arith.constant 124 : i32
    %min3A_31 = arith.minsi %min3A_29, %min3A_30 : i32
    %mul3A_32 = arith.constant 80 : i32
    %mul3A_33 = arith.muli %min3A_31, %mul3A_32 : i32
    %dma_start3A_34 = tpu.memref_slice %arg10[%mul3A_33] : memref<10000xi32, #tpu.memory_space<vmem>> -> memref<80xi32, #tpu.memory_space<vmem>>
    %dma_start3A_35 = arith.constant 0 : i32
    %dma_start3A_36 = arith.constant 0 : i32
    %dma_start3A_37 = tpu.memref_slice %arg4[%dma_start3A_35, %dma_start3A_36] : memref<10000x128xf32, #tpu.memory_space<hbm>> -> memref<10000x128xf32, #tpu.memory_space<hbm>>
    tpu.enqueue_indirect_dma source(%dma_start3A_37 : memref<10000x128xf32, #tpu.memory_space<hbm>>) target(%arg20 : memref<80x128xf32, #tpu.memory_space<vmem>>) offsets(%dma_start3A_34 : memref<80xi32, #tpu.memory_space<vmem>>) semaphore(%arg28 : memref<!tpu.dma_semaphore, #tpu.memory_space<semaphore_mem>>)
    %scan3A = arith.constant 0 : i32
    %scan3A_38 = arith.constant 0 : i32
    %scan3A_39 = arith.constant 63 : i32
    %scan3A_40 = arith.addi %scan3A_38, %scan3A_39 : i32
    %scan3A_41 = arith.constant 1 : i32
    %scan3A_42 = scf.for %scan3A_62 = %scan3A_38 to %scan3A_40 step %scan3A_41 iter_args(%scan3A_63 = %scan3A) -> (i32)  : i32 {
      %mul3A_64 = arith.constant 2 : i32
      %mul3A_65 = arith.muli %mul3A_64, %scan3A_62 : i32
      %mul3A_66 = arith.constant 2 : i32
      %mul3A_67 = arith.muli %mul3A_66, %scan3A_62 : i32
      %add3A_68 = arith.constant 1 : i32
      %add3A_69 = arith.addi %mul3A_67, %add3A_68 : i32
      %min3A_70 = arith.constant 124 : i32
      %min3A_71 = arith.minsi %add3A_69, %min3A_70 : i32
      %mul3A_72 = arith.constant 2 : i32
      %mul3A_73 = arith.muli %mul3A_72, %scan3A_62 : i32
      %add3A_74 = arith.constant 2 : i32
      %add3A_75 = arith.addi %mul3A_73, %add3A_74 : i32
      %dma_wait3A_76 = arith.constant 0 : i32
      %dma_wait3A_77 = tpu.memref_slice %arg2[%mul3A_2, %dma_wait3A_76] : memref<320000x128xf32, #tpu.memory_space<hbm>> -> memref<80x128xf32, #tpu.memory_space<hbm>>
      %dma_wait3A_78 = arith.constant 0 : i32
      %dma_wait3A_79 = tpu.memref_slice %arg2[%mul3A_2, %dma_wait3A_78] : memref<320000x128xf32, #tpu.memory_space<hbm>> -> memref<80x128xf32, #tpu.memory_space<hbm>>
      tpu.wait_dma2 semaphore(%arg22 : memref<!tpu.dma_semaphore, #tpu.memory_space<semaphore_mem>>) src(%dma_wait3A_79 : memref<80x128xf32, #tpu.memory_space<hbm>>) dst(%arg14 : memref<80x128xf32, #tpu.memory_space<vmem>>)
      %dma_wait3A_80 = arith.constant 0 : i32
      %dma_wait3A_81 = tpu.memref_slice %arg12[%dma_wait3A_80] : memref<10000xi32, #tpu.memory_space<vmem>> -> memref<80xi32, #tpu.memory_space<vmem>>
      %dma_wait3A_82 = arith.constant 0 : i32
      %dma_wait3A_83 = arith.constant 0 : i32
      %dma_wait3A_84 = tpu.memref_slice %arg3[%dma_wait3A_82, %dma_wait3A_83] : memref<320000x128xf32, #tpu.memory_space<hbm>> -> memref<320000x128xf32, #tpu.memory_space<hbm>>
      tpu.wait_indirect_dma semaphore(%arg24 : memref<!tpu.dma_semaphore, #tpu.memory_space<semaphore_mem>>) src(%dma_wait3A_84 : memref<320000x128xf32, #tpu.memory_space<hbm>>) dst(%arg16 : memref<80x128xf32, #tpu.memory_space<vmem>>)
      %dma_wait3A_85 = arith.constant 0 : i32
      %dma_wait3A_86 = tpu.memref_slice %arg10[%dma_wait3A_85] : memref<10000xi32, #tpu.memory_space<vmem>> -> memref<80xi32, #tpu.memory_space<vmem>>
      %dma_wait3A_87 = arith.constant 0 : i32
      %dma_wait3A_88 = arith.constant 0 : i32
      %dma_wait3A_89 = tpu.memref_slice %arg4[%dma_wait3A_87, %dma_wait3A_88] : memref<10000x128xf32, #tpu.memory_space<hbm>> -> memref<10000x128xf32, #tpu.memory_space<hbm>>
      tpu.wait_indirect_dma semaphore(%arg28 : memref<!tpu.dma_semaphore, #tpu.memory_space<semaphore_mem>>) src(%dma_wait3A_89 : memref<10000x128xf32, #tpu.memory_space<hbm>>) dst(%arg20 : memref<80x128xf32, #tpu.memory_space<vmem>>)
      %min3A_90 = arith.constant 124 : i32
      %min3A_91 = arith.minsi %min3A_71, %min3A_90 : i32
      %mul3A_92 = arith.constant 80 : i32
      %mul3A_93 = arith.muli %min3A_91, %mul3A_92 : i32
      %dma_start3A_94 = tpu.memref_slice %arg12[%mul3A_93] : memref<10000xi32, #tpu.memory_space<vmem>> -> memref<80xi32, #tpu.memory_space<vmem>>
      %dma_start3A_95 = arith.constant 0 : i32
      %dma_start3A_96 = arith.constant 0 : i32
      %dma_start3A_97 = tpu.memref_slice %arg3[%dma_start3A_95, %dma_start3A_96] : memref<320000x128xf32, #tpu.memory_space<hbm>> -> memref<320000x128xf32, #tpu.memory_space<hbm>>
      tpu.enqueue_indirect_dma source(%dma_start3A_97 : memref<320000x128xf32, #tpu.memory_space<hbm>>) target(%arg18 : memref<80x128xf32, #tpu.memory_space<vmem>>) offsets(%dma_start3A_94 : memref<80xi32, #tpu.memory_space<vmem>>) semaphore(%arg26 : memref<!tpu.dma_semaphore, #tpu.memory_space<semaphore_mem>>)
      %min3A_98 = arith.constant 124 : i32
      %min3A_99 = arith.minsi %mul3A_65, %min3A_98 : i32
      %mul3A_100 = arith.constant 80 : i32
      %mul3A_101 = arith.muli %min3A_99, %mul3A_100 : i32
      %dma_start3A_102 = tpu.memref_slice %arg11[%mul3A_101] : memref<10000xi32, #tpu.memory_space<vmem>> -> memref<80xi32, #tpu.memory_space<vmem>>
      %dma_start3A_103 = arith.constant 0 : i32
      %dma_start3A_104 = arith.constant 0 : i32
      %dma_start3A_105 = tpu.memref_slice %arg4[%dma_start3A_103, %dma_start3A_104] : memref<10000x128xf32, #tpu.memory_space<hbm>> -> memref<10000x128xf32, #tpu.memory_space<hbm>>
      tpu.enqueue_indirect_dma source(%dma_start3A_105 : memref<10000x128xf32, #tpu.memory_space<hbm>>) target(%arg21 : memref<80x128xf32, #tpu.memory_space<vmem>>) offsets(%dma_start3A_102 : memref<80xi32, #tpu.memory_space<vmem>>) semaphore(%arg29 : memref<!tpu.dma_semaphore, #tpu.memory_space<semaphore_mem>>)
      %min3A_106 = arith.constant 124 : i32
      %min3A_107 = arith.minsi %min3A_71, %min3A_106 : i32
      %mul3A_108 = arith.constant 80 : i32
      %mul3A_109 = arith.muli %min3A_107, %mul3A_108 : i32
      %add3A_110 = arith.addi %mul3A_2, %mul3A_109 : i32
      %dma_start3A_111 = arith.constant 0 : i32
      %dma_start3A_112 = tpu.memref_slice %arg2[%add3A_110, %dma_start3A_111] : memref<320000x128xf32, #tpu.memory_space<hbm>> -> memref<80x128xf32, #tpu.memory_space<hbm>>
      %dma_start3A_113 = arith.constant 0 : i32
      %dma_start3A_114 = tpu.memref_slice %arg2[%add3A_110, %dma_start3A_113] : memref<320000x128xf32, #tpu.memory_space<hbm>> -> memref<80x128xf32, #tpu.memory_space<hbm>>
      tpu.enqueue_dma source(%dma_start3A_114 : memref<80x128xf32, #tpu.memory_space<hbm>>) target(%arg15 : memref<80x128xf32, #tpu.memory_space<vmem>>) target_semaphore(%arg23 : memref<!tpu.dma_semaphore, #tpu.memory_space<semaphore_mem>>)
      %scan3A_115 = arith.constant 0 : i32
      %scan3A_116 = arith.constant 0 : i32
      %scan3A_117 = arith.constant 80 : i32
      %scan3A_118 = arith.addi %scan3A_116, %scan3A_117 : i32
      %scan3A_119 = arith.constant 1 : i32
      %scan3A_120 = scf.for %scan3A_241 = %scan3A_116 to %scan3A_118 step %scan3A_119 iter_args(%scan3A_242 = %scan3A_115) -> (i32)  : i32 {
        %get3A = arith.index_cast %scan3A_241 : i32 to index
        %get3A_243 = arith.constant 0 : index
        %get3A_244 = tpu.vector_load %arg14[%get3A, %get3A_243] {strides = array<i32>} : memref<80x128xf32, #tpu.memory_space<vmem>>, vector<1x16xf32>,
        %get3A_245 = vector.shape_cast %get3A_244 : vector<1x16xf32> to vector<16xf32>
        %get3A_246 = arith.index_cast %scan3A_241 : i32 to index
        %get3A_247 = arith.constant 0 : index
        %get3A_248 = tpu.vector_load %arg20[%get3A_246, %get3A_247] {strides = array<i32>} : memref<80x128xf32, #tpu.memory_space<vmem>>, vector<1x16xf32>,
        %get3A_249 = vector.shape_cast %get3A_248 : vector<1x16xf32> to vector<16xf32>
        %add3A_250 = arith.addf %get3A_245, %get3A_249 : vector<16xf32>
        %get3A_251 = arith.index_cast %scan3A_241 : i32 to index
        %get3A_252 = arith.constant 0 : index
        %get3A_253 = tpu.vector_load %arg16[%get3A_251, %get3A_252] {strides = array<i32>} : memref<80x128xf32, #tpu.memory_space<vmem>>, vector<1x16xf32>,
        %get3A_254 = vector.shape_cast %get3A_253 : vector<1x16xf32> to vector<16xf32>
        %sub3A = arith.subf %add3A_250, %get3A_254 : vector<16xf32>
        %max3A = arith.constant 0.000000e+00 : f32
        %max3A_255 = vector.broadcast %max3A : f32 to vector<16xf32>
        %max3A_256 = arith.maximumf %sub3A, %max3A_255 : vector<16xf32>
        %swap3A = arith.index_cast %scan3A_241 : i32 to index
        %swap3A_257 = arith.constant 0 : index
        %swap3A_258 = tpu.vector_load %arg14[%swap3A, %swap3A_257] {strides = array<i32>} : memref<80x128xf32, #tpu.memory_space<vmem>>, vector<1x16xf32>,
        %swap3A_259 = vector.shape_cast %swap3A_258 : vector<1x16xf32> to vector<16xf32>
        %swap3A_260 = vector.shape_cast %max3A_256 : vector<16xf32> to vector<1x16xf32>
        tpu.vector_store %arg14[%swap3A, %swap3A_257], %swap3A_260 {strides = array<i32>} : memref<80x128xf32, #tpu.memory_space<vmem>>, vector<1x16xf32>,
        %get3A_261 = arith.index_cast %scan3A_241 : i32 to index
        %get3A_262 = arith.constant 16 : index
        %get3A_263 = tpu.vector_load %arg14[%get3A_261, %get3A_262] {strides = array<i32>} : memref<80x128xf32, #tpu.memory_space<vmem>>, vector<1x16xf32>,
        %get3A_264 = vector.shape_cast %get3A_263 : vector<1x16xf32> to vector<16xf32>
        %get3A_265 = arith.index_cast %scan3A_241 : i32 to index
        %get3A_266 = arith.constant 16 : index
        %get3A_267 = tpu.vector_load %arg20[%get3A_265, %get3A_266] {strides = array<i32>} : memref<80x128xf32, #tpu.memory_space<vmem>>, vector<1x16xf32>,
        %get3A_268 = vector.shape_cast %get3A_267 : vector<1x16xf32> to vector<16xf32>
        %add3A_269 = arith.addf %get3A_264, %get3A_268 : vector<16xf32>
        %get3A_270 = arith.index_cast %scan3A_241 : i32 to index
        %get3A_271 = arith.constant 16 : index
        %get3A_272 = tpu.vector_load %arg16[%get3A_270, %get3A_271] {strides = array<i32>} : memref<80x128xf32, #tpu.memory_space<vmem>>, vector<1x16xf32>,
        %get3A_273 = vector.shape_cast %get3A_272 : vector<1x16xf32> to vector<16xf32>
        %sub3A_274 = arith.subf %add3A_269, %get3A_273 : vector<16xf32>
        %max3A_275 = arith.constant 0.000000e+00 : f32
        %max3A_276 = vector.broadcast %max3A_275 : f32 to vector<16xf32>
        %max3A_277 = arith.maximumf %sub3A_274, %max3A_276 : vector<16xf32>
        %swap3A_278 = arith.index_cast %scan3A_241 : i32 to index
        %swap3A_279 = arith.constant 16 : index
        %swap3A_280 = tpu.vector_load %arg14[%swap3A_278, %swap3A_279] {strides = array<i32>} : memref<80x128xf32, #tpu.memory_space<vmem>>, vector<1x16xf32>,
        %swap3A_281 = vector.shape_cast %swap3A_280 : vector<1x16xf32> to vector<16xf32>
        %swap3A_282 = vector.shape_cast %max3A_277 : vector<16xf32> to vector<1x16xf32>
        tpu.vector_store %arg14[%swap3A_278, %swap3A_279], %swap3A_282 {strides = array<i32>} : memref<80x128xf32, #tpu.memory_space<vmem>>, vector<1x16xf32>,
        %get3A_283 = arith.index_cast %scan3A_241 : i32 to index
        %get3A_284 = arith.constant 32 : index
        %get3A_285 = tpu.vector_load %arg14[%get3A_283, %get3A_284] {strides = array<i32>} : memref<80x128xf32, #tpu.memory_space<vmem>>, vector<1x16xf32>,
        %get3A_286 = vector.shape_cast %get3A_285 : vector<1x16xf32> to vector<16xf32>
        %get3A_287 = arith.index_cast %scan3A_241 : i32 to index
        %get3A_288 = arith.constant 32 : index
        %get3A_289 = tpu.vector_load %arg20[%get3A_287, %get3A_288] {strides = array<i32>} : memref<80x128xf32, #tpu.memory_space<vmem>>, vector<1x16xf32>,
        %get3A_290 = vector.shape_cast %get3A_289 : vector<1x16xf32> to vector<16xf32>
        %add3A_291 = arith.addf %get3A_286, %get3A_290 : vector<16xf32>
        %get3A_292 = arith.index_cast %scan3A_241 : i32 to index
        %get3A_293 = arith.constant 32 : index
        %get3A_294 = tpu.vector_load %arg16[%get3A_292, %get3A_293] {strides = array<i32>} : memref<80x128xf32, #tpu.memory_space<vmem>>, vector<1x16xf32>,
        %get3A_295 = vector.shape_cast %get3A_294 : vector<1x16xf32> to vector<16xf32>
        %sub3A_296 = arith.subf %add3A_291, %get3A_295 : vector<16xf32>
        %max3A_297 = arith.constant 0.000000e+00 : f32
        %max3A_298 = vector.broadcast %max3A_297 : f32 to vector<16xf32>
        %max3A_299 = arith.maximumf %sub3A_296, %max3A_298 : vector<16xf32>
        %swap3A_300 = arith.index_cast %scan3A_241 : i32 to index
        %swap3A_301 = arith.constant 32 : index
        %swap3A_302 = tpu.vector_load %arg14[%swap3A_300, %swap3A_301] {strides = array<i32>} : memref<80x128xf32, #tpu.memory_space<vmem>>, vector<1x16xf32>,
        %swap3A_303 = vector.shape_cast %swap3A_302 : vector<1x16xf32> to vector<16xf32>
        %swap3A_304 = vector.shape_cast %max3A_299 : vector<16xf32> to vector<1x16xf32>
        tpu.vector_store %arg14[%swap3A_300, %swap3A_301], %swap3A_304 {strides = array<i32>} : memref<80x128xf32, #tpu.memory_space<vmem>>, vector<1x16xf32>,
        %get3A_305 = arith.index_cast %scan3A_241 : i32 to index
        %get3A_306 = arith.constant 48 : index
        %get3A_307 = tpu.vector_load %arg14[%get3A_305, %get3A_306] {strides = array<i32>} : memref<80x128xf32, #tpu.memory_space<vmem>>, vector<1x16xf32>,
        %get3A_308 = vector.shape_cast %get3A_307 : vector<1x16xf32> to vector<16xf32>
        %get3A_309 = arith.index_cast %scan3A_241 : i32 to index
        %get3A_310 = arith.constant 48 : index
        %get3A_311 = tpu.vector_load %arg20[%get3A_309, %get3A_310] {strides = array<i32>} : memref<80x128xf32, #tpu.memory_space<vmem>>, vector<1x16xf32>,
        %get3A_312 = vector.shape_cast %get3A_311 : vector<1x16xf32> to vector<16xf32>
        %add3A_313 = arith.addf %get3A_308, %get3A_312 : vector<16xf32>
        %get3A_314 = arith.index_cast %scan3A_241 : i32 to index
        %get3A_315 = arith.constant 48 : index
        %get3A_316 = tpu.vector_load %arg16[%get3A_314, %get3A_315] {strides = array<i32>} : memref<80x128xf32, #tpu.memory_space<vmem>>, vector<1x16xf32>,
        %get3A_317 = vector.shape_cast %get3A_316 : vector<1x16xf32> to vector<16xf32>
        %sub3A_318 = arith.subf %add3A_313, %get3A_317 : vector<16xf32>
        %max3A_319 = arith.constant 0.000000e+00 : f32
        %max3A_320 = vector.broadcast %max3A_319 : f32 to vector<16xf32>
        %max3A_321 = arith.maximumf %sub3A_318, %max3A_320 : vector<16xf32>
        %swap3A_322 = arith.index_cast %scan3A_241 : i32 to index
        %swap3A_323 = arith.constant 48 : index
        %swap3A_324 = tpu.vector_load %arg14[%swap3A_322, %swap3A_323] {strides = array<i32>} : memref<80x128xf32, #tpu.memory_space<vmem>>, vector<1x16xf32>,
        %swap3A_325 = vector.shape_cast %swap3A_324 : vector<1x16xf32> to vector<16xf32>
        %swap3A_326 = vector.shape_cast %max3A_321 : vector<16xf32> to vector<1x16xf32>
        tpu.vector_store %arg14[%swap3A_322, %swap3A_323], %swap3A_326 {strides = array<i32>} : memref<80x128xf32, #tpu.memory_space<vmem>>, vector<1x16xf32>,
        %scan3A_327 = arith.constant 0 : i32
        scf.yield %scan3A_327 : i32
      }
      %scan3A_121 = arith.constant 80 : i32
      %dma_wait3A_122 = arith.constant 0 : i32
      %dma_wait3A_123 = tpu.memref_slice %arg13[%dma_wait3A_122] : memref<10000xi32, #tpu.memory_space<vmem>> -> memref<80xi32, #tpu.memory_space<vmem>>
      %dma_wait3A_124 = arith.constant 0 : i32
      %dma_wait3A_125 = arith.constant 0 : i32
      %dma_wait3A_126 = tpu.memref_slice %arg3[%dma_wait3A_124, %dma_wait3A_125] : memref<320000x128xf32, #tpu.memory_space<hbm>> -> memref<320000x128xf32, #tpu.memory_space<hbm>>
      tpu.wait_indirect_dma semaphore(%arg25 : memref<!tpu.dma_semaphore, #tpu.memory_space<semaphore_mem>>) src(%dma_wait3A_126 : memref<320000x128xf32, #tpu.memory_space<hbm>>) dst(%arg17 : memref<80x128xf32, #tpu.memory_space<vmem>>)
      %dma_wait3A_127 = arith.constant 0 : i32
      %dma_wait3A_128 = tpu.memref_slice %arg11[%dma_wait3A_127] : memref<10000xi32, #tpu.memory_space<vmem>> -> memref<80xi32, #tpu.memory_space<vmem>>
      %dma_wait3A_129 = arith.constant 0 : i32
      %dma_wait3A_130 = arith.constant 0 : i32
      %dma_wait3A_131 = tpu.memref_slice %arg4[%dma_wait3A_129, %dma_wait3A_130] : memref<10000x128xf32, #tpu.memory_space<hbm>> -> memref<10000x128xf32, #tpu.memory_space<hbm>>
      tpu.wait_indirect_dma semaphore(%arg29 : memref<!tpu.dma_semaphore, #tpu.memory_space<semaphore_mem>>) src(%dma_wait3A_131 : memref<10000x128xf32, #tpu.memory_space<hbm>>) dst(%arg21 : memref<80x128xf32, #tpu.memory_space<vmem>>)
      %min3A_132 = arith.constant 124 : i32
      %min3A_133 = arith.minsi %min3A_71, %min3A_132 : i32
      %mul3A_134 = arith.constant 80 : i32
      %mul3A_135 = arith.muli %min3A_133, %mul3A_134 : i32
      %dma_start3A_136 = tpu.memref_slice %arg13[%mul3A_135] : memref<10000xi32, #tpu.memory_space<vmem>> -> memref<80xi32, #tpu.memory_space<vmem>>
      %dma_start3A_137 = arith.constant 0 : i32
      %dma_start3A_138 = arith.constant 0 : i32
      %dma_start3A_139 = tpu.memref_slice %arg3[%dma_start3A_137, %dma_start3A_138] : memref<320000x128xf32, #tpu.memory_space<hbm>> -> memref<320000x128xf32, #tpu.memory_space<hbm>>
      tpu.enqueue_indirect_dma source(%dma_start3A_139 : memref<320000x128xf32, #tpu.memory_space<hbm>>) target(%arg19 : memref<80x128xf32, #tpu.memory_space<vmem>>) offsets(%dma_start3A_136 : memref<80xi32, #tpu.memory_space<vmem>>) semaphore(%arg27 : memref<!tpu.dma_semaphore, #tpu.memory_space<semaphore_mem>>)
      %min3A_140 = arith.constant 124 : i32
      %min3A_141 = arith.minsi %min3A_71, %min3A_140 : i32
      %mul3A_142 = arith.constant 80 : i32
      %mul3A_143 = arith.muli %min3A_141, %mul3A_142 : i32
      %dma_start3A_144 = tpu.memref_slice %arg10[%mul3A_143] : memref<10000xi32, #tpu.memory_space<vmem>> -> memref<80xi32, #tpu.memory_space<vmem>>
      %dma_start3A_145 = arith.constant 0 : i32
      %dma_start3A_146 = arith.constant 0 : i32
      %dma_start3A_147 = tpu.memref_slice %arg4[%dma_start3A_145, %dma_start3A_146] : memref<10000x128xf32, #tpu.memory_space<hbm>> -> memref<10000x128xf32, #tpu.memory_space<hbm>>
      tpu.enqueue_indirect_dma source(%dma_start3A_147 : memref<10000x128xf32, #tpu.memory_space<hbm>>) target(%arg20 : memref<80x128xf32, #tpu.memory_space<vmem>>) offsets(%dma_start3A_144 : memref<80xi32, #tpu.memory_space<vmem>>) semaphore(%arg28 : memref<!tpu.dma_semaphore, #tpu.memory_space<semaphore_mem>>)
      %scan3A_148 = arith.constant 0 : i32
      %scan3A_149 = arith.constant 0 : i32
      %scan3A_150 = arith.constant 80 : i32
      %scan3A_151 = arith.addi %scan3A_149, %scan3A_150 : i32
      %scan3A_152 = arith.constant 1 : i32
      %scan3A_153 = scf.for %scan3A_241 = %scan3A_149 to %scan3A_151 step %scan3A_152 iter_args(%scan3A_242 = %scan3A_148) -> (i32)  : i32 {
        %get3A = arith.index_cast %scan3A_241 : i32 to index
        %get3A_243 = arith.constant 64 : index
        %get3A_244 = tpu.vector_load %arg14[%get3A, %get3A_243] {strides = array<i32>} : memref<80x128xf32, #tpu.memory_space<vmem>>, vector<1x16xf32>,
        %get3A_245 = vector.shape_cast %get3A_244 : vector<1x16xf32> to vector<16xf32>
        %get3A_246 = arith.index_cast %scan3A_241 : i32 to index
        %get3A_247 = arith.constant 64 : index
        %get3A_248 = tpu.vector_load %arg21[%get3A_246, %get3A_247] {strides = array<i32>} : memref<80x128xf32, #tpu.memory_space<vmem>>, vector<1x16xf32>,
        %get3A_249 = vector.shape_cast %get3A_248 : vector<1x16xf32> to vector<16xf32>
        %add3A_250 = arith.addf %get3A_245, %get3A_249 : vector<16xf32>
        %get3A_251 = arith.index_cast %scan3A_241 : i32 to index
        %get3A_252 = arith.constant 64 : index
        %get3A_253 = tpu.vector_load %arg17[%get3A_251, %get3A_252] {strides = array<i32>} : memref<80x128xf32, #tpu.memory_space<vmem>>, vector<1x16xf32>,
        %get3A_254 = vector.shape_cast %get3A_253 : vector<1x16xf32> to vector<16xf32>
        %sub3A = arith.subf %add3A_250, %get3A_254 : vector<16xf32>
        %max3A = arith.constant 0.000000e+00 : f32
        %max3A_255 = vector.broadcast %max3A : f32 to vector<16xf32>
        %max3A_256 = arith.maximumf %sub3A, %max3A_255 : vector<16xf32>
        %swap3A = arith.index_cast %scan3A_241 : i32 to index
        %swap3A_257 = arith.constant 64 : index
        %swap3A_258 = tpu.vector_load %arg14[%swap3A, %swap3A_257] {strides = array<i32>} : memref<80x128xf32, #tpu.memory_space<vmem>>, vector<1x16xf32>,
        %swap3A_259 = vector.shape_cast %swap3A_258 : vector<1x16xf32> to vector<16xf32>
        %swap3A_260 = vector.shape_cast %max3A_256 : vector<16xf32> to vector<1x16xf32>
        tpu.vector_store %arg14[%swap3A, %swap3A_257], %swap3A_260 {strides = array<i32>} : memref<80x128xf32, #tpu.memory_space<vmem>>, vector<1x16xf32>,
        %get3A_261 = arith.index_cast %scan3A_241 : i32 to index
        %get3A_262 = arith.constant 80 : index
        %get3A_263 = tpu.vector_load %arg14[%get3A_261, %get3A_262] {strides = array<i32>} : memref<80x128xf32, #tpu.memory_space<vmem>>, vector<1x16xf32>,
        %get3A_264 = vector.shape_cast %get3A_263 : vector<1x16xf32> to vector<16xf32>
        %get3A_265 = arith.index_cast %scan3A_241 : i32 to index
        %get3A_266 = arith.constant 80 : index
        %get3A_267 = tpu.vector_load %arg21[%get3A_265, %get3A_266] {strides = array<i32>} : memref<80x128xf32, #tpu.memory_space<vmem>>, vector<1x16xf32>,
        %get3A_268 = vector.shape_cast %get3A_267 : vector<1x16xf32> to vector<16xf32>
        %add3A_269 = arith.addf %get3A_264, %get3A_268 : vector<16xf32>
        %get3A_270 = arith.index_cast %scan3A_241 : i32 to index
        %get3A_271 = arith.constant 80 : index
        %get3A_272 = tpu.vector_load %arg17[%get3A_270, %get3A_271] {strides = array<i32>} : memref<80x128xf32, #tpu.memory_space<vmem>>, vector<1x16xf32>,
        %get3A_273 = vector.shape_cast %get3A_272 : vector<1x16xf32> to vector<16xf32>
        %sub3A_274 = arith.subf %add3A_269, %get3A_273 : vector<16xf32>
        %max3A_275 = arith.constant 0.000000e+00 : f32
        %max3A_276 = vector.broadcast %max3A_275 : f32 to vector<16xf32>
        %max3A_277 = arith.maximumf %sub3A_274, %max3A_276 : vector<16xf32>
        %swap3A_278 = arith.index_cast %scan3A_241 : i32 to index
        %swap3A_279 = arith.constant 80 : index
        %swap3A_280 = tpu.vector_load %arg14[%swap3A_278, %swap3A_279] {strides = array<i32>} : memref<80x128xf32, #tpu.memory_space<vmem>>, vector<1x16xf32>,
        %swap3A_281 = vector.shape_cast %swap3A_280 : vector<1x16xf32> to vector<16xf32>
        %swap3A_282 = vector.shape_cast %max3A_277 : vector<16xf32> to vector<1x16xf32>
        tpu.vector_store %arg14[%swap3A_278, %swap3A_279], %swap3A_282 {strides = array<i32>} : memref<80x128xf32, #tpu.memory_space<vmem>>, vector<1x16xf32>,
        %get3A_283 = arith.index_cast %scan3A_241 : i32 to index
        %get3A_284 = arith.constant 96 : index
        %get3A_285 = tpu.vector_load %arg14[%get3A_283, %get3A_284] {strides = array<i32>} : memref<80x128xf32, #tpu.memory_space<vmem>>, vector<1x16xf32>,
        %get3A_286 = vector.shape_cast %get3A_285 : vector<1x16xf32> to vector<16xf32>
        %get3A_287 = arith.index_cast %scan3A_241 : i32 to index
        %get3A_288 = arith.constant 96 : index
        %get3A_289 = tpu.vector_load %arg21[%get3A_287, %get3A_288] {strides = array<i32>} : memref<80x128xf32, #tpu.memory_space<vmem>>, vector<1x16xf32>,
        %get3A_290 = vector.shape_cast %get3A_289 : vector<1x16xf32> to vector<16xf32>
        %add3A_291 = arith.addf %get3A_286, %get3A_290 : vector<16xf32>
        %get3A_292 = arith.index_cast %scan3A_241 : i32 to index
        %get3A_293 = arith.constant 96 : index
        %get3A_294 = tpu.vector_load %arg17[%get3A_292, %get3A_293] {strides = array<i32>} : memref<80x128xf32, #tpu.memory_space<vmem>>, vector<1x16xf32>,
        %get3A_295 = vector.shape_cast %get3A_294 : vector<1x16xf32> to vector<16xf32>
        %sub3A_296 = arith.subf %add3A_291, %get3A_295 : vector<16xf32>
        %max3A_297 = arith.constant 0.000000e+00 : f32
        %max3A_298 = vector.broadcast %max3A_297 : f32 to vector<16xf32>
        %max3A_299 = arith.maximumf %sub3A_296, %max3A_298 : vector<16xf32>
        %swap3A_300 = arith.index_cast %scan3A_241 : i32 to index
        %swap3A_301 = arith.constant 96 : index
        %swap3A_302 = tpu.vector_load %arg14[%swap3A_300, %swap3A_301] {strides = array<i32>} : memref<80x128xf32, #tpu.memory_space<vmem>>, vector<1x16xf32>,
        %swap3A_303 = vector.shape_cast %swap3A_302 : vector<1x16xf32> to vector<16xf32>
        %swap3A_304 = vector.shape_cast %max3A_299 : vector<16xf32> to vector<1x16xf32>
        tpu.vector_store %arg14[%swap3A_300, %swap3A_301], %swap3A_304 {strides = array<i32>} : memref<80x128xf32, #tpu.memory_space<vmem>>, vector<1x16xf32>,
        %get3A_305 = arith.index_cast %scan3A_241 : i32 to index
        %get3A_306 = arith.constant 112 : index
        %get3A_307 = tpu.vector_load %arg14[%get3A_305, %get3A_306] {strides = array<i32>} : memref<80x128xf32, #tpu.memory_space<vmem>>, vector<1x16xf32>,
        %get3A_308 = vector.shape_cast %get3A_307 : vector<1x16xf32> to vector<16xf32>
        %get3A_309 = arith.index_cast %scan3A_241 : i32 to index
        %get3A_310 = arith.constant 112 : index
        %get3A_311 = tpu.vector_load %arg21[%get3A_309, %get3A_310] {strides = array<i32>} : memref<80x128xf32, #tpu.memory_space<vmem>>, vector<1x16xf32>,
        %get3A_312 = vector.shape_cast %get3A_311 : vector<1x16xf32> to vector<16xf32>
        %add3A_313 = arith.addf %get3A_308, %get3A_312 : vector<16xf32>
        %get3A_314 = arith.index_cast %scan3A_241 : i32 to index
        %get3A_315 = arith.constant 112 : index
        %get3A_316 = tpu.vector_load %arg17[%get3A_314, %get3A_315] {strides = array<i32>} : memref<80x128xf32, #tpu.memory_space<vmem>>, vector<1x16xf32>,
        %get3A_317 = vector.shape_cast %get3A_316 : vector<1x16xf32> to vector<16xf32>
        %sub3A_318 = arith.subf %add3A_313, %get3A_317 : vector<16xf32>
        %max3A_319 = arith.constant 0.000000e+00 : f32
        %max3A_320 = vector.broadcast %max3A_319 : f32 to vector<16xf32>
        %max3A_321 = arith.maximumf %sub3A_318, %max3A_320 : vector<16xf32>
        %swap3A_322 = arith.index_cast %scan3A_241 : i32 to index
        %swap3A_323 = arith.constant 112 : index
        %swap3A_324 = tpu.vector_load %arg14[%swap3A_322, %swap3A_323] {strides = array<i32>} : memref<80x128xf32, #tpu.memory_space<vmem>>, vector<1x16xf32>,
        %swap3A_325 = vector.shape_cast %swap3A_324 : vector<1x16xf32> to vector<16xf32>
        %swap3A_326 = vector.shape_cast %max3A_321 : vector<16xf32> to vector<1x16xf32>
        tpu.vector_store %arg14[%swap3A_322, %swap3A_323], %swap3A_326 {strides = array<i32>} : memref<80x128xf32, #tpu.memory_space<vmem>>, vector<1x16xf32>,
        %scan3A_327 = arith.constant 0 : i32
        scf.yield %scan3A_327 : i32
      }
      %scan3A_154 = arith.constant 80 : i32
      %mul3A_155 = arith.constant 80 : i32
      %mul3A_156 = arith.muli %mul3A_65, %mul3A_155 : i32
      %add3A_157 = arith.addi %mul3A_2, %mul3A_156 : i32
      "tpu.region"() ({
        %run_scoped3A = tpu.sem_alloc : memref<!tpu.dma_semaphore, #tpu.memory_space<semaphore_mem>>
        %dma_start3A_241 = arith.constant 0 : i32
        %dma_start3A_242 = tpu.memref_slice %arg9[%add3A_157, %dma_start3A_241] : memref<320000x128xf32, #tpu.memory_space<hbm>> -> memref<80x128xf32, #tpu.memory_space<hbm>>
        %dma_start3A_243 = arith.constant 0 : i32
        %dma_start3A_244 = tpu.memref_slice %arg9[%add3A_157, %dma_start3A_243] : memref<320000x128xf32, #tpu.memory_space<hbm>> -> memref<80x128xf32, #tpu.memory_space<hbm>>
        tpu.enqueue_dma source(%arg14 : memref<80x128xf32, #tpu.memory_space<vmem>>) target(%dma_start3A_244 : memref<80x128xf32, #tpu.memory_space<hbm>>) target_semaphore(%run_scoped3A : memref<!tpu.dma_semaphore, #tpu.memory_space<semaphore_mem>>)
        %dma_wait3A_245 = arith.constant 0 : i32
        %dma_wait3A_246 = tpu.memref_slice %arg9[%add3A_157, %dma_wait3A_245] : memref<320000x128xf32, #tpu.memory_space<hbm>> -> memref<80x128xf32, #tpu.memory_space<hbm>>
        %dma_wait3A_247 = arith.constant 0 : i32
        %dma_wait3A_248 = tpu.memref_slice %arg9[%add3A_157, %dma_wait3A_247] : memref<320000x128xf32, #tpu.memory_space<hbm>> -> memref<80x128xf32, #tpu.memory_space<hbm>>
        tpu.wait_dma2 semaphore(%run_scoped3A : memref<!tpu.dma_semaphore, #tpu.memory_space<semaphore_mem>>) src(%arg14 : memref<80x128xf32, #tpu.memory_space<vmem>>) dst(%dma_wait3A_248 : memref<80x128xf32, #tpu.memory_space<hbm>>)
        tpu.yield
      }) : () -> ()
      %dma_wait3A_158 = arith.constant 0 : i32
      %dma_wait3A_159 = tpu.memref_slice %arg2[%mul3A_2, %dma_wait3A_158] : memref<320000x128xf32, #tpu.memory_space<hbm>> -> memref<80x128xf32, #tpu.memory_space<hbm>>
      %dma_wait3A_160 = arith.constant 0 : i32
      %dma_wait3A_161 = tpu.memref_slice %arg2[%mul3A_2, %dma_wait3A_160] : memref<320000x128xf32, #tpu.memory_space<hbm>> -> memref<80x128xf32, #tpu.memory_space<hbm>>
      tpu.wait_dma2 semaphore(%arg23 : memref<!tpu.dma_semaphore, #tpu.memory_space<semaphore_mem>>) src(%dma_wait3A_161 : memref<80x128xf32, #tpu.memory_space<hbm>>) dst(%arg15 : memref<80x128xf32, #tpu.memory_space<vmem>>)
      %dma_wait3A_162 = arith.constant 0 : i32
      %dma_wait3A_163 = tpu.memref_slice %arg12[%dma_wait3A_162] : memref<10000xi32, #tpu.memory_space<vmem>> -> memref<80xi32, #tpu.memory_space<vmem>>
      %dma_wait3A_164 = arith.constant 0 : i32
      %dma_wait3A_165 = arith.constant 0 : i32
      %dma_wait3A_166 = tpu.memref_slice %arg3[%dma_wait3A_164, %dma_wait3A_165] : memref<320000x128xf32, #tpu.memory_space<hbm>> -> memref<320000x128xf32, #tpu.memory_space<hbm>>
      tpu.wait_indirect_dma semaphore(%arg26 : memref<!tpu.dma_semaphore, #tpu.memory_space<semaphore_mem>>) src(%dma_wait3A_166 : memref<320000x128xf32, #tpu.memory_space<hbm>>) dst(%arg18 : memref<80x128xf32, #tpu.memory_space<vmem>>)
      %dma_wait3A_167 = arith.constant 0 : i32
      %dma_wait3A_168 = tpu.memref_slice %arg10[%dma_wait3A_167] : memref<10000xi32, #tpu.memory_space<vmem>> -> memref<80xi32, #tpu.memory_space<vmem>>
      %dma_wait3A_169 = arith.constant 0 : i32
      %dma_wait3A_170 = arith.constant 0 : i32
      %dma_wait3A_171 = tpu.memref_slice %arg4[%dma_wait3A_169, %dma_wait3A_170] : memref<10000x128xf32, #tpu.memory_space<hbm>> -> memref<10000x128xf32, #tpu.memory_space<hbm>>
      tpu.wait_indirect_dma semaphore(%arg28 : memref<!tpu.dma_semaphore, #tpu.memory_space<semaphore_mem>>) src(%dma_wait3A_171 : memref<10000x128xf32, #tpu.memory_space<hbm>>) dst(%arg20 : memref<80x128xf32, #tpu.memory_space<vmem>>)
      %min3A_172 = arith.constant 124 : i32
      %min3A_173 = arith.minsi %add3A_75, %min3A_172 : i32
      %mul3A_174 = arith.constant 80 : i32
      %mul3A_175 = arith.muli %min3A_173, %mul3A_174 : i32
      %dma_start3A_176 = tpu.memref_slice %arg12[%mul3A_175] : memref<10000xi32, #tpu.memory_space<vmem>> -> memref<80xi32, #tpu.memory_space<vmem>>
      %dma_start3A_177 = arith.constant 0 : i32
      %dma_start3A_178 = arith.constant 0 : i32
      %dma_start3A_179 = tpu.memref_slice %arg3[%dma_start3A_177, %dma_start3A_178] : memref<320000x128xf32, #tpu.memory_space<hbm>> -> memref<320000x128xf32, #tpu.memory_space<hbm>>
      tpu.enqueue_indirect_dma source(%dma_start3A_179 : memref<320000x128xf32, #tpu.memory_space<hbm>>) target(%arg16 : memref<80x128xf32, #tpu.memory_space<vmem>>) offsets(%dma_start3A_176 : memref<80xi32, #tpu.memory_space<vmem>>) semaphore(%arg24 : memref<!tpu.dma_semaphore, #tpu.memory_space<semaphore_mem>>)
      %min3A_180 = arith.constant 124 : i32
      %min3A_181 = arith.minsi %min3A_71, %min3A_180 : i32
      %mul3A_182 = arith.constant 80 : i32
      %mul3A_183 = arith.muli %min3A_181, %mul3A_182 : i32
      %dma_start3A_184 = tpu.memref_slice %arg11[%mul3A_183] : memref<10000xi32, #tpu.memory_space<vmem>> -> memref<80xi32, #tpu.memory_space<vmem>>
      %dma_start3A_185 = arith.constant 0 : i32
      %dma_start3A_186 = arith.constant 0 : i32
      %dma_start3A_187 = tpu.memref_slice %arg4[%dma_start3A_185, %dma_start3A_186] : memref<10000x128xf32, #tpu.memory_space<hbm>> -> memref<10000x128xf32, #tpu.memory_space<hbm>>
      tpu.enqueue_indirect_dma source(%dma_start3A_187 : memref<10000x128xf32, #tpu.memory_space<hbm>>) target(%arg21 : memref<80x128xf32, #tpu.memory_space<vmem>>) offsets(%dma_start3A_184 : memref<80xi32, #tpu.memory_space<vmem>>) semaphore(%arg29 : memref<!tpu.dma_semaphore, #tpu.memory_space<semaphore_mem>>)
      %min3A_188 = arith.constant 124 : i32
      %min3A_189 = arith.minsi %add3A_75, %min3A_188 : i32
      %mul3A_190 = arith.constant 80 : i32
      %mul3A_191 = arith.muli %min3A_189, %mul3A_190 : i32
      %add3A_192 = arith.addi %mul3A_2, %mul3A_191 : i32
      %dma_start3A_193 = arith.constant 0 : i32
      %dma_start3A_194 = tpu.memref_slice %arg2[%add3A_192, %dma_start3A_193] : memref<320000x128xf32, #tpu.memory_space<hbm>> -> memref<80x128xf32, #tpu.memory_space<hbm>>
      %dma_start3A_195 = arith.constant 0 : i32
      %dma_start3A_196 = tpu.memref_slice %arg2[%add3A_192, %dma_start3A_195] : memref<320000x128xf32, #tpu.memory_space<hbm>> -> memref<80x128xf32, #tpu.memory_space<hbm>>
      tpu.enqueue_dma source(%dma_start3A_196 : memref<80x128xf32, #tpu.memory_space<hbm>>) target(%arg14 : memref<80x128xf32, #tpu.memory_space<vmem>>) target_semaphore(%arg22 : memref<!tpu.dma_semaphore, #tpu.memory_space<semaphore_mem>>)
      %scan3A_197 = arith.constant 0 : i32
      %scan3A_198 = arith.constant 0 : i32
      %scan3A_199 = arith.constant 80 : i32
      %scan3A_200 = arith.addi %scan3A_198, %scan3A_199 : i32
      %scan3A_201 = arith.constant 1 : i32
      %scan3A_202 = scf.for %scan3A_241 = %scan3A_198 to %scan3A_200 step %scan3A_201 iter_args(%scan3A_242 = %scan3A_197) -> (i32)  : i32 {
        %get3A = arith.index_cast %scan3A_241 : i32 to index
        %get3A_243 = arith.constant 0 : index
        %get3A_244 = tpu.vector_load %arg15[%get3A, %get3A_243] {strides = array<i32>} : memref<80x128xf32, #tpu.memory_space<vmem>>, vector<1x16xf32>,
        %get3A_245 = vector.shape_cast %get3A_244 : vector<1x16xf32> to vector<16xf32>
        %get3A_246 = arith.index_cast %scan3A_241 : i32 to index
        %get3A_247 = arith.constant 0 : index
        %get3A_248 = tpu.vector_load %arg20[%get3A_246, %get3A_247] {strides = array<i32>} : memref<80x128xf32, #tpu.memory_space<vmem>>, vector<1x16xf32>,
        %get3A_249 = vector.shape_cast %get3A_248 : vector<1x16xf32> to vector<16xf32>
        %add3A_250 = arith.addf %get3A_245, %get3A_249 : vector<16xf32>
        %get3A_251 = arith.index_cast %scan3A_241 : i32 to index
        %get3A_252 = arith.constant 0 : index
        %get3A_253 = tpu.vector_load %arg18[%get3A_251, %get3A_252] {strides = array<i32>} : memref<80x128xf32, #tpu.memory_space<vmem>>, vector<1x16xf32>,
        %get3A_254 = vector.shape_cast %get3A_253 : vector<1x16xf32> to vector<16xf32>
        %sub3A = arith.subf %add3A_250, %get3A_254 : vector<16xf32>
        %max3A = arith.constant 0.000000e+00 : f32
        %max3A_255 = vector.broadcast %max3A : f32 to vector<16xf32>
        %max3A_256 = arith.maximumf %sub3A, %max3A_255 : vector<16xf32>
        %swap3A = arith.index_cast %scan3A_241 : i32 to index
        %swap3A_257 = arith.constant 0 : index
        %swap3A_258 = tpu.vector_load %arg15[%swap3A, %swap3A_257] {strides = array<i32>} : memref<80x128xf32, #tpu.memory_space<vmem>>, vector<1x16xf32>,
        %swap3A_259 = vector.shape_cast %swap3A_258 : vector<1x16xf32> to vector<16xf32>
        %swap3A_260 = vector.shape_cast %max3A_256 : vector<16xf32> to vector<1x16xf32>
        tpu.vector_store %arg15[%swap3A, %swap3A_257], %swap3A_260 {strides = array<i32>} : memref<80x128xf32, #tpu.memory_space<vmem>>, vector<1x16xf32>,
        %get3A_261 = arith.index_cast %scan3A_241 : i32 to index
        %get3A_262 = arith.constant 16 : index
        %get3A_263 = tpu.vector_load %arg15[%get3A_261, %get3A_262] {strides = array<i32>} : memref<80x128xf32, #tpu.memory_space<vmem>>, vector<1x16xf32>,
        %get3A_264 = vector.shape_cast %get3A_263 : vector<1x16xf32> to vector<16xf32>
        %get3A_265 = arith.index_cast %scan3A_241 : i32 to index
        %get3A_266 = arith.constant 16 : index
        %get3A_267 = tpu.vector_load %arg20[%get3A_265, %get3A_266] {strides = array<i32>} : memref<80x128xf32, #tpu.memory_space<vmem>>, vector<1x16xf32>,
        %get3A_268 = vector.shape_cast %get3A_267 : vector<1x16xf32> to vector<16xf32>
        %add3A_269 = arith.addf %get3A_264, %get3A_268 : vector<16xf32>
        %get3A_270 = arith.index_cast %scan3A_241 : i32 to index
        %get3A_271 = arith.constant 16 : index
        %get3A_272 = tpu.vector_load %arg18[%get3A_270, %get3A_271] {strides = array<i32>} : memref<80x128xf32, #tpu.memory_space<vmem>>, vector<1x16xf32>,
        %get3A_273 = vector.shape_cast %get3A_272 : vector<1x16xf32> to vector<16xf32>
        %sub3A_274 = arith.subf %add3A_269, %get3A_273 : vector<16xf32>
        %max3A_275 = arith.constant 0.000000e+00 : f32
        %max3A_276 = vector.broadcast %max3A_275 : f32 to vector<16xf32>
        %max3A_277 = arith.maximumf %sub3A_274, %max3A_276 : vector<16xf32>
        %swap3A_278 = arith.index_cast %scan3A_241 : i32 to index
        %swap3A_279 = arith.constant 16 : index
        %swap3A_280 = tpu.vector_load %arg15[%swap3A_278, %swap3A_279] {strides = array<i32>} : memref<80x128xf32, #tpu.memory_space<vmem>>, vector<1x16xf32>,
        %swap3A_281 = vector.shape_cast %swap3A_280 : vector<1x16xf32> to vector<16xf32>
        %swap3A_282 = vector.shape_cast %max3A_277 : vector<16xf32> to vector<1x16xf32>
        tpu.vector_store %arg15[%swap3A_278, %swap3A_279], %swap3A_282 {strides = array<i32>} : memref<80x128xf32, #tpu.memory_space<vmem>>, vector<1x16xf32>,
        %get3A_283 = arith.index_cast %scan3A_241 : i32 to index
        %get3A_284 = arith.constant 32 : index
        %get3A_285 = tpu.vector_load %arg15[%get3A_283, %get3A_284] {strides = array<i32>} : memref<80x128xf32, #tpu.memory_space<vmem>>, vector<1x16xf32>,
        %get3A_286 = vector.shape_cast %get3A_285 : vector<1x16xf32> to vector<16xf32>
        %get3A_287 = arith.index_cast %scan3A_241 : i32 to index
        %get3A_288 = arith.constant 32 : index
        %get3A_289 = tpu.vector_load %arg20[%get3A_287, %get3A_288] {strides = array<i32>} : memref<80x128xf32, #tpu.memory_space<vmem>>, vector<1x16xf32>,
        %get3A_290 = vector.shape_cast %get3A_289 : vector<1x16xf32> to vector<16xf32>
        %add3A_291 = arith.addf %get3A_286, %get3A_290 : vector<16xf32>
        %get3A_292 = arith.index_cast %scan3A_241 : i32 to index
        %get3A_293 = arith.constant 32 : index
        %get3A_294 = tpu.vector_load %arg18[%get3A_292, %get3A_293] {strides = array<i32>} : memref<80x128xf32, #tpu.memory_space<vmem>>, vector<1x16xf32>,
        %get3A_295 = vector.shape_cast %get3A_294 : vector<1x16xf32> to vector<16xf32>
        %sub3A_296 = arith.subf %add3A_291, %get3A_295 : vector<16xf32>
        %max3A_297 = arith.constant 0.000000e+00 : f32
        %max3A_298 = vector.broadcast %max3A_297 : f32 to vector<16xf32>
        %max3A_299 = arith.maximumf %sub3A_296, %max3A_298 : vector<16xf32>
        %swap3A_300 = arith.index_cast %scan3A_241 : i32 to index
        %swap3A_301 = arith.constant 32 : index
        %swap3A_302 = tpu.vector_load %arg15[%swap3A_300, %swap3A_301] {strides = array<i32>} : memref<80x128xf32, #tpu.memory_space<vmem>>, vector<1x16xf32>,
        %swap3A_303 = vector.shape_cast %swap3A_302 : vector<1x16xf32> to vector<16xf32>
        %swap3A_304 = vector.shape_cast %max3A_299 : vector<16xf32> to vector<1x16xf32>
        tpu.vector_store %arg15[%swap3A_300, %swap3A_301], %swap3A_304 {strides = array<i32>} : memref<80x128xf32, #tpu.memory_space<vmem>>, vector<1x16xf32>,
        %get3A_305 = arith.index_cast %scan3A_241 : i32 to index
        %get3A_306 = arith.constant 48 : index
        %get3A_307 = tpu.vector_load %arg15[%get3A_305, %get3A_306] {strides = array<i32>} : memref<80x128xf32, #tpu.memory_space<vmem>>, vector<1x16xf32>,
        %get3A_308 = vector.shape_cast %get3A_307 : vector<1x16xf32> to vector<16xf32>
        %get3A_309 = arith.index_cast %scan3A_241 : i32 to index
        %get3A_310 = arith.constant 48 : index
        %get3A_311 = tpu.vector_load %arg20[%get3A_309, %get3A_310] {strides = array<i32>} : memref<80x128xf32, #tpu.memory_space<vmem>>, vector<1x16xf32>,
        %get3A_312 = vector.shape_cast %get3A_311 : vector<1x16xf32> to vector<16xf32>
        %add3A_313 = arith.addf %get3A_308, %get3A_312 : vector<16xf32>
        %get3A_314 = arith.index_cast %scan3A_241 : i32 to index
        %get3A_315 = arith.constant 48 : index
        %get3A_316 = tpu.vector_load %arg18[%get3A_314, %get3A_315] {strides = array<i32>} : memref<80x128xf32, #tpu.memory_space<vmem>>, vector<1x16xf32>,
        %get3A_317 = vector.shape_cast %get3A_316 : vector<1x16xf32> to vector<16xf32>
        %sub3A_318 = arith.subf %add3A_313, %get3A_317 : vector<16xf32>
        %max3A_319 = arith.constant 0.000000e+00 : f32
        %max3A_320 = vector.broadcast %max3A_319 : f32 to vector<16xf32>
        %max3A_321 = arith.maximumf %sub3A_318, %max3A_320 : vector<16xf32>
        %swap3A_322 = arith.index_cast %scan3A_241 : i32 to index
        %swap3A_323 = arith.constant 48 : index
        %swap3A_324 = tpu.vector_load %arg15[%swap3A_322, %swap3A_323] {strides = array<i32>} : memref<80x128xf32, #tpu.memory_space<vmem>>, vector<1x16xf32>,
        %swap3A_325 = vector.shape_cast %swap3A_324 : vector<1x16xf32> to vector<16xf32>
        %swap3A_326 = vector.shape_cast %max3A_321 : vector<16xf32> to vector<1x16xf32>
        tpu.vector_store %arg15[%swap3A_322, %swap3A_323], %swap3A_326 {strides = array<i32>} : memref<80x128xf32, #tpu.memory_space<vmem>>, vector<1x16xf32>,
        %scan3A_327 = arith.constant 0 : i32
        scf.yield %scan3A_327 : i32
      }
      %scan3A_203 = arith.constant 80 : i32
      %dma_wait3A_204 = arith.constant 0 : i32
      %dma_wait3A_205 = tpu.memref_slice %arg13[%dma_wait3A_204] : memref<10000xi32, #tpu.memory_space<vmem>> -> memref<80xi32, #tpu.memory_space<vmem>>
      %dma_wait3A_206 = arith.constant 0 : i32
      %dma_wait3A_207 = arith.constant 0 : i32
      %dma_wait3A_208 = tpu.memref_slice %arg3[%dma_wait3A_206, %dma_wait3A_207] : memref<320000x128xf32, #tpu.memory_space<hbm>> -> memref<320000x128xf32, #tpu.memory_space<hbm>>
      tpu.wait_indirect_dma semaphore(%arg27 : memref<!tpu.dma_semaphore, #tpu.memory_space<semaphore_mem>>) src(%dma_wait3A_208 : memref<320000x128xf32, #tpu.memory_space<hbm>>) dst(%arg19 : memref<80x128xf32, #tpu.memory_space<vmem>>)
      %dma_wait3A_209 = arith.constant 0 : i32
      %dma_wait3A_210 = tpu.memref_slice %arg11[%dma_wait3A_209] : memref<10000xi32, #tpu.memory_space<vmem>> -> memref<80xi32, #tpu.memory_space<vmem>>
      %dma_wait3A_211 = arith.constant 0 : i32
      %dma_wait3A_212 = arith.constant 0 : i32
      %dma_wait3A_213 = tpu.memref_slice %arg4[%dma_wait3A_211, %dma_wait3A_212] : memref<10000x128xf32, #tpu.memory_space<hbm>> -> memref<10000x128xf32, #tpu.memory_space<hbm>>
      tpu.wait_indirect_dma semaphore(%arg29 : memref<!tpu.dma_semaphore, #tpu.memory_space<semaphore_mem>>) src(%dma_wait3A_213 : memref<10000x128xf32, #tpu.memory_space<hbm>>) dst(%arg21 : memref<80x128xf32, #tpu.memory_space<vmem>>)
      %min3A_214 = arith.constant 124 : i32
      %min3A_215 = arith.minsi %add3A_75, %min3A_214 : i32
      %mul3A_216 = arith.constant 80 : i32
      %mul3A_217 = arith.muli %min3A_215, %mul3A_216 : i32
      %dma_start3A_218 = tpu.memref_slice %arg13[%mul3A_217] : memref<10000xi32, #tpu.memory_space<vmem>> -> memref<80xi32, #tpu.memory_space<vmem>>
      %dma_start3A_219 = arith.constant 0 : i32
      %dma_start3A_220 = arith.constant 0 : i32
      %dma_start3A_221 = tpu.memref_slice %arg3[%dma_start3A_219, %dma_start3A_220] : memref<320000x128xf32, #tpu.memory_space<hbm>> -> memref<320000x128xf32, #tpu.memory_space<hbm>>
      tpu.enqueue_indirect_dma source(%dma_start3A_221 : memref<320000x128xf32, #tpu.memory_space<hbm>>) target(%arg17 : memref<80x128xf32, #tpu.memory_space<vmem>>) offsets(%dma_start3A_218 : memref<80xi32, #tpu.memory_space<vmem>>) semaphore(%arg25 : memref<!tpu.dma_semaphore, #tpu.memory_space<semaphore_mem>>)
      %min3A_222 = arith.constant 124 : i32
      %min3A_223 = arith.minsi %add3A_75, %min3A_222 : i32
      %mul3A_224 = arith.constant 80 : i32
      %mul3A_225 = arith.muli %min3A_223, %mul3A_224 : i32
      %dma_start3A_226 = tpu.memref_slice %arg10[%mul3A_225] : memref<10000xi32, #tpu.memory_space<vmem>> -> memref<80xi32, #tpu.memory_space<vmem>>
      %dma_start3A_227 = arith.constant 0 : i32
      %dma_start3A_228 = arith.constant 0 : i32
      %dma_start3A_229 = tpu.memref_slice %arg4[%dma_start3A_227, %dma_start3A_228] : memref<10000x128xf32, #tpu.memory_space<hbm>> -> memref<10000x128xf32, #tpu.memory_space<hbm>>
      tpu.enqueue_indirect_dma source(%dma_start3A_229 : memref<10000x128xf32, #tpu.memory_space<hbm>>) target(%arg20 : memref<80x128xf32, #tpu.memory_space<vmem>>) offsets(%dma_start3A_226 : memref<80xi32, #tpu.memory_space<vmem>>) semaphore(%arg28 : memref<!tpu.dma_semaphore, #tpu.memory_space<semaphore_mem>>)
      %scan3A_230 = arith.constant 0 : i32
      %scan3A_231 = arith.constant 0 : i32
      %scan3A_232 = arith.constant 80 : i32
      %scan3A_233 = arith.addi %scan3A_231, %scan3A_232 : i32
      %scan3A_234 = arith.constant 1 : i32
      %scan3A_235 = scf.for %scan3A_241 = %scan3A_231 to %scan3A_233 step %scan3A_234 iter_args(%scan3A_242 = %scan3A_230) -> (i32)  : i32 {
        %get3A = arith.index_cast %scan3A_241 : i32 to index
        %get3A_243 = arith.constant 64 : index
        %get3A_244 = tpu.vector_load %arg15[%get3A, %get3A_243] {strides = array<i32>} : memref<80x128xf32, #tpu.memory_space<vmem>>, vector<1x16xf32>,
        %get3A_245 = vector.shape_cast %get3A_244 : vector<1x16xf32> to vector<16xf32>
        %get3A_246 = arith.index_cast %scan3A_241 : i32 to index
        %get3A_247 = arith.constant 64 : index
        %get3A_248 = tpu.vector_load %arg21[%get3A_246, %get3A_247] {strides = array<i32>} : memref<80x128xf32, #tpu.memory_space<vmem>>, vector<1x16xf32>,
        %get3A_249 = vector.shape_cast %get3A_248 : vector<1x16xf32> to vector<16xf32>
        %add3A_250 = arith.addf %get3A_245, %get3A_249 : vector<16xf32>
        %get3A_251 = arith.index_cast %scan3A_241 : i32 to index
        %get3A_252 = arith.constant 64 : index
        %get3A_253 = tpu.vector_load %arg19[%get3A_251, %get3A_252] {strides = array<i32>} : memref<80x128xf32, #tpu.memory_space<vmem>>, vector<1x16xf32>,
        %get3A_254 = vector.shape_cast %get3A_253 : vector<1x16xf32> to vector<16xf32>
        %sub3A = arith.subf %add3A_250, %get3A_254 : vector<16xf32>
        %max3A = arith.constant 0.000000e+00 : f32
        %max3A_255 = vector.broadcast %max3A : f32 to vector<16xf32>
        %max3A_256 = arith.maximumf %sub3A, %max3A_255 : vector<16xf32>
        %swap3A = arith.index_cast %scan3A_241 : i32 to index
        %swap3A_257 = arith.constant 64 : index
        %swap3A_258 = tpu.vector_load %arg15[%swap3A, %swap3A_257] {strides = array<i32>} : memref<80x128xf32, #tpu.memory_space<vmem>>, vector<1x16xf32>,
        %swap3A_259 = vector.shape_cast %swap3A_258 : vector<1x16xf32> to vector<16xf32>
        %swap3A_260 = vector.shape_cast %max3A_256 : vector<16xf32> to vector<1x16xf32>
        tpu.vector_store %arg15[%swap3A, %swap3A_257], %swap3A_260 {strides = array<i32>} : memref<80x128xf32, #tpu.memory_space<vmem>>, vector<1x16xf32>,
        %get3A_261 = arith.index_cast %scan3A_241 : i32 to index
        %get3A_262 = arith.constant 80 : index
        %get3A_263 = tpu.vector_load %arg15[%get3A_261, %get3A_262] {strides = array<i32>} : memref<80x128xf32, #tpu.memory_space<vmem>>, vector<1x16xf32>,
        %get3A_264 = vector.shape_cast %get3A_263 : vector<1x16xf32> to vector<16xf32>
        %get3A_265 = arith.index_cast %scan3A_241 : i32 to index
        %get3A_266 = arith.constant 80 : index
        %get3A_267 = tpu.vector_load %arg21[%get3A_265, %get3A_266] {strides = array<i32>} : memref<80x128xf32, #tpu.memory_space<vmem>>, vector<1x16xf32>,
        %get3A_268 = vector.shape_cast %get3A_267 : vector<1x16xf32> to vector<16xf32>
        %add3A_269 = arith.addf %get3A_264, %get3A_268 : vector<16xf32>
        %get3A_270 = arith.index_cast %scan3A_241 : i32 to index
        %get3A_271 = arith.constant 80 : index
        %get3A_272 = tpu.vector_load %arg19[%get3A_270, %get3A_271] {strides = array<i32>} : memref<80x128xf32, #tpu.memory_space<vmem>>, vector<1x16xf32>,
        %get3A_273 = vector.shape_cast %get3A_272 : vector<1x16xf32> to vector<16xf32>
        %sub3A_274 = arith.subf %add3A_269, %get3A_273 : vector<16xf32>
        %max3A_275 = arith.constant 0.000000e+00 : f32
        %max3A_276 = vector.broadcast %max3A_275 : f32 to vector<16xf32>
        %max3A_277 = arith.maximumf %sub3A_274, %max3A_276 : vector<16xf32>
        %swap3A_278 = arith.index_cast %scan3A_241 : i32 to index
        %swap3A_279 = arith.constant 80 : index
        %swap3A_280 = tpu.vector_load %arg15[%swap3A_278, %swap3A_279] {strides = array<i32>} : memref<80x128xf32, #tpu.memory_space<vmem>>, vector<1x16xf32>,
        %swap3A_281 = vector.shape_cast %swap3A_280 : vector<1x16xf32> to vector<16xf32>
        %swap3A_282 = vector.shape_cast %max3A_277 : vector<16xf32> to vector<1x16xf32>
        tpu.vector_store %arg15[%swap3A_278, %swap3A_279], %swap3A_282 {strides = array<i32>} : memref<80x128xf32, #tpu.memory_space<vmem>>, vector<1x16xf32>,
        %get3A_283 = arith.index_cast %scan3A_241 : i32 to index
        %get3A_284 = arith.constant 96 : index
        %get3A_285 = tpu.vector_load %arg15[%get3A_283, %get3A_284] {strides = array<i32>} : memref<80x128xf32, #tpu.memory_space<vmem>>, vector<1x16xf32>,
        %get3A_286 = vector.shape_cast %get3A_285 : vector<1x16xf32> to vector<16xf32>
        %get3A_287 = arith.index_cast %scan3A_241 : i32 to index
        %get3A_288 = arith.constant 96 : index
        %get3A_289 = tpu.vector_load %arg21[%get3A_287, %get3A_288] {strides = array<i32>} : memref<80x128xf32, #tpu.memory_space<vmem>>, vector<1x16xf32>,
        %get3A_290 = vector.shape_cast %get3A_289 : vector<1x16xf32> to vector<16xf32>
        %add3A_291 = arith.addf %get3A_286, %get3A_290 : vector<16xf32>
        %get3A_292 = arith.index_cast %scan3A_241 : i32 to index
        %get3A_293 = arith.constant 96 : index
        %get3A_294 = tpu.vector_load %arg19[%get3A_292, %get3A_293] {strides = array<i32>} : memref<80x128xf32, #tpu.memory_space<vmem>>, vector<1x16xf32>,
        %get3A_295 = vector.shape_cast %get3A_294 : vector<1x16xf32> to vector<16xf32>
        %sub3A_296 = arith.subf %add3A_291, %get3A_295 : vector<16xf32>
        %max3A_297 = arith.constant 0.000000e+00 : f32
        %max3A_298 = vector.broadcast %max3A_297 : f32 to vector<16xf32>
        %max3A_299 = arith.maximumf %sub3A_296, %max3A_298 : vector<16xf32>
        %swap3A_300 = arith.index_cast %scan3A_241 : i32 to index
        %swap3A_301 = arith.constant 96 : index
        %swap3A_302 = tpu.vector_load %arg15[%swap3A_300, %swap3A_301] {strides = array<i32>} : memref<80x128xf32, #tpu.memory_space<vmem>>, vector<1x16xf32>,
        %swap3A_303 = vector.shape_cast %swap3A_302 : vector<1x16xf32> to vector<16xf32>
        %swap3A_304 = vector.shape_cast %max3A_299 : vector<16xf32> to vector<1x16xf32>
        tpu.vector_store %arg15[%swap3A_300, %swap3A_301], %swap3A_304 {strides = array<i32>} : memref<80x128xf32, #tpu.memory_space<vmem>>, vector<1x16xf32>,
        %get3A_305 = arith.index_cast %scan3A_241 : i32 to index
        %get3A_306 = arith.constant 112 : index
        %get3A_307 = tpu.vector_load %arg15[%get3A_305, %get3A_306] {strides = array<i32>} : memref<80x128xf32, #tpu.memory_space<vmem>>, vector<1x16xf32>,
        %get3A_308 = vector.shape_cast %get3A_307 : vector<1x16xf32> to vector<16xf32>
        %get3A_309 = arith.index_cast %scan3A_241 : i32 to index
        %get3A_310 = arith.constant 112 : index
        %get3A_311 = tpu.vector_load %arg21[%get3A_309, %get3A_310] {strides = array<i32>} : memref<80x128xf32, #tpu.memory_space<vmem>>, vector<1x16xf32>,
        %get3A_312 = vector.shape_cast %get3A_311 : vector<1x16xf32> to vector<16xf32>
        %add3A_313 = arith.addf %get3A_308, %get3A_312 : vector<16xf32>
        %get3A_314 = arith.index_cast %scan3A_241 : i32 to index
        %get3A_315 = arith.constant 112 : index
        %get3A_316 = tpu.vector_load %arg19[%get3A_314, %get3A_315] {strides = array<i32>} : memref<80x128xf32, #tpu.memory_space<vmem>>, vector<1x16xf32>,
        %get3A_317 = vector.shape_cast %get3A_316 : vector<1x16xf32> to vector<16xf32>
        %sub3A_318 = arith.subf %add3A_313, %get3A_317 : vector<16xf32>
        %max3A_319 = arith.constant 0.000000e+00 : f32
        %max3A_320 = vector.broadcast %max3A_319 : f32 to vector<16xf32>
        %max3A_321 = arith.maximumf %sub3A_318, %max3A_320 : vector<16xf32>
        %swap3A_322 = arith.index_cast %scan3A_241 : i32 to index
        %swap3A_323 = arith.constant 112 : index
        %swap3A_324 = tpu.vector_load %arg15[%swap3A_322, %swap3A_323] {strides = array<i32>} : memref<80x128xf32, #tpu.memory_space<vmem>>, vector<1x16xf32>,
        %swap3A_325 = vector.shape_cast %swap3A_324 : vector<1x16xf32> to vector<16xf32>
        %swap3A_326 = vector.shape_cast %max3A_321 : vector<16xf32> to vector<1x16xf32>
        tpu.vector_store %arg15[%swap3A_322, %swap3A_323], %swap3A_326 {strides = array<i32>} : memref<80x128xf32, #tpu.memory_space<vmem>>, vector<1x16xf32>,
        %scan3A_327 = arith.constant 0 : i32
        scf.yield %scan3A_327 : i32
      }
      %scan3A_236 = arith.constant 80 : i32
      %mul3A_237 = arith.constant 80 : i32
      %mul3A_238 = arith.muli %min3A_71, %mul3A_237 : i32
      %add3A_239 = arith.addi %mul3A_2, %mul3A_238 : i32
      "tpu.region"() ({
        %run_scoped3A = tpu.sem_alloc : memref<!tpu.dma_semaphore, #tpu.memory_space<semaphore_mem>>
        %dma_start3A_241 = arith.constant 0 : i32
        %dma_start3A_242 = tpu.memref_slice %arg9[%add3A_239, %dma_start3A_241] : memref<320000x128xf32, #tpu.memory_space<hbm>> -> memref<80x128xf32, #tpu.memory_space<hbm>>
        %dma_start3A_243 = arith.constant 0 : i32
        %dma_start3A_244 = tpu.memref_slice %arg9[%add3A_239, %dma_start3A_243] : memref<320000x128xf32, #tpu.memory_space<hbm>> -> memref<80x128xf32, #tpu.memory_space<hbm>>
        tpu.enqueue_dma source(%arg15 : memref<80x128xf32, #tpu.memory_space<vmem>>) target(%dma_start3A_244 : memref<80x128xf32, #tpu.memory_space<hbm>>) target_semaphore(%run_scoped3A : memref<!tpu.dma_semaphore, #tpu.memory_space<semaphore_mem>>)
        %dma_wait3A_245 = arith.constant 0 : i32
        %dma_wait3A_246 = tpu.memref_slice %arg9[%add3A_239, %dma_wait3A_245] : memref<320000x128xf32, #tpu.memory_space<hbm>> -> memref<80x128xf32, #tpu.memory_space<hbm>>
        %dma_wait3A_247 = arith.constant 0 : i32
        %dma_wait3A_248 = tpu.memref_slice %arg9[%add3A_239, %dma_wait3A_247] : memref<320000x128xf32, #tpu.memory_space<hbm>> -> memref<80x128xf32, #tpu.memory_space<hbm>>
        tpu.wait_dma2 semaphore(%run_scoped3A : memref<!tpu.dma_semaphore, #tpu.memory_space<semaphore_mem>>) src(%arg15 : memref<80x128xf32, #tpu.memory_space<vmem>>) dst(%dma_wait3A_248 : memref<80x128xf32, #tpu.memory_space<hbm>>)
        tpu.yield
      }) : () -> ()
      %scan3A_240 = arith.constant 0 : i32
      scf.yield %scan3A_240 : i32
    }
    %scan3A_43 = arith.constant 63 : i32
    %dma_wait3A = arith.constant 0 : i32
    %dma_wait3A_44 = tpu.memref_slice %arg2[%mul3A_2, %dma_wait3A] : memref<320000x128xf32, #tpu.memory_space<hbm>> -> memref<80x128xf32, #tpu.memory_space<hbm>>
    %dma_wait3A_45 = arith.constant 0 : i32
    %dma_wait3A_46 = tpu.memref_slice %arg2[%mul3A_2, %dma_wait3A_45] : memref<320000x128xf32, #tpu.memory_space<hbm>> -> memref<80x128xf32, #tpu.memory_space<hbm>>
    tpu.wait_dma2 semaphore(%arg22 : memref<!tpu.dma_semaphore, #tpu.memory_space<semaphore_mem>>) src(%dma_wait3A_46 : memref<80x128xf32, #tpu.memory_space<hbm>>) dst(%arg14 : memref<80x128xf32, #tpu.memory_space<vmem>>)
    %dma_wait3A_47 = arith.constant 0 : i32
    %dma_wait3A_48 = tpu.memref_slice %arg12[%dma_wait3A_47] : memref<10000xi32, #tpu.memory_space<vmem>> -> memref<80xi32, #tpu.memory_space<vmem>>
    %dma_wait3A_49 = arith.constant 0 : i32
    %dma_wait3A_50 = arith.constant 0 : i32
    %dma_wait3A_51 = tpu.memref_slice %arg3[%dma_wait3A_49, %dma_wait3A_50] : memref<320000x128xf32, #tpu.memory_space<hbm>> -> memref<320000x128xf32, #tpu.memory_space<hbm>>
    tpu.wait_indirect_dma semaphore(%arg24 : memref<!tpu.dma_semaphore, #tpu.memory_space<semaphore_mem>>) src(%dma_wait3A_51 : memref<320000x128xf32, #tpu.memory_space<hbm>>) dst(%arg16 : memref<80x128xf32, #tpu.memory_space<vmem>>)
    %dma_wait3A_52 = arith.constant 0 : i32
    %dma_wait3A_53 = tpu.memref_slice %arg13[%dma_wait3A_52] : memref<10000xi32, #tpu.memory_space<vmem>> -> memref<80xi32, #tpu.memory_space<vmem>>
    %dma_wait3A_54 = arith.constant 0 : i32
    %dma_wait3A_55 = arith.constant 0 : i32
    %dma_wait3A_56 = tpu.memref_slice %arg3[%dma_wait3A_54, %dma_wait3A_55] : memref<320000x128xf32, #tpu.memory_space<hbm>> -> memref<320000x128xf32, #tpu.memory_space<hbm>>
    tpu.wait_indirect_dma semaphore(%arg25 : memref<!tpu.dma_semaphore, #tpu.memory_space<semaphore_mem>>) src(%dma_wait3A_56 : memref<320000x128xf32, #tpu.memory_space<hbm>>) dst(%arg17 : memref<80x128xf32, #tpu.memory_space<vmem>>)
    %dma_wait3A_57 = arith.constant 0 : i32
    %dma_wait3A_58 = tpu.memref_slice %arg10[%dma_wait3A_57] : memref<10000xi32, #tpu.memory_space<vmem>> -> memref<80xi32, #tpu.memory_space<vmem>>
    %dma_wait3A_59 = arith.constant 0 : i32
    %dma_wait3A_60 = arith.constant 0 : i32
    %dma_wait3A_61 = tpu.memref_slice %arg4[%dma_wait3A_59, %dma_wait3A_60] : memref<10000x128xf32, #tpu.memory_space<hbm>> -> memref<10000x128xf32, #tpu.memory_space<hbm>>
    tpu.wait_indirect_dma semaphore(%arg28 : memref<!tpu.dma_semaphore, #tpu.memory_space<semaphore_mem>>) src(%dma_wait3A_61 : memref<10000x128xf32, #tpu.memory_space<hbm>>) dst(%arg20 : memref<80x128xf32, #tpu.memory_space<vmem>>)
    return
  }
}

#map = affine_map<(d0, d1) -> (0, 0)>
#map1 = affine_map<(d0, d1) -> (0)>
module attributes {stable_mosaic.version = 14 : i64} {
  func.func @k(%arg0: i32, %arg1: i32, %arg2: memref<320000x128xf32, #tpu.memory_space<hbm>>, %arg3: memref<320000xi32, #tpu.memory_space<hbm>>, %arg4: memref<320000xi32, #tpu.memory_space<hbm>>, %arg5: memref<10000x128xf32, #tpu.memory_space<hbm>>, %arg6: memref<10240xi32, #tpu.memory_space<vmem>>, %arg7: memref<10240xi32, #tpu.memory_space<vmem>>, %arg8: memref<256x128xf32, #tpu.memory_space<vmem>>, %arg9: memref<256x128xf32, #tpu.memory_space<vmem>>, %arg10: memref<8x128xf32, #tpu.memory_space<vmem>>, %arg11: memref<!tpu.dma_semaphore, #tpu.memory_space<semaphore_mem>>, %arg12: memref<!tpu.dma_semaphore, #tpu.memory_space<semaphore_mem>>) attributes {dimension_semantics = [#tpu.dimension_semantics<core_parallel>, #tpu.dimension_semantics<subcore_parallel>], iteration_bounds = array<i64: 2, 16>, scalar_prefetch = 0 : i64, scratch_operands = 7 : i64, tpu.core_type = #tpu.core_type<sc_vector_subcore>, window_params = [{transform_indices = #map}, {transform_indices = #map1}, {transform_indices = #map1}, {transform_indices = #map}]} {
    %mul3A = arith.constant 2 : i32
    %mul3A_0 = arith.muli %arg1, %mul3A : i32
    %add3A = arith.addi %mul3A_0, %arg0 : i32
    %mul3A_1 = arith.constant 320 : i32
    %mul3A_2 = arith.muli %add3A, %mul3A_1 : i32
    %min3A = arith.constant 9680 : i32
    %min3A_3 = arith.minsi %mul3A_2, %min3A : i32
    %mul3A_4 = arith.constant 32 : i32
    %mul3A_5 = arith.muli %min3A_3, %mul3A_4 : i32
    "tpu.region"() ({
      %run_scoped3A = tpu.sem_alloc : memref<!tpu.dma_semaphore, #tpu.memory_space<semaphore_mem>>
      %dma_start3A_27 = tpu.memref_slice %arg3[%mul3A_5] : memref<320000xi32, #tpu.memory_space<hbm>> -> memref<10240xi32, #tpu.memory_space<hbm>>
      %dma_start3A_28 = tpu.memref_slice %arg3[%mul3A_5] : memref<320000xi32, #tpu.memory_space<hbm>> -> memref<10240xi32, #tpu.memory_space<hbm>>
      tpu.enqueue_dma source(%dma_start3A_28 : memref<10240xi32, #tpu.memory_space<hbm>>) target(%arg6 : memref<10240xi32, #tpu.memory_space<vmem>>) target_semaphore(%run_scoped3A : memref<!tpu.dma_semaphore, #tpu.memory_space<semaphore_mem>>)
      %dma_wait3A_29 = tpu.memref_slice %arg3[%mul3A_5] : memref<320000xi32, #tpu.memory_space<hbm>> -> memref<10240xi32, #tpu.memory_space<hbm>>
      %dma_wait3A_30 = tpu.memref_slice %arg3[%mul3A_5] : memref<320000xi32, #tpu.memory_space<hbm>> -> memref<10240xi32, #tpu.memory_space<hbm>>
      tpu.wait_dma2 semaphore(%run_scoped3A : memref<!tpu.dma_semaphore, #tpu.memory_space<semaphore_mem>>) src(%dma_wait3A_30 : memref<10240xi32, #tpu.memory_space<hbm>>) dst(%arg6 : memref<10240xi32, #tpu.memory_space<vmem>>)
      tpu.yield
    }) : () -> ()
    %mul3A_6 = arith.constant 32 : i32
    %mul3A_7 = arith.muli %min3A_3, %mul3A_6 : i32
    "tpu.region"() ({
      %run_scoped3A = tpu.sem_alloc : memref<!tpu.dma_semaphore, #tpu.memory_space<semaphore_mem>>
      %dma_start3A_27 = tpu.memref_slice %arg4[%mul3A_7] : memref<320000xi32, #tpu.memory_space<hbm>> -> memref<10240xi32, #tpu.memory_space<hbm>>
      %dma_start3A_28 = tpu.memref_slice %arg4[%mul3A_7] : memref<320000xi32, #tpu.memory_space<hbm>> -> memref<10240xi32, #tpu.memory_space<hbm>>
      tpu.enqueue_dma source(%dma_start3A_28 : memref<10240xi32, #tpu.memory_space<hbm>>) target(%arg7 : memref<10240xi32, #tpu.memory_space<vmem>>) target_semaphore(%run_scoped3A : memref<!tpu.dma_semaphore, #tpu.memory_space<semaphore_mem>>)
      %dma_wait3A_29 = tpu.memref_slice %arg4[%mul3A_7] : memref<320000xi32, #tpu.memory_space<hbm>> -> memref<10240xi32, #tpu.memory_space<hbm>>
      %dma_wait3A_30 = tpu.memref_slice %arg4[%mul3A_7] : memref<320000xi32, #tpu.memory_space<hbm>> -> memref<10240xi32, #tpu.memory_space<hbm>>
      tpu.wait_dma2 semaphore(%run_scoped3A : memref<!tpu.dma_semaphore, #tpu.memory_space<semaphore_mem>>) src(%dma_wait3A_30 : memref<10240xi32, #tpu.memory_space<hbm>>) dst(%arg7 : memref<10240xi32, #tpu.memory_space<vmem>>)
      tpu.yield
    }) : () -> ()
    %add3A_8 = arith.constant 0 : i32
    %add3A_9 = arith.addi %mul3A_2, %add3A_8 : i32
    %min3A_10 = arith.constant 9992 : i32
    %min3A_11 = arith.minsi %add3A_9, %min3A_10 : i32
    %sub3A = arith.subi %min3A_11, %min3A_3 : i32
    %mul3A_12 = arith.constant 32 : i32
    %mul3A_13 = arith.muli %sub3A, %mul3A_12 : i32
    %dma_start3A = tpu.memref_slice %arg6[%mul3A_13] : memref<10240xi32, #tpu.memory_space<vmem>> -> memref<256xi32, #tpu.memory_space<vmem>>
    %dma_start3A_14 = arith.constant 0 : i32
    %dma_start3A_15 = arith.constant 0 : i32
    %dma_start3A_16 = tpu.memref_slice %arg2[%dma_start3A_14, %dma_start3A_15] : memref<320000x128xf32, #tpu.memory_space<hbm>> -> memref<320000x128xf32, #tpu.memory_space<hbm>>
    tpu.enqueue_indirect_dma source(%dma_start3A_16 : memref<320000x128xf32, #tpu.memory_space<hbm>>) target(%arg8 : memref<256x128xf32, #tpu.memory_space<vmem>>) offsets(%dma_start3A : memref<256xi32, #tpu.memory_space<vmem>>) semaphore(%arg11 : memref<!tpu.dma_semaphore, #tpu.memory_space<semaphore_mem>>)
    %scan3A = arith.constant 0 : i32
    %scan3A_17 = arith.constant 0 : i32
    %scan3A_18 = arith.constant 40 : i32
    %scan3A_19 = arith.addi %scan3A_17, %scan3A_18 : i32
    %scan3A_20 = arith.constant 1 : i32
    %scan3A_21 = scf.for %scan3A_27 = %scan3A_17 to %scan3A_19 step %scan3A_20 iter_args(%scan3A_28 = %scan3A) -> (i32)  : i32 {
      %dma_wait3A_29 = arith.constant 0 : i32
      %dma_wait3A_30 = tpu.memref_slice %arg6[%dma_wait3A_29] : memref<10240xi32, #tpu.memory_space<vmem>> -> memref<256xi32, #tpu.memory_space<vmem>>
      %dma_wait3A_31 = arith.constant 0 : i32
      %dma_wait3A_32 = arith.constant 0 : i32
      %dma_wait3A_33 = tpu.memref_slice %arg2[%dma_wait3A_31, %dma_wait3A_32] : memref<320000x128xf32, #tpu.memory_space<hbm>> -> memref<320000x128xf32, #tpu.memory_space<hbm>>
      tpu.wait_indirect_dma semaphore(%arg11 : memref<!tpu.dma_semaphore, #tpu.memory_space<semaphore_mem>>) src(%dma_wait3A_33 : memref<320000x128xf32, #tpu.memory_space<hbm>>) dst(%arg8 : memref<256x128xf32, #tpu.memory_space<vmem>>)
      %mul3A_34 = arith.constant 8 : i32
      %mul3A_35 = arith.muli %scan3A_27, %mul3A_34 : i32
      %add3A_36 = arith.addi %mul3A_2, %mul3A_35 : i32
      %min3A_37 = arith.constant 9992 : i32
      %min3A_38 = arith.minsi %add3A_36, %min3A_37 : i32
      %sub3A_39 = arith.subi %min3A_38, %min3A_3 : i32
      %mul3A_40 = arith.constant 32 : i32
      %mul3A_41 = arith.muli %sub3A_39, %mul3A_40 : i32
      %dma_start3A_42 = tpu.memref_slice %arg7[%mul3A_41] : memref<10240xi32, #tpu.memory_space<vmem>> -> memref<256xi32, #tpu.memory_space<vmem>>
      %dma_start3A_43 = arith.constant 0 : i32
      %dma_start3A_44 = arith.constant 0 : i32
      %dma_start3A_45 = tpu.memref_slice %arg2[%dma_start3A_43, %dma_start3A_44] : memref<320000x128xf32, #tpu.memory_space<hbm>> -> memref<320000x128xf32, #tpu.memory_space<hbm>>
      tpu.enqueue_indirect_dma source(%dma_start3A_45 : memref<320000x128xf32, #tpu.memory_space<hbm>>) target(%arg9 : memref<256x128xf32, #tpu.memory_space<vmem>>) offsets(%dma_start3A_42 : memref<256xi32, #tpu.memory_space<vmem>>) semaphore(%arg12 : memref<!tpu.dma_semaphore, #tpu.memory_space<semaphore_mem>>)
      %scan3A_46 = arith.constant 0 : i32
      %scan3A_47 = arith.constant 0 : i32
      %scan3A_48 = arith.constant 8 : i32
      %scan3A_49 = arith.addi %scan3A_47, %scan3A_48 : i32
      %scan3A_50 = arith.constant 1 : i32
      %scan3A_51 = scf.for %scan3A_86 = %scan3A_47 to %scan3A_49 step %scan3A_50 iter_args(%scan3A_87 = %scan3A_46) -> (i32)  : i32 {
        %broadcast_in_dim3A = arith.constant 0.000000e+00 : f32
        %broadcast_in_dim3A_88 = vector.broadcast %broadcast_in_dim3A : f32 to vector<16xf32>
        %broadcast_in_dim3A_89 = arith.constant 0.000000e+00 : f32
        %broadcast_in_dim3A_90 = vector.broadcast %broadcast_in_dim3A_89 : f32 to vector<16xf32>
        %broadcast_in_dim3A_91 = arith.constant 0.000000e+00 : f32
        %broadcast_in_dim3A_92 = vector.broadcast %broadcast_in_dim3A_91 : f32 to vector<16xf32>
        %broadcast_in_dim3A_93 = arith.constant 0.000000e+00 : f32
        %broadcast_in_dim3A_94 = vector.broadcast %broadcast_in_dim3A_93 : f32 to vector<16xf32>
        %scan3A_95 = arith.constant 0 : i32
        %scan3A_96 = arith.constant 32 : i32
        %scan3A_97 = arith.addi %scan3A_95, %scan3A_96 : i32
        %scan3A_98 = arith.constant 1 : i32
        %scan3A_99:4 = scf.for %scan3A_121 = %scan3A_95 to %scan3A_97 step %scan3A_98 iter_args(%scan3A_122 = %broadcast_in_dim3A_88, %scan3A_123 = %broadcast_in_dim3A_90, %scan3A_124 = %broadcast_in_dim3A_92, %scan3A_125 = %broadcast_in_dim3A_94) -> (vector<16xf32>, vector<16xf32>, vector<16xf32>, vector<16xf32>)  : i32 {
          %mul3A_126 = arith.constant 32 : i32
          %mul3A_127 = arith.muli %scan3A_86, %mul3A_126 : i32
          %add3A_128 = arith.addi %mul3A_127, %scan3A_121 : i32
          %get3A = arith.index_cast %add3A_128 : i32 to index
          %get3A_129 = arith.constant 0 : index
          %get3A_130 = tpu.vector_load %arg8[%get3A, %get3A_129] {strides = array<i32>} : memref<256x128xf32, #tpu.memory_space<vmem>>, vector<1x16xf32>,
          %get3A_131 = vector.shape_cast %get3A_130 : vector<1x16xf32> to vector<16xf32>
          %get3A_132 = arith.index_cast %add3A_128 : i32 to index
          %get3A_133 = arith.constant 16 : index
          %get3A_134 = tpu.vector_load %arg8[%get3A_132, %get3A_133] {strides = array<i32>} : memref<256x128xf32, #tpu.memory_space<vmem>>, vector<1x16xf32>,
          %get3A_135 = vector.shape_cast %get3A_134 : vector<1x16xf32> to vector<16xf32>
          %get3A_136 = arith.index_cast %add3A_128 : i32 to index
          %get3A_137 = arith.constant 32 : index
          %get3A_138 = tpu.vector_load %arg8[%get3A_136, %get3A_137] {strides = array<i32>} : memref<256x128xf32, #tpu.memory_space<vmem>>, vector<1x16xf32>,
          %get3A_139 = vector.shape_cast %get3A_138 : vector<1x16xf32> to vector<16xf32>
          %get3A_140 = arith.index_cast %add3A_128 : i32 to index
          %get3A_141 = arith.constant 48 : index
          %get3A_142 = tpu.vector_load %arg8[%get3A_140, %get3A_141] {strides = array<i32>} : memref<256x128xf32, #tpu.memory_space<vmem>>, vector<1x16xf32>,
          %get3A_143 = vector.shape_cast %get3A_142 : vector<1x16xf32> to vector<16xf32>
          %max3A = arith.constant 0.000000e+00 : f32
          %max3A_144 = vector.broadcast %max3A : f32 to vector<16xf32>
          %max3A_145 = arith.maximumf %get3A_131, %max3A_144 : vector<16xf32>
          %max3A_146 = arith.constant 0.000000e+00 : f32
          %max3A_147 = vector.broadcast %max3A_146 : f32 to vector<16xf32>
          %max3A_148 = arith.maximumf %get3A_135, %max3A_147 : vector<16xf32>
          %max3A_149 = arith.constant 0.000000e+00 : f32
          %max3A_150 = vector.broadcast %max3A_149 : f32 to vector<16xf32>
          %max3A_151 = arith.maximumf %get3A_139, %max3A_150 : vector<16xf32>
          %max3A_152 = arith.constant 0.000000e+00 : f32
          %max3A_153 = vector.broadcast %max3A_152 : f32 to vector<16xf32>
          %max3A_154 = arith.maximumf %get3A_143, %max3A_153 : vector<16xf32>
          %add3A_155 = arith.addf %scan3A_122, %max3A_145 : vector<16xf32>
          %add3A_156 = arith.addf %scan3A_123, %max3A_148 : vector<16xf32>
          %add3A_157 = arith.addf %scan3A_124, %max3A_151 : vector<16xf32>
          %add3A_158 = arith.addf %scan3A_125, %max3A_154 : vector<16xf32>
          scf.yield %add3A_155, %add3A_156, %add3A_157, %add3A_158 : vector<16xf32>, vector<16xf32>, vector<16xf32>, vector<16xf32>
        }
        %scan3A_100 = arith.constant 32 : i32
        %swap3A = arith.index_cast %scan3A_86 : i32 to index
        %swap3A_101 = arith.constant 0 : index
        %swap3A_102 = tpu.vector_load %arg10[%swap3A, %swap3A_101] {strides = array<i32>} : memref<8x128xf32, #tpu.memory_space<vmem>>, vector<1x16xf32>,
        %swap3A_103 = vector.shape_cast %swap3A_102 : vector<1x16xf32> to vector<16xf32>
        %swap3A_104 = vector.shape_cast %scan3A_99#0 : vector<16xf32> to vector<1x16xf32>
        tpu.vector_store %arg10[%swap3A, %swap3A_101], %swap3A_104 {strides = array<i32>} : memref<8x128xf32, #tpu.memory_space<vmem>>, vector<1x16xf32>,
        %swap3A_105 = arith.index_cast %scan3A_86 : i32 to index
        %swap3A_106 = arith.constant 16 : index
        %swap3A_107 = tpu.vector_load %arg10[%swap3A_105, %swap3A_106] {strides = array<i32>} : memref<8x128xf32, #tpu.memory_space<vmem>>, vector<1x16xf32>,
        %swap3A_108 = vector.shape_cast %swap3A_107 : vector<1x16xf32> to vector<16xf32>
        %swap3A_109 = vector.shape_cast %scan3A_99#1 : vector<16xf32> to vector<1x16xf32>
        tpu.vector_store %arg10[%swap3A_105, %swap3A_106], %swap3A_109 {strides = array<i32>} : memref<8x128xf32, #tpu.memory_space<vmem>>, vector<1x16xf32>,
        %swap3A_110 = arith.index_cast %scan3A_86 : i32 to index
        %swap3A_111 = arith.constant 32 : index
        %swap3A_112 = tpu.vector_load %arg10[%swap3A_110, %swap3A_111] {strides = array<i32>} : memref<8x128xf32, #tpu.memory_space<vmem>>, vector<1x16xf32>,
        %swap3A_113 = vector.shape_cast %swap3A_112 : vector<1x16xf32> to vector<16xf32>
        %swap3A_114 = vector.shape_cast %scan3A_99#2 : vector<16xf32> to vector<1x16xf32>
        tpu.vector_store %arg10[%swap3A_110, %swap3A_111], %swap3A_114 {strides = array<i32>} : memref<8x128xf32, #tpu.memory_space<vmem>>, vector<1x16xf32>,
        %swap3A_115 = arith.index_cast %scan3A_86 : i32 to index
        %swap3A_116 = arith.constant 48 : index
        %swap3A_117 = tpu.vector_load %arg10[%swap3A_115, %swap3A_116] {strides = array<i32>} : memref<8x128xf32, #tpu.memory_space<vmem>>, vector<1x16xf32>,
        %swap3A_118 = vector.shape_cast %swap3A_117 : vector<1x16xf32> to vector<16xf32>
        %swap3A_119 = vector.shape_cast %scan3A_99#3 : vector<16xf32> to vector<1x16xf32>
        tpu.vector_store %arg10[%swap3A_115, %swap3A_116], %swap3A_119 {strides = array<i32>} : memref<8x128xf32, #tpu.memory_space<vmem>>, vector<1x16xf32>,
        %scan3A_120 = arith.constant 0 : i32
        scf.yield %scan3A_120 : i32
      }
      %scan3A_52 = arith.constant 8 : i32
      %dma_wait3A_53 = arith.constant 0 : i32
      %dma_wait3A_54 = tpu.memref_slice %arg7[%dma_wait3A_53] : memref<10240xi32, #tpu.memory_space<vmem>> -> memref<256xi32, #tpu.memory_space<vmem>>
      %dma_wait3A_55 = arith.constant 0 : i32
      %dma_wait3A_56 = arith.constant 0 : i32
      %dma_wait3A_57 = tpu.memref_slice %arg2[%dma_wait3A_55, %dma_wait3A_56] : memref<320000x128xf32, #tpu.memory_space<hbm>> -> memref<320000x128xf32, #tpu.memory_space<hbm>>
      tpu.wait_indirect_dma semaphore(%arg12 : memref<!tpu.dma_semaphore, #tpu.memory_space<semaphore_mem>>) src(%dma_wait3A_57 : memref<320000x128xf32, #tpu.memory_space<hbm>>) dst(%arg9 : memref<256x128xf32, #tpu.memory_space<vmem>>)
      %add3A_58 = arith.constant 1 : i32
      %add3A_59 = arith.addi %scan3A_27, %add3A_58 : i32
      %rem3A = arith.constant 40 : i32
      %rem3A_60 = arith.remsi %add3A_59, %rem3A : i32
      %mul3A_61 = arith.constant 8 : i32
      %mul3A_62 = arith.muli %rem3A_60, %mul3A_61 : i32
      %add3A_63 = arith.addi %mul3A_2, %mul3A_62 : i32
      %min3A_64 = arith.constant 9992 : i32
      %min3A_65 = arith.minsi %add3A_63, %min3A_64 : i32
      %sub3A_66 = arith.subi %min3A_65, %min3A_3 : i32
      %mul3A_67 = arith.constant 32 : i32
      %mul3A_68 = arith.muli %sub3A_66, %mul3A_67 : i32
      %dma_start3A_69 = tpu.memref_slice %arg6[%mul3A_68] : memref<10240xi32, #tpu.memory_space<vmem>> -> memref<256xi32, #tpu.memory_space<vmem>>
      %dma_start3A_70 = arith.constant 0 : i32
      %dma_start3A_71 = arith.constant 0 : i32
      %dma_start3A_72 = tpu.memref_slice %arg2[%dma_start3A_70, %dma_start3A_71] : memref<320000x128xf32, #tpu.memory_space<hbm>> -> memref<320000x128xf32, #tpu.memory_space<hbm>>
      tpu.enqueue_indirect_dma source(%dma_start3A_72 : memref<320000x128xf32, #tpu.memory_space<hbm>>) target(%arg8 : memref<256x128xf32, #tpu.memory_space<vmem>>) offsets(%dma_start3A_69 : memref<256xi32, #tpu.memory_space<vmem>>) semaphore(%arg11 : memref<!tpu.dma_semaphore, #tpu.memory_space<semaphore_mem>>)
      %scan3A_73 = arith.constant 0 : i32
      %scan3A_74 = arith.constant 0 : i32
      %scan3A_75 = arith.constant 8 : i32
      %scan3A_76 = arith.addi %scan3A_74, %scan3A_75 : i32
      %scan3A_77 = arith.constant 1 : i32
      %scan3A_78 = scf.for %scan3A_86 = %scan3A_74 to %scan3A_76 step %scan3A_77 iter_args(%scan3A_87 = %scan3A_73) -> (i32)  : i32 {
        %broadcast_in_dim3A = arith.constant 0.000000e+00 : f32
        %broadcast_in_dim3A_88 = vector.broadcast %broadcast_in_dim3A : f32 to vector<16xf32>
        %broadcast_in_dim3A_89 = arith.constant 0.000000e+00 : f32
        %broadcast_in_dim3A_90 = vector.broadcast %broadcast_in_dim3A_89 : f32 to vector<16xf32>
        %broadcast_in_dim3A_91 = arith.constant 0.000000e+00 : f32
        %broadcast_in_dim3A_92 = vector.broadcast %broadcast_in_dim3A_91 : f32 to vector<16xf32>
        %broadcast_in_dim3A_93 = arith.constant 0.000000e+00 : f32
        %broadcast_in_dim3A_94 = vector.broadcast %broadcast_in_dim3A_93 : f32 to vector<16xf32>
        %scan3A_95 = arith.constant 0 : i32
        %scan3A_96 = arith.constant 32 : i32
        %scan3A_97 = arith.addi %scan3A_95, %scan3A_96 : i32
        %scan3A_98 = arith.constant 1 : i32
        %scan3A_99:4 = scf.for %scan3A_121 = %scan3A_95 to %scan3A_97 step %scan3A_98 iter_args(%scan3A_122 = %broadcast_in_dim3A_88, %scan3A_123 = %broadcast_in_dim3A_90, %scan3A_124 = %broadcast_in_dim3A_92, %scan3A_125 = %broadcast_in_dim3A_94) -> (vector<16xf32>, vector<16xf32>, vector<16xf32>, vector<16xf32>)  : i32 {
          %mul3A_126 = arith.constant 32 : i32
          %mul3A_127 = arith.muli %scan3A_86, %mul3A_126 : i32
          %add3A_128 = arith.addi %mul3A_127, %scan3A_121 : i32
          %get3A = arith.index_cast %add3A_128 : i32 to index
          %get3A_129 = arith.constant 64 : index
          %get3A_130 = tpu.vector_load %arg9[%get3A, %get3A_129] {strides = array<i32>} : memref<256x128xf32, #tpu.memory_space<vmem>>, vector<1x16xf32>,
          %get3A_131 = vector.shape_cast %get3A_130 : vector<1x16xf32> to vector<16xf32>
          %get3A_132 = arith.index_cast %add3A_128 : i32 to index
          %get3A_133 = arith.constant 80 : index
          %get3A_134 = tpu.vector_load %arg9[%get3A_132, %get3A_133] {strides = array<i32>} : memref<256x128xf32, #tpu.memory_space<vmem>>, vector<1x16xf32>,
          %get3A_135 = vector.shape_cast %get3A_134 : vector<1x16xf32> to vector<16xf32>
          %get3A_136 = arith.index_cast %add3A_128 : i32 to index
          %get3A_137 = arith.constant 96 : index
          %get3A_138 = tpu.vector_load %arg9[%get3A_136, %get3A_137] {strides = array<i32>} : memref<256x128xf32, #tpu.memory_space<vmem>>, vector<1x16xf32>,
          %get3A_139 = vector.shape_cast %get3A_138 : vector<1x16xf32> to vector<16xf32>
          %get3A_140 = arith.index_cast %add3A_128 : i32 to index
          %get3A_141 = arith.constant 112 : index
          %get3A_142 = tpu.vector_load %arg9[%get3A_140, %get3A_141] {strides = array<i32>} : memref<256x128xf32, #tpu.memory_space<vmem>>, vector<1x16xf32>,
          %get3A_143 = vector.shape_cast %get3A_142 : vector<1x16xf32> to vector<16xf32>
          %max3A = arith.constant 0.000000e+00 : f32
          %max3A_144 = vector.broadcast %max3A : f32 to vector<16xf32>
          %max3A_145 = arith.maximumf %get3A_131, %max3A_144 : vector<16xf32>
          %max3A_146 = arith.constant 0.000000e+00 : f32
          %max3A_147 = vector.broadcast %max3A_146 : f32 to vector<16xf32>
          %max3A_148 = arith.maximumf %get3A_135, %max3A_147 : vector<16xf32>
          %max3A_149 = arith.constant 0.000000e+00 : f32
          %max3A_150 = vector.broadcast %max3A_149 : f32 to vector<16xf32>
          %max3A_151 = arith.maximumf %get3A_139, %max3A_150 : vector<16xf32>
          %max3A_152 = arith.constant 0.000000e+00 : f32
          %max3A_153 = vector.broadcast %max3A_152 : f32 to vector<16xf32>
          %max3A_154 = arith.maximumf %get3A_143, %max3A_153 : vector<16xf32>
          %add3A_155 = arith.addf %scan3A_122, %max3A_145 : vector<16xf32>
          %add3A_156 = arith.addf %scan3A_123, %max3A_148 : vector<16xf32>
          %add3A_157 = arith.addf %scan3A_124, %max3A_151 : vector<16xf32>
          %add3A_158 = arith.addf %scan3A_125, %max3A_154 : vector<16xf32>
          scf.yield %add3A_155, %add3A_156, %add3A_157, %add3A_158 : vector<16xf32>, vector<16xf32>, vector<16xf32>, vector<16xf32>
        }
        %scan3A_100 = arith.constant 32 : i32
        %swap3A = arith.index_cast %scan3A_86 : i32 to index
        %swap3A_101 = arith.constant 64 : index
        %swap3A_102 = tpu.vector_load %arg10[%swap3A, %swap3A_101] {strides = array<i32>} : memref<8x128xf32, #tpu.memory_space<vmem>>, vector<1x16xf32>,
        %swap3A_103 = vector.shape_cast %swap3A_102 : vector<1x16xf32> to vector<16xf32>
        %swap3A_104 = vector.shape_cast %scan3A_99#0 : vector<16xf32> to vector<1x16xf32>
        tpu.vector_store %arg10[%swap3A, %swap3A_101], %swap3A_104 {strides = array<i32>} : memref<8x128xf32, #tpu.memory_space<vmem>>, vector<1x16xf32>,
        %swap3A_105 = arith.index_cast %scan3A_86 : i32 to index
        %swap3A_106 = arith.constant 80 : index
        %swap3A_107 = tpu.vector_load %arg10[%swap3A_105, %swap3A_106] {strides = array<i32>} : memref<8x128xf32, #tpu.memory_space<vmem>>, vector<1x16xf32>,
        %swap3A_108 = vector.shape_cast %swap3A_107 : vector<1x16xf32> to vector<16xf32>
        %swap3A_109 = vector.shape_cast %scan3A_99#1 : vector<16xf32> to vector<1x16xf32>
        tpu.vector_store %arg10[%swap3A_105, %swap3A_106], %swap3A_109 {strides = array<i32>} : memref<8x128xf32, #tpu.memory_space<vmem>>, vector<1x16xf32>,
        %swap3A_110 = arith.index_cast %scan3A_86 : i32 to index
        %swap3A_111 = arith.constant 96 : index
        %swap3A_112 = tpu.vector_load %arg10[%swap3A_110, %swap3A_111] {strides = array<i32>} : memref<8x128xf32, #tpu.memory_space<vmem>>, vector<1x16xf32>,
        %swap3A_113 = vector.shape_cast %swap3A_112 : vector<1x16xf32> to vector<16xf32>
        %swap3A_114 = vector.shape_cast %scan3A_99#2 : vector<16xf32> to vector<1x16xf32>
        tpu.vector_store %arg10[%swap3A_110, %swap3A_111], %swap3A_114 {strides = array<i32>} : memref<8x128xf32, #tpu.memory_space<vmem>>, vector<1x16xf32>,
        %swap3A_115 = arith.index_cast %scan3A_86 : i32 to index
        %swap3A_116 = arith.constant 112 : index
        %swap3A_117 = tpu.vector_load %arg10[%swap3A_115, %swap3A_116] {strides = array<i32>} : memref<8x128xf32, #tpu.memory_space<vmem>>, vector<1x16xf32>,
        %swap3A_118 = vector.shape_cast %swap3A_117 : vector<1x16xf32> to vector<16xf32>
        %swap3A_119 = vector.shape_cast %scan3A_99#3 : vector<16xf32> to vector<1x16xf32>
        tpu.vector_store %arg10[%swap3A_115, %swap3A_116], %swap3A_119 {strides = array<i32>} : memref<8x128xf32, #tpu.memory_space<vmem>>, vector<1x16xf32>,
        %scan3A_120 = arith.constant 0 : i32
        scf.yield %scan3A_120 : i32
      }
      %scan3A_79 = arith.constant 8 : i32
      %mul3A_80 = arith.constant 8 : i32
      %mul3A_81 = arith.muli %scan3A_27, %mul3A_80 : i32
      %add3A_82 = arith.addi %mul3A_2, %mul3A_81 : i32
      %min3A_83 = arith.constant 9992 : i32
      %min3A_84 = arith.minsi %add3A_82, %min3A_83 : i32
      "tpu.region"() ({
        %run_scoped3A = tpu.sem_alloc : memref<!tpu.dma_semaphore, #tpu.memory_space<semaphore_mem>>
        %dma_start3A_86 = arith.constant 0 : i32
        %dma_start3A_87 = tpu.memref_slice %arg5[%min3A_84, %dma_start3A_86] : memref<10000x128xf32, #tpu.memory_space<hbm>> -> memref<8x128xf32, #tpu.memory_space<hbm>>
        %dma_start3A_88 = arith.constant 0 : i32
        %dma_start3A_89 = tpu.memref_slice %arg5[%min3A_84, %dma_start3A_88] : memref<10000x128xf32, #tpu.memory_space<hbm>> -> memref<8x128xf32, #tpu.memory_space<hbm>>
        tpu.enqueue_dma source(%arg10 : memref<8x128xf32, #tpu.memory_space<vmem>>) target(%dma_start3A_89 : memref<8x128xf32, #tpu.memory_space<hbm>>) target_semaphore(%run_scoped3A : memref<!tpu.dma_semaphore, #tpu.memory_space<semaphore_mem>>)
        %dma_wait3A_90 = arith.constant 0 : i32
        %dma_wait3A_91 = tpu.memref_slice %arg5[%min3A_84, %dma_wait3A_90] : memref<10000x128xf32, #tpu.memory_space<hbm>> -> memref<8x128xf32, #tpu.memory_space<hbm>>
        %dma_wait3A_92 = arith.constant 0 : i32
        %dma_wait3A_93 = tpu.memref_slice %arg5[%min3A_84, %dma_wait3A_92] : memref<10000x128xf32, #tpu.memory_space<hbm>> -> memref<8x128xf32, #tpu.memory_space<hbm>>
        tpu.wait_dma2 semaphore(%run_scoped3A : memref<!tpu.dma_semaphore, #tpu.memory_space<semaphore_mem>>) src(%arg10 : memref<8x128xf32, #tpu.memory_space<vmem>>) dst(%dma_wait3A_93 : memref<8x128xf32, #tpu.memory_space<hbm>>)
        tpu.yield
      }) : () -> ()
      %scan3A_85 = arith.constant 0 : i32
      scf.yield %scan3A_85 : i32
    }
    %scan3A_22 = arith.constant 40 : i32
    %dma_wait3A = arith.constant 0 : i32
    %dma_wait3A_23 = tpu.memref_slice %arg6[%dma_wait3A] : memref<10240xi32, #tpu.memory_space<vmem>> -> memref<256xi32, #tpu.memory_space<vmem>>
    %dma_wait3A_24 = arith.constant 0 : i32
    %dma_wait3A_25 = arith.constant 0 : i32
    %dma_wait3A_26 = tpu.memref_slice %arg2[%dma_wait3A_24, %dma_wait3A_25] : memref<320000x128xf32, #tpu.memory_space<hbm>> -> memref<320000x128xf32, #tpu.memory_space<hbm>>
    tpu.wait_indirect_dma semaphore(%arg11 : memref<!tpu.dma_semaphore, #tpu.memory_space<semaphore_mem>>) src(%dma_wait3A_26 : memref<320000x128xf32, #tpu.memory_space<hbm>>) dst(%arg8 : memref<256x128xf32, #tpu.memory_space<vmem>>)
    return
  }
}

#map = affine_map<(d0, d1) -> (0, 0)>
#map1 = affine_map<(d0, d1) -> (0)>
module attributes {stable_mosaic.version = 14 : i64} {
  func.func @k(%arg0: i32, %arg1: i32, %arg2: memref<320000x128xf32, #tpu.memory_space<hbm>>, %arg3: memref<320000x128xf32, #tpu.memory_space<hbm>>, %arg4: memref<10000x128xf32, #tpu.memory_space<hbm>>, %arg5: memref<320000xi32, #tpu.memory_space<hbm>>, %arg6: memref<320000xi32, #tpu.memory_space<hbm>>, %arg7: memref<320000xi32, #tpu.memory_space<hbm>>, %arg8: memref<320000xi32, #tpu.memory_space<hbm>>, %arg9: memref<320000x128xf32, #tpu.memory_space<hbm>>, %arg10: memref<10000xi32, #tpu.memory_space<vmem>>, %arg11: memref<10000xi32, #tpu.memory_space<vmem>>, %arg12: memref<10000xi32, #tpu.memory_space<vmem>>, %arg13: memref<10000xi32, #tpu.memory_space<vmem>>, %arg14: memref<80x128xf32, #tpu.memory_space<vmem>>, %arg15: memref<80x128xf32, #tpu.memory_space<vmem>>, %arg16: memref<80x128xf32, #tpu.memory_space<vmem>>, %arg17: memref<80x128xf32, #tpu.memory_space<vmem>>, %arg18: memref<80x128xf32, #tpu.memory_space<vmem>>, %arg19: memref<80x128xf32, #tpu.memory_space<vmem>>, %arg20: memref<80x128xf32, #tpu.memory_space<vmem>>, %arg21: memref<80x128xf32, #tpu.memory_space<vmem>>, %arg22: memref<!tpu.dma_semaphore, #tpu.memory_space<semaphore_mem>>, %arg23: memref<!tpu.dma_semaphore, #tpu.memory_space<semaphore_mem>>, %arg24: memref<!tpu.dma_semaphore, #tpu.memory_space<semaphore_mem>>, %arg25: memref<!tpu.dma_semaphore, #tpu.memory_space<semaphore_mem>>, %arg26: memref<!tpu.dma_semaphore, #tpu.memory_space<semaphore_mem>>, %arg27: memref<!tpu.dma_semaphore, #tpu.memory_space<semaphore_mem>>, %arg28: memref<!tpu.dma_semaphore, #tpu.memory_space<semaphore_mem>>, %arg29: memref<!tpu.dma_semaphore, #tpu.memory_space<semaphore_mem>>) attributes {dimension_semantics = [#tpu.dimension_semantics<core_parallel>, #tpu.dimension_semantics<subcore_parallel>], iteration_bounds = array<i64: 2, 16>, scalar_prefetch = 0 : i64, scratch_operands = 20 : i64, tpu.core_type = #tpu.core_type<sc_vector_subcore>, window_params = [{transform_indices = #map}, {transform_indices = #map}, {transform_indices = #map}, {transform_indices = #map1}, {transform_indices = #map1}, {transform_indices = #map1}, {transform_indices = #map1}, {transform_indices = #map}]} {
    %mul3A = arith.constant 2 : i32
    %mul3A_0 = arith.muli %arg1, %mul3A : i32
    %add3A = arith.addi %mul3A_0, %arg0 : i32
    %mul3A_1 = arith.constant 10000 : i32
    %mul3A_2 = arith.muli %add3A, %mul3A_1 : i32
    "tpu.region"() ({
      %run_scoped3A = tpu.sem_alloc : memref<!tpu.dma_semaphore, #tpu.memory_space<semaphore_mem>>
      %dma_start3A_62 = tpu.memref_slice %arg5[%mul3A_2] : memref<320000xi32, #tpu.memory_space<hbm>> -> memref<10000xi32, #tpu.memory_space<hbm>>
      %dma_start3A_63 = tpu.memref_slice %arg5[%mul3A_2] : memref<320000xi32, #tpu.memory_space<hbm>> -> memref<10000xi32, #tpu.memory_space<hbm>>
      tpu.enqueue_dma source(%dma_start3A_63 : memref<10000xi32, #tpu.memory_space<hbm>>) target(%arg10 : memref<10000xi32, #tpu.memory_space<vmem>>) target_semaphore(%run_scoped3A : memref<!tpu.dma_semaphore, #tpu.memory_space<semaphore_mem>>)
      %dma_wait3A_64 = tpu.memref_slice %arg5[%mul3A_2] : memref<320000xi32, #tpu.memory_space<hbm>> -> memref<10000xi32, #tpu.memory_space<hbm>>
      %dma_wait3A_65 = tpu.memref_slice %arg5[%mul3A_2] : memref<320000xi32, #tpu.memory_space<hbm>> -> memref<10000xi32, #tpu.memory_space<hbm>>
      tpu.wait_dma2 semaphore(%run_scoped3A : memref<!tpu.dma_semaphore, #tpu.memory_space<semaphore_mem>>) src(%dma_wait3A_65 : memref<10000xi32, #tpu.memory_space<hbm>>) dst(%arg10 : memref<10000xi32, #tpu.memory_space<vmem>>)
      tpu.yield
    }) : () -> ()
    "tpu.region"() ({
      %run_scoped3A = tpu.sem_alloc : memref<!tpu.dma_semaphore, #tpu.memory_space<semaphore_mem>>
      %dma_start3A_62 = tpu.memref_slice %arg7[%mul3A_2] : memref<320000xi32, #tpu.memory_space<hbm>> -> memref<10000xi32, #tpu.memory_space<hbm>>
      %dma_start3A_63 = tpu.memref_slice %arg7[%mul3A_2] : memref<320000xi32, #tpu.memory_space<hbm>> -> memref<10000xi32, #tpu.memory_space<hbm>>
      tpu.enqueue_dma source(%dma_start3A_63 : memref<10000xi32, #tpu.memory_space<hbm>>) target(%arg11 : memref<10000xi32, #tpu.memory_space<vmem>>) target_semaphore(%run_scoped3A : memref<!tpu.dma_semaphore, #tpu.memory_space<semaphore_mem>>)
      %dma_wait3A_64 = tpu.memref_slice %arg7[%mul3A_2] : memref<320000xi32, #tpu.memory_space<hbm>> -> memref<10000xi32, #tpu.memory_space<hbm>>
      %dma_wait3A_65 = tpu.memref_slice %arg7[%mul3A_2] : memref<320000xi32, #tpu.memory_space<hbm>> -> memref<10000xi32, #tpu.memory_space<hbm>>
      tpu.wait_dma2 semaphore(%run_scoped3A : memref<!tpu.dma_semaphore, #tpu.memory_space<semaphore_mem>>) src(%dma_wait3A_65 : memref<10000xi32, #tpu.memory_space<hbm>>) dst(%arg11 : memref<10000xi32, #tpu.memory_space<vmem>>)
      tpu.yield
    }) : () -> ()
    "tpu.region"() ({
      %run_scoped3A = tpu.sem_alloc : memref<!tpu.dma_semaphore, #tpu.memory_space<semaphore_mem>>
      %dma_start3A_62 = tpu.memref_slice %arg6[%mul3A_2] : memref<320000xi32, #tpu.memory_space<hbm>> -> memref<10000xi32, #tpu.memory_space<hbm>>
      %dma_start3A_63 = tpu.memref_slice %arg6[%mul3A_2] : memref<320000xi32, #tpu.memory_space<hbm>> -> memref<10000xi32, #tpu.memory_space<hbm>>
      tpu.enqueue_dma source(%dma_start3A_63 : memref<10000xi32, #tpu.memory_space<hbm>>) target(%arg12 : memref<10000xi32, #tpu.memory_space<vmem>>) target_semaphore(%run_scoped3A : memref<!tpu.dma_semaphore, #tpu.memory_space<semaphore_mem>>)
      %dma_wait3A_64 = tpu.memref_slice %arg6[%mul3A_2] : memref<320000xi32, #tpu.memory_space<hbm>> -> memref<10000xi32, #tpu.memory_space<hbm>>
      %dma_wait3A_65 = tpu.memref_slice %arg6[%mul3A_2] : memref<320000xi32, #tpu.memory_space<hbm>> -> memref<10000xi32, #tpu.memory_space<hbm>>
      tpu.wait_dma2 semaphore(%run_scoped3A : memref<!tpu.dma_semaphore, #tpu.memory_space<semaphore_mem>>) src(%dma_wait3A_65 : memref<10000xi32, #tpu.memory_space<hbm>>) dst(%arg12 : memref<10000xi32, #tpu.memory_space<vmem>>)
      tpu.yield
    }) : () -> ()
    "tpu.region"() ({
      %run_scoped3A = tpu.sem_alloc : memref<!tpu.dma_semaphore, #tpu.memory_space<semaphore_mem>>
      %dma_start3A_62 = tpu.memref_slice %arg8[%mul3A_2] : memref<320000xi32, #tpu.memory_space<hbm>> -> memref<10000xi32, #tpu.memory_space<hbm>>
      %dma_start3A_63 = tpu.memref_slice %arg8[%mul3A_2] : memref<320000xi32, #tpu.memory_space<hbm>> -> memref<10000xi32, #tpu.memory_space<hbm>>
      tpu.enqueue_dma source(%dma_start3A_63 : memref<10000xi32, #tpu.memory_space<hbm>>) target(%arg13 : memref<10000xi32, #tpu.memory_space<vmem>>) target_semaphore(%run_scoped3A : memref<!tpu.dma_semaphore, #tpu.memory_space<semaphore_mem>>)
      %dma_wait3A_64 = tpu.memref_slice %arg8[%mul3A_2] : memref<320000xi32, #tpu.memory_space<hbm>> -> memref<10000xi32, #tpu.memory_space<hbm>>
      %dma_wait3A_65 = tpu.memref_slice %arg8[%mul3A_2] : memref<320000xi32, #tpu.memory_space<hbm>> -> memref<10000xi32, #tpu.memory_space<hbm>>
      tpu.wait_dma2 semaphore(%run_scoped3A : memref<!tpu.dma_semaphore, #tpu.memory_space<semaphore_mem>>) src(%dma_wait3A_65 : memref<10000xi32, #tpu.memory_space<hbm>>) dst(%arg13 : memref<10000xi32, #tpu.memory_space<vmem>>)
      tpu.yield
    }) : () -> ()
    %min3A = arith.constant 0 : i32
    %min3A_3 = arith.constant 124 : i32
    %min3A_4 = arith.minsi %min3A, %min3A_3 : i32
    %mul3A_5 = arith.constant 80 : i32
    %mul3A_6 = arith.muli %min3A_4, %mul3A_5 : i32
    %add3A_7 = arith.addi %mul3A_2, %mul3A_6 : i32
    %dma_start3A = arith.constant 0 : i32
    %dma_start3A_8 = tpu.memref_slice %arg2[%add3A_7, %dma_start3A] : memref<320000x128xf32, #tpu.memory_space<hbm>> -> memref<80x128xf32, #tpu.memory_space<hbm>>
    %dma_start3A_9 = arith.constant 0 : i32
    %dma_start3A_10 = tpu.memref_slice %arg2[%add3A_7, %dma_start3A_9] : memref<320000x128xf32, #tpu.memory_space<hbm>> -> memref<80x128xf32, #tpu.memory_space<hbm>>
    tpu.enqueue_dma source(%dma_start3A_10 : memref<80x128xf32, #tpu.memory_space<hbm>>) target(%arg14 : memref<80x128xf32, #tpu.memory_space<vmem>>) target_semaphore(%arg22 : memref<!tpu.dma_semaphore, #tpu.memory_space<semaphore_mem>>)
    %min3A_11 = arith.constant 0 : i32
    %min3A_12 = arith.constant 124 : i32
    %min3A_13 = arith.minsi %min3A_11, %min3A_12 : i32
    %mul3A_14 = arith.constant 80 : i32
    %mul3A_15 = arith.muli %min3A_13, %mul3A_14 : i32
    %dma_start3A_16 = tpu.memref_slice %arg12[%mul3A_15] : memref<10000xi32, #tpu.memory_space<vmem>> -> memref<80xi32, #tpu.memory_space<vmem>>
    %dma_start3A_17 = arith.constant 0 : i32
    %dma_start3A_18 = arith.constant 0 : i32
    %dma_start3A_19 = tpu.memref_slice %arg3[%dma_start3A_17, %dma_start3A_18] : memref<320000x128xf32, #tpu.memory_space<hbm>> -> memref<320000x128xf32, #tpu.memory_space<hbm>>
    tpu.enqueue_indirect_dma source(%dma_start3A_19 : memref<320000x128xf32, #tpu.memory_space<hbm>>) target(%arg16 : memref<80x128xf32, #tpu.memory_space<vmem>>) offsets(%dma_start3A_16 : memref<80xi32, #tpu.memory_space<vmem>>) semaphore(%arg24 : memref<!tpu.dma_semaphore, #tpu.memory_space<semaphore_mem>>)
    %min3A_20 = arith.constant 0 : i32
    %min3A_21 = arith.constant 124 : i32
    %min3A_22 = arith.minsi %min3A_20, %min3A_21 : i32
    %mul3A_23 = arith.constant 80 : i32
    %mul3A_24 = arith.muli %min3A_22, %mul3A_23 : i32
    %dma_start3A_25 = tpu.memref_slice %arg13[%mul3A_24] : memref<10000xi32, #tpu.memory_space<vmem>> -> memref<80xi32, #tpu.memory_space<vmem>>
    %dma_start3A_26 = arith.constant 0 : i32
    %dma_start3A_27 = arith.constant 0 : i32
    %dma_start3A_28 = tpu.memref_slice %arg3[%dma_start3A_26, %dma_start3A_27] : memref<320000x128xf32, #tpu.memory_space<hbm>> -> memref<320000x128xf32, #tpu.memory_space<hbm>>
    tpu.enqueue_indirect_dma source(%dma_start3A_28 : memref<320000x128xf32, #tpu.memory_space<hbm>>) target(%arg17 : memref<80x128xf32, #tpu.memory_space<vmem>>) offsets(%dma_start3A_25 : memref<80xi32, #tpu.memory_space<vmem>>) semaphore(%arg25 : memref<!tpu.dma_semaphore, #tpu.memory_space<semaphore_mem>>)
    %min3A_29 = arith.constant 0 : i32
    %min3A_30 = arith.constant 124 : i32
    %min3A_31 = arith.minsi %min3A_29, %min3A_30 : i32
    %mul3A_32 = arith.constant 80 : i32
    %mul3A_33 = arith.muli %min3A_31, %mul3A_32 : i32
    %dma_start3A_34 = tpu.memref_slice %arg10[%mul3A_33] : memref<10000xi32, #tpu.memory_space<vmem>> -> memref<80xi32, #tpu.memory_space<vmem>>
    %dma_start3A_35 = arith.constant 0 : i32
    %dma_start3A_36 = arith.constant 0 : i32
    %dma_start3A_37 = tpu.memref_slice %arg4[%dma_start3A_35, %dma_start3A_36] : memref<10000x128xf32, #tpu.memory_space<hbm>> -> memref<10000x128xf32, #tpu.memory_space<hbm>>
    tpu.enqueue_indirect_dma source(%dma_start3A_37 : memref<10000x128xf32, #tpu.memory_space<hbm>>) target(%arg20 : memref<80x128xf32, #tpu.memory_space<vmem>>) offsets(%dma_start3A_34 : memref<80xi32, #tpu.memory_space<vmem>>) semaphore(%arg28 : memref<!tpu.dma_semaphore, #tpu.memory_space<semaphore_mem>>)
    %scan3A = arith.constant 0 : i32
    %scan3A_38 = arith.constant 0 : i32
    %scan3A_39 = arith.constant 63 : i32
    %scan3A_40 = arith.addi %scan3A_38, %scan3A_39 : i32
    %scan3A_41 = arith.constant 1 : i32
    %scan3A_42 = scf.for %scan3A_62 = %scan3A_38 to %scan3A_40 step %scan3A_41 iter_args(%scan3A_63 = %scan3A) -> (i32)  : i32 {
      %mul3A_64 = arith.constant 2 : i32
      %mul3A_65 = arith.muli %mul3A_64, %scan3A_62 : i32
      %mul3A_66 = arith.constant 2 : i32
      %mul3A_67 = arith.muli %mul3A_66, %scan3A_62 : i32
      %add3A_68 = arith.constant 1 : i32
      %add3A_69 = arith.addi %mul3A_67, %add3A_68 : i32
      %min3A_70 = arith.constant 124 : i32
      %min3A_71 = arith.minsi %add3A_69, %min3A_70 : i32
      %mul3A_72 = arith.constant 2 : i32
      %mul3A_73 = arith.muli %mul3A_72, %scan3A_62 : i32
      %add3A_74 = arith.constant 2 : i32
      %add3A_75 = arith.addi %mul3A_73, %add3A_74 : i32
      %dma_wait3A_76 = arith.constant 0 : i32
      %dma_wait3A_77 = tpu.memref_slice %arg2[%mul3A_2, %dma_wait3A_76] : memref<320000x128xf32, #tpu.memory_space<hbm>> -> memref<80x128xf32, #tpu.memory_space<hbm>>
      %dma_wait3A_78 = arith.constant 0 : i32
      %dma_wait3A_79 = tpu.memref_slice %arg2[%mul3A_2, %dma_wait3A_78] : memref<320000x128xf32, #tpu.memory_space<hbm>> -> memref<80x128xf32, #tpu.memory_space<hbm>>
      tpu.wait_dma2 semaphore(%arg22 : memref<!tpu.dma_semaphore, #tpu.memory_space<semaphore_mem>>) src(%dma_wait3A_79 : memref<80x128xf32, #tpu.memory_space<hbm>>) dst(%arg14 : memref<80x128xf32, #tpu.memory_space<vmem>>)
      %dma_wait3A_80 = arith.constant 0 : i32
      %dma_wait3A_81 = tpu.memref_slice %arg12[%dma_wait3A_80] : memref<10000xi32, #tpu.memory_space<vmem>> -> memref<80xi32, #tpu.memory_space<vmem>>
      %dma_wait3A_82 = arith.constant 0 : i32
      %dma_wait3A_83 = arith.constant 0 : i32
      %dma_wait3A_84 = tpu.memref_slice %arg3[%dma_wait3A_82, %dma_wait3A_83] : memref<320000x128xf32, #tpu.memory_space<hbm>> -> memref<320000x128xf32, #tpu.memory_space<hbm>>
      tpu.wait_indirect_dma semaphore(%arg24 : memref<!tpu.dma_semaphore, #tpu.memory_space<semaphore_mem>>) src(%dma_wait3A_84 : memref<320000x128xf32, #tpu.memory_space<hbm>>) dst(%arg16 : memref<80x128xf32, #tpu.memory_space<vmem>>)
      %dma_wait3A_85 = arith.constant 0 : i32
      %dma_wait3A_86 = tpu.memref_slice %arg10[%dma_wait3A_85] : memref<10000xi32, #tpu.memory_space<vmem>> -> memref<80xi32, #tpu.memory_space<vmem>>
      %dma_wait3A_87 = arith.constant 0 : i32
      %dma_wait3A_88 = arith.constant 0 : i32
      %dma_wait3A_89 = tpu.memref_slice %arg4[%dma_wait3A_87, %dma_wait3A_88] : memref<10000x128xf32, #tpu.memory_space<hbm>> -> memref<10000x128xf32, #tpu.memory_space<hbm>>
      tpu.wait_indirect_dma semaphore(%arg28 : memref<!tpu.dma_semaphore, #tpu.memory_space<semaphore_mem>>) src(%dma_wait3A_89 : memref<10000x128xf32, #tpu.memory_space<hbm>>) dst(%arg20 : memref<80x128xf32, #tpu.memory_space<vmem>>)
      %min3A_90 = arith.constant 124 : i32
      %min3A_91 = arith.minsi %min3A_71, %min3A_90 : i32
      %mul3A_92 = arith.constant 80 : i32
      %mul3A_93 = arith.muli %min3A_91, %mul3A_92 : i32
      %dma_start3A_94 = tpu.memref_slice %arg12[%mul3A_93] : memref<10000xi32, #tpu.memory_space<vmem>> -> memref<80xi32, #tpu.memory_space<vmem>>
      %dma_start3A_95 = arith.constant 0 : i32
      %dma_start3A_96 = arith.constant 0 : i32
      %dma_start3A_97 = tpu.memref_slice %arg3[%dma_start3A_95, %dma_start3A_96] : memref<320000x128xf32, #tpu.memory_space<hbm>> -> memref<320000x128xf32, #tpu.memory_space<hbm>>
      tpu.enqueue_indirect_dma source(%dma_start3A_97 : memref<320000x128xf32, #tpu.memory_space<hbm>>) target(%arg18 : memref<80x128xf32, #tpu.memory_space<vmem>>) offsets(%dma_start3A_94 : memref<80xi32, #tpu.memory_space<vmem>>) semaphore(%arg26 : memref<!tpu.dma_semaphore, #tpu.memory_space<semaphore_mem>>)
      %min3A_98 = arith.constant 124 : i32
      %min3A_99 = arith.minsi %mul3A_65, %min3A_98 : i32
      %mul3A_100 = arith.constant 80 : i32
      %mul3A_101 = arith.muli %min3A_99, %mul3A_100 : i32
      %dma_start3A_102 = tpu.memref_slice %arg11[%mul3A_101] : memref<10000xi32, #tpu.memory_space<vmem>> -> memref<80xi32, #tpu.memory_space<vmem>>
      %dma_start3A_103 = arith.constant 0 : i32
      %dma_start3A_104 = arith.constant 0 : i32
      %dma_start3A_105 = tpu.memref_slice %arg4[%dma_start3A_103, %dma_start3A_104] : memref<10000x128xf32, #tpu.memory_space<hbm>> -> memref<10000x128xf32, #tpu.memory_space<hbm>>
      tpu.enqueue_indirect_dma source(%dma_start3A_105 : memref<10000x128xf32, #tpu.memory_space<hbm>>) target(%arg21 : memref<80x128xf32, #tpu.memory_space<vmem>>) offsets(%dma_start3A_102 : memref<80xi32, #tpu.memory_space<vmem>>) semaphore(%arg29 : memref<!tpu.dma_semaphore, #tpu.memory_space<semaphore_mem>>)
      %min3A_106 = arith.constant 124 : i32
      %min3A_107 = arith.minsi %min3A_71, %min3A_106 : i32
      %mul3A_108 = arith.constant 80 : i32
      %mul3A_109 = arith.muli %min3A_107, %mul3A_108 : i32
      %add3A_110 = arith.addi %mul3A_2, %mul3A_109 : i32
      %dma_start3A_111 = arith.constant 0 : i32
      %dma_start3A_112 = tpu.memref_slice %arg2[%add3A_110, %dma_start3A_111] : memref<320000x128xf32, #tpu.memory_space<hbm>> -> memref<80x128xf32, #tpu.memory_space<hbm>>
      %dma_start3A_113 = arith.constant 0 : i32
      %dma_start3A_114 = tpu.memref_slice %arg2[%add3A_110, %dma_start3A_113] : memref<320000x128xf32, #tpu.memory_space<hbm>> -> memref<80x128xf32, #tpu.memory_space<hbm>>
      tpu.enqueue_dma source(%dma_start3A_114 : memref<80x128xf32, #tpu.memory_space<hbm>>) target(%arg15 : memref<80x128xf32, #tpu.memory_space<vmem>>) target_semaphore(%arg23 : memref<!tpu.dma_semaphore, #tpu.memory_space<semaphore_mem>>)
      %scan3A_115 = arith.constant 0 : i32
      %scan3A_116 = arith.constant 0 : i32
      %scan3A_117 = arith.constant 80 : i32
      %scan3A_118 = arith.addi %scan3A_116, %scan3A_117 : i32
      %scan3A_119 = arith.constant 1 : i32
      %scan3A_120 = scf.for %scan3A_241 = %scan3A_116 to %scan3A_118 step %scan3A_119 iter_args(%scan3A_242 = %scan3A_115) -> (i32)  : i32 {
        %get3A = arith.index_cast %scan3A_241 : i32 to index
        %get3A_243 = arith.constant 0 : index
        %get3A_244 = tpu.vector_load %arg14[%get3A, %get3A_243] {strides = array<i32>} : memref<80x128xf32, #tpu.memory_space<vmem>>, vector<1x16xf32>,
        %get3A_245 = vector.shape_cast %get3A_244 : vector<1x16xf32> to vector<16xf32>
        %get3A_246 = arith.index_cast %scan3A_241 : i32 to index
        %get3A_247 = arith.constant 0 : index
        %get3A_248 = tpu.vector_load %arg20[%get3A_246, %get3A_247] {strides = array<i32>} : memref<80x128xf32, #tpu.memory_space<vmem>>, vector<1x16xf32>,
        %get3A_249 = vector.shape_cast %get3A_248 : vector<1x16xf32> to vector<16xf32>
        %add3A_250 = arith.addf %get3A_245, %get3A_249 : vector<16xf32>
        %get3A_251 = arith.index_cast %scan3A_241 : i32 to index
        %get3A_252 = arith.constant 0 : index
        %get3A_253 = tpu.vector_load %arg16[%get3A_251, %get3A_252] {strides = array<i32>} : memref<80x128xf32, #tpu.memory_space<vmem>>, vector<1x16xf32>,
        %get3A_254 = vector.shape_cast %get3A_253 : vector<1x16xf32> to vector<16xf32>
        %sub3A = arith.subf %add3A_250, %get3A_254 : vector<16xf32>
        %max3A = arith.constant 0.000000e+00 : f32
        %max3A_255 = vector.broadcast %max3A : f32 to vector<16xf32>
        %max3A_256 = arith.maximumf %sub3A, %max3A_255 : vector<16xf32>
        %swap3A = arith.index_cast %scan3A_241 : i32 to index
        %swap3A_257 = arith.constant 0 : index
        %swap3A_258 = tpu.vector_load %arg14[%swap3A, %swap3A_257] {strides = array<i32>} : memref<80x128xf32, #tpu.memory_space<vmem>>, vector<1x16xf32>,
        %swap3A_259 = vector.shape_cast %swap3A_258 : vector<1x16xf32> to vector<16xf32>
        %swap3A_260 = vector.shape_cast %max3A_256 : vector<16xf32> to vector<1x16xf32>
        tpu.vector_store %arg14[%swap3A, %swap3A_257], %swap3A_260 {strides = array<i32>} : memref<80x128xf32, #tpu.memory_space<vmem>>, vector<1x16xf32>,
        %get3A_261 = arith.index_cast %scan3A_241 : i32 to index
        %get3A_262 = arith.constant 16 : index
        %get3A_263 = tpu.vector_load %arg14[%get3A_261, %get3A_262] {strides = array<i32>} : memref<80x128xf32, #tpu.memory_space<vmem>>, vector<1x16xf32>,
        %get3A_264 = vector.shape_cast %get3A_263 : vector<1x16xf32> to vector<16xf32>
        %get3A_265 = arith.index_cast %scan3A_241 : i32 to index
        %get3A_266 = arith.constant 16 : index
        %get3A_267 = tpu.vector_load %arg20[%get3A_265, %get3A_266] {strides = array<i32>} : memref<80x128xf32, #tpu.memory_space<vmem>>, vector<1x16xf32>,
        %get3A_268 = vector.shape_cast %get3A_267 : vector<1x16xf32> to vector<16xf32>
        %add3A_269 = arith.addf %get3A_264, %get3A_268 : vector<16xf32>
        %get3A_270 = arith.index_cast %scan3A_241 : i32 to index
        %get3A_271 = arith.constant 16 : index
        %get3A_272 = tpu.vector_load %arg16[%get3A_270, %get3A_271] {strides = array<i32>} : memref<80x128xf32, #tpu.memory_space<vmem>>, vector<1x16xf32>,
        %get3A_273 = vector.shape_cast %get3A_272 : vector<1x16xf32> to vector<16xf32>
        %sub3A_274 = arith.subf %add3A_269, %get3A_273 : vector<16xf32>
        %max3A_275 = arith.constant 0.000000e+00 : f32
        %max3A_276 = vector.broadcast %max3A_275 : f32 to vector<16xf32>
        %max3A_277 = arith.maximumf %sub3A_274, %max3A_276 : vector<16xf32>
        %swap3A_278 = arith.index_cast %scan3A_241 : i32 to index
        %swap3A_279 = arith.constant 16 : index
        %swap3A_280 = tpu.vector_load %arg14[%swap3A_278, %swap3A_279] {strides = array<i32>} : memref<80x128xf32, #tpu.memory_space<vmem>>, vector<1x16xf32>,
        %swap3A_281 = vector.shape_cast %swap3A_280 : vector<1x16xf32> to vector<16xf32>
        %swap3A_282 = vector.shape_cast %max3A_277 : vector<16xf32> to vector<1x16xf32>
        tpu.vector_store %arg14[%swap3A_278, %swap3A_279], %swap3A_282 {strides = array<i32>} : memref<80x128xf32, #tpu.memory_space<vmem>>, vector<1x16xf32>,
        %get3A_283 = arith.index_cast %scan3A_241 : i32 to index
        %get3A_284 = arith.constant 32 : index
        %get3A_285 = tpu.vector_load %arg14[%get3A_283, %get3A_284] {strides = array<i32>} : memref<80x128xf32, #tpu.memory_space<vmem>>, vector<1x16xf32>,
        %get3A_286 = vector.shape_cast %get3A_285 : vector<1x16xf32> to vector<16xf32>
        %get3A_287 = arith.index_cast %scan3A_241 : i32 to index
        %get3A_288 = arith.constant 32 : index
        %get3A_289 = tpu.vector_load %arg20[%get3A_287, %get3A_288] {strides = array<i32>} : memref<80x128xf32, #tpu.memory_space<vmem>>, vector<1x16xf32>,
        %get3A_290 = vector.shape_cast %get3A_289 : vector<1x16xf32> to vector<16xf32>
        %add3A_291 = arith.addf %get3A_286, %get3A_290 : vector<16xf32>
        %get3A_292 = arith.index_cast %scan3A_241 : i32 to index
        %get3A_293 = arith.constant 32 : index
        %get3A_294 = tpu.vector_load %arg16[%get3A_292, %get3A_293] {strides = array<i32>} : memref<80x128xf32, #tpu.memory_space<vmem>>, vector<1x16xf32>,
        %get3A_295 = vector.shape_cast %get3A_294 : vector<1x16xf32> to vector<16xf32>
        %sub3A_296 = arith.subf %add3A_291, %get3A_295 : vector<16xf32>
        %max3A_297 = arith.constant 0.000000e+00 : f32
        %max3A_298 = vector.broadcast %max3A_297 : f32 to vector<16xf32>
        %max3A_299 = arith.maximumf %sub3A_296, %max3A_298 : vector<16xf32>
        %swap3A_300 = arith.index_cast %scan3A_241 : i32 to index
        %swap3A_301 = arith.constant 32 : index
        %swap3A_302 = tpu.vector_load %arg14[%swap3A_300, %swap3A_301] {strides = array<i32>} : memref<80x128xf32, #tpu.memory_space<vmem>>, vector<1x16xf32>,
        %swap3A_303 = vector.shape_cast %swap3A_302 : vector<1x16xf32> to vector<16xf32>
        %swap3A_304 = vector.shape_cast %max3A_299 : vector<16xf32> to vector<1x16xf32>
        tpu.vector_store %arg14[%swap3A_300, %swap3A_301], %swap3A_304 {strides = array<i32>} : memref<80x128xf32, #tpu.memory_space<vmem>>, vector<1x16xf32>,
        %get3A_305 = arith.index_cast %scan3A_241 : i32 to index
        %get3A_306 = arith.constant 48 : index
        %get3A_307 = tpu.vector_load %arg14[%get3A_305, %get3A_306] {strides = array<i32>} : memref<80x128xf32, #tpu.memory_space<vmem>>, vector<1x16xf32>,
        %get3A_308 = vector.shape_cast %get3A_307 : vector<1x16xf32> to vector<16xf32>
        %get3A_309 = arith.index_cast %scan3A_241 : i32 to index
        %get3A_310 = arith.constant 48 : index
        %get3A_311 = tpu.vector_load %arg20[%get3A_309, %get3A_310] {strides = array<i32>} : memref<80x128xf32, #tpu.memory_space<vmem>>, vector<1x16xf32>,
        %get3A_312 = vector.shape_cast %get3A_311 : vector<1x16xf32> to vector<16xf32>
        %add3A_313 = arith.addf %get3A_308, %get3A_312 : vector<16xf32>
        %get3A_314 = arith.index_cast %scan3A_241 : i32 to index
        %get3A_315 = arith.constant 48 : index
        %get3A_316 = tpu.vector_load %arg16[%get3A_314, %get3A_315] {strides = array<i32>} : memref<80x128xf32, #tpu.memory_space<vmem>>, vector<1x16xf32>,
        %get3A_317 = vector.shape_cast %get3A_316 : vector<1x16xf32> to vector<16xf32>
        %sub3A_318 = arith.subf %add3A_313, %get3A_317 : vector<16xf32>
        %max3A_319 = arith.constant 0.000000e+00 : f32
        %max3A_320 = vector.broadcast %max3A_319 : f32 to vector<16xf32>
        %max3A_321 = arith.maximumf %sub3A_318, %max3A_320 : vector<16xf32>
        %swap3A_322 = arith.index_cast %scan3A_241 : i32 to index
        %swap3A_323 = arith.constant 48 : index
        %swap3A_324 = tpu.vector_load %arg14[%swap3A_322, %swap3A_323] {strides = array<i32>} : memref<80x128xf32, #tpu.memory_space<vmem>>, vector<1x16xf32>,
        %swap3A_325 = vector.shape_cast %swap3A_324 : vector<1x16xf32> to vector<16xf32>
        %swap3A_326 = vector.shape_cast %max3A_321 : vector<16xf32> to vector<1x16xf32>
        tpu.vector_store %arg14[%swap3A_322, %swap3A_323], %swap3A_326 {strides = array<i32>} : memref<80x128xf32, #tpu.memory_space<vmem>>, vector<1x16xf32>,
        %scan3A_327 = arith.constant 0 : i32
        scf.yield %scan3A_327 : i32
      }
      %scan3A_121 = arith.constant 80 : i32
      %dma_wait3A_122 = arith.constant 0 : i32
      %dma_wait3A_123 = tpu.memref_slice %arg13[%dma_wait3A_122] : memref<10000xi32, #tpu.memory_space<vmem>> -> memref<80xi32, #tpu.memory_space<vmem>>
      %dma_wait3A_124 = arith.constant 0 : i32
      %dma_wait3A_125 = arith.constant 0 : i32
      %dma_wait3A_126 = tpu.memref_slice %arg3[%dma_wait3A_124, %dma_wait3A_125] : memref<320000x128xf32, #tpu.memory_space<hbm>> -> memref<320000x128xf32, #tpu.memory_space<hbm>>
      tpu.wait_indirect_dma semaphore(%arg25 : memref<!tpu.dma_semaphore, #tpu.memory_space<semaphore_mem>>) src(%dma_wait3A_126 : memref<320000x128xf32, #tpu.memory_space<hbm>>) dst(%arg17 : memref<80x128xf32, #tpu.memory_space<vmem>>)
      %dma_wait3A_127 = arith.constant 0 : i32
      %dma_wait3A_128 = tpu.memref_slice %arg11[%dma_wait3A_127] : memref<10000xi32, #tpu.memory_space<vmem>> -> memref<80xi32, #tpu.memory_space<vmem>>
      %dma_wait3A_129 = arith.constant 0 : i32
      %dma_wait3A_130 = arith.constant 0 : i32
      %dma_wait3A_131 = tpu.memref_slice %arg4[%dma_wait3A_129, %dma_wait3A_130] : memref<10000x128xf32, #tpu.memory_space<hbm>> -> memref<10000x128xf32, #tpu.memory_space<hbm>>
      tpu.wait_indirect_dma semaphore(%arg29 : memref<!tpu.dma_semaphore, #tpu.memory_space<semaphore_mem>>) src(%dma_wait3A_131 : memref<10000x128xf32, #tpu.memory_space<hbm>>) dst(%arg21 : memref<80x128xf32, #tpu.memory_space<vmem>>)
      %min3A_132 = arith.constant 124 : i32
      %min3A_133 = arith.minsi %min3A_71, %min3A_132 : i32
      %mul3A_134 = arith.constant 80 : i32
      %mul3A_135 = arith.muli %min3A_133, %mul3A_134 : i32
      %dma_start3A_136 = tpu.memref_slice %arg13[%mul3A_135] : memref<10000xi32, #tpu.memory_space<vmem>> -> memref<80xi32, #tpu.memory_space<vmem>>
      %dma_start3A_137 = arith.constant 0 : i32
      %dma_start3A_138 = arith.constant 0 : i32
      %dma_start3A_139 = tpu.memref_slice %arg3[%dma_start3A_137, %dma_start3A_138] : memref<320000x128xf32, #tpu.memory_space<hbm>> -> memref<320000x128xf32, #tpu.memory_space<hbm>>
      tpu.enqueue_indirect_dma source(%dma_start3A_139 : memref<320000x128xf32, #tpu.memory_space<hbm>>) target(%arg19 : memref<80x128xf32, #tpu.memory_space<vmem>>) offsets(%dma_start3A_136 : memref<80xi32, #tpu.memory_space<vmem>>) semaphore(%arg27 : memref<!tpu.dma_semaphore, #tpu.memory_space<semaphore_mem>>)
      %min3A_140 = arith.constant 124 : i32
      %min3A_141 = arith.minsi %min3A_71, %min3A_140 : i32
      %mul3A_142 = arith.constant 80 : i32
      %mul3A_143 = arith.muli %min3A_141, %mul3A_142 : i32
      %dma_start3A_144 = tpu.memref_slice %arg10[%mul3A_143] : memref<10000xi32, #tpu.memory_space<vmem>> -> memref<80xi32, #tpu.memory_space<vmem>>
      %dma_start3A_145 = arith.constant 0 : i32
      %dma_start3A_146 = arith.constant 0 : i32
      %dma_start3A_147 = tpu.memref_slice %arg4[%dma_start3A_145, %dma_start3A_146] : memref<10000x128xf32, #tpu.memory_space<hbm>> -> memref<10000x128xf32, #tpu.memory_space<hbm>>
      tpu.enqueue_indirect_dma source(%dma_start3A_147 : memref<10000x128xf32, #tpu.memory_space<hbm>>) target(%arg20 : memref<80x128xf32, #tpu.memory_space<vmem>>) offsets(%dma_start3A_144 : memref<80xi32, #tpu.memory_space<vmem>>) semaphore(%arg28 : memref<!tpu.dma_semaphore, #tpu.memory_space<semaphore_mem>>)
      %scan3A_148 = arith.constant 0 : i32
      %scan3A_149 = arith.constant 0 : i32
      %scan3A_150 = arith.constant 80 : i32
      %scan3A_151 = arith.addi %scan3A_149, %scan3A_150 : i32
      %scan3A_152 = arith.constant 1 : i32
      %scan3A_153 = scf.for %scan3A_241 = %scan3A_149 to %scan3A_151 step %scan3A_152 iter_args(%scan3A_242 = %scan3A_148) -> (i32)  : i32 {
        %get3A = arith.index_cast %scan3A_241 : i32 to index
        %get3A_243 = arith.constant 64 : index
        %get3A_244 = tpu.vector_load %arg14[%get3A, %get3A_243] {strides = array<i32>} : memref<80x128xf32, #tpu.memory_space<vmem>>, vector<1x16xf32>,
        %get3A_245 = vector.shape_cast %get3A_244 : vector<1x16xf32> to vector<16xf32>
        %get3A_246 = arith.index_cast %scan3A_241 : i32 to index
        %get3A_247 = arith.constant 64 : index
        %get3A_248 = tpu.vector_load %arg21[%get3A_246, %get3A_247] {strides = array<i32>} : memref<80x128xf32, #tpu.memory_space<vmem>>, vector<1x16xf32>,
        %get3A_249 = vector.shape_cast %get3A_248 : vector<1x16xf32> to vector<16xf32>
        %add3A_250 = arith.addf %get3A_245, %get3A_249 : vector<16xf32>
        %get3A_251 = arith.index_cast %scan3A_241 : i32 to index
        %get3A_252 = arith.constant 64 : index
        %get3A_253 = tpu.vector_load %arg17[%get3A_251, %get3A_252] {strides = array<i32>} : memref<80x128xf32, #tpu.memory_space<vmem>>, vector<1x16xf32>,
        %get3A_254 = vector.shape_cast %get3A_253 : vector<1x16xf32> to vector<16xf32>
        %sub3A = arith.subf %add3A_250, %get3A_254 : vector<16xf32>
        %max3A = arith.constant 0.000000e+00 : f32
        %max3A_255 = vector.broadcast %max3A : f32 to vector<16xf32>
        %max3A_256 = arith.maximumf %sub3A, %max3A_255 : vector<16xf32>
        %swap3A = arith.index_cast %scan3A_241 : i32 to index
        %swap3A_257 = arith.constant 64 : index
        %swap3A_258 = tpu.vector_load %arg14[%swap3A, %swap3A_257] {strides = array<i32>} : memref<80x128xf32, #tpu.memory_space<vmem>>, vector<1x16xf32>,
        %swap3A_259 = vector.shape_cast %swap3A_258 : vector<1x16xf32> to vector<16xf32>
        %swap3A_260 = vector.shape_cast %max3A_256 : vector<16xf32> to vector<1x16xf32>
        tpu.vector_store %arg14[%swap3A, %swap3A_257], %swap3A_260 {strides = array<i32>} : memref<80x128xf32, #tpu.memory_space<vmem>>, vector<1x16xf32>,
        %get3A_261 = arith.index_cast %scan3A_241 : i32 to index
        %get3A_262 = arith.constant 80 : index
        %get3A_263 = tpu.vector_load %arg14[%get3A_261, %get3A_262] {strides = array<i32>} : memref<80x128xf32, #tpu.memory_space<vmem>>, vector<1x16xf32>,
        %get3A_264 = vector.shape_cast %get3A_263 : vector<1x16xf32> to vector<16xf32>
        %get3A_265 = arith.index_cast %scan3A_241 : i32 to index
        %get3A_266 = arith.constant 80 : index
        %get3A_267 = tpu.vector_load %arg21[%get3A_265, %get3A_266] {strides = array<i32>} : memref<80x128xf32, #tpu.memory_space<vmem>>, vector<1x16xf32>,
        %get3A_268 = vector.shape_cast %get3A_267 : vector<1x16xf32> to vector<16xf32>
        %add3A_269 = arith.addf %get3A_264, %get3A_268 : vector<16xf32>
        %get3A_270 = arith.index_cast %scan3A_241 : i32 to index
        %get3A_271 = arith.constant 80 : index
        %get3A_272 = tpu.vector_load %arg17[%get3A_270, %get3A_271] {strides = array<i32>} : memref<80x128xf32, #tpu.memory_space<vmem>>, vector<1x16xf32>,
        %get3A_273 = vector.shape_cast %get3A_272 : vector<1x16xf32> to vector<16xf32>
        %sub3A_274 = arith.subf %add3A_269, %get3A_273 : vector<16xf32>
        %max3A_275 = arith.constant 0.000000e+00 : f32
        %max3A_276 = vector.broadcast %max3A_275 : f32 to vector<16xf32>
        %max3A_277 = arith.maximumf %sub3A_274, %max3A_276 : vector<16xf32>
        %swap3A_278 = arith.index_cast %scan3A_241 : i32 to index
        %swap3A_279 = arith.constant 80 : index
        %swap3A_280 = tpu.vector_load %arg14[%swap3A_278, %swap3A_279] {strides = array<i32>} : memref<80x128xf32, #tpu.memory_space<vmem>>, vector<1x16xf32>,
        %swap3A_281 = vector.shape_cast %swap3A_280 : vector<1x16xf32> to vector<16xf32>
        %swap3A_282 = vector.shape_cast %max3A_277 : vector<16xf32> to vector<1x16xf32>
        tpu.vector_store %arg14[%swap3A_278, %swap3A_279], %swap3A_282 {strides = array<i32>} : memref<80x128xf32, #tpu.memory_space<vmem>>, vector<1x16xf32>,
        %get3A_283 = arith.index_cast %scan3A_241 : i32 to index
        %get3A_284 = arith.constant 96 : index
        %get3A_285 = tpu.vector_load %arg14[%get3A_283, %get3A_284] {strides = array<i32>} : memref<80x128xf32, #tpu.memory_space<vmem>>, vector<1x16xf32>,
        %get3A_286 = vector.shape_cast %get3A_285 : vector<1x16xf32> to vector<16xf32>
        %get3A_287 = arith.index_cast %scan3A_241 : i32 to index
        %get3A_288 = arith.constant 96 : index
        %get3A_289 = tpu.vector_load %arg21[%get3A_287, %get3A_288] {strides = array<i32>} : memref<80x128xf32, #tpu.memory_space<vmem>>, vector<1x16xf32>,
        %get3A_290 = vector.shape_cast %get3A_289 : vector<1x16xf32> to vector<16xf32>
        %add3A_291 = arith.addf %get3A_286, %get3A_290 : vector<16xf32>
        %get3A_292 = arith.index_cast %scan3A_241 : i32 to index
        %get3A_293 = arith.constant 96 : index
        %get3A_294 = tpu.vector_load %arg17[%get3A_292, %get3A_293] {strides = array<i32>} : memref<80x128xf32, #tpu.memory_space<vmem>>, vector<1x16xf32>,
        %get3A_295 = vector.shape_cast %get3A_294 : vector<1x16xf32> to vector<16xf32>
        %sub3A_296 = arith.subf %add3A_291, %get3A_295 : vector<16xf32>
        %max3A_297 = arith.constant 0.000000e+00 : f32
        %max3A_298 = vector.broadcast %max3A_297 : f32 to vector<16xf32>
        %max3A_299 = arith.maximumf %sub3A_296, %max3A_298 : vector<16xf32>
        %swap3A_300 = arith.index_cast %scan3A_241 : i32 to index
        %swap3A_301 = arith.constant 96 : index
        %swap3A_302 = tpu.vector_load %arg14[%swap3A_300, %swap3A_301] {strides = array<i32>} : memref<80x128xf32, #tpu.memory_space<vmem>>, vector<1x16xf32>,
        %swap3A_303 = vector.shape_cast %swap3A_302 : vector<1x16xf32> to vector<16xf32>
        %swap3A_304 = vector.shape_cast %max3A_299 : vector<16xf32> to vector<1x16xf32>
        tpu.vector_store %arg14[%swap3A_300, %swap3A_301], %swap3A_304 {strides = array<i32>} : memref<80x128xf32, #tpu.memory_space<vmem>>, vector<1x16xf32>,
        %get3A_305 = arith.index_cast %scan3A_241 : i32 to index
        %get3A_306 = arith.constant 112 : index
        %get3A_307 = tpu.vector_load %arg14[%get3A_305, %get3A_306] {strides = array<i32>} : memref<80x128xf32, #tpu.memory_space<vmem>>, vector<1x16xf32>,
        %get3A_308 = vector.shape_cast %get3A_307 : vector<1x16xf32> to vector<16xf32>
        %get3A_309 = arith.index_cast %scan3A_241 : i32 to index
        %get3A_310 = arith.constant 112 : index
        %get3A_311 = tpu.vector_load %arg21[%get3A_309, %get3A_310] {strides = array<i32>} : memref<80x128xf32, #tpu.memory_space<vmem>>, vector<1x16xf32>,
        %get3A_312 = vector.shape_cast %get3A_311 : vector<1x16xf32> to vector<16xf32>
        %add3A_313 = arith.addf %get3A_308, %get3A_312 : vector<16xf32>
        %get3A_314 = arith.index_cast %scan3A_241 : i32 to index
        %get3A_315 = arith.constant 112 : index
        %get3A_316 = tpu.vector_load %arg17[%get3A_314, %get3A_315] {strides = array<i32>} : memref<80x128xf32, #tpu.memory_space<vmem>>, vector<1x16xf32>,
        %get3A_317 = vector.shape_cast %get3A_316 : vector<1x16xf32> to vector<16xf32>
        %sub3A_318 = arith.subf %add3A_313, %get3A_317 : vector<16xf32>
        %max3A_319 = arith.constant 0.000000e+00 : f32
        %max3A_320 = vector.broadcast %max3A_319 : f32 to vector<16xf32>
        %max3A_321 = arith.maximumf %sub3A_318, %max3A_320 : vector<16xf32>
        %swap3A_322 = arith.index_cast %scan3A_241 : i32 to index
        %swap3A_323 = arith.constant 112 : index
        %swap3A_324 = tpu.vector_load %arg14[%swap3A_322, %swap3A_323] {strides = array<i32>} : memref<80x128xf32, #tpu.memory_space<vmem>>, vector<1x16xf32>,
        %swap3A_325 = vector.shape_cast %swap3A_324 : vector<1x16xf32> to vector<16xf32>
        %swap3A_326 = vector.shape_cast %max3A_321 : vector<16xf32> to vector<1x16xf32>
        tpu.vector_store %arg14[%swap3A_322, %swap3A_323], %swap3A_326 {strides = array<i32>} : memref<80x128xf32, #tpu.memory_space<vmem>>, vector<1x16xf32>,
        %scan3A_327 = arith.constant 0 : i32
        scf.yield %scan3A_327 : i32
      }
      %scan3A_154 = arith.constant 80 : i32
      %mul3A_155 = arith.constant 80 : i32
      %mul3A_156 = arith.muli %mul3A_65, %mul3A_155 : i32
      %add3A_157 = arith.addi %mul3A_2, %mul3A_156 : i32
      "tpu.region"() ({
        %run_scoped3A = tpu.sem_alloc : memref<!tpu.dma_semaphore, #tpu.memory_space<semaphore_mem>>
        %dma_start3A_241 = arith.constant 0 : i32
        %dma_start3A_242 = tpu.memref_slice %arg9[%add3A_157, %dma_start3A_241] : memref<320000x128xf32, #tpu.memory_space<hbm>> -> memref<80x128xf32, #tpu.memory_space<hbm>>
        %dma_start3A_243 = arith.constant 0 : i32
        %dma_start3A_244 = tpu.memref_slice %arg9[%add3A_157, %dma_start3A_243] : memref<320000x128xf32, #tpu.memory_space<hbm>> -> memref<80x128xf32, #tpu.memory_space<hbm>>
        tpu.enqueue_dma source(%arg14 : memref<80x128xf32, #tpu.memory_space<vmem>>) target(%dma_start3A_244 : memref<80x128xf32, #tpu.memory_space<hbm>>) target_semaphore(%run_scoped3A : memref<!tpu.dma_semaphore, #tpu.memory_space<semaphore_mem>>)
        %dma_wait3A_245 = arith.constant 0 : i32
        %dma_wait3A_246 = tpu.memref_slice %arg9[%add3A_157, %dma_wait3A_245] : memref<320000x128xf32, #tpu.memory_space<hbm>> -> memref<80x128xf32, #tpu.memory_space<hbm>>
        %dma_wait3A_247 = arith.constant 0 : i32
        %dma_wait3A_248 = tpu.memref_slice %arg9[%add3A_157, %dma_wait3A_247] : memref<320000x128xf32, #tpu.memory_space<hbm>> -> memref<80x128xf32, #tpu.memory_space<hbm>>
        tpu.wait_dma2 semaphore(%run_scoped3A : memref<!tpu.dma_semaphore, #tpu.memory_space<semaphore_mem>>) src(%arg14 : memref<80x128xf32, #tpu.memory_space<vmem>>) dst(%dma_wait3A_248 : memref<80x128xf32, #tpu.memory_space<hbm>>)
        tpu.yield
      }) : () -> ()
      %dma_wait3A_158 = arith.constant 0 : i32
      %dma_wait3A_159 = tpu.memref_slice %arg2[%mul3A_2, %dma_wait3A_158] : memref<320000x128xf32, #tpu.memory_space<hbm>> -> memref<80x128xf32, #tpu.memory_space<hbm>>
      %dma_wait3A_160 = arith.constant 0 : i32
      %dma_wait3A_161 = tpu.memref_slice %arg2[%mul3A_2, %dma_wait3A_160] : memref<320000x128xf32, #tpu.memory_space<hbm>> -> memref<80x128xf32, #tpu.memory_space<hbm>>
      tpu.wait_dma2 semaphore(%arg23 : memref<!tpu.dma_semaphore, #tpu.memory_space<semaphore_mem>>) src(%dma_wait3A_161 : memref<80x128xf32, #tpu.memory_space<hbm>>) dst(%arg15 : memref<80x128xf32, #tpu.memory_space<vmem>>)
      %dma_wait3A_162 = arith.constant 0 : i32
      %dma_wait3A_163 = tpu.memref_slice %arg12[%dma_wait3A_162] : memref<10000xi32, #tpu.memory_space<vmem>> -> memref<80xi32, #tpu.memory_space<vmem>>
      %dma_wait3A_164 = arith.constant 0 : i32
      %dma_wait3A_165 = arith.constant 0 : i32
      %dma_wait3A_166 = tpu.memref_slice %arg3[%dma_wait3A_164, %dma_wait3A_165] : memref<320000x128xf32, #tpu.memory_space<hbm>> -> memref<320000x128xf32, #tpu.memory_space<hbm>>
      tpu.wait_indirect_dma semaphore(%arg26 : memref<!tpu.dma_semaphore, #tpu.memory_space<semaphore_mem>>) src(%dma_wait3A_166 : memref<320000x128xf32, #tpu.memory_space<hbm>>) dst(%arg18 : memref<80x128xf32, #tpu.memory_space<vmem>>)
      %dma_wait3A_167 = arith.constant 0 : i32
      %dma_wait3A_168 = tpu.memref_slice %arg10[%dma_wait3A_167] : memref<10000xi32, #tpu.memory_space<vmem>> -> memref<80xi32, #tpu.memory_space<vmem>>
      %dma_wait3A_169 = arith.constant 0 : i32
      %dma_wait3A_170 = arith.constant 0 : i32
      %dma_wait3A_171 = tpu.memref_slice %arg4[%dma_wait3A_169, %dma_wait3A_170] : memref<10000x128xf32, #tpu.memory_space<hbm>> -> memref<10000x128xf32, #tpu.memory_space<hbm>>
      tpu.wait_indirect_dma semaphore(%arg28 : memref<!tpu.dma_semaphore, #tpu.memory_space<semaphore_mem>>) src(%dma_wait3A_171 : memref<10000x128xf32, #tpu.memory_space<hbm>>) dst(%arg20 : memref<80x128xf32, #tpu.memory_space<vmem>>)
      %min3A_172 = arith.constant 124 : i32
      %min3A_173 = arith.minsi %add3A_75, %min3A_172 : i32
      %mul3A_174 = arith.constant 80 : i32
      %mul3A_175 = arith.muli %min3A_173, %mul3A_174 : i32
      %dma_start3A_176 = tpu.memref_slice %arg12[%mul3A_175] : memref<10000xi32, #tpu.memory_space<vmem>> -> memref<80xi32, #tpu.memory_space<vmem>>
      %dma_start3A_177 = arith.constant 0 : i32
      %dma_start3A_178 = arith.constant 0 : i32
      %dma_start3A_179 = tpu.memref_slice %arg3[%dma_start3A_177, %dma_start3A_178] : memref<320000x128xf32, #tpu.memory_space<hbm>> -> memref<320000x128xf32, #tpu.memory_space<hbm>>
      tpu.enqueue_indirect_dma source(%dma_start3A_179 : memref<320000x128xf32, #tpu.memory_space<hbm>>) target(%arg16 : memref<80x128xf32, #tpu.memory_space<vmem>>) offsets(%dma_start3A_176 : memref<80xi32, #tpu.memory_space<vmem>>) semaphore(%arg24 : memref<!tpu.dma_semaphore, #tpu.memory_space<semaphore_mem>>)
      %min3A_180 = arith.constant 124 : i32
      %min3A_181 = arith.minsi %min3A_71, %min3A_180 : i32
      %mul3A_182 = arith.constant 80 : i32
      %mul3A_183 = arith.muli %min3A_181, %mul3A_182 : i32
      %dma_start3A_184 = tpu.memref_slice %arg11[%mul3A_183] : memref<10000xi32, #tpu.memory_space<vmem>> -> memref<80xi32, #tpu.memory_space<vmem>>
      %dma_start3A_185 = arith.constant 0 : i32
      %dma_start3A_186 = arith.constant 0 : i32
      %dma_start3A_187 = tpu.memref_slice %arg4[%dma_start3A_185, %dma_start3A_186] : memref<10000x128xf32, #tpu.memory_space<hbm>> -> memref<10000x128xf32, #tpu.memory_space<hbm>>
      tpu.enqueue_indirect_dma source(%dma_start3A_187 : memref<10000x128xf32, #tpu.memory_space<hbm>>) target(%arg21 : memref<80x128xf32, #tpu.memory_space<vmem>>) offsets(%dma_start3A_184 : memref<80xi32, #tpu.memory_space<vmem>>) semaphore(%arg29 : memref<!tpu.dma_semaphore, #tpu.memory_space<semaphore_mem>>)
      %min3A_188 = arith.constant 124 : i32
      %min3A_189 = arith.minsi %add3A_75, %min3A_188 : i32
      %mul3A_190 = arith.constant 80 : i32
      %mul3A_191 = arith.muli %min3A_189, %mul3A_190 : i32
      %add3A_192 = arith.addi %mul3A_2, %mul3A_191 : i32
      %dma_start3A_193 = arith.constant 0 : i32
      %dma_start3A_194 = tpu.memref_slice %arg2[%add3A_192, %dma_start3A_193] : memref<320000x128xf32, #tpu.memory_space<hbm>> -> memref<80x128xf32, #tpu.memory_space<hbm>>
      %dma_start3A_195 = arith.constant 0 : i32
      %dma_start3A_196 = tpu.memref_slice %arg2[%add3A_192, %dma_start3A_195] : memref<320000x128xf32, #tpu.memory_space<hbm>> -> memref<80x128xf32, #tpu.memory_space<hbm>>
      tpu.enqueue_dma source(%dma_start3A_196 : memref<80x128xf32, #tpu.memory_space<hbm>>) target(%arg14 : memref<80x128xf32, #tpu.memory_space<vmem>>) target_semaphore(%arg22 : memref<!tpu.dma_semaphore, #tpu.memory_space<semaphore_mem>>)
      %scan3A_197 = arith.constant 0 : i32
      %scan3A_198 = arith.constant 0 : i32
      %scan3A_199 = arith.constant 80 : i32
      %scan3A_200 = arith.addi %scan3A_198, %scan3A_199 : i32
      %scan3A_201 = arith.constant 1 : i32
      %scan3A_202 = scf.for %scan3A_241 = %scan3A_198 to %scan3A_200 step %scan3A_201 iter_args(%scan3A_242 = %scan3A_197) -> (i32)  : i32 {
        %get3A = arith.index_cast %scan3A_241 : i32 to index
        %get3A_243 = arith.constant 0 : index
        %get3A_244 = tpu.vector_load %arg15[%get3A, %get3A_243] {strides = array<i32>} : memref<80x128xf32, #tpu.memory_space<vmem>>, vector<1x16xf32>,
        %get3A_245 = vector.shape_cast %get3A_244 : vector<1x16xf32> to vector<16xf32>
        %get3A_246 = arith.index_cast %scan3A_241 : i32 to index
        %get3A_247 = arith.constant 0 : index
        %get3A_248 = tpu.vector_load %arg20[%get3A_246, %get3A_247] {strides = array<i32>} : memref<80x128xf32, #tpu.memory_space<vmem>>, vector<1x16xf32>,
        %get3A_249 = vector.shape_cast %get3A_248 : vector<1x16xf32> to vector<16xf32>
        %add3A_250 = arith.addf %get3A_245, %get3A_249 : vector<16xf32>
        %get3A_251 = arith.index_cast %scan3A_241 : i32 to index
        %get3A_252 = arith.constant 0 : index
        %get3A_253 = tpu.vector_load %arg18[%get3A_251, %get3A_252] {strides = array<i32>} : memref<80x128xf32, #tpu.memory_space<vmem>>, vector<1x16xf32>,
        %get3A_254 = vector.shape_cast %get3A_253 : vector<1x16xf32> to vector<16xf32>
        %sub3A = arith.subf %add3A_250, %get3A_254 : vector<16xf32>
        %max3A = arith.constant 0.000000e+00 : f32
        %max3A_255 = vector.broadcast %max3A : f32 to vector<16xf32>
        %max3A_256 = arith.maximumf %sub3A, %max3A_255 : vector<16xf32>
        %swap3A = arith.index_cast %scan3A_241 : i32 to index
        %swap3A_257 = arith.constant 0 : index
        %swap3A_258 = tpu.vector_load %arg15[%swap3A, %swap3A_257] {strides = array<i32>} : memref<80x128xf32, #tpu.memory_space<vmem>>, vector<1x16xf32>,
        %swap3A_259 = vector.shape_cast %swap3A_258 : vector<1x16xf32> to vector<16xf32>
        %swap3A_260 = vector.shape_cast %max3A_256 : vector<16xf32> to vector<1x16xf32>
        tpu.vector_store %arg15[%swap3A, %swap3A_257], %swap3A_260 {strides = array<i32>} : memref<80x128xf32, #tpu.memory_space<vmem>>, vector<1x16xf32>,
        %get3A_261 = arith.index_cast %scan3A_241 : i32 to index
        %get3A_262 = arith.constant 16 : index
        %get3A_263 = tpu.vector_load %arg15[%get3A_261, %get3A_262] {strides = array<i32>} : memref<80x128xf32, #tpu.memory_space<vmem>>, vector<1x16xf32>,
        %get3A_264 = vector.shape_cast %get3A_263 : vector<1x16xf32> to vector<16xf32>
        %get3A_265 = arith.index_cast %scan3A_241 : i32 to index
        %get3A_266 = arith.constant 16 : index
        %get3A_267 = tpu.vector_load %arg20[%get3A_265, %get3A_266] {strides = array<i32>} : memref<80x128xf32, #tpu.memory_space<vmem>>, vector<1x16xf32>,
        %get3A_268 = vector.shape_cast %get3A_267 : vector<1x16xf32> to vector<16xf32>
        %add3A_269 = arith.addf %get3A_264, %get3A_268 : vector<16xf32>
        %get3A_270 = arith.index_cast %scan3A_241 : i32 to index
        %get3A_271 = arith.constant 16 : index
        %get3A_272 = tpu.vector_load %arg18[%get3A_270, %get3A_271] {strides = array<i32>} : memref<80x128xf32, #tpu.memory_space<vmem>>, vector<1x16xf32>,
        %get3A_273 = vector.shape_cast %get3A_272 : vector<1x16xf32> to vector<16xf32>
        %sub3A_274 = arith.subf %add3A_269, %get3A_273 : vector<16xf32>
        %max3A_275 = arith.constant 0.000000e+00 : f32
        %max3A_276 = vector.broadcast %max3A_275 : f32 to vector<16xf32>
        %max3A_277 = arith.maximumf %sub3A_274, %max3A_276 : vector<16xf32>
        %swap3A_278 = arith.index_cast %scan3A_241 : i32 to index
        %swap3A_279 = arith.constant 16 : index
        %swap3A_280 = tpu.vector_load %arg15[%swap3A_278, %swap3A_279] {strides = array<i32>} : memref<80x128xf32, #tpu.memory_space<vmem>>, vector<1x16xf32>,
        %swap3A_281 = vector.shape_cast %swap3A_280 : vector<1x16xf32> to vector<16xf32>
        %swap3A_282 = vector.shape_cast %max3A_277 : vector<16xf32> to vector<1x16xf32>
        tpu.vector_store %arg15[%swap3A_278, %swap3A_279], %swap3A_282 {strides = array<i32>} : memref<80x128xf32, #tpu.memory_space<vmem>>, vector<1x16xf32>,
        %get3A_283 = arith.index_cast %scan3A_241 : i32 to index
        %get3A_284 = arith.constant 32 : index
        %get3A_285 = tpu.vector_load %arg15[%get3A_283, %get3A_284] {strides = array<i32>} : memref<80x128xf32, #tpu.memory_space<vmem>>, vector<1x16xf32>,
        %get3A_286 = vector.shape_cast %get3A_285 : vector<1x16xf32> to vector<16xf32>
        %get3A_287 = arith.index_cast %scan3A_241 : i32 to index
        %get3A_288 = arith.constant 32 : index
        %get3A_289 = tpu.vector_load %arg20[%get3A_287, %get3A_288] {strides = array<i32>} : memref<80x128xf32, #tpu.memory_space<vmem>>, vector<1x16xf32>,
        %get3A_290 = vector.shape_cast %get3A_289 : vector<1x16xf32> to vector<16xf32>
        %add3A_291 = arith.addf %get3A_286, %get3A_290 : vector<16xf32>
        %get3A_292 = arith.index_cast %scan3A_241 : i32 to index
        %get3A_293 = arith.constant 32 : index
        %get3A_294 = tpu.vector_load %arg18[%get3A_292, %get3A_293] {strides = array<i32>} : memref<80x128xf32, #tpu.memory_space<vmem>>, vector<1x16xf32>,
        %get3A_295 = vector.shape_cast %get3A_294 : vector<1x16xf32> to vector<16xf32>
        %sub3A_296 = arith.subf %add3A_291, %get3A_295 : vector<16xf32>
        %max3A_297 = arith.constant 0.000000e+00 : f32
        %max3A_298 = vector.broadcast %max3A_297 : f32 to vector<16xf32>
        %max3A_299 = arith.maximumf %sub3A_296, %max3A_298 : vector<16xf32>
        %swap3A_300 = arith.index_cast %scan3A_241 : i32 to index
        %swap3A_301 = arith.constant 32 : index
        %swap3A_302 = tpu.vector_load %arg15[%swap3A_300, %swap3A_301] {strides = array<i32>} : memref<80x128xf32, #tpu.memory_space<vmem>>, vector<1x16xf32>,
        %swap3A_303 = vector.shape_cast %swap3A_302 : vector<1x16xf32> to vector<16xf32>
        %swap3A_304 = vector.shape_cast %max3A_299 : vector<16xf32> to vector<1x16xf32>
        tpu.vector_store %arg15[%swap3A_300, %swap3A_301], %swap3A_304 {strides = array<i32>} : memref<80x128xf32, #tpu.memory_space<vmem>>, vector<1x16xf32>,
        %get3A_305 = arith.index_cast %scan3A_241 : i32 to index
        %get3A_306 = arith.constant 48 : index
        %get3A_307 = tpu.vector_load %arg15[%get3A_305, %get3A_306] {strides = array<i32>} : memref<80x128xf32, #tpu.memory_space<vmem>>, vector<1x16xf32>,
        %get3A_308 = vector.shape_cast %get3A_307 : vector<1x16xf32> to vector<16xf32>
        %get3A_309 = arith.index_cast %scan3A_241 : i32 to index
        %get3A_310 = arith.constant 48 : index
        %get3A_311 = tpu.vector_load %arg20[%get3A_309, %get3A_310] {strides = array<i32>} : memref<80x128xf32, #tpu.memory_space<vmem>>, vector<1x16xf32>,
        %get3A_312 = vector.shape_cast %get3A_311 : vector<1x16xf32> to vector<16xf32>
        %add3A_313 = arith.addf %get3A_308, %get3A_312 : vector<16xf32>
        %get3A_314 = arith.index_cast %scan3A_241 : i32 to index
        %get3A_315 = arith.constant 48 : index
        %get3A_316 = tpu.vector_load %arg18[%get3A_314, %get3A_315] {strides = array<i32>} : memref<80x128xf32, #tpu.memory_space<vmem>>, vector<1x16xf32>,
        %get3A_317 = vector.shape_cast %get3A_316 : vector<1x16xf32> to vector<16xf32>
        %sub3A_318 = arith.subf %add3A_313, %get3A_317 : vector<16xf32>
        %max3A_319 = arith.constant 0.000000e+00 : f32
        %max3A_320 = vector.broadcast %max3A_319 : f32 to vector<16xf32>
        %max3A_321 = arith.maximumf %sub3A_318, %max3A_320 : vector<16xf32>
        %swap3A_322 = arith.index_cast %scan3A_241 : i32 to index
        %swap3A_323 = arith.constant 48 : index
        %swap3A_324 = tpu.vector_load %arg15[%swap3A_322, %swap3A_323] {strides = array<i32>} : memref<80x128xf32, #tpu.memory_space<vmem>>, vector<1x16xf32>,
        %swap3A_325 = vector.shape_cast %swap3A_324 : vector<1x16xf32> to vector<16xf32>
        %swap3A_326 = vector.shape_cast %max3A_321 : vector<16xf32> to vector<1x16xf32>
        tpu.vector_store %arg15[%swap3A_322, %swap3A_323], %swap3A_326 {strides = array<i32>} : memref<80x128xf32, #tpu.memory_space<vmem>>, vector<1x16xf32>,
        %scan3A_327 = arith.constant 0 : i32
        scf.yield %scan3A_327 : i32
      }
      %scan3A_203 = arith.constant 80 : i32
      %dma_wait3A_204 = arith.constant 0 : i32
      %dma_wait3A_205 = tpu.memref_slice %arg13[%dma_wait3A_204] : memref<10000xi32, #tpu.memory_space<vmem>> -> memref<80xi32, #tpu.memory_space<vmem>>
      %dma_wait3A_206 = arith.constant 0 : i32
      %dma_wait3A_207 = arith.constant 0 : i32
      %dma_wait3A_208 = tpu.memref_slice %arg3[%dma_wait3A_206, %dma_wait3A_207] : memref<320000x128xf32, #tpu.memory_space<hbm>> -> memref<320000x128xf32, #tpu.memory_space<hbm>>
      tpu.wait_indirect_dma semaphore(%arg27 : memref<!tpu.dma_semaphore, #tpu.memory_space<semaphore_mem>>) src(%dma_wait3A_208 : memref<320000x128xf32, #tpu.memory_space<hbm>>) dst(%arg19 : memref<80x128xf32, #tpu.memory_space<vmem>>)
      %dma_wait3A_209 = arith.constant 0 : i32
      %dma_wait3A_210 = tpu.memref_slice %arg11[%dma_wait3A_209] : memref<10000xi32, #tpu.memory_space<vmem>> -> memref<80xi32, #tpu.memory_space<vmem>>
      %dma_wait3A_211 = arith.constant 0 : i32
      %dma_wait3A_212 = arith.constant 0 : i32
      %dma_wait3A_213 = tpu.memref_slice %arg4[%dma_wait3A_211, %dma_wait3A_212] : memref<10000x128xf32, #tpu.memory_space<hbm>> -> memref<10000x128xf32, #tpu.memory_space<hbm>>
      tpu.wait_indirect_dma semaphore(%arg29 : memref<!tpu.dma_semaphore, #tpu.memory_space<semaphore_mem>>) src(%dma_wait3A_213 : memref<10000x128xf32, #tpu.memory_space<hbm>>) dst(%arg21 : memref<80x128xf32, #tpu.memory_space<vmem>>)
      %min3A_214 = arith.constant 124 : i32
      %min3A_215 = arith.minsi %add3A_75, %min3A_214 : i32
      %mul3A_216 = arith.constant 80 : i32
      %mul3A_217 = arith.muli %min3A_215, %mul3A_216 : i32
      %dma_start3A_218 = tpu.memref_slice %arg13[%mul3A_217] : memref<10000xi32, #tpu.memory_space<vmem>> -> memref<80xi32, #tpu.memory_space<vmem>>
      %dma_start3A_219 = arith.constant 0 : i32
      %dma_start3A_220 = arith.constant 0 : i32
      %dma_start3A_221 = tpu.memref_slice %arg3[%dma_start3A_219, %dma_start3A_220] : memref<320000x128xf32, #tpu.memory_space<hbm>> -> memref<320000x128xf32, #tpu.memory_space<hbm>>
      tpu.enqueue_indirect_dma source(%dma_start3A_221 : memref<320000x128xf32, #tpu.memory_space<hbm>>) target(%arg17 : memref<80x128xf32, #tpu.memory_space<vmem>>) offsets(%dma_start3A_218 : memref<80xi32, #tpu.memory_space<vmem>>) semaphore(%arg25 : memref<!tpu.dma_semaphore, #tpu.memory_space<semaphore_mem>>)
      %min3A_222 = arith.constant 124 : i32
      %min3A_223 = arith.minsi %add3A_75, %min3A_222 : i32
      %mul3A_224 = arith.constant 80 : i32
      %mul3A_225 = arith.muli %min3A_223, %mul3A_224 : i32
      %dma_start3A_226 = tpu.memref_slice %arg10[%mul3A_225] : memref<10000xi32, #tpu.memory_space<vmem>> -> memref<80xi32, #tpu.memory_space<vmem>>
      %dma_start3A_227 = arith.constant 0 : i32
      %dma_start3A_228 = arith.constant 0 : i32
      %dma_start3A_229 = tpu.memref_slice %arg4[%dma_start3A_227, %dma_start3A_228] : memref<10000x128xf32, #tpu.memory_space<hbm>> -> memref<10000x128xf32, #tpu.memory_space<hbm>>
      tpu.enqueue_indirect_dma source(%dma_start3A_229 : memref<10000x128xf32, #tpu.memory_space<hbm>>) target(%arg20 : memref<80x128xf32, #tpu.memory_space<vmem>>) offsets(%dma_start3A_226 : memref<80xi32, #tpu.memory_space<vmem>>) semaphore(%arg28 : memref<!tpu.dma_semaphore, #tpu.memory_space<semaphore_mem>>)
      %scan3A_230 = arith.constant 0 : i32
      %scan3A_231 = arith.constant 0 : i32
      %scan3A_232 = arith.constant 80 : i32
      %scan3A_233 = arith.addi %scan3A_231, %scan3A_232 : i32
      %scan3A_234 = arith.constant 1 : i32
      %scan3A_235 = scf.for %scan3A_241 = %scan3A_231 to %scan3A_233 step %scan3A_234 iter_args(%scan3A_242 = %scan3A_230) -> (i32)  : i32 {
        %get3A = arith.index_cast %scan3A_241 : i32 to index
        %get3A_243 = arith.constant 64 : index
        %get3A_244 = tpu.vector_load %arg15[%get3A, %get3A_243] {strides = array<i32>} : memref<80x128xf32, #tpu.memory_space<vmem>>, vector<1x16xf32>,
        %get3A_245 = vector.shape_cast %get3A_244 : vector<1x16xf32> to vector<16xf32>
        %get3A_246 = arith.index_cast %scan3A_241 : i32 to index
        %get3A_247 = arith.constant 64 : index
        %get3A_248 = tpu.vector_load %arg21[%get3A_246, %get3A_247] {strides = array<i32>} : memref<80x128xf32, #tpu.memory_space<vmem>>, vector<1x16xf32>,
        %get3A_249 = vector.shape_cast %get3A_248 : vector<1x16xf32> to vector<16xf32>
        %add3A_250 = arith.addf %get3A_245, %get3A_249 : vector<16xf32>
        %get3A_251 = arith.index_cast %scan3A_241 : i32 to index
        %get3A_252 = arith.constant 64 : index
        %get3A_253 = tpu.vector_load %arg19[%get3A_251, %get3A_252] {strides = array<i32>} : memref<80x128xf32, #tpu.memory_space<vmem>>, vector<1x16xf32>,
        %get3A_254 = vector.shape_cast %get3A_253 : vector<1x16xf32> to vector<16xf32>
        %sub3A = arith.subf %add3A_250, %get3A_254 : vector<16xf32>
        %max3A = arith.constant 0.000000e+00 : f32
        %max3A_255 = vector.broadcast %max3A : f32 to vector<16xf32>
        %max3A_256 = arith.maximumf %sub3A, %max3A_255 : vector<16xf32>
        %swap3A = arith.index_cast %scan3A_241 : i32 to index
        %swap3A_257 = arith.constant 64 : index
        %swap3A_258 = tpu.vector_load %arg15[%swap3A, %swap3A_257] {strides = array<i32>} : memref<80x128xf32, #tpu.memory_space<vmem>>, vector<1x16xf32>,
        %swap3A_259 = vector.shape_cast %swap3A_258 : vector<1x16xf32> to vector<16xf32>
        %swap3A_260 = vector.shape_cast %max3A_256 : vector<16xf32> to vector<1x16xf32>
        tpu.vector_store %arg15[%swap3A, %swap3A_257], %swap3A_260 {strides = array<i32>} : memref<80x128xf32, #tpu.memory_space<vmem>>, vector<1x16xf32>,
        %get3A_261 = arith.index_cast %scan3A_241 : i32 to index
        %get3A_262 = arith.constant 80 : index
        %get3A_263 = tpu.vector_load %arg15[%get3A_261, %get3A_262] {strides = array<i32>} : memref<80x128xf32, #tpu.memory_space<vmem>>, vector<1x16xf32>,
        %get3A_264 = vector.shape_cast %get3A_263 : vector<1x16xf32> to vector<16xf32>
        %get3A_265 = arith.index_cast %scan3A_241 : i32 to index
        %get3A_266 = arith.constant 80 : index
        %get3A_267 = tpu.vector_load %arg21[%get3A_265, %get3A_266] {strides = array<i32>} : memref<80x128xf32, #tpu.memory_space<vmem>>, vector<1x16xf32>,
        %get3A_268 = vector.shape_cast %get3A_267 : vector<1x16xf32> to vector<16xf32>
        %add3A_269 = arith.addf %get3A_264, %get3A_268 : vector<16xf32>
        %get3A_270 = arith.index_cast %scan3A_241 : i32 to index
        %get3A_271 = arith.constant 80 : index
        %get3A_272 = tpu.vector_load %arg19[%get3A_270, %get3A_271] {strides = array<i32>} : memref<80x128xf32, #tpu.memory_space<vmem>>, vector<1x16xf32>,
        %get3A_273 = vector.shape_cast %get3A_272 : vector<1x16xf32> to vector<16xf32>
        %sub3A_274 = arith.subf %add3A_269, %get3A_273 : vector<16xf32>
        %max3A_275 = arith.constant 0.000000e+00 : f32
        %max3A_276 = vector.broadcast %max3A_275 : f32 to vector<16xf32>
        %max3A_277 = arith.maximumf %sub3A_274, %max3A_276 : vector<16xf32>
        %swap3A_278 = arith.index_cast %scan3A_241 : i32 to index
        %swap3A_279 = arith.constant 80 : index
        %swap3A_280 = tpu.vector_load %arg15[%swap3A_278, %swap3A_279] {strides = array<i32>} : memref<80x128xf32, #tpu.memory_space<vmem>>, vector<1x16xf32>,
        %swap3A_281 = vector.shape_cast %swap3A_280 : vector<1x16xf32> to vector<16xf32>
        %swap3A_282 = vector.shape_cast %max3A_277 : vector<16xf32> to vector<1x16xf32>
        tpu.vector_store %arg15[%swap3A_278, %swap3A_279], %swap3A_282 {strides = array<i32>} : memref<80x128xf32, #tpu.memory_space<vmem>>, vector<1x16xf32>,
        %get3A_283 = arith.index_cast %scan3A_241 : i32 to index
        %get3A_284 = arith.constant 96 : index
        %get3A_285 = tpu.vector_load %arg15[%get3A_283, %get3A_284] {strides = array<i32>} : memref<80x128xf32, #tpu.memory_space<vmem>>, vector<1x16xf32>,
        %get3A_286 = vector.shape_cast %get3A_285 : vector<1x16xf32> to vector<16xf32>
        %get3A_287 = arith.index_cast %scan3A_241 : i32 to index
        %get3A_288 = arith.constant 96 : index
        %get3A_289 = tpu.vector_load %arg21[%get3A_287, %get3A_288] {strides = array<i32>} : memref<80x128xf32, #tpu.memory_space<vmem>>, vector<1x16xf32>,
        %get3A_290 = vector.shape_cast %get3A_289 : vector<1x16xf32> to vector<16xf32>
        %add3A_291 = arith.addf %get3A_286, %get3A_290 : vector<16xf32>
        %get3A_292 = arith.index_cast %scan3A_241 : i32 to index
        %get3A_293 = arith.constant 96 : index
        %get3A_294 = tpu.vector_load %arg19[%get3A_292, %get3A_293] {strides = array<i32>} : memref<80x128xf32, #tpu.memory_space<vmem>>, vector<1x16xf32>,
        %get3A_295 = vector.shape_cast %get3A_294 : vector<1x16xf32> to vector<16xf32>
        %sub3A_296 = arith.subf %add3A_291, %get3A_295 : vector<16xf32>
        %max3A_297 = arith.constant 0.000000e+00 : f32
        %max3A_298 = vector.broadcast %max3A_297 : f32 to vector<16xf32>
        %max3A_299 = arith.maximumf %sub3A_296, %max3A_298 : vector<16xf32>
        %swap3A_300 = arith.index_cast %scan3A_241 : i32 to index
        %swap3A_301 = arith.constant 96 : index
        %swap3A_302 = tpu.vector_load %arg15[%swap3A_300, %swap3A_301] {strides = array<i32>} : memref<80x128xf32, #tpu.memory_space<vmem>>, vector<1x16xf32>,
        %swap3A_303 = vector.shape_cast %swap3A_302 : vector<1x16xf32> to vector<16xf32>
        %swap3A_304 = vector.shape_cast %max3A_299 : vector<16xf32> to vector<1x16xf32>
        tpu.vector_store %arg15[%swap3A_300, %swap3A_301], %swap3A_304 {strides = array<i32>} : memref<80x128xf32, #tpu.memory_space<vmem>>, vector<1x16xf32>,
        %get3A_305 = arith.index_cast %scan3A_241 : i32 to index
        %get3A_306 = arith.constant 112 : index
        %get3A_307 = tpu.vector_load %arg15[%get3A_305, %get3A_306] {strides = array<i32>} : memref<80x128xf32, #tpu.memory_space<vmem>>, vector<1x16xf32>,
        %get3A_308 = vector.shape_cast %get3A_307 : vector<1x16xf32> to vector<16xf32>
        %get3A_309 = arith.index_cast %scan3A_241 : i32 to index
        %get3A_310 = arith.constant 112 : index
        %get3A_311 = tpu.vector_load %arg21[%get3A_309, %get3A_310] {strides = array<i32>} : memref<80x128xf32, #tpu.memory_space<vmem>>, vector<1x16xf32>,
        %get3A_312 = vector.shape_cast %get3A_311 : vector<1x16xf32> to vector<16xf32>
        %add3A_313 = arith.addf %get3A_308, %get3A_312 : vector<16xf32>
        %get3A_314 = arith.index_cast %scan3A_241 : i32 to index
        %get3A_315 = arith.constant 112 : index
        %get3A_316 = tpu.vector_load %arg19[%get3A_314, %get3A_315] {strides = array<i32>} : memref<80x128xf32, #tpu.memory_space<vmem>>, vector<1x16xf32>,
        %get3A_317 = vector.shape_cast %get3A_316 : vector<1x16xf32> to vector<16xf32>
        %sub3A_318 = arith.subf %add3A_313, %get3A_317 : vector<16xf32>
        %max3A_319 = arith.constant 0.000000e+00 : f32
        %max3A_320 = vector.broadcast %max3A_319 : f32 to vector<16xf32>
        %max3A_321 = arith.maximumf %sub3A_318, %max3A_320 : vector<16xf32>
        %swap3A_322 = arith.index_cast %scan3A_241 : i32 to index
        %swap3A_323 = arith.constant 112 : index
        %swap3A_324 = tpu.vector_load %arg15[%swap3A_322, %swap3A_323] {strides = array<i32>} : memref<80x128xf32, #tpu.memory_space<vmem>>, vector<1x16xf32>,
        %swap3A_325 = vector.shape_cast %swap3A_324 : vector<1x16xf32> to vector<16xf32>
        %swap3A_326 = vector.shape_cast %max3A_321 : vector<16xf32> to vector<1x16xf32>
        tpu.vector_store %arg15[%swap3A_322, %swap3A_323], %swap3A_326 {strides = array<i32>} : memref<80x128xf32, #tpu.memory_space<vmem>>, vector<1x16xf32>,
        %scan3A_327 = arith.constant 0 : i32
        scf.yield %scan3A_327 : i32
      }
      %scan3A_236 = arith.constant 80 : i32
      %mul3A_237 = arith.constant 80 : i32
      %mul3A_238 = arith.muli %min3A_71, %mul3A_237 : i32
      %add3A_239 = arith.addi %mul3A_2, %mul3A_238 : i32
      "tpu.region"() ({
        %run_scoped3A = tpu.sem_alloc : memref<!tpu.dma_semaphore, #tpu.memory_space<semaphore_mem>>
        %dma_start3A_241 = arith.constant 0 : i32
        %dma_start3A_242 = tpu.memref_slice %arg9[%add3A_239, %dma_start3A_241] : memref<320000x128xf32, #tpu.memory_space<hbm>> -> memref<80x128xf32, #tpu.memory_space<hbm>>
        %dma_start3A_243 = arith.constant 0 : i32
        %dma_start3A_244 = tpu.memref_slice %arg9[%add3A_239, %dma_start3A_243] : memref<320000x128xf32, #tpu.memory_space<hbm>> -> memref<80x128xf32, #tpu.memory_space<hbm>>
        tpu.enqueue_dma source(%arg15 : memref<80x128xf32, #tpu.memory_space<vmem>>) target(%dma_start3A_244 : memref<80x128xf32, #tpu.memory_space<hbm>>) target_semaphore(%run_scoped3A : memref<!tpu.dma_semaphore, #tpu.memory_space<semaphore_mem>>)
        %dma_wait3A_245 = arith.constant 0 : i32
        %dma_wait3A_246 = tpu.memref_slice %arg9[%add3A_239, %dma_wait3A_245] : memref<320000x128xf32, #tpu.memory_space<hbm>> -> memref<80x128xf32, #tpu.memory_space<hbm>>
        %dma_wait3A_247 = arith.constant 0 : i32
        %dma_wait3A_248 = tpu.memref_slice %arg9[%add3A_239, %dma_wait3A_247] : memref<320000x128xf32, #tpu.memory_space<hbm>> -> memref<80x128xf32, #tpu.memory_space<hbm>>
        tpu.wait_dma2 semaphore(%run_scoped3A : memref<!tpu.dma_semaphore, #tpu.memory_space<semaphore_mem>>) src(%arg15 : memref<80x128xf32, #tpu.memory_space<vmem>>) dst(%dma_wait3A_248 : memref<80x128xf32, #tpu.memory_space<hbm>>)
        tpu.yield
      }) : () -> ()
      %scan3A_240 = arith.constant 0 : i32
      scf.yield %scan3A_240 : i32
    }
    %scan3A_43 = arith.constant 63 : i32
    %dma_wait3A = arith.constant 0 : i32
    %dma_wait3A_44 = tpu.memref_slice %arg2[%mul3A_2, %dma_wait3A] : memref<320000x128xf32, #tpu.memory_space<hbm>> -> memref<80x128xf32, #tpu.memory_space<hbm>>
    %dma_wait3A_45 = arith.constant 0 : i32
    %dma_wait3A_46 = tpu.memref_slice %arg2[%mul3A_2, %dma_wait3A_45] : memref<320000x128xf32, #tpu.memory_space<hbm>> -> memref<80x128xf32, #tpu.memory_space<hbm>>
    tpu.wait_dma2 semaphore(%arg22 : memref<!tpu.dma_semaphore, #tpu.memory_space<semaphore_mem>>) src(%dma_wait3A_46 : memref<80x128xf32, #tpu.memory_space<hbm>>) dst(%arg14 : memref<80x128xf32, #tpu.memory_space<vmem>>)
    %dma_wait3A_47 = arith.constant 0 : i32
    %dma_wait3A_48 = tpu.memref_slice %arg12[%dma_wait3A_47] : memref<10000xi32, #tpu.memory_space<vmem>> -> memref<80xi32, #tpu.memory_space<vmem>>
    %dma_wait3A_49 = arith.constant 0 : i32
    %dma_wait3A_50 = arith.constant 0 : i32
    %dma_wait3A_51 = tpu.memref_slice %arg3[%dma_wait3A_49, %dma_wait3A_50] : memref<320000x128xf32, #tpu.memory_space<hbm>> -> memref<320000x128xf32, #tpu.memory_space<hbm>>
    tpu.wait_indirect_dma semaphore(%arg24 : memref<!tpu.dma_semaphore, #tpu.memory_space<semaphore_mem>>) src(%dma_wait3A_51 : memref<320000x128xf32, #tpu.memory_space<hbm>>) dst(%arg16 : memref<80x128xf32, #tpu.memory_space<vmem>>)
    %dma_wait3A_52 = arith.constant 0 : i32
    %dma_wait3A_53 = tpu.memref_slice %arg13[%dma_wait3A_52] : memref<10000xi32, #tpu.memory_space<vmem>> -> memref<80xi32, #tpu.memory_space<vmem>>
    %dma_wait3A_54 = arith.constant 0 : i32
    %dma_wait3A_55 = arith.constant 0 : i32
    %dma_wait3A_56 = tpu.memref_slice %arg3[%dma_wait3A_54, %dma_wait3A_55] : memref<320000x128xf32, #tpu.memory_space<hbm>> -> memref<320000x128xf32, #tpu.memory_space<hbm>>
    tpu.wait_indirect_dma semaphore(%arg25 : memref<!tpu.dma_semaphore, #tpu.memory_space<semaphore_mem>>) src(%dma_wait3A_56 : memref<320000x128xf32, #tpu.memory_space<hbm>>) dst(%arg17 : memref<80x128xf32, #tpu.memory_space<vmem>>)
    %dma_wait3A_57 = arith.constant 0 : i32
    %dma_wait3A_58 = tpu.memref_slice %arg10[%dma_wait3A_57] : memref<10000xi32, #tpu.memory_space<vmem>> -> memref<80xi32, #tpu.memory_space<vmem>>
    %dma_wait3A_59 = arith.constant 0 : i32
    %dma_wait3A_60 = arith.constant 0 : i32
    %dma_wait3A_61 = tpu.memref_slice %arg4[%dma_wait3A_59, %dma_wait3A_60] : memref<10000x128xf32, #tpu.memory_space<hbm>> -> memref<10000x128xf32, #tpu.memory_space<hbm>>
    tpu.wait_indirect_dma semaphore(%arg28 : memref<!tpu.dma_semaphore, #tpu.memory_space<semaphore_mem>>) src(%dma_wait3A_61 : memref<10000x128xf32, #tpu.memory_space<hbm>>) dst(%arg20 : memref<80x128xf32, #tpu.memory_space<vmem>>)
    return
  }
}

#map = affine_map<(d0, d1) -> (0, 0)>
#map1 = affine_map<(d0, d1) -> (0)>
module attributes {stable_mosaic.version = 14 : i64} {
  func.func @k(%arg0: i32, %arg1: i32, %arg2: memref<320000x128xf32, #tpu.memory_space<hbm>>, %arg3: memref<320000xi32, #tpu.memory_space<hbm>>, %arg4: memref<320000xi32, #tpu.memory_space<hbm>>, %arg5: memref<10000x128xf32, #tpu.memory_space<hbm>>, %arg6: memref<10240xi32, #tpu.memory_space<vmem>>, %arg7: memref<10240xi32, #tpu.memory_space<vmem>>, %arg8: memref<256x128xf32, #tpu.memory_space<vmem>>, %arg9: memref<256x128xf32, #tpu.memory_space<vmem>>, %arg10: memref<8x128xf32, #tpu.memory_space<vmem>>, %arg11: memref<!tpu.dma_semaphore, #tpu.memory_space<semaphore_mem>>, %arg12: memref<!tpu.dma_semaphore, #tpu.memory_space<semaphore_mem>>) attributes {dimension_semantics = [#tpu.dimension_semantics<core_parallel>, #tpu.dimension_semantics<subcore_parallel>], iteration_bounds = array<i64: 2, 16>, scalar_prefetch = 0 : i64, scratch_operands = 7 : i64, tpu.core_type = #tpu.core_type<sc_vector_subcore>, window_params = [{transform_indices = #map}, {transform_indices = #map1}, {transform_indices = #map1}, {transform_indices = #map}]} {
    %mul3A = arith.constant 2 : i32
    %mul3A_0 = arith.muli %arg1, %mul3A : i32
    %add3A = arith.addi %mul3A_0, %arg0 : i32
    %mul3A_1 = arith.constant 320 : i32
    %mul3A_2 = arith.muli %add3A, %mul3A_1 : i32
    %min3A = arith.constant 9680 : i32
    %min3A_3 = arith.minsi %mul3A_2, %min3A : i32
    %mul3A_4 = arith.constant 32 : i32
    %mul3A_5 = arith.muli %min3A_3, %mul3A_4 : i32
    "tpu.region"() ({
      %run_scoped3A = tpu.sem_alloc : memref<!tpu.dma_semaphore, #tpu.memory_space<semaphore_mem>>
      %dma_start3A_27 = tpu.memref_slice %arg3[%mul3A_5] : memref<320000xi32, #tpu.memory_space<hbm>> -> memref<10240xi32, #tpu.memory_space<hbm>>
      %dma_start3A_28 = tpu.memref_slice %arg3[%mul3A_5] : memref<320000xi32, #tpu.memory_space<hbm>> -> memref<10240xi32, #tpu.memory_space<hbm>>
      tpu.enqueue_dma source(%dma_start3A_28 : memref<10240xi32, #tpu.memory_space<hbm>>) target(%arg6 : memref<10240xi32, #tpu.memory_space<vmem>>) target_semaphore(%run_scoped3A : memref<!tpu.dma_semaphore, #tpu.memory_space<semaphore_mem>>)
      %dma_wait3A_29 = tpu.memref_slice %arg3[%mul3A_5] : memref<320000xi32, #tpu.memory_space<hbm>> -> memref<10240xi32, #tpu.memory_space<hbm>>
      %dma_wait3A_30 = tpu.memref_slice %arg3[%mul3A_5] : memref<320000xi32, #tpu.memory_space<hbm>> -> memref<10240xi32, #tpu.memory_space<hbm>>
      tpu.wait_dma2 semaphore(%run_scoped3A : memref<!tpu.dma_semaphore, #tpu.memory_space<semaphore_mem>>) src(%dma_wait3A_30 : memref<10240xi32, #tpu.memory_space<hbm>>) dst(%arg6 : memref<10240xi32, #tpu.memory_space<vmem>>)
      tpu.yield
    }) : () -> ()
    %mul3A_6 = arith.constant 32 : i32
    %mul3A_7 = arith.muli %min3A_3, %mul3A_6 : i32
    "tpu.region"() ({
      %run_scoped3A = tpu.sem_alloc : memref<!tpu.dma_semaphore, #tpu.memory_space<semaphore_mem>>
      %dma_start3A_27 = tpu.memref_slice %arg4[%mul3A_7] : memref<320000xi32, #tpu.memory_space<hbm>> -> memref<10240xi32, #tpu.memory_space<hbm>>
      %dma_start3A_28 = tpu.memref_slice %arg4[%mul3A_7] : memref<320000xi32, #tpu.memory_space<hbm>> -> memref<10240xi32, #tpu.memory_space<hbm>>
      tpu.enqueue_dma source(%dma_start3A_28 : memref<10240xi32, #tpu.memory_space<hbm>>) target(%arg7 : memref<10240xi32, #tpu.memory_space<vmem>>) target_semaphore(%run_scoped3A : memref<!tpu.dma_semaphore, #tpu.memory_space<semaphore_mem>>)
      %dma_wait3A_29 = tpu.memref_slice %arg4[%mul3A_7] : memref<320000xi32, #tpu.memory_space<hbm>> -> memref<10240xi32, #tpu.memory_space<hbm>>
      %dma_wait3A_30 = tpu.memref_slice %arg4[%mul3A_7] : memref<320000xi32, #tpu.memory_space<hbm>> -> memref<10240xi32, #tpu.memory_space<hbm>>
      tpu.wait_dma2 semaphore(%run_scoped3A : memref<!tpu.dma_semaphore, #tpu.memory_space<semaphore_mem>>) src(%dma_wait3A_30 : memref<10240xi32, #tpu.memory_space<hbm>>) dst(%arg7 : memref<10240xi32, #tpu.memory_space<vmem>>)
      tpu.yield
    }) : () -> ()
    %add3A_8 = arith.constant 0 : i32
    %add3A_9 = arith.addi %mul3A_2, %add3A_8 : i32
    %min3A_10 = arith.constant 9992 : i32
    %min3A_11 = arith.minsi %add3A_9, %min3A_10 : i32
    %sub3A = arith.subi %min3A_11, %min3A_3 : i32
    %mul3A_12 = arith.constant 32 : i32
    %mul3A_13 = arith.muli %sub3A, %mul3A_12 : i32
    %dma_start3A = tpu.memref_slice %arg6[%mul3A_13] : memref<10240xi32, #tpu.memory_space<vmem>> -> memref<256xi32, #tpu.memory_space<vmem>>
    %dma_start3A_14 = arith.constant 0 : i32
    %dma_start3A_15 = arith.constant 0 : i32
    %dma_start3A_16 = tpu.memref_slice %arg2[%dma_start3A_14, %dma_start3A_15] : memref<320000x128xf32, #tpu.memory_space<hbm>> -> memref<320000x128xf32, #tpu.memory_space<hbm>>
    tpu.enqueue_indirect_dma source(%dma_start3A_16 : memref<320000x128xf32, #tpu.memory_space<hbm>>) target(%arg8 : memref<256x128xf32, #tpu.memory_space<vmem>>) offsets(%dma_start3A : memref<256xi32, #tpu.memory_space<vmem>>) semaphore(%arg11 : memref<!tpu.dma_semaphore, #tpu.memory_space<semaphore_mem>>)
    %scan3A = arith.constant 0 : i32
    %scan3A_17 = arith.constant 0 : i32
    %scan3A_18 = arith.constant 40 : i32
    %scan3A_19 = arith.addi %scan3A_17, %scan3A_18 : i32
    %scan3A_20 = arith.constant 1 : i32
    %scan3A_21 = scf.for %scan3A_27 = %scan3A_17 to %scan3A_19 step %scan3A_20 iter_args(%scan3A_28 = %scan3A) -> (i32)  : i32 {
      %dma_wait3A_29 = arith.constant 0 : i32
      %dma_wait3A_30 = tpu.memref_slice %arg6[%dma_wait3A_29] : memref<10240xi32, #tpu.memory_space<vmem>> -> memref<256xi32, #tpu.memory_space<vmem>>
      %dma_wait3A_31 = arith.constant 0 : i32
      %dma_wait3A_32 = arith.constant 0 : i32
      %dma_wait3A_33 = tpu.memref_slice %arg2[%dma_wait3A_31, %dma_wait3A_32] : memref<320000x128xf32, #tpu.memory_space<hbm>> -> memref<320000x128xf32, #tpu.memory_space<hbm>>
      tpu.wait_indirect_dma semaphore(%arg11 : memref<!tpu.dma_semaphore, #tpu.memory_space<semaphore_mem>>) src(%dma_wait3A_33 : memref<320000x128xf32, #tpu.memory_space<hbm>>) dst(%arg8 : memref<256x128xf32, #tpu.memory_space<vmem>>)
      %mul3A_34 = arith.constant 8 : i32
      %mul3A_35 = arith.muli %scan3A_27, %mul3A_34 : i32
      %add3A_36 = arith.addi %mul3A_2, %mul3A_35 : i32
      %min3A_37 = arith.constant 9992 : i32
      %min3A_38 = arith.minsi %add3A_36, %min3A_37 : i32
      %sub3A_39 = arith.subi %min3A_38, %min3A_3 : i32
      %mul3A_40 = arith.constant 32 : i32
      %mul3A_41 = arith.muli %sub3A_39, %mul3A_40 : i32
      %dma_start3A_42 = tpu.memref_slice %arg7[%mul3A_41] : memref<10240xi32, #tpu.memory_space<vmem>> -> memref<256xi32, #tpu.memory_space<vmem>>
      %dma_start3A_43 = arith.constant 0 : i32
      %dma_start3A_44 = arith.constant 0 : i32
      %dma_start3A_45 = tpu.memref_slice %arg2[%dma_start3A_43, %dma_start3A_44] : memref<320000x128xf32, #tpu.memory_space<hbm>> -> memref<320000x128xf32, #tpu.memory_space<hbm>>
      tpu.enqueue_indirect_dma source(%dma_start3A_45 : memref<320000x128xf32, #tpu.memory_space<hbm>>) target(%arg9 : memref<256x128xf32, #tpu.memory_space<vmem>>) offsets(%dma_start3A_42 : memref<256xi32, #tpu.memory_space<vmem>>) semaphore(%arg12 : memref<!tpu.dma_semaphore, #tpu.memory_space<semaphore_mem>>)
      %scan3A_46 = arith.constant 0 : i32
      %scan3A_47 = arith.constant 0 : i32
      %scan3A_48 = arith.constant 8 : i32
      %scan3A_49 = arith.addi %scan3A_47, %scan3A_48 : i32
      %scan3A_50 = arith.constant 1 : i32
      %scan3A_51 = scf.for %scan3A_86 = %scan3A_47 to %scan3A_49 step %scan3A_50 iter_args(%scan3A_87 = %scan3A_46) -> (i32)  : i32 {
        %broadcast_in_dim3A = arith.constant 0.000000e+00 : f32
        %broadcast_in_dim3A_88 = vector.broadcast %broadcast_in_dim3A : f32 to vector<16xf32>
        %broadcast_in_dim3A_89 = arith.constant 0.000000e+00 : f32
        %broadcast_in_dim3A_90 = vector.broadcast %broadcast_in_dim3A_89 : f32 to vector<16xf32>
        %broadcast_in_dim3A_91 = arith.constant 0.000000e+00 : f32
        %broadcast_in_dim3A_92 = vector.broadcast %broadcast_in_dim3A_91 : f32 to vector<16xf32>
        %broadcast_in_dim3A_93 = arith.constant 0.000000e+00 : f32
        %broadcast_in_dim3A_94 = vector.broadcast %broadcast_in_dim3A_93 : f32 to vector<16xf32>
        %scan3A_95 = arith.constant 0 : i32
        %scan3A_96 = arith.constant 32 : i32
        %scan3A_97 = arith.addi %scan3A_95, %scan3A_96 : i32
        %scan3A_98 = arith.constant 1 : i32
        %scan3A_99:4 = scf.for %scan3A_121 = %scan3A_95 to %scan3A_97 step %scan3A_98 iter_args(%scan3A_122 = %broadcast_in_dim3A_88, %scan3A_123 = %broadcast_in_dim3A_90, %scan3A_124 = %broadcast_in_dim3A_92, %scan3A_125 = %broadcast_in_dim3A_94) -> (vector<16xf32>, vector<16xf32>, vector<16xf32>, vector<16xf32>)  : i32 {
          %mul3A_126 = arith.constant 32 : i32
          %mul3A_127 = arith.muli %scan3A_86, %mul3A_126 : i32
          %add3A_128 = arith.addi %mul3A_127, %scan3A_121 : i32
          %get3A = arith.index_cast %add3A_128 : i32 to index
          %get3A_129 = arith.constant 0 : index
          %get3A_130 = tpu.vector_load %arg8[%get3A, %get3A_129] {strides = array<i32>} : memref<256x128xf32, #tpu.memory_space<vmem>>, vector<1x16xf32>,
          %get3A_131 = vector.shape_cast %get3A_130 : vector<1x16xf32> to vector<16xf32>
          %get3A_132 = arith.index_cast %add3A_128 : i32 to index
          %get3A_133 = arith.constant 16 : index
          %get3A_134 = tpu.vector_load %arg8[%get3A_132, %get3A_133] {strides = array<i32>} : memref<256x128xf32, #tpu.memory_space<vmem>>, vector<1x16xf32>,
          %get3A_135 = vector.shape_cast %get3A_134 : vector<1x16xf32> to vector<16xf32>
          %get3A_136 = arith.index_cast %add3A_128 : i32 to index
          %get3A_137 = arith.constant 32 : index
          %get3A_138 = tpu.vector_load %arg8[%get3A_136, %get3A_137] {strides = array<i32>} : memref<256x128xf32, #tpu.memory_space<vmem>>, vector<1x16xf32>,
          %get3A_139 = vector.shape_cast %get3A_138 : vector<1x16xf32> to vector<16xf32>
          %get3A_140 = arith.index_cast %add3A_128 : i32 to index
          %get3A_141 = arith.constant 48 : index
          %get3A_142 = tpu.vector_load %arg8[%get3A_140, %get3A_141] {strides = array<i32>} : memref<256x128xf32, #tpu.memory_space<vmem>>, vector<1x16xf32>,
          %get3A_143 = vector.shape_cast %get3A_142 : vector<1x16xf32> to vector<16xf32>
          %add3A_144 = arith.addf %scan3A_122, %get3A_131 : vector<16xf32>
          %add3A_145 = arith.addf %scan3A_123, %get3A_135 : vector<16xf32>
          %add3A_146 = arith.addf %scan3A_124, %get3A_139 : vector<16xf32>
          %add3A_147 = arith.addf %scan3A_125, %get3A_143 : vector<16xf32>
          scf.yield %add3A_144, %add3A_145, %add3A_146, %add3A_147 : vector<16xf32>, vector<16xf32>, vector<16xf32>, vector<16xf32>
        }
        %scan3A_100 = arith.constant 32 : i32
        %swap3A = arith.index_cast %scan3A_86 : i32 to index
        %swap3A_101 = arith.constant 0 : index
        %swap3A_102 = tpu.vector_load %arg10[%swap3A, %swap3A_101] {strides = array<i32>} : memref<8x128xf32, #tpu.memory_space<vmem>>, vector<1x16xf32>,
        %swap3A_103 = vector.shape_cast %swap3A_102 : vector<1x16xf32> to vector<16xf32>
        %swap3A_104 = vector.shape_cast %scan3A_99#0 : vector<16xf32> to vector<1x16xf32>
        tpu.vector_store %arg10[%swap3A, %swap3A_101], %swap3A_104 {strides = array<i32>} : memref<8x128xf32, #tpu.memory_space<vmem>>, vector<1x16xf32>,
        %swap3A_105 = arith.index_cast %scan3A_86 : i32 to index
        %swap3A_106 = arith.constant 16 : index
        %swap3A_107 = tpu.vector_load %arg10[%swap3A_105, %swap3A_106] {strides = array<i32>} : memref<8x128xf32, #tpu.memory_space<vmem>>, vector<1x16xf32>,
        %swap3A_108 = vector.shape_cast %swap3A_107 : vector<1x16xf32> to vector<16xf32>
        %swap3A_109 = vector.shape_cast %scan3A_99#1 : vector<16xf32> to vector<1x16xf32>
        tpu.vector_store %arg10[%swap3A_105, %swap3A_106], %swap3A_109 {strides = array<i32>} : memref<8x128xf32, #tpu.memory_space<vmem>>, vector<1x16xf32>,
        %swap3A_110 = arith.index_cast %scan3A_86 : i32 to index
        %swap3A_111 = arith.constant 32 : index
        %swap3A_112 = tpu.vector_load %arg10[%swap3A_110, %swap3A_111] {strides = array<i32>} : memref<8x128xf32, #tpu.memory_space<vmem>>, vector<1x16xf32>,
        %swap3A_113 = vector.shape_cast %swap3A_112 : vector<1x16xf32> to vector<16xf32>
        %swap3A_114 = vector.shape_cast %scan3A_99#2 : vector<16xf32> to vector<1x16xf32>
        tpu.vector_store %arg10[%swap3A_110, %swap3A_111], %swap3A_114 {strides = array<i32>} : memref<8x128xf32, #tpu.memory_space<vmem>>, vector<1x16xf32>,
        %swap3A_115 = arith.index_cast %scan3A_86 : i32 to index
        %swap3A_116 = arith.constant 48 : index
        %swap3A_117 = tpu.vector_load %arg10[%swap3A_115, %swap3A_116] {strides = array<i32>} : memref<8x128xf32, #tpu.memory_space<vmem>>, vector<1x16xf32>,
        %swap3A_118 = vector.shape_cast %swap3A_117 : vector<1x16xf32> to vector<16xf32>
        %swap3A_119 = vector.shape_cast %scan3A_99#3 : vector<16xf32> to vector<1x16xf32>
        tpu.vector_store %arg10[%swap3A_115, %swap3A_116], %swap3A_119 {strides = array<i32>} : memref<8x128xf32, #tpu.memory_space<vmem>>, vector<1x16xf32>,
        %scan3A_120 = arith.constant 0 : i32
        scf.yield %scan3A_120 : i32
      }
      %scan3A_52 = arith.constant 8 : i32
      %dma_wait3A_53 = arith.constant 0 : i32
      %dma_wait3A_54 = tpu.memref_slice %arg7[%dma_wait3A_53] : memref<10240xi32, #tpu.memory_space<vmem>> -> memref<256xi32, #tpu.memory_space<vmem>>
      %dma_wait3A_55 = arith.constant 0 : i32
      %dma_wait3A_56 = arith.constant 0 : i32
      %dma_wait3A_57 = tpu.memref_slice %arg2[%dma_wait3A_55, %dma_wait3A_56] : memref<320000x128xf32, #tpu.memory_space<hbm>> -> memref<320000x128xf32, #tpu.memory_space<hbm>>
      tpu.wait_indirect_dma semaphore(%arg12 : memref<!tpu.dma_semaphore, #tpu.memory_space<semaphore_mem>>) src(%dma_wait3A_57 : memref<320000x128xf32, #tpu.memory_space<hbm>>) dst(%arg9 : memref<256x128xf32, #tpu.memory_space<vmem>>)
      %add3A_58 = arith.constant 1 : i32
      %add3A_59 = arith.addi %scan3A_27, %add3A_58 : i32
      %rem3A = arith.constant 40 : i32
      %rem3A_60 = arith.remsi %add3A_59, %rem3A : i32
      %mul3A_61 = arith.constant 8 : i32
      %mul3A_62 = arith.muli %rem3A_60, %mul3A_61 : i32
      %add3A_63 = arith.addi %mul3A_2, %mul3A_62 : i32
      %min3A_64 = arith.constant 9992 : i32
      %min3A_65 = arith.minsi %add3A_63, %min3A_64 : i32
      %sub3A_66 = arith.subi %min3A_65, %min3A_3 : i32
      %mul3A_67 = arith.constant 32 : i32
      %mul3A_68 = arith.muli %sub3A_66, %mul3A_67 : i32
      %dma_start3A_69 = tpu.memref_slice %arg6[%mul3A_68] : memref<10240xi32, #tpu.memory_space<vmem>> -> memref<256xi32, #tpu.memory_space<vmem>>
      %dma_start3A_70 = arith.constant 0 : i32
      %dma_start3A_71 = arith.constant 0 : i32
      %dma_start3A_72 = tpu.memref_slice %arg2[%dma_start3A_70, %dma_start3A_71] : memref<320000x128xf32, #tpu.memory_space<hbm>> -> memref<320000x128xf32, #tpu.memory_space<hbm>>
      tpu.enqueue_indirect_dma source(%dma_start3A_72 : memref<320000x128xf32, #tpu.memory_space<hbm>>) target(%arg8 : memref<256x128xf32, #tpu.memory_space<vmem>>) offsets(%dma_start3A_69 : memref<256xi32, #tpu.memory_space<vmem>>) semaphore(%arg11 : memref<!tpu.dma_semaphore, #tpu.memory_space<semaphore_mem>>)
      %scan3A_73 = arith.constant 0 : i32
      %scan3A_74 = arith.constant 0 : i32
      %scan3A_75 = arith.constant 8 : i32
      %scan3A_76 = arith.addi %scan3A_74, %scan3A_75 : i32
      %scan3A_77 = arith.constant 1 : i32
      %scan3A_78 = scf.for %scan3A_86 = %scan3A_74 to %scan3A_76 step %scan3A_77 iter_args(%scan3A_87 = %scan3A_73) -> (i32)  : i32 {
        %broadcast_in_dim3A = arith.constant 0.000000e+00 : f32
        %broadcast_in_dim3A_88 = vector.broadcast %broadcast_in_dim3A : f32 to vector<16xf32>
        %broadcast_in_dim3A_89 = arith.constant 0.000000e+00 : f32
        %broadcast_in_dim3A_90 = vector.broadcast %broadcast_in_dim3A_89 : f32 to vector<16xf32>
        %broadcast_in_dim3A_91 = arith.constant 0.000000e+00 : f32
        %broadcast_in_dim3A_92 = vector.broadcast %broadcast_in_dim3A_91 : f32 to vector<16xf32>
        %broadcast_in_dim3A_93 = arith.constant 0.000000e+00 : f32
        %broadcast_in_dim3A_94 = vector.broadcast %broadcast_in_dim3A_93 : f32 to vector<16xf32>
        %scan3A_95 = arith.constant 0 : i32
        %scan3A_96 = arith.constant 32 : i32
        %scan3A_97 = arith.addi %scan3A_95, %scan3A_96 : i32
        %scan3A_98 = arith.constant 1 : i32
        %scan3A_99:4 = scf.for %scan3A_121 = %scan3A_95 to %scan3A_97 step %scan3A_98 iter_args(%scan3A_122 = %broadcast_in_dim3A_88, %scan3A_123 = %broadcast_in_dim3A_90, %scan3A_124 = %broadcast_in_dim3A_92, %scan3A_125 = %broadcast_in_dim3A_94) -> (vector<16xf32>, vector<16xf32>, vector<16xf32>, vector<16xf32>)  : i32 {
          %mul3A_126 = arith.constant 32 : i32
          %mul3A_127 = arith.muli %scan3A_86, %mul3A_126 : i32
          %add3A_128 = arith.addi %mul3A_127, %scan3A_121 : i32
          %get3A = arith.index_cast %add3A_128 : i32 to index
          %get3A_129 = arith.constant 64 : index
          %get3A_130 = tpu.vector_load %arg9[%get3A, %get3A_129] {strides = array<i32>} : memref<256x128xf32, #tpu.memory_space<vmem>>, vector<1x16xf32>,
          %get3A_131 = vector.shape_cast %get3A_130 : vector<1x16xf32> to vector<16xf32>
          %get3A_132 = arith.index_cast %add3A_128 : i32 to index
          %get3A_133 = arith.constant 80 : index
          %get3A_134 = tpu.vector_load %arg9[%get3A_132, %get3A_133] {strides = array<i32>} : memref<256x128xf32, #tpu.memory_space<vmem>>, vector<1x16xf32>,
          %get3A_135 = vector.shape_cast %get3A_134 : vector<1x16xf32> to vector<16xf32>
          %get3A_136 = arith.index_cast %add3A_128 : i32 to index
          %get3A_137 = arith.constant 96 : index
          %get3A_138 = tpu.vector_load %arg9[%get3A_136, %get3A_137] {strides = array<i32>} : memref<256x128xf32, #tpu.memory_space<vmem>>, vector<1x16xf32>,
          %get3A_139 = vector.shape_cast %get3A_138 : vector<1x16xf32> to vector<16xf32>
          %get3A_140 = arith.index_cast %add3A_128 : i32 to index
          %get3A_141 = arith.constant 112 : index
          %get3A_142 = tpu.vector_load %arg9[%get3A_140, %get3A_141] {strides = array<i32>} : memref<256x128xf32, #tpu.memory_space<vmem>>, vector<1x16xf32>,
          %get3A_143 = vector.shape_cast %get3A_142 : vector<1x16xf32> to vector<16xf32>
          %add3A_144 = arith.addf %scan3A_122, %get3A_131 : vector<16xf32>
          %add3A_145 = arith.addf %scan3A_123, %get3A_135 : vector<16xf32>
          %add3A_146 = arith.addf %scan3A_124, %get3A_139 : vector<16xf32>
          %add3A_147 = arith.addf %scan3A_125, %get3A_143 : vector<16xf32>
          scf.yield %add3A_144, %add3A_145, %add3A_146, %add3A_147 : vector<16xf32>, vector<16xf32>, vector<16xf32>, vector<16xf32>
        }
        %scan3A_100 = arith.constant 32 : i32
        %swap3A = arith.index_cast %scan3A_86 : i32 to index
        %swap3A_101 = arith.constant 64 : index
        %swap3A_102 = tpu.vector_load %arg10[%swap3A, %swap3A_101] {strides = array<i32>} : memref<8x128xf32, #tpu.memory_space<vmem>>, vector<1x16xf32>,
        %swap3A_103 = vector.shape_cast %swap3A_102 : vector<1x16xf32> to vector<16xf32>
        %swap3A_104 = vector.shape_cast %scan3A_99#0 : vector<16xf32> to vector<1x16xf32>
        tpu.vector_store %arg10[%swap3A, %swap3A_101], %swap3A_104 {strides = array<i32>} : memref<8x128xf32, #tpu.memory_space<vmem>>, vector<1x16xf32>,
        %swap3A_105 = arith.index_cast %scan3A_86 : i32 to index
        %swap3A_106 = arith.constant 80 : index
        %swap3A_107 = tpu.vector_load %arg10[%swap3A_105, %swap3A_106] {strides = array<i32>} : memref<8x128xf32, #tpu.memory_space<vmem>>, vector<1x16xf32>,
        %swap3A_108 = vector.shape_cast %swap3A_107 : vector<1x16xf32> to vector<16xf32>
        %swap3A_109 = vector.shape_cast %scan3A_99#1 : vector<16xf32> to vector<1x16xf32>
        tpu.vector_store %arg10[%swap3A_105, %swap3A_106], %swap3A_109 {strides = array<i32>} : memref<8x128xf32, #tpu.memory_space<vmem>>, vector<1x16xf32>,
        %swap3A_110 = arith.index_cast %scan3A_86 : i32 to index
        %swap3A_111 = arith.constant 96 : index
        %swap3A_112 = tpu.vector_load %arg10[%swap3A_110, %swap3A_111] {strides = array<i32>} : memref<8x128xf32, #tpu.memory_space<vmem>>, vector<1x16xf32>,
        %swap3A_113 = vector.shape_cast %swap3A_112 : vector<1x16xf32> to vector<16xf32>
        %swap3A_114 = vector.shape_cast %scan3A_99#2 : vector<16xf32> to vector<1x16xf32>
        tpu.vector_store %arg10[%swap3A_110, %swap3A_111], %swap3A_114 {strides = array<i32>} : memref<8x128xf32, #tpu.memory_space<vmem>>, vector<1x16xf32>,
        %swap3A_115 = arith.index_cast %scan3A_86 : i32 to index
        %swap3A_116 = arith.constant 112 : index
        %swap3A_117 = tpu.vector_load %arg10[%swap3A_115, %swap3A_116] {strides = array<i32>} : memref<8x128xf32, #tpu.memory_space<vmem>>, vector<1x16xf32>,
        %swap3A_118 = vector.shape_cast %swap3A_117 : vector<1x16xf32> to vector<16xf32>
        %swap3A_119 = vector.shape_cast %scan3A_99#3 : vector<16xf32> to vector<1x16xf32>
        tpu.vector_store %arg10[%swap3A_115, %swap3A_116], %swap3A_119 {strides = array<i32>} : memref<8x128xf32, #tpu.memory_space<vmem>>, vector<1x16xf32>,
        %scan3A_120 = arith.constant 0 : i32
        scf.yield %scan3A_120 : i32
      }
      %scan3A_79 = arith.constant 8 : i32
      %mul3A_80 = arith.constant 8 : i32
      %mul3A_81 = arith.muli %scan3A_27, %mul3A_80 : i32
      %add3A_82 = arith.addi %mul3A_2, %mul3A_81 : i32
      %min3A_83 = arith.constant 9992 : i32
      %min3A_84 = arith.minsi %add3A_82, %min3A_83 : i32
      "tpu.region"() ({
        %run_scoped3A = tpu.sem_alloc : memref<!tpu.dma_semaphore, #tpu.memory_space<semaphore_mem>>
        %dma_start3A_86 = arith.constant 0 : i32
        %dma_start3A_87 = tpu.memref_slice %arg5[%min3A_84, %dma_start3A_86] : memref<10000x128xf32, #tpu.memory_space<hbm>> -> memref<8x128xf32, #tpu.memory_space<hbm>>
        %dma_start3A_88 = arith.constant 0 : i32
        %dma_start3A_89 = tpu.memref_slice %arg5[%min3A_84, %dma_start3A_88] : memref<10000x128xf32, #tpu.memory_space<hbm>> -> memref<8x128xf32, #tpu.memory_space<hbm>>
        tpu.enqueue_dma source(%arg10 : memref<8x128xf32, #tpu.memory_space<vmem>>) target(%dma_start3A_89 : memref<8x128xf32, #tpu.memory_space<hbm>>) target_semaphore(%run_scoped3A : memref<!tpu.dma_semaphore, #tpu.memory_space<semaphore_mem>>)
        %dma_wait3A_90 = arith.constant 0 : i32
        %dma_wait3A_91 = tpu.memref_slice %arg5[%min3A_84, %dma_wait3A_90] : memref<10000x128xf32, #tpu.memory_space<hbm>> -> memref<8x128xf32, #tpu.memory_space<hbm>>
        %dma_wait3A_92 = arith.constant 0 : i32
        %dma_wait3A_93 = tpu.memref_slice %arg5[%min3A_84, %dma_wait3A_92] : memref<10000x128xf32, #tpu.memory_space<hbm>> -> memref<8x128xf32, #tpu.memory_space<hbm>>
        tpu.wait_dma2 semaphore(%run_scoped3A : memref<!tpu.dma_semaphore, #tpu.memory_space<semaphore_mem>>) src(%arg10 : memref<8x128xf32, #tpu.memory_space<vmem>>) dst(%dma_wait3A_93 : memref<8x128xf32, #tpu.memory_space<hbm>>)
        tpu.yield
      }) : () -> ()
      %scan3A_85 = arith.constant 0 : i32
      scf.yield %scan3A_85 : i32
    }
    %scan3A_22 = arith.constant 40 : i32
    %dma_wait3A = arith.constant 0 : i32
    %dma_wait3A_23 = tpu.memref_slice %arg6[%dma_wait3A] : memref<10240xi32, #tpu.memory_space<vmem>> -> memref<256xi32, #tpu.memory_space<vmem>>
    %dma_wait3A_24 = arith.constant 0 : i32
    %dma_wait3A_25 = arith.constant 0 : i32
    %dma_wait3A_26 = tpu.memref_slice %arg2[%dma_wait3A_24, %dma_wait3A_25] : memref<320000x128xf32, #tpu.memory_space<hbm>> -> memref<320000x128xf32, #tpu.memory_space<hbm>>
    tpu.wait_indirect_dma semaphore(%arg11 : memref<!tpu.dma_semaphore, #tpu.memory_space<semaphore_mem>>) src(%dma_wait3A_26 : memref<320000x128xf32, #tpu.memory_space<hbm>>) dst(%arg8 : memref<256x128xf32, #tpu.memory_space<vmem>>)
    return
  }
}

module attributes {stable_mosaic.version = 14 : i64} {
  func.func @body(%arg0: i32, %arg1: memref<147x2560xf32, #tpu.memory_space<vmem>>, %arg2: memref<147x2560xf32, #tpu.memory_space<vmem>>, %arg3: memref<147x64xf32, #tpu.memory_space<vmem>>, %arg4: memref<2560x128xf32, #tpu.memory_space<vmem>>) attributes {dimension_semantics = [#tpu.dimension_semantics<parallel>], iteration_bounds = array<i64: 125>, scalar_prefetch = 0 : i64, scratch_operands = 0 : i64, tpu.core_type = #tpu.core_type<tc>, window_params = [{transform_indices = @transform_0, window_bounds = array<i64: 147, 2560>}, {transform_indices = @transform_1, window_bounds = array<i64: 147, 2560>}, {pipeline_mode = #tpu.pipeline_mode<synchronous>, transform_indices = @transform_2, window_bounds = array<i64: 147, 64>}, {transform_indices = @transform_3, window_bounds = array<i64: 2560, 128>}]} {
    %get3A = arith.constant 0 : index
    %get3A_0 = arith.constant 0 : index
    %get3A_1 = vector.load %arg1[%get3A, %get3A_0] : memref<147x2560xf32, #tpu.memory_space<vmem>>, vector<147x2560xf32>
    %get3A_2 = arith.constant 0 : index
    %get3A_3 = arith.constant 0 : index
    %get3A_4 = vector.load %arg3[%get3A_2, %get3A_3] : memref<147x64xf32, #tpu.memory_space<vmem>>, vector<147x64xf32>
    %dot_general3A = arith.constant dense<0.000000e+00> : vector<2560x64xf32>
    %dot_general3A_5 = tpu.matmul %get3A_1, %get3A_4, %dot_general3A {dimension_numbers = #tpu.dot_dimension_numbers<[0], [0], [1], [1], [0, 1, 1, 1], [], []>, transpose_lhs_hint = false} : vector<147x2560xf32>, vector<147x64xf32>, vector<2560x64xf32> -> vector<2560x64xf32>
    %get3A_6 = arith.constant 0 : index
    %get3A_7 = arith.constant 0 : index
    %get3A_8 = vector.load %arg2[%get3A_6, %get3A_7] : memref<147x2560xf32, #tpu.memory_space<vmem>>, vector<147x2560xf32>
    %get3A_9 = arith.constant 0 : index
    %get3A_10 = arith.constant 0 : index
    %get3A_11 = vector.load %arg3[%get3A_9, %get3A_10] : memref<147x64xf32, #tpu.memory_space<vmem>>, vector<147x64xf32>
    %dot_general3A_12 = arith.constant dense<0.000000e+00> : vector<2560x64xf32>
    %dot_general3A_13 = tpu.matmul %get3A_8, %get3A_11, %dot_general3A_12 {dimension_numbers = #tpu.dot_dimension_numbers<[0], [0], [1], [1], [0, 1, 1, 1], [], []>, transpose_lhs_hint = false} : vector<147x2560xf32>, vector<147x64xf32>, vector<2560x64xf32> -> vector<2560x64xf32>
    %concatenate3A = tpu.concatenate %dot_general3A_5, %dot_general3A_13 in 1 : vector<2560x64xf32>, vector<2560x64xf32> -> vector<2560x128xf32>
    %swap3A = arith.constant 0 : index
    %swap3A_14 = arith.constant 0 : index
    %swap3A_15 = vector.load %arg4[%swap3A, %swap3A_14] : memref<2560x128xf32, #tpu.memory_space<vmem>>, vector<2560x128xf32>
    tpu.vector_store %arg4[%swap3A, %swap3A_14], %concatenate3A {strides = array<i32>} : memref<2560x128xf32, #tpu.memory_space<vmem>>, vector<2560x128xf32>,
    return
  }
  func.func @transform_0(%arg0: i32) -> (i32, i32) {
    %c0_i32 = arith.constant 0 : i32
    %c0_i32_0 = arith.constant 0 : i32
    return %c0_i32, %arg0 : i32, i32
  }
  func.func @transform_1(%arg0: i32) -> (i32, i32) {
    %c0_i32 = arith.constant 0 : i32
    %c0_i32_0 = arith.constant 0 : i32
    return %c0_i32, %arg0 : i32, i32
  }
  func.func @transform_2(%arg0: i32) -> (i32, i32) {
    %c0_i32 = arith.constant 0 : i32
    %c0_i32_0 = arith.constant 0 : i32
    %c0_i32_1 = arith.constant 0 : i32
    return %c0_i32, %c0_i32_0 : i32, i32
  }
  func.func @transform_3(%arg0: i32) -> (i32, i32) {
    %c0_i32 = arith.constant 0 : i32
    %c0_i32_0 = arith.constant 0 : i32
    return %arg0, %c0_i32 : i32, i32
  }
}

module attributes {stable_mosaic.version = 14 : i64} {
  func.func @body(%arg0: i32, %arg1: memref<4000x128xf32, #tpu.memory_space<vmem>>, %arg2: memref<128x128xf32, #tpu.memory_space<vmem>>, %arg3: memref<4000x128xf32, #tpu.memory_space<vmem>>) attributes {dimension_semantics = [#tpu.dimension_semantics<parallel>], iteration_bounds = array<i64: 80>, scalar_prefetch = 0 : i64, scratch_operands = 0 : i64, tpu.core_type = #tpu.core_type<tc>, window_params = [{transform_indices = @transform_0, window_bounds = array<i64: 4000, 128>}, {pipeline_mode = #tpu.pipeline_mode<synchronous>, transform_indices = @transform_1, window_bounds = array<i64: 128, 128>}, {transform_indices = @transform_2, window_bounds = array<i64: 4000, 128>}]} {
    %get3A = arith.constant 0 : index
    %get3A_0 = arith.constant 0 : index
    %get3A_1 = vector.load %arg1[%get3A, %get3A_0] : memref<4000x128xf32, #tpu.memory_space<vmem>>, vector<4000x128xf32>
    %max3A = arith.constant 0.000000e+00 : f32
    %max3A_2 = vector.broadcast %max3A : f32 to vector<4000x128xf32>
    %max3A_3 = arith.maximumf %get3A_1, %max3A_2 : vector<4000x128xf32>
    %get3A_4 = arith.constant 0 : index
    %get3A_5 = arith.constant 0 : index
    %get3A_6 = vector.load %arg2[%get3A_4, %get3A_5] : memref<128x128xf32, #tpu.memory_space<vmem>>, vector<128x128xf32>
    %dot_general3A = arith.constant dense<0.000000e+00> : vector<4000x128xf32>
    %dot_general3A_7 = tpu.matmul %max3A_3, %get3A_6, %dot_general3A {dimension_numbers = #tpu.dot_dimension_numbers<[1], [0], [0], [1], [0, 0, 1, 1], [], []>, transpose_lhs_hint = false} : vector<4000x128xf32>, vector<128x128xf32>, vector<4000x128xf32> -> vector<4000x128xf32>
    %swap3A = arith.constant 0 : index
    %swap3A_8 = arith.constant 0 : index
    %swap3A_9 = vector.load %arg3[%swap3A, %swap3A_8] : memref<4000x128xf32, #tpu.memory_space<vmem>>, vector<4000x128xf32>
    tpu.vector_store %arg3[%swap3A, %swap3A_8], %dot_general3A_7 {strides = array<i32>} : memref<4000x128xf32, #tpu.memory_space<vmem>>, vector<4000x128xf32>,
    return
  }
  func.func @transform_0(%arg0: i32) -> (i32, i32) {
    %c0_i32 = arith.constant 0 : i32
    %c0_i32_0 = arith.constant 0 : i32
    return %arg0, %c0_i32 : i32, i32
  }
  func.func @transform_1(%arg0: i32) -> (i32, i32) {
    %c0_i32 = arith.constant 0 : i32
    %c0_i32_0 = arith.constant 0 : i32
    %c0_i32_1 = arith.constant 0 : i32
    return %c0_i32, %c0_i32_0 : i32, i32
  }
  func.func @transform_2(%arg0: i32) -> (i32, i32) {
    %c0_i32 = arith.constant 0 : i32
    %c0_i32_0 = arith.constant 0 : i32
    return %arg0, %c0_i32 : i32, i32
  }
}

module attributes {stable_mosaic.version = 14 : i64} {
  func.func @body(%arg0: memref<10000x128xf32, #tpu.memory_space<vmem>>, %arg1: memref<128x128xf32, #tpu.memory_space<vmem>>, %arg2: memref<10000x128xf32, #tpu.memory_space<vmem>>) attributes {dimension_semantics = [], scalar_prefetch = 0 : i64, scratch_operands = 0 : i64, tpu.core_type = #tpu.core_type<tc>} {
    %get3A = arith.constant 0 : index
    %get3A_0 = arith.constant 0 : index
    %get3A_1 = vector.load %arg0[%get3A, %get3A_0] : memref<10000x128xf32, #tpu.memory_space<vmem>>, vector<10000x128xf32>
    %get3A_2 = arith.constant 0 : index
    %get3A_3 = arith.constant 0 : index
    %get3A_4 = vector.load %arg1[%get3A_2, %get3A_3] : memref<128x128xf32, #tpu.memory_space<vmem>>, vector<128x128xf32>
    %dot_general3A = arith.constant dense<0.000000e+00> : vector<10000x128xf32>
    %dot_general3A_5 = tpu.matmul %get3A_1, %get3A_4, %dot_general3A {dimension_numbers = #tpu.dot_dimension_numbers<[1], [0], [0], [1], [0, 0, 1, 1], [], []>, transpose_lhs_hint = false} : vector<10000x128xf32>, vector<128x128xf32>, vector<10000x128xf32> -> vector<10000x128xf32>
    %swap3A = arith.constant 0 : index
    %swap3A_6 = arith.constant 0 : index
    %swap3A_7 = vector.load %arg2[%swap3A, %swap3A_6] : memref<10000x128xf32, #tpu.memory_space<vmem>>, vector<10000x128xf32>
    tpu.vector_store %arg2[%swap3A, %swap3A_6], %dot_general3A_5 {strides = array<i32>} : memref<10000x128xf32, #tpu.memory_space<vmem>>, vector<10000x128xf32>,
    return
  }
}

module attributes {stable_mosaic.version = 14 : i64} {
  func.func @body(%arg0: i32, %arg1: memref<4000x128xf32, #tpu.memory_space<vmem>>, %arg2: memref<128x128xf32, #tpu.memory_space<vmem>>, %arg3: memref<4000x128xf32, #tpu.memory_space<vmem>>) attributes {dimension_semantics = [#tpu.dimension_semantics<parallel>], iteration_bounds = array<i64: 80>, scalar_prefetch = 0 : i64, scratch_operands = 0 : i64, tpu.core_type = #tpu.core_type<tc>, window_params = [{transform_indices = @transform_0, window_bounds = array<i64: 4000, 128>}, {pipeline_mode = #tpu.pipeline_mode<synchronous>, transform_indices = @transform_1, window_bounds = array<i64: 128, 128>}, {transform_indices = @transform_2, window_bounds = array<i64: 4000, 128>}]} {
    %get3A = arith.constant 0 : index
    %get3A_0 = arith.constant 0 : index
    %get3A_1 = vector.load %arg1[%get3A, %get3A_0] : memref<4000x128xf32, #tpu.memory_space<vmem>>, vector<4000x128xf32>
    %get3A_2 = arith.constant 0 : index
    %get3A_3 = arith.constant 0 : index
    %get3A_4 = vector.load %arg2[%get3A_2, %get3A_3] : memref<128x128xf32, #tpu.memory_space<vmem>>, vector<128x128xf32>
    %dot_general3A = arith.constant dense<0.000000e+00> : vector<4000x128xf32>
    %dot_general3A_5 = tpu.matmul %get3A_1, %get3A_4, %dot_general3A {dimension_numbers = #tpu.dot_dimension_numbers<[1], [0], [0], [1], [0, 0, 1, 1], [], []>, transpose_lhs_hint = false} : vector<4000x128xf32>, vector<128x128xf32>, vector<4000x128xf32> -> vector<4000x128xf32>
    %swap3A = arith.constant 0 : index
    %swap3A_6 = arith.constant 0 : index
    %swap3A_7 = vector.load %arg3[%swap3A, %swap3A_6] : memref<4000x128xf32, #tpu.memory_space<vmem>>, vector<4000x128xf32>
    tpu.vector_store %arg3[%swap3A, %swap3A_6], %dot_general3A_5 {strides = array<i32>} : memref<4000x128xf32, #tpu.memory_space<vmem>>, vector<4000x128xf32>,
    return
  }
  func.func @transform_0(%arg0: i32) -> (i32, i32) {
    %c0_i32 = arith.constant 0 : i32
    %c0_i32_0 = arith.constant 0 : i32
    return %arg0, %c0_i32 : i32, i32
  }
  func.func @transform_1(%arg0: i32) -> (i32, i32) {
    %c0_i32 = arith.constant 0 : i32
    %c0_i32_0 = arith.constant 0 : i32
    %c0_i32_1 = arith.constant 0 : i32
    return %c0_i32, %c0_i32_0 : i32, i32
  }
  func.func @transform_2(%arg0: i32) -> (i32, i32) {
    %c0_i32 = arith.constant 0 : i32
    %c0_i32_0 = arith.constant 0 : i32
    return %arg0, %c0_i32 : i32, i32
  }
}

module attributes {stable_mosaic.version = 14 : i64} {
  func.func @body(%arg0: i32, %arg1: memref<2000x133xf32, #tpu.memory_space<vmem>>, %arg2: memref<2000x128xf32, #tpu.memory_space<vmem>>, %arg3: memref<2000x1xi32, #tpu.memory_space<vmem>>, %arg4: memref<133x64xf32, #tpu.memory_space<vmem>>, %arg5: memref<64x64xf32, #tpu.memory_space<vmem>>, %arg6: memref<1x64xf32, #tpu.memory_space<vmem>>, %arg7: memref<2000x64xf32, #tpu.memory_space<vmem>>, %arg8: memref<512x64xf32, #tpu.memory_space<vmem>>, %arg9: memref<512x64xf32, #tpu.memory_space<vmem>>, %arg10: memref<512x64xf32, #tpu.memory_space<vmem>>) attributes {dimension_semantics = [#tpu.dimension_semantics<arbitrary>], iteration_bounds = array<i64: 5>, scalar_prefetch = 0 : i64, scratch_operands = 2 : i64, tpu.core_type = #tpu.core_type<tc>, window_params = [{transform_indices = @transform_0, window_bounds = array<i64: 2000, 133>}, {transform_indices = @transform_1, window_bounds = array<i64: 2000, 128>}, {transform_indices = @transform_2, window_bounds = array<i64: 2000, 1>}, {pipeline_mode = #tpu.pipeline_mode<synchronous>, transform_indices = @transform_3, window_bounds = array<i64: 133, 64>}, {pipeline_mode = #tpu.pipeline_mode<synchronous>, transform_indices = @transform_4, window_bounds = array<i64: 64, 64>}, {pipeline_mode = #tpu.pipeline_mode<synchronous>, transform_indices = @transform_5, window_bounds = array<i64: 1, 64>}, {transform_indices = @transform_6, window_bounds = array<i64: 2000, 64>}, {pipeline_mode = #tpu.pipeline_mode<synchronous>, transform_indices = @transform_7, window_bounds = array<i64: 512, 64>}]} {
    %get3A = arith.constant 0 : index
    %get3A_0 = arith.constant 64 : index
    %get3A_1 = vector.load %arg2[%get3A, %get3A_0] : memref<2000x128xf32, #tpu.memory_space<vmem>>, vector<2000x64xf32>
    %get3A_2 = arith.constant 0 : index
    %get3A_3 = arith.constant 0 : index
    %get3A_4 = vector.load %arg1[%get3A_2, %get3A_3] : memref<2000x133xf32, #tpu.memory_space<vmem>>, vector<2000x133xf32>
    %get3A_5 = arith.constant 0 : index
    %get3A_6 = arith.constant 0 : index
    %get3A_7 = vector.load %arg4[%get3A_5, %get3A_6] : memref<133x64xf32, #tpu.memory_space<vmem>>, vector<133x64xf32>
    %dot_general3A = arith.constant dense<0.000000e+00> : vector<2000x64xf32>
    %dot_general3A_8 = tpu.matmul %get3A_4, %get3A_7, %dot_general3A {dimension_numbers = #tpu.dot_dimension_numbers<[1], [0], [0], [1], [0, 0, 1, 1], [], []>, transpose_lhs_hint = false} : vector<2000x133xf32>, vector<133x64xf32>, vector<2000x64xf32> -> vector<2000x64xf32>
    %get3A_9 = arith.constant 0 : index
    %get3A_10 = arith.constant 0 : index
    %get3A_11 = vector.load %arg5[%get3A_9, %get3A_10] : memref<64x64xf32, #tpu.memory_space<vmem>>, vector<64x64xf32>
    %dot_general3A_12 = arith.constant dense<0.000000e+00> : vector<2000x64xf32>
    %dot_general3A_13 = tpu.matmul %get3A_1, %get3A_11, %dot_general3A_12 {dimension_numbers = #tpu.dot_dimension_numbers<[1], [0], [0], [1], [0, 0, 1, 1], [], []>, transpose_lhs_hint = false} : vector<2000x64xf32>, vector<64x64xf32>, vector<2000x64xf32> -> vector<2000x64xf32>
    %add3A = arith.addf %dot_general3A_8, %dot_general3A_13 : vector<2000x64xf32>
    %get3A_14 = arith.constant 0 : index
    %get3A_15 = arith.constant 0 : index
    %get3A_16 = vector.load %arg6[%get3A_14, %get3A_15] : memref<1x64xf32, #tpu.memory_space<vmem>>, vector<1x64xf32>
    %add3A_17 = vector.broadcast %get3A_16 : vector<1x64xf32> to vector<2000x64xf32>
    %add3A_18 = arith.addf %add3A, %add3A_17 : vector<2000x64xf32>
    %max3A = arith.constant 0.000000e+00 : f32
    %max3A_19 = vector.broadcast %max3A : f32 to vector<2000x64xf32>
    %max3A_20 = arith.maximumf %add3A_18, %max3A_19 : vector<2000x64xf32>
    %swap3A = arith.constant 0 : index
    %swap3A_21 = arith.constant 0 : index
    %swap3A_22 = vector.load %arg7[%swap3A, %swap3A_21] : memref<2000x64xf32, #tpu.memory_space<vmem>>, vector<2000x64xf32>
    tpu.vector_store %arg7[%swap3A, %swap3A_21], %max3A_20 {strides = array<i32>} : memref<2000x64xf32, #tpu.memory_space<vmem>>, vector<2000x64xf32>,
    %iota3A = tpu.iota {dimensions = array<i32: 1>} : vector<2000x512xi32>
    %get3A_23 = arith.constant 0 : index
    %get3A_24 = arith.constant 0 : index
    %get3A_25 = vector.load %arg3[%get3A_23, %get3A_24] : memref<2000x1xi32, #tpu.memory_space<vmem>>, vector<2000x1xi32>
    %eq3A = vector.broadcast %get3A_25 : vector<2000x1xi32> to vector<2000x512xi32>
    %eq3A_26 = arith.cmpi eq, %iota3A, %eq3A : vector<2000x512xi32>
    %convert_element_type3A = arith.extui %eq3A_26 : vector<2000x512xi1> to vector<2000x512xi32>
    %convert_element_type3A_27 = arith.sitofp %convert_element_type3A : vector<2000x512xi32> to vector<2000x512xf32>
    %eq3A_28 = arith.constant 0 : i32
    %eq3A_29 = arith.cmpi eq, %arg0, %eq3A_28 : i32
    %convert_element_type3A_30 = arith.extui %eq3A_29 : i1 to i32
    %cond3A = arith.constant 0 : i32
    %cond3A_31 = arith.cmpi ne, %convert_element_type3A_30, %cond3A : i32
    scf.if %cond3A_31 {
      %broadcast_in_dim3A_56 = arith.constant 0.000000e+00 : f32
      %broadcast_in_dim3A_57 = vector.broadcast %broadcast_in_dim3A_56 : f32 to vector<512x64xf32>
      %swap3A_58 = arith.constant 0 : index
      %swap3A_59 = arith.constant 0 : index
      %swap3A_60 = vector.load %arg9[%swap3A_58, %swap3A_59] : memref<512x64xf32, #tpu.memory_space<vmem>>, vector<512x64xf32>
      tpu.vector_store %arg9[%swap3A_58, %swap3A_59], %broadcast_in_dim3A_57 {strides = array<i32>} : memref<512x64xf32, #tpu.memory_space<vmem>>, vector<512x64xf32>,
      %broadcast_in_dim3A_61 = arith.constant 0.000000e+00 : f32
      %broadcast_in_dim3A_62 = vector.broadcast %broadcast_in_dim3A_61 : f32 to vector<512x64xf32>
      %swap3A_63 = arith.constant 0 : index
      %swap3A_64 = arith.constant 0 : index
      %swap3A_65 = vector.load %arg10[%swap3A_63, %swap3A_64] : memref<512x64xf32, #tpu.memory_space<vmem>>, vector<512x64xf32>
      tpu.vector_store %arg10[%swap3A_63, %swap3A_64], %broadcast_in_dim3A_62 {strides = array<i32>} : memref<512x64xf32, #tpu.memory_space<vmem>>, vector<512x64xf32>,
    } else {
    }
    %get3A_32 = arith.constant 0 : index
    %get3A_33 = arith.constant 0 : index
    %get3A_34 = vector.load %arg9[%get3A_32, %get3A_33] : memref<512x64xf32, #tpu.memory_space<vmem>>, vector<512x64xf32>
    %dot_general3A_35 = arith.constant dense<0.000000e+00> : vector<512x64xf32>
    %dot_general3A_36 = tpu.matmul %convert_element_type3A_27, %max3A_20, %dot_general3A_35 {dimension_numbers = #tpu.dot_dimension_numbers<[0], [0], [1], [1], [0, 1, 1, 1], [], []>, transpose_lhs_hint = false} : vector<2000x512xf32>, vector<2000x64xf32>, vector<512x64xf32> -> vector<512x64xf32>
    %add3A_37 = arith.addf %get3A_34, %dot_general3A_36 : vector<512x64xf32>
    %swap3A_38 = arith.constant 0 : index
    %swap3A_39 = arith.constant 0 : index
    %swap3A_40 = vector.load %arg9[%swap3A_38, %swap3A_39] : memref<512x64xf32, #tpu.memory_space<vmem>>, vector<512x64xf32>
    tpu.vector_store %arg9[%swap3A_38, %swap3A_39], %add3A_37 {strides = array<i32>} : memref<512x64xf32, #tpu.memory_space<vmem>>, vector<512x64xf32>,
    %get3A_41 = arith.constant 0 : index
    %get3A_42 = arith.constant 0 : index
    %get3A_43 = vector.load %arg10[%get3A_41, %get3A_42] : memref<512x64xf32, #tpu.memory_space<vmem>>, vector<512x64xf32>
    %broadcast_in_dim3A = arith.constant 1.000000e+00 : f32
    %broadcast_in_dim3A_44 = vector.broadcast %broadcast_in_dim3A : f32 to vector<2000x64xf32>
    %dot_general3A_45 = arith.constant dense<0.000000e+00> : vector<512x64xf32>
    %dot_general3A_46 = tpu.matmul %convert_element_type3A_27, %broadcast_in_dim3A_44, %dot_general3A_45 {dimension_numbers = #tpu.dot_dimension_numbers<[0], [0], [1], [1], [0, 1, 1, 1], [], []>, transpose_lhs_hint = false} : vector<2000x512xf32>, vector<2000x64xf32>, vector<512x64xf32> -> vector<512x64xf32>
    %add3A_47 = arith.addf %get3A_43, %dot_general3A_46 : vector<512x64xf32>
    %swap3A_48 = arith.constant 0 : index
    %swap3A_49 = arith.constant 0 : index
    %swap3A_50 = vector.load %arg10[%swap3A_48, %swap3A_49] : memref<512x64xf32, #tpu.memory_space<vmem>>, vector<512x64xf32>
    tpu.vector_store %arg10[%swap3A_48, %swap3A_49], %add3A_47 {strides = array<i32>} : memref<512x64xf32, #tpu.memory_space<vmem>>, vector<512x64xf32>,
    %eq3A_51 = arith.constant 4 : i32
    %eq3A_52 = arith.cmpi eq, %arg0, %eq3A_51 : i32
    %convert_element_type3A_53 = arith.extui %eq3A_52 : i1 to i32
    %cond3A_54 = arith.constant 0 : i32
    %cond3A_55 = arith.cmpi ne, %convert_element_type3A_53, %cond3A_54 : i32
    scf.if %cond3A_55 {
      %get3A_56 = arith.constant 0 : index
      %get3A_57 = arith.constant 0 : index
      %get3A_58 = vector.load %arg9[%get3A_56, %get3A_57] : memref<512x64xf32, #tpu.memory_space<vmem>>, vector<512x64xf32>
      %get3A_59 = arith.constant 0 : index
      %get3A_60 = arith.constant 0 : index
      %get3A_61 = vector.load %arg10[%get3A_59, %get3A_60] : memref<512x64xf32, #tpu.memory_space<vmem>>, vector<512x64xf32>
      %max3A_62 = arith.constant 1.000000e+00 : f32
      %max3A_63 = vector.broadcast %max3A_62 : f32 to vector<512x64xf32>
      %max3A_64 = arith.maximumf %get3A_61, %max3A_63 : vector<512x64xf32>
      %div3A = arith.divf %get3A_58, %max3A_64 : vector<512x64xf32>
      %swap3A_65 = arith.constant 0 : index
      %swap3A_66 = arith.constant 0 : index
      %swap3A_67 = vector.load %arg8[%swap3A_65, %swap3A_66] : memref<512x64xf32, #tpu.memory_space<vmem>>, vector<512x64xf32>
      tpu.vector_store %arg8[%swap3A_65, %swap3A_66], %div3A {strides = array<i32>} : memref<512x64xf32, #tpu.memory_space<vmem>>, vector<512x64xf32>,
    } else {
    }
    return
  }
  func.func @transform_0(%arg0: i32) -> (i32, i32) {
    %c0_i32 = arith.constant 0 : i32
    %c0_i32_0 = arith.constant 0 : i32
    return %arg0, %c0_i32 : i32, i32
  }
  func.func @transform_1(%arg0: i32) -> (i32, i32) {
    %c0_i32 = arith.constant 0 : i32
    %c0_i32_0 = arith.constant 0 : i32
    return %arg0, %c0_i32 : i32, i32
  }
  func.func @transform_2(%arg0: i32) -> (i32, i32) {
    %c0_i32 = arith.constant 0 : i32
    %c0_i32_0 = arith.constant 0 : i32
    return %arg0, %c0_i32 : i32, i32
  }
  func.func @transform_3(%arg0: i32) -> (i32, i32) {
    %c0_i32 = arith.constant 0 : i32
    %c0_i32_0 = arith.constant 0 : i32
    %c0_i32_1 = arith.constant 0 : i32
    return %c0_i32, %c0_i32_0 : i32, i32
  }
  func.func @transform_4(%arg0: i32) -> (i32, i32) {
    %c0_i32 = arith.constant 0 : i32
    %c0_i32_0 = arith.constant 0 : i32
    %c0_i32_1 = arith.constant 0 : i32
    return %c0_i32, %c0_i32_0 : i32, i32
  }
  func.func @transform_5(%arg0: i32) -> (i32, i32) {
    %c0_i32 = arith.constant 0 : i32
    %c0_i32_0 = arith.constant 0 : i32
    %c0_i32_1 = arith.constant 0 : i32
    return %c0_i32, %c0_i32_0 : i32, i32
  }
  func.func @transform_6(%arg0: i32) -> (i32, i32) {
    %c0_i32 = arith.constant 0 : i32
    %c0_i32_0 = arith.constant 0 : i32
    return %arg0, %c0_i32 : i32, i32
  }
  func.func @transform_7(%arg0: i32) -> (i32, i32) {
    %c0_i32 = arith.constant 0 : i32
    %c0_i32_0 = arith.constant 0 : i32
    %c0_i32_1 = arith.constant 0 : i32
    return %c0_i32, %c0_i32_0 : i32, i32
  }
}

module attributes {stable_mosaic.version = 14 : i64} {
  func.func @body(%arg0: i32, %arg1: memref<2000x133xf32, #tpu.memory_space<vmem>>, %arg2: memref<2000x128xf32, #tpu.memory_space<vmem>>, %arg3: memref<2000x1xi32, #tpu.memory_space<vmem>>, %arg4: memref<133x64xf32, #tpu.memory_space<vmem>>, %arg5: memref<64x64xf32, #tpu.memory_space<vmem>>, %arg6: memref<1x64xf32, #tpu.memory_space<vmem>>, %arg7: memref<2000x64xf32, #tpu.memory_space<vmem>>, %arg8: memref<512x64xf32, #tpu.memory_space<vmem>>, %arg9: memref<512x64xf32, #tpu.memory_space<vmem>>, %arg10: memref<512x64xf32, #tpu.memory_space<vmem>>) attributes {dimension_semantics = [#tpu.dimension_semantics<arbitrary>], iteration_bounds = array<i64: 5>, scalar_prefetch = 0 : i64, scratch_operands = 2 : i64, tpu.core_type = #tpu.core_type<tc>, window_params = [{transform_indices = @transform_0, window_bounds = array<i64: 2000, 133>}, {transform_indices = @transform_1, window_bounds = array<i64: 2000, 128>}, {transform_indices = @transform_2, window_bounds = array<i64: 2000, 1>}, {pipeline_mode = #tpu.pipeline_mode<synchronous>, transform_indices = @transform_3, window_bounds = array<i64: 133, 64>}, {pipeline_mode = #tpu.pipeline_mode<synchronous>, transform_indices = @transform_4, window_bounds = array<i64: 64, 64>}, {pipeline_mode = #tpu.pipeline_mode<synchronous>, transform_indices = @transform_5, window_bounds = array<i64: 1, 64>}, {transform_indices = @transform_6, window_bounds = array<i64: 2000, 64>}, {pipeline_mode = #tpu.pipeline_mode<synchronous>, transform_indices = @transform_7, window_bounds = array<i64: 512, 64>}]} {
    %get3A = arith.constant 0 : index
    %get3A_0 = arith.constant 0 : index
    %get3A_1 = vector.load %arg2[%get3A, %get3A_0] : memref<2000x128xf32, #tpu.memory_space<vmem>>, vector<2000x64xf32>
    %get3A_2 = arith.constant 0 : index
    %get3A_3 = arith.constant 0 : index
    %get3A_4 = vector.load %arg1[%get3A_2, %get3A_3] : memref<2000x133xf32, #tpu.memory_space<vmem>>, vector<2000x133xf32>
    %get3A_5 = arith.constant 0 : index
    %get3A_6 = arith.constant 0 : index
    %get3A_7 = vector.load %arg4[%get3A_5, %get3A_6] : memref<133x64xf32, #tpu.memory_space<vmem>>, vector<133x64xf32>
    %dot_general3A = arith.constant dense<0.000000e+00> : vector<2000x64xf32>
    %dot_general3A_8 = tpu.matmul %get3A_4, %get3A_7, %dot_general3A {dimension_numbers = #tpu.dot_dimension_numbers<[1], [0], [0], [1], [0, 0, 1, 1], [], []>, transpose_lhs_hint = false} : vector<2000x133xf32>, vector<133x64xf32>, vector<2000x64xf32> -> vector<2000x64xf32>
    %get3A_9 = arith.constant 0 : index
    %get3A_10 = arith.constant 0 : index
    %get3A_11 = vector.load %arg5[%get3A_9, %get3A_10] : memref<64x64xf32, #tpu.memory_space<vmem>>, vector<64x64xf32>
    %dot_general3A_12 = arith.constant dense<0.000000e+00> : vector<2000x64xf32>
    %dot_general3A_13 = tpu.matmul %get3A_1, %get3A_11, %dot_general3A_12 {dimension_numbers = #tpu.dot_dimension_numbers<[1], [0], [0], [1], [0, 0, 1, 1], [], []>, transpose_lhs_hint = false} : vector<2000x64xf32>, vector<64x64xf32>, vector<2000x64xf32> -> vector<2000x64xf32>
    %add3A = arith.addf %dot_general3A_8, %dot_general3A_13 : vector<2000x64xf32>
    %get3A_14 = arith.constant 0 : index
    %get3A_15 = arith.constant 0 : index
    %get3A_16 = vector.load %arg6[%get3A_14, %get3A_15] : memref<1x64xf32, #tpu.memory_space<vmem>>, vector<1x64xf32>
    %add3A_17 = vector.broadcast %get3A_16 : vector<1x64xf32> to vector<2000x64xf32>
    %add3A_18 = arith.addf %add3A, %add3A_17 : vector<2000x64xf32>
    %max3A = arith.constant 0.000000e+00 : f32
    %max3A_19 = vector.broadcast %max3A : f32 to vector<2000x64xf32>
    %max3A_20 = arith.maximumf %add3A_18, %max3A_19 : vector<2000x64xf32>
    %swap3A = arith.constant 0 : index
    %swap3A_21 = arith.constant 0 : index
    %swap3A_22 = vector.load %arg7[%swap3A, %swap3A_21] : memref<2000x64xf32, #tpu.memory_space<vmem>>, vector<2000x64xf32>
    tpu.vector_store %arg7[%swap3A, %swap3A_21], %max3A_20 {strides = array<i32>} : memref<2000x64xf32, #tpu.memory_space<vmem>>, vector<2000x64xf32>,
    %iota3A = tpu.iota {dimensions = array<i32: 1>} : vector<2000x512xi32>
    %get3A_23 = arith.constant 0 : index
    %get3A_24 = arith.constant 0 : index
    %get3A_25 = vector.load %arg3[%get3A_23, %get3A_24] : memref<2000x1xi32, #tpu.memory_space<vmem>>, vector<2000x1xi32>
    %eq3A = vector.broadcast %get3A_25 : vector<2000x1xi32> to vector<2000x512xi32>
    %eq3A_26 = arith.cmpi eq, %iota3A, %eq3A : vector<2000x512xi32>
    %convert_element_type3A = arith.extui %eq3A_26 : vector<2000x512xi1> to vector<2000x512xi32>
    %convert_element_type3A_27 = arith.sitofp %convert_element_type3A : vector<2000x512xi32> to vector<2000x512xf32>
    %eq3A_28 = arith.constant 0 : i32
    %eq3A_29 = arith.cmpi eq, %arg0, %eq3A_28 : i32
    %convert_element_type3A_30 = arith.extui %eq3A_29 : i1 to i32
    %cond3A = arith.constant 0 : i32
    %cond3A_31 = arith.cmpi ne, %convert_element_type3A_30, %cond3A : i32
    scf.if %cond3A_31 {
      %broadcast_in_dim3A_56 = arith.constant 0.000000e+00 : f32
      %broadcast_in_dim3A_57 = vector.broadcast %broadcast_in_dim3A_56 : f32 to vector<512x64xf32>
      %swap3A_58 = arith.constant 0 : index
      %swap3A_59 = arith.constant 0 : index
      %swap3A_60 = vector.load %arg9[%swap3A_58, %swap3A_59] : memref<512x64xf32, #tpu.memory_space<vmem>>, vector<512x64xf32>
      tpu.vector_store %arg9[%swap3A_58, %swap3A_59], %broadcast_in_dim3A_57 {strides = array<i32>} : memref<512x64xf32, #tpu.memory_space<vmem>>, vector<512x64xf32>,
      %broadcast_in_dim3A_61 = arith.constant 0.000000e+00 : f32
      %broadcast_in_dim3A_62 = vector.broadcast %broadcast_in_dim3A_61 : f32 to vector<512x64xf32>
      %swap3A_63 = arith.constant 0 : index
      %swap3A_64 = arith.constant 0 : index
      %swap3A_65 = vector.load %arg10[%swap3A_63, %swap3A_64] : memref<512x64xf32, #tpu.memory_space<vmem>>, vector<512x64xf32>
      tpu.vector_store %arg10[%swap3A_63, %swap3A_64], %broadcast_in_dim3A_62 {strides = array<i32>} : memref<512x64xf32, #tpu.memory_space<vmem>>, vector<512x64xf32>,
    } else {
    }
    %get3A_32 = arith.constant 0 : index
    %get3A_33 = arith.constant 0 : index
    %get3A_34 = vector.load %arg9[%get3A_32, %get3A_33] : memref<512x64xf32, #tpu.memory_space<vmem>>, vector<512x64xf32>
    %dot_general3A_35 = arith.constant dense<0.000000e+00> : vector<512x64xf32>
    %dot_general3A_36 = tpu.matmul %convert_element_type3A_27, %max3A_20, %dot_general3A_35 {dimension_numbers = #tpu.dot_dimension_numbers<[0], [0], [1], [1], [0, 1, 1, 1], [], []>, transpose_lhs_hint = false} : vector<2000x512xf32>, vector<2000x64xf32>, vector<512x64xf32> -> vector<512x64xf32>
    %add3A_37 = arith.addf %get3A_34, %dot_general3A_36 : vector<512x64xf32>
    %swap3A_38 = arith.constant 0 : index
    %swap3A_39 = arith.constant 0 : index
    %swap3A_40 = vector.load %arg9[%swap3A_38, %swap3A_39] : memref<512x64xf32, #tpu.memory_space<vmem>>, vector<512x64xf32>
    tpu.vector_store %arg9[%swap3A_38, %swap3A_39], %add3A_37 {strides = array<i32>} : memref<512x64xf32, #tpu.memory_space<vmem>>, vector<512x64xf32>,
    %get3A_41 = arith.constant 0 : index
    %get3A_42 = arith.constant 0 : index
    %get3A_43 = vector.load %arg10[%get3A_41, %get3A_42] : memref<512x64xf32, #tpu.memory_space<vmem>>, vector<512x64xf32>
    %broadcast_in_dim3A = arith.constant 1.000000e+00 : f32
    %broadcast_in_dim3A_44 = vector.broadcast %broadcast_in_dim3A : f32 to vector<2000x64xf32>
    %dot_general3A_45 = arith.constant dense<0.000000e+00> : vector<512x64xf32>
    %dot_general3A_46 = tpu.matmul %convert_element_type3A_27, %broadcast_in_dim3A_44, %dot_general3A_45 {dimension_numbers = #tpu.dot_dimension_numbers<[0], [0], [1], [1], [0, 1, 1, 1], [], []>, transpose_lhs_hint = false} : vector<2000x512xf32>, vector<2000x64xf32>, vector<512x64xf32> -> vector<512x64xf32>
    %add3A_47 = arith.addf %get3A_43, %dot_general3A_46 : vector<512x64xf32>
    %swap3A_48 = arith.constant 0 : index
    %swap3A_49 = arith.constant 0 : index
    %swap3A_50 = vector.load %arg10[%swap3A_48, %swap3A_49] : memref<512x64xf32, #tpu.memory_space<vmem>>, vector<512x64xf32>
    tpu.vector_store %arg10[%swap3A_48, %swap3A_49], %add3A_47 {strides = array<i32>} : memref<512x64xf32, #tpu.memory_space<vmem>>, vector<512x64xf32>,
    %eq3A_51 = arith.constant 4 : i32
    %eq3A_52 = arith.cmpi eq, %arg0, %eq3A_51 : i32
    %convert_element_type3A_53 = arith.extui %eq3A_52 : i1 to i32
    %cond3A_54 = arith.constant 0 : i32
    %cond3A_55 = arith.cmpi ne, %convert_element_type3A_53, %cond3A_54 : i32
    scf.if %cond3A_55 {
      %get3A_56 = arith.constant 0 : index
      %get3A_57 = arith.constant 0 : index
      %get3A_58 = vector.load %arg9[%get3A_56, %get3A_57] : memref<512x64xf32, #tpu.memory_space<vmem>>, vector<512x64xf32>
      %get3A_59 = arith.constant 0 : index
      %get3A_60 = arith.constant 0 : index
      %get3A_61 = vector.load %arg10[%get3A_59, %get3A_60] : memref<512x64xf32, #tpu.memory_space<vmem>>, vector<512x64xf32>
      %max3A_62 = arith.constant 1.000000e+00 : f32
      %max3A_63 = vector.broadcast %max3A_62 : f32 to vector<512x64xf32>
      %max3A_64 = arith.maximumf %get3A_61, %max3A_63 : vector<512x64xf32>
      %div3A = arith.divf %get3A_58, %max3A_64 : vector<512x64xf32>
      %swap3A_65 = arith.constant 0 : index
      %swap3A_66 = arith.constant 0 : index
      %swap3A_67 = vector.load %arg8[%swap3A_65, %swap3A_66] : memref<512x64xf32, #tpu.memory_space<vmem>>, vector<512x64xf32>
      tpu.vector_store %arg8[%swap3A_65, %swap3A_66], %div3A {strides = array<i32>} : memref<512x64xf32, #tpu.memory_space<vmem>>, vector<512x64xf32>,
    } else {
    }
    return
  }
  func.func @transform_0(%arg0: i32) -> (i32, i32) {
    %c0_i32 = arith.constant 0 : i32
    %c0_i32_0 = arith.constant 0 : i32
    return %arg0, %c0_i32 : i32, i32
  }
  func.func @transform_1(%arg0: i32) -> (i32, i32) {
    %c0_i32 = arith.constant 0 : i32
    %c0_i32_0 = arith.constant 0 : i32
    return %arg0, %c0_i32 : i32, i32
  }
  func.func @transform_2(%arg0: i32) -> (i32, i32) {
    %c0_i32 = arith.constant 0 : i32
    %c0_i32_0 = arith.constant 0 : i32
    return %arg0, %c0_i32 : i32, i32
  }
  func.func @transform_3(%arg0: i32) -> (i32, i32) {
    %c0_i32 = arith.constant 0 : i32
    %c0_i32_0 = arith.constant 0 : i32
    %c0_i32_1 = arith.constant 0 : i32
    return %c0_i32, %c0_i32_0 : i32, i32
  }
  func.func @transform_4(%arg0: i32) -> (i32, i32) {
    %c0_i32 = arith.constant 0 : i32
    %c0_i32_0 = arith.constant 0 : i32
    %c0_i32_1 = arith.constant 0 : i32
    return %c0_i32, %c0_i32_0 : i32, i32
  }
  func.func @transform_5(%arg0: i32) -> (i32, i32) {
    %c0_i32 = arith.constant 0 : i32
    %c0_i32_0 = arith.constant 0 : i32
    %c0_i32_1 = arith.constant 0 : i32
    return %c0_i32, %c0_i32_0 : i32, i32
  }
  func.func @transform_6(%arg0: i32) -> (i32, i32) {
    %c0_i32 = arith.constant 0 : i32
    %c0_i32_0 = arith.constant 0 : i32
    return %arg0, %c0_i32 : i32, i32
  }
  func.func @transform_7(%arg0: i32) -> (i32, i32) {
    %c0_i32 = arith.constant 0 : i32
    %c0_i32_0 = arith.constant 0 : i32
    %c0_i32_1 = arith.constant 0 : i32
    return %c0_i32, %c0_i32_0 : i32, i32
  }
}

</mosaic_0001>

<sc_bundles>
// kernel: kernel.14.cloned.1.call-start
scs
__scs_entry_jumppad:
0x0: {  	(pc) =	sbr.rel $0x88, $3  }
0x1: {  	(tag) =	ssettag $0x0;
	lr =	simm.s32 $0x1  }
0x2: {  	[smem:$0x3F91] =	sst lr;
	_ =	strace $0xD0000000  }
0x3: {  	_ = 	snop  }
0x4: {  	_ = 	snop  }
0x5: {  	_ = 	snop  }
0x6: {  	_ = 	snop  }
0x7: {  	_ = 	snop  }
__scs_overlays_trampoline_lowered:
0x8: {  	[smem:$0x3FA0] =	sst s0  }
0x9: {  	[smem:$0x3FA1] =	sst s1  }
0xa: {  	[smem:$0x3FA2] =	sst s2  }
0xb: {  	[smem:$0x3FA3] =	sst s3  }
0xc: {  	[smem:$0x3FA4] =	sst s4  }
0xd: {  	[smem:$0x3FA5] =	sst s5  }
0xe: {  	[smem:$0x3FA6] =	sst s6  }
0xf: {  	[smem:$0x3FA7] =	sst s7  }
0x10: {  	[smem:$0x3FA8] =	sst s8  }
0x11: {  	[smem:$0x3FA9] =	sst s9;
	s0 =	simm.s32 @!p0 $0x0  }
0x12: {  	s1 =	sld [smem:$0x3F8F];
	s0 =	simm.s32 @p0 $0x1  }
0x13: {  	[smem:$0x3FAA] =	sst s0;
	s0 =	simm.s32 @!p1 $0x0  }
0x14: {  	s2 =	sld [smem:$0x3F8E];
	s0 =	simm.s32 @p1 $0x1  }
0x15: {  	[smem:$0x3FAB] =	sst s0;
	s0 =	simm.s32 @!p2 $0x0  }
0x16: {  	s3 =	sld [smem:$0x3FDB];
	s0 =	simm.s32 @p2 $0x1  }
0x17: {  	s4 =	simm.s32 $0x1BF5;
	[smem:$0x3FAD] =	sst s0  }
0x18: {  	s0 =	sld [smem:$0x3F90];
	_ =	swait.ge [sflag:s4], $0x0  }
0x19: {  	s7 =	sld [smem:$0x3F91]  }
0x1a: {  	s8 =	sadd.s32 $0xFFFFE003, lr  }
0x1b: {  	s9 =	sadd.s32 $0xFFFFFEF7, lr;
	s5 =	simm.s32 $0xFFFFFFFF;
	p2 =	slt.u32 s8, $0xFFFFF086  }
0x1c: {  	p1 =	slt.u32 s9, $0xF7A;
	s5 =	simm.s32 @!p2 $0x0  }
0x1d: {  	s5 =	simm.s32 @p1 $0x1;
	p0 =	seq.s32 s7, s2  }
0x1e: {  	s7 =	smul.u32 @!p0 $0xF7A, s2;
	p2 =	seq.s32 @!p0 s5, $0x0  }
0x1f: {  	s9 =	smul.u32 $0xF7A, s1;
	s8 =	simm.s32 @!p0 $0x1BF5;
	p2 =	por !p2, p0  }
0x20: {  	[sflag:s8] =	ssyncset.s32 @!p0 $0xFFFFF086;
	s6 =	sadd.s32 @!p0 s3, s7;
	s7 =	simm.s32 @!p0 $0x108  }
0x21: {  	s3 =	sadd.s32 s3, s9;
	s6 =	sadd.s32 @!p0 $0x88, s6;
	s7 =	simm.s32 @p2 $0x1082  }
0x22: {  	[simem:s7], [sflag:s8] =	dma.local @!p0 [hbm:s6], $0xF7A  }
0x23: {  	s9 =	sor.u32 $0xD0000000, s2;
	s6 =	simm.s32 $0x108;
	_ =	swait.ge @!p0 [sflag:s8], $0x0  }
0x24: {  	s3 =	sadd.s32 $0x88, s3;
	s6 =	simm.s32 @!p1 $0x1082;
	[sflag:s4] =	ssyncset.s32 $0xFFFFF086  }
0x25: {  	[simem:s6], [sflag:s4] =	dma.local [hbm:s3], $0xF7A  }
0x26: {  	[smem:$0x3F91] =	sst s1;
	(tag) =	ssettag s2;
	_ =	strace s9  }
0x27: {  	s1 =	sld [smem:$0x3FA1]  }
0x28: {  	s2 =	sld [smem:$0x3FA2]  }
0x29: {  	s4 =	sld [smem:$0x3FA4]  }
0x2a: {  	p0 =	seq.s32 s5, $0x0;
	s5 =	sld [smem:$0x3FA5]  }
0x2b: {  	s6 =	sld [smem:$0x3FA6]  }
0x2c: {  	s7 =	sld [smem:$0x3FA7]  }
0x2d: {  	s3 =	simm.s32 $0x108;
	s8 =	sld [smem:$0x3FA8]  }
0x2e: {  	s3 =	simm.s32 @!p0 $0x1082;
	s9 =	sld [smem:$0x3FA9]  }
0x2f: {  	lr =	sadd.s32 s0, s3;
	s0 =	sld [smem:$0x3FA0]  }
0x30: {  	s3 =	sld [smem:$0x3FA3]  }
0x31: {  	[smem:$0x3FAC] =	sst s10  }
0x32: {  	s10 =	sld [smem:$0x3FAA];
	_ =	sdelay $0x3  }
0x33: {  	p0 =	seq.s32 s10, $0x1;
	s10 =	sld [smem:$0x3FAC];
	_ =	sdelay $0x3  }
0x34: {  	[smem:$0x3FAC] =	sst s10  }
0x35: {  	s10 =	sld [smem:$0x3FAB];
	_ =	sdelay $0x3  }
0x36: {  	p1 =	seq.s32 s10, $0x1;
	s10 =	sld [smem:$0x3FAC];
	_ =	sdelay $0x3  }
0x37: {  	[smem:$0x3FAC] =	sst s10  }
0x38: {  	s10 =	sld [smem:$0x3FAD]  }
0x39: {  	_ = 	snop;
	(pc) =	sbr.ind lr, $3  }
0x3a: {  	_ = 	snop  }
0x3b: {  	_ = 	snop  }
0x3c: {  	p2 =	seq.s32 s10, $0x1;
	s10 =	sld [smem:$0x3FAC]  }
0x3d: {  	_ =	shalt  }
0x3e: {  	_ =	shalt  }
0x3f: {  	_ =	shalt  }
0x40: {  	_ =	shalt  }
0x41: {  	_ =	shalt  }
0x42: {  	_ =	shalt  }
0x43: {  	_ =	shalt  }
0x44: {  	_ =	shalt  }
0x45: {  	_ =	shalt  }
0x46: {  	_ =	shalt  }
0x47: {  	_ =	shalt  }
0x48: {  	_ =	shalt  }
0x49: {  	_ =	shalt  }
0x4a: {  	_ =	shalt  }
0x4b: {  	_ =	shalt  }
0x4c: {  	_ =	shalt  }
0x4d: {  	_ =	shalt  }
0x4e: {  	_ =	shalt  }
0x4f: {  	_ =	shalt  }
0x50: {  	_ =	shalt  }
0x51: {  	_ =	shalt  }
0x52: {  	_ =	shalt  }
0x53: {  	_ =	shalt  }
0x54: {  	_ =	shalt  }
0x55: {  	_ =	shalt  }
0x56: {  	_ =	shalt  }
0x57: {  	_ =	shalt  }
0x58: {  	_ =	shalt  }
0x59: {  	_ =	shalt  }
0x5a: {  	_ =	shalt  }
0x5b: {  	_ =	shalt  }
0x5c: {  	_ =	shalt  }
0x5d: {  	_ =	shalt  }
0x5e: {  	_ =	shalt  }
0x5f: {  	_ =	shalt  }
0x60: {  	_ =	shalt  }
0x61: {  	_ =	shalt  }
0x62: {  	_ =	shalt  }
0x63: {  	_ =	shalt  }
0x64: {  	_ =	shalt  }
0x65: {  	_ =	shalt  }
0x66: {  	_ =	shalt  }
0x67: {  	_ =	shalt  }
0x68: {  	_ =	shalt  }
0x69: {  	_ =	shalt  }
0x6a: {  	_ =	shalt  }
0x6b: {  	_ =	shalt  }
0x6c: {  	_ =	shalt  }
0x6d: {  	_ =	shalt  }
0x6e: {  	_ =	shalt  }
0x6f: {  	_ =	shalt  }
0x70: {  	_ =	shalt  }
0x71: {  	_ =	shalt  }
0x72: {  	_ =	shalt  }
0x73: {  	_ =	shalt  }
0x74: {  	_ =	shalt  }
0x75: {  	_ =	shalt  }
0x76: {  	_ =	shalt  }
0x77: {  	_ =	shalt  }
0x78: {  	_ =	shalt  }
0x79: {  	_ =	shalt  }
0x7a: {  	_ =	shalt  }
0x7b: {  	_ =	shalt  }
0x7c: {  	_ =	shalt  }
0x7d: {  	_ =	shalt  }
0x7e: {  	_ =	shalt  }
0x7f: {  	_ =	shalt  }
0x80: {  	_ =	shalt  }
0x81: {  	_ =	shalt  }
0x82: {  	_ =	shalt  }
0x83: {  	_ =	shalt  }
0x84: {  	_ =	shalt  }
0x85: {  	_ =	shalt  }
0x86: {  	_ =	shalt  }
0x87: {  	_ =	shalt  }
.Lfunc_end0:
.L_simem_size_0:
called_computation_lowered:
.L_overlay_start_0:
0x88: {  	s2 =	sld [smem:$0x3FD9]  }
0x89: {  	s3 =	sld [smem:$0x3FFE];
	_ =	sdelay $0x1  }
0x8a: {  	s1 =	srdreg.scid  }
0x8b: {  	s0 =	sand.u32 $0x1, s1  }
0x8c: {  	s14 =	sshll.u32 s0, $0xA;
	s2 =	sadd.s32 s3, s2  }
0x8d: {  	s2 =	sadd.s32 s2, s14  }
0x8e: {  	[smem:$0x3FB8] =	sst s2  }
0x8f: {  	_ = 	snop  }
0x90: {  	s2 =	sld [smem:$0x3FD0];
	_ =	sdelay $0x2  }
0x91: {  	s15 =	simm.s32 $0xA;
	s4 =	simm.s32 $0x10  }
0x92: {  	[smem:s4], [sflag:s15] =	dma.local [hbm:s2], $0x1  }
0x93: {  	_ =	swait.eq [sflag:s15], $0x1  }
0x94: {  	[sflag:s15] =	ssyncset.done $0x0  }
0x95: {  	s16 =	sld [smem:$0x12];
	[sflag:s15] =	ssyncadd.s32 $0xFFFFFFFF  }
0x96: {  	s17 =	sld [smem:$0x13];
	(tm) =	ssettm $0x1  }
0x97: {  	s18 =	sld [smem:$0x3FFB];
	_ =	sdelay $0x3  }
0x98: {  	_ =	strace s18  }
0x99: {  	s4 =	sld [smem:$0x3FFC];
	_ =	sdelay $0x3  }
0x9a: {  	_ =	strace s4  }
0x9b: {  	s4 =	sld [smem:$0x3FFD];
	_ =	sdelay $0x3  }
0x9c: {  	_ =	strace s4  }
0x9d: {  	_ =	strace $0x8FFFFFFF  }
0x9e: {  	s19 =	sld [smem:$0x3FDB];
	_ =	sdelay $0x1  }
0x9f: {  	s5 =	simm.s32 $_scs_section_size  }
0xa0: {  	s6 =	simm.s32 $_size__tile_overlayer_lowered;
	s7 =	simm.s32 $_tile_overlayer_lowered  }
0xa1: {  	s22 =	simm.s32 $0x1BFF;
	s21 =	sshll.u32 s7, $0x1;
	s4 =	sadd.s32 s5, s19  }
0xa2: {  	s8 =	simm.s32 $0x0;
	s20 =	sshll.u32 s6, $0x1;
	s6 =	sadd.s32 s21, s4  }
0xa3: {  	[timem:s8], [sflag:s22] =	dma.local [hbm:s6], s20  }
0xa4: {  	_ =	swait.ge [sflag:s22], s20  }
0xa5: {  	s5 =	ssub.s32 $0x0, s20;
	[sflag:s22] =	ssyncset.done $0x0  }
0xa6: {  	[sflag:s22] =	ssyncadd.s32 s5;
	_ =	sdelay $0x1  }
0xa7: {  	s23 =	simm.s32 $0x1B8B  }
0xa8: {  	_ =	swait.ge [sflag:s23], $0x1  }
0xa9: {  	[sflag:s23] =	ssyncset.done $0x0  }
0xaa: {  	s25 =	simm.s32 $0x1B8E;
	s24 =	sld [smem:$0x3FFE];
	[sflag:s23] =	ssyncadd.s32 $0xFFFFFFFF  }
0xab: {  	s26 =	simm.s32 $execute0_lowered;
	[smem:$0x3FD2] =	sst s25  }
0xac: {  	s6 =	sshll.u32 s26, $0x1;
	_ =	strace $0x80000046;
	[dreg:$0x1] =	wrdreg $0xFFFFFFFF  }
0xad: {  	s28 =	simm.s32 $_size_execute0_lowered;
	s4 =	sadd.s32 s4, s6;
	[dreg:$0x0] =	wrdreg $0x0  }
0xae: {  	s6 =	sshll.u32 s28, $0x1;
	[dreg:$0x2] =	wrdreg s4  }
0xaf: {  	[dreg:$0x3] =	wrdreg s6  }
0xb0: {  	[dreg:$0x4] =	wrdreg $0xC0  }
0xb1: {  	_ =	task [dreg:s8], $0x5FFFF  }
0xb2: {  	[dreg:$0x1] =	wrdreg $0xFFFFFFFF  }
0xb3: {  	[dreg:$0x0] =	wrdreg $0x60  }
0xb4: {  	[dreg:$0x2] =	wrdreg s24  }
0xb5: {  	[dreg:$0x3] =	wrdreg s17  }
0xb6: {  	[dreg:$0x4] =	wrdreg s16  }
0xb7: {  	[dreg:$0x5] =	wrdreg $0x9  }
0xb8: {  	_ =	task.clear_ibuf [dreg:s8], $0x6FFFF;
	_ =	strace $0x90000046  }
0xb9: {  	s29 =	simm.s32 $0x9;
	_ =	strace $0x80000048  }
0xba: {  	_ =	swait.ge [sflag:s29], $0x1  }
0xbb: {  	[sflag:s29] =	ssyncadd.s32 $0xFFFFFFFF  }
0xbc: {  	_ =	strace $0x90000048  }
0xbd: {  	_ =	sfence  }
0xbe: {  	s30 =	sld [smem:$0x0];
	_ =	sdelay $0x2  }
0xbf: {  	s31 =	sshll.u32 s1, $0xD;
	s1 =	sshrl.u32 s1, $0x2  }
0xc0: {  	s3 =	sand.u32 $0x4000, s31;
	s1 =	sadd.s32 s1, s30  }
0xc1: {  	s0 =	sor.u32 s3, s0;
	s1 =	sshll.u32 s1, $0x11  }
0xc2: {  	s0 =	sor.u32 s1, s0  }
0xc3: {  	s0 =	sadd.s32 $0x8F2B, s0  }
0xc4: {  	[sflag:s0] =	ssyncadd.remote.s32 $0x1  }
0xc5: {  	_ =	sfence.sel $0xFFFF  }
0xc6: {  	[dreg:$0x0] =	wrdreg $0xFFFFFFFF;
	(pc) =	sbr.abs _section_cstart, $3  }
0xc7: {  	[dreg:$0x1] =	wrdreg $0xFFFFFFFF  }
0xc8: {  	_ =	task.clear_ibuf [dreg:s8], $0x2FFFF;
	_ =	strace $0x9FFFFFFF  }
0xc9: {  	(tm) =	ssettm $0x7FFFFFFF  }
tec
execute0_lowered:
.L_overlay_start_1:
0x0: {  	(tag) =	ssettag $0x1  }
0x1: {  	s5 =	rddreg [dreg:$0x0]  }
0x2: {  	s7 =	rddreg [dreg:$0x1];
	s1 =	srdreg.scid  }
0x3: {  	s0 =	stileid.u32;
	s8 =	rddreg [dreg:$0x2]  }
0x4: {  	s2 =	simm.s32 $0x0;
	s13 =	simm.s32 $0x100;
	s14 =	simm.s32 $0x5000  }
0x5: {  	s15 =	simm.s32 $0x1;
	s16 =	simm.s32 $0xD000;
	s17 =	simm.s32 $0x2  }
0x6: {  	s18 =	simm.s32 $0x15000;
	s6 =	sand.u32 $0x1, s1;
	s3 =	sshll.u32 s0, $0x1  }
0x7: {  	s19 =	simm.s32 $0x0;
	s1 =	rddreg [dreg:$0x3];
	s3 =	sor.u32 s6, s3  }
0x8: {  	[smem:$0x7FF] =	sst s2;
	s9 =	ssub.s32 $0x2, s6;
	s3 =	smul.u32 $0x140, s3  }
0x9: {  	s4 =	sadd.s32 $0x3C00, s5;
	s5 =	sadd.s32 $0x4E5C00, s5;
	s10 =	sshrl.u32 s9, $0x1  }
0xa: {  	_ =	strace $0x80000047;
	s10 =	ssub.s32 s9, s10;
	s6 =	smin.u32 s3, $0x25D0  }
0xb: {  	s10 =	smax.u32 s10, $0x1;
	s11 =	sshll.u32 s6, $0x2;
	s12 =	ssub.s32 s3, s6  }
0xc: {  	s7 =	sadd.s32 s7, s11;
	s31 =	sshll.u32 s12, $0x7;
	s8 =	sadd.s32 s8, s11  }
0xd: {  	s11 =	simm.s32 $0x3;
	s12 =	simm.s32 $0x2800;
	s9 =	sshra.s32 s31, $0x2  }
.LBB2_1:
0xe: {  	[tilespmem:s2], [sflag:$0x3] =	stream.linear.gather [hbm4b:s7+s2], $0x2800, $0x38;
	[tilespmem:$0x15400] =	vst v63  }
0xf: {  	_ =	swait.ge [sflag:s11], $0x2800  }
0x10: {  	[sflag:s11] =	ssyncset.done $0x0  }
0x11: {  	[sflag:s11] =	ssyncadd.s32 $0xFFFFD800  }
0x12: {  	[tilespmem:s12], [sflag:$0x3] =	stream.linear.gather [hbm4b:s8+s2], $0x2800, $0x38;
	[tilespmem:$0x15400] =	vst v63  }
0x13: {  	_ =	swait.ge [sflag:s11], $0x2800  }
0x14: {  	[sflag:s11] =	ssyncset.done $0x0  }
0x15: {  	s20 =	simm.s32 $0x0;
	[sflag:s11] =	ssyncadd.s32 $0xFFFFD800  }
0x16: {  	[tilespmem:s14], [sflag:$0x1] =	stream.indirect.gather [hbm4b:s4+s13], $0x80, s9, s13, $0xb8;
	[tilespmem:$0x15400] =	vst v63  }
.LBB2_2:
0x17: {  	s21 =	sshll.u32 s20, $0x3  }
0x18: {  	s21 =	sadd.s32 s3, s21  }
0x19: {  	s21 =	smin.u32 s21, $0x2708  }
0x1a: {  	s22 =	ssub.s32 s21, s6  }
0x1b: {  	_ =	swait.ge [sflag:s15], $0x8000;
	s22 =	sshll.u32 s22, $0x7  }
0x1c: {  	[sflag:s15] =	ssyncset.done $0x0;
	s22 =	sshra.s32 s22, $0x2  }
0x1d: {  	[sflag:s15] =	ssyncadd.s32 $0xFFFF8000;
	s22 =	sadd.s32 $0x2800, s22  }
0x1e: {  	[tilespmem:s16], [sflag:$0x2] =	stream.indirect.gather [hbm4b:s4+s13], $0x80, s22, s13, $0xb8;
	[tilespmem:$0x15400] =	vst v63  }
0x1f: {  	s23 =	simm.s32 $0x5020;
	s22 =	simm.s32 $0x0  }
.LBB2_3:
0x20: {  	v2 =	vmov s23;
	_ =	sdelay $0x3  }
0x21: {  	s25 =	simm.s32 $0x0  }
0x22: {  	v1 =	vld.idx.msk [tilespmem:v2+s25+$0x10 ss:$0x1], $0xffff  }
0x23: {  	v4 =	vld.idx.msk [tilespmem:v2+s25+$0xFFFFFFE0 ss:$0x1], $0xffff  }
0x24: {  	v0 =	vimm.f32 $0.0e+00;
	v7 =	vld.idx.msk [tilespmem:v2+s25+$0xFFFFFFF0 ss:$0x1], $0xffff  }
0x25: {  	s24 =	simm.s32 $0x200;
	v8 =	vimm.f32 $0.0e+00;
	v6 =	vimm.f32 $0.0e+00;
	v3 =	vimm.f32 $0.0e+00;
	v5 =	vld.idx.msk [tilespmem:v2+s25+$0x0 ss:$0x1], $0xffff  }
.LBB2_4:
0x26: {  	s25 =	sshra.s32 s24, $0x2;
	p0 =	sne.s32 s24, $0x3E00;
	s24 =	sadd.s32 $0x200, s24  }
.Ltmp0:
0x27: {  	v9 =	vmax.f32 v1, $0.0e+00;
	v1 =	vld.idx.msk [tilespmem:v2+s25+$0x10 ss:$0x1], $0xffff;
	(pc) =	sbr.rel @p0 .LBB2_4-.Ltmp0, $4  }
0x28: {  	v10 =	vmax.f32 v4, $0.0e+00;
	v0 =	vadd.f32 v9, v0;
	v4 =	vld.idx.msk [tilespmem:v2+s25+$0xFFFFFFE0 ss:$0x1], $0xffff  }
0x29: {  	v9 =	vmax.f32 v7, $0.0e+00;
	v8 =	vadd.f32 v10, v8;
	v7 =	vld.idx.msk [tilespmem:v2+s25+$0xFFFFFFF0 ss:$0x1], $0xffff  }
0x2a: {  	v10 =	vmax.f32 v5, $0.0e+00;
	v6 =	vadd.f32 v9, v6;
	v5 =	vld.idx.msk [tilespmem:v2+s25+$0x0 ss:$0x1], $0xffff  }
0x2b: {  	v3 =	vadd.f32 v10, v3  }
0x2c: {  	s24 =	sshll.u32 s22, $0x7;
	v1 =	vmax.f32 v1, $0.0e+00;
	s22 =	sadd.s32 $0x1, s22  }
0x2d: {  	v2 =	vmax.f32 v4, $0.0e+00;
	v0 =	vadd.f32 v1, v0;
	p0 =	sne.s32 s22, $0x8  }
.Ltmp1:
0x2e: {  	s24 =	sand.u32 $0x3FFFFF80, s24;
	v63 =	vmax.f32 v7, $0.0e+00;
	v2 =	vadd.f32 v2, v8;
	(pc) =	sbr.rel @p0 .LBB2_3-.Ltmp1, $4  }
0x2f: {  	v5 =	vmax.f32 v5, $0.0e+00;
	v4 =	vadd.f32 v63, v6;
	[tilespmem:s24+$0x15030] =	vst v0  }
0x30: {  	v3 =	vadd.f32 v5, v3;
	[tilespmem:s24+$0x15000] =	vst v2  }
0x31: {  	[tilespmem:s24+$0x15010] =	vst v4  }
0x32: {  	s23 =	sadd.s32 $0x1000, s23;
	[tilespmem:s24+$0x15020] =	vst v3  }
0x33: {  	s20 =	sadd.s32 $0x1, s20  }
0x34: {  	p0 =	seq.s32 s20, $0x28;
	s22 =	sshll.u32 s20, $0x3  }
0x35: {  	s22 =	simm.s32 @p0 $0x0  }
0x36: {  	s22 =	sadd.s32 s3, s22  }
0x37: {  	s22 =	smin.u32 s22, $0x2708  }
0x38: {  	_ =	swait.ge [sflag:s17], $0x8000;
	s22 =	ssub.s32 s22, s6  }
0x39: {  	[sflag:s17] =	ssyncset.done $0x0;
	s22 =	sshll.u32 s22, $0x7  }
0x3a: {  	[sflag:s17] =	ssyncadd.s32 $0xFFFF8000;
	s22 =	sshra.s32 s22, $0x2  }
0x3b: {  	[tilespmem:s14], [sflag:$0x1] =	stream.indirect.gather [hbm4b:s4+s13], $0x80, s22, s13, $0xb8;
	[tilespmem:$0x15400] =	vst v63  }
0x3c: {  	s23 =	simm.s32 $0xD040;
	s22 =	simm.s32 $0x0  }
.LBB2_7:
0x3d: {  	v2 =	vmov s23;
	_ =	sdelay $0x3  }
0x3e: {  	s25 =	simm.s32 $0x0  }
0x3f: {  	v1 =	vld.idx.msk [tilespmem:v2+s25+$0x30 ss:$0x1], $0xffff  }
0x40: {  	v4 =	vld.idx.msk [tilespmem:v2+s25+$0x0 ss:$0x1], $0xffff  }
0x41: {  	v0 =	vimm.f32 $0.0e+00;
	v7 =	vld.idx.msk [tilespmem:v2+s25+$0x10 ss:$0x1], $0xffff  }
0x42: {  	s24 =	simm.s32 $0x200;
	v8 =	vimm.f32 $0.0e+00;
	v6 =	vimm.f32 $0.0e+00;
	v3 =	vimm.f32 $0.0e+00;
	v5 =	vld.idx.msk [tilespmem:v2+s25+$0x20 ss:$0x1], $0xffff  }
.LBB2_8:
0x43: {  	s25 =	sshra.s32 s24, $0x2;
	p0 =	sne.s32 s24, $0x3E00;
	s24 =	sadd.s32 $0x200, s24  }
.Ltmp2:
0x44: {  	v9 =	vmax.f32 v1, $0.0e+00;
	v1 =	vld.idx.msk [tilespmem:v2+s25+$0x30 ss:$0x1], $0xffff;
	(pc) =	sbr.rel @p0 .LBB2_8-.Ltmp2, $4  }
0x45: {  	v10 =	vmax.f32 v4, $0.0e+00;
	v0 =	vadd.f32 v9, v0;
	v4 =	vld.idx.msk [tilespmem:v2+s25+$0x0 ss:$0x1], $0xffff  }
0x46: {  	v9 =	vmax.f32 v7, $0.0e+00;
	v8 =	vadd.f32 v10, v8;
	v7 =	vld.idx.msk [tilespmem:v2+s25+$0x10 ss:$0x1], $0xffff  }
0x47: {  	v10 =	vmax.f32 v5, $0.0e+00;
	v6 =	vadd.f32 v9, v6;
	v5 =	vld.idx.msk [tilespmem:v2+s25+$0x20 ss:$0x1], $0xffff  }
0x48: {  	v3 =	vadd.f32 v10, v3  }
0x49: {  	s24 =	sshll.u32 s22, $0x7;
	v1 =	vmax.f32 v1, $0.0e+00;
	s22 =	sadd.s32 $0x1, s22  }
0x4a: {  	v2 =	vmax.f32 v4, $0.0e+00;
	v0 =	vadd.f32 v1, v0;
	p0 =	sne.s32 s22, $0x8  }
.Ltmp3:
0x4b: {  	s24 =	sand.u32 $0x3FFFFF80, s24;
	v63 =	vmax.f32 v7, $0.0e+00;
	v2 =	vadd.f32 v2, v8;
	(pc) =	sbr.rel @p0 .LBB2_7-.Ltmp3, $4  }
0x4c: {  	v5 =	vmax.f32 v5, $0.0e+00;
	v4 =	vadd.f32 v63, v6;
	[tilespmem:s24+$0x15070] =	vst v0  }
0x4d: {  	v3 =	vadd.f32 v5, v3;
	[tilespmem:s24+$0x15040] =	vst v2  }
0x4e: {  	[tilespmem:s24+$0x15050] =	vst v4  }
0x4f: {  	s23 =	sadd.s32 $0x1000, s23;
	[tilespmem:s24+$0x15060] =	vst v3  }
0x50: {  	s21 =	sshll.u32 s21, $0x4;
	p0 =	sne.s32 s20, $0x28  }
.Ltmp4:
0x51: {  	s21 =	sadd.s32 s5, s21;
	(pc) =	sbr.rel @p0 .LBB2_2-.Ltmp4, $4  }
0x52: {  	[hbm4b:s21+s2] =	stream.linear.scatter [tilespmem:s18], [sflag:$0x3], $0x400, $0x38;
	[tilespmem:$0x15400] =	vst v63  }
0x53: {  	_ =	swait.ge [sflag:s11], $0x400  }
0x54: {  	[sflag:s11] =	ssyncset.done $0x0  }
0x55: {  	[sflag:s11] =	ssyncadd.s32 $0xFFFFFC00  }
0x56: {  	s19 =	sadd.s32 $0x1, s19  }
0x57: {  	p0 =	sne.s32 s19, s10  }
.Ltmp5:
0x58: {  	_ = 	snop;
	(pc) =	sbr.rel @p0 .LBB2_1-.Ltmp5, $4  }
0x59: {  	_ = 	snop  }
0x5a: {  	_ =	swait.ge [sflag:s15], $0x8000  }
0x5b: {  	[sflag:s15] =	ssyncset.done $0x0  }
0x5c: {  	[sflag:s15] =	ssyncadd.s32 $0xFFFF8000  }
0x5d: {  	_ =	sfence.sel $0x180000  }
0x5e: {  	[bflag:$0x0] =	sbarrier.arrive $0xFFFF  }
0x5f: {  	p0 =	sne.s32 s0, $0x0;
	_ =	strace $0x90000047  }
0x60: {  	s0 =	sadd.s32 @!p0 $0x100000, s1;
	[bflag:$0x2] =	sbarrier.arrive $0xFFFF  }
0x61: {  	[sflag:s0] =	ssyncadd.tile.s32 @!p0 $0x1;
	_ =	shalt  }
.Lfunc_end2:
_tile_overlayer_lowered:
.L_overlay_start_2:
0x62: {  	(tag) =	ssettag $0x2  }
0x63: {  	s0 =	rddreg [dreg:$0x0];
	s2 =	stileid.u32  }
0x64: {  	s1 =	rddreg [dreg:$0x1];
	p0 =	sne.s32 s2, $0x0  }
0x65: {  	s3 =	rddreg [dreg:$0x2];
	[bflag:$0x3] =	sbarrier.arrive $0xFFFF;
	s2 =	simm.s32 @!p0 $0x1C03  }
0x66: {  	[timem:s3], [sflag:s2] =	dma.local @!p0 [hbm:s0], s1  }
0x67: {  	s0 =	simm.s32 @!p0 $0x3  }
0x68: {  	_ =	swait.ge @!p0 [sflag:s0], s1  }
0x69: {  	s1 =	ssub.s32 @!p0 $0x0, s1;
	[sflag:s0] =	ssyncset.done @!p0 $0x0  }
0x6a: {  	[sflag:s0] =	ssyncadd.s32 @!p0 s1  }
0x6b: {  	[bflag:$0x3] =	sbarrier.arrive $0xFFFF  }
0x6c: {  	_ =	shalt  }

// kernel: kernel.17.cloned.1.call-start
scs
__scs_entry_jumppad:
0x0: {  	(pc) =	sbr.rel $0x88, $3  }
0x1: {  	(tag) =	ssettag $0x0;
	lr =	simm.s32 $0x1  }
0x2: {  	[smem:$0x3F91] =	sst lr;
	_ =	strace $0xD0000000  }
0x3: {  	_ = 	snop  }
0x4: {  	_ = 	snop  }
0x5: {  	_ = 	snop  }
0x6: {  	_ = 	snop  }
0x7: {  	_ = 	snop  }
__scs_overlays_trampoline_lowered:
0x8: {  	[smem:$0x3FA0] =	sst s0  }
0x9: {  	[smem:$0x3FA1] =	sst s1  }
0xa: {  	[smem:$0x3FA2] =	sst s2  }
0xb: {  	[smem:$0x3FA3] =	sst s3  }
0xc: {  	[smem:$0x3FA4] =	sst s4  }
0xd: {  	[smem:$0x3FA5] =	sst s5  }
0xe: {  	[smem:$0x3FA6] =	sst s6  }
0xf: {  	[smem:$0x3FA7] =	sst s7  }
0x10: {  	[smem:$0x3FA8] =	sst s8  }
0x11: {  	[smem:$0x3FA9] =	sst s9;
	s0 =	simm.s32 @!p0 $0x0  }
0x12: {  	s1 =	sld [smem:$0x3F8F];
	s0 =	simm.s32 @p0 $0x1  }
0x13: {  	[smem:$0x3FAA] =	sst s0;
	s0 =	simm.s32 @!p1 $0x0  }
0x14: {  	s2 =	sld [smem:$0x3F8E];
	s0 =	simm.s32 @p1 $0x1  }
0x15: {  	[smem:$0x3FAB] =	sst s0;
	s0 =	simm.s32 @!p2 $0x0  }
0x16: {  	s3 =	sld [smem:$0x3FDB];
	s0 =	simm.s32 @p2 $0x1  }
0x17: {  	s4 =	simm.s32 $0x1BF5;
	[smem:$0x3FAD] =	sst s0  }
0x18: {  	s0 =	sld [smem:$0x3F90];
	_ =	swait.ge [sflag:s4], $0x0  }
0x19: {  	s7 =	sld [smem:$0x3F91]  }
0x1a: {  	s8 =	sadd.s32 $0xFFFFE003, lr  }
0x1b: {  	s9 =	sadd.s32 $0xFFFFFEF7, lr;
	s5 =	simm.s32 $0xFFFFFFFF;
	p2 =	slt.u32 s8, $0xFFFFF086  }
0x1c: {  	p1 =	slt.u32 s9, $0xF7A;
	s5 =	simm.s32 @!p2 $0x0  }
0x1d: {  	s5 =	simm.s32 @p1 $0x1;
	p0 =	seq.s32 s7, s2  }
0x1e: {  	s7 =	smul.u32 @!p0 $0xF7A, s2;
	p2 =	seq.s32 @!p0 s5, $0x0  }
0x1f: {  	s9 =	smul.u32 $0xF7A, s1;
	s8 =	simm.s32 @!p0 $0x1BF5;
	p2 =	por !p2, p0  }
0x20: {  	[sflag:s8] =	ssyncset.s32 @!p0 $0xFFFFF086;
	s6 =	sadd.s32 @!p0 s3, s7;
	s7 =	simm.s32 @!p0 $0x108  }
0x21: {  	s3 =	sadd.s32 s3, s9;
	s6 =	sadd.s32 @!p0 $0x88, s6;
	s7 =	simm.s32 @p2 $0x1082  }
0x22: {  	[simem:s7], [sflag:s8] =	dma.local @!p0 [hbm:s6], $0xF7A  }
0x23: {  	s9 =	sor.u32 $0xD0000000, s2;
	s6 =	simm.s32 $0x108;
	_ =	swait.ge @!p0 [sflag:s8], $0x0  }
0x24: {  	s3 =	sadd.s32 $0x88, s3;
	s6 =	simm.s32 @!p1 $0x1082;
	[sflag:s4] =	ssyncset.s32 $0xFFFFF086  }
0x25: {  	[simem:s6], [sflag:s4] =	dma.local [hbm:s3], $0xF7A  }
0x26: {  	[smem:$0x3F91] =	sst s1;
	(tag) =	ssettag s2;
	_ =	strace s9  }
0x27: {  	s1 =	sld [smem:$0x3FA1]  }
0x28: {  	s2 =	sld [smem:$0x3FA2]  }
0x29: {  	s4 =	sld [smem:$0x3FA4]  }
0x2a: {  	p0 =	seq.s32 s5, $0x0;
	s5 =	sld [smem:$0x3FA5]  }
0x2b: {  	s6 =	sld [smem:$0x3FA6]  }
0x2c: {  	s7 =	sld [smem:$0x3FA7]  }
0x2d: {  	s3 =	simm.s32 $0x108;
	s8 =	sld [smem:$0x3FA8]  }
0x2e: {  	s3 =	simm.s32 @!p0 $0x1082;
	s9 =	sld [smem:$0x3FA9]  }
0x2f: {  	lr =	sadd.s32 s0, s3;
	s0 =	sld [smem:$0x3FA0]  }
0x30: {  	s3 =	sld [smem:$0x3FA3]  }
0x31: {  	[smem:$0x3FAC] =	sst s10  }
0x32: {  	s10 =	sld [smem:$0x3FAA];
	_ =	sdelay $0x3  }
0x33: {  	p0 =	seq.s32 s10, $0x1;
	s10 =	sld [smem:$0x3FAC];
	_ =	sdelay $0x3  }
0x34: {  	[smem:$0x3FAC] =	sst s10  }
0x35: {  	s10 =	sld [smem:$0x3FAB];
	_ =	sdelay $0x3  }
0x36: {  	p1 =	seq.s32 s10, $0x1;
	s10 =	sld [smem:$0x3FAC];
	_ =	sdelay $0x3  }
0x37: {  	[smem:$0x3FAC] =	sst s10  }
0x38: {  	s10 =	sld [smem:$0x3FAD]  }
0x39: {  	_ = 	snop;
	(pc) =	sbr.ind lr, $3  }
0x3a: {  	_ = 	snop  }
0x3b: {  	_ = 	snop  }
0x3c: {  	p2 =	seq.s32 s10, $0x1;
	s10 =	sld [smem:$0x3FAC]  }
0x3d: {  	_ =	shalt  }
0x3e: {  	_ =	shalt  }
0x3f: {  	_ =	shalt  }
0x40: {  	_ =	shalt  }
0x41: {  	_ =	shalt  }
0x42: {  	_ =	shalt  }
0x43: {  	_ =	shalt  }
0x44: {  	_ =	shalt  }
0x45: {  	_ =	shalt  }
0x46: {  	_ =	shalt  }
0x47: {  	_ =	shalt  }
0x48: {  	_ =	shalt  }
0x49: {  	_ =	shalt  }
0x4a: {  	_ =	shalt  }
0x4b: {  	_ =	shalt  }
0x4c: {  	_ =	shalt  }
0x4d: {  	_ =	shalt  }
0x4e: {  	_ =	shalt  }
0x4f: {  	_ =	shalt  }
0x50: {  	_ =	shalt  }
0x51: {  	_ =	shalt  }
0x52: {  	_ =	shalt  }
0x53: {  	_ =	shalt  }
0x54: {  	_ =	shalt  }
0x55: {  	_ =	shalt  }
0x56: {  	_ =	shalt  }
0x57: {  	_ =	shalt  }
0x58: {  	_ =	shalt  }
0x59: {  	_ =	shalt  }
0x5a: {  	_ =	shalt  }
0x5b: {  	_ =	shalt  }
0x5c: {  	_ =	shalt  }
0x5d: {  	_ =	shalt  }
0x5e: {  	_ =	shalt  }
0x5f: {  	_ =	shalt  }
0x60: {  	_ =	shalt  }
0x61: {  	_ =	shalt  }
0x62: {  	_ =	shalt  }
0x63: {  	_ =	shalt  }
0x64: {  	_ =	shalt  }
0x65: {  	_ =	shalt  }
0x66: {  	_ =	shalt  }
0x67: {  	_ =	shalt  }
0x68: {  	_ =	shalt  }
0x69: {  	_ =	shalt  }
0x6a: {  	_ =	shalt  }
0x6b: {  	_ =	shalt  }
0x6c: {  	_ =	shalt  }
0x6d: {  	_ =	shalt  }
0x6e: {  	_ =	shalt  }
0x6f: {  	_ =	shalt  }
0x70: {  	_ =	shalt  }
0x71: {  	_ =	shalt  }
0x72: {  	_ =	shalt  }
0x73: {  	_ =	shalt  }
0x74: {  	_ =	shalt  }
0x75: {  	_ =	shalt  }
0x76: {  	_ =	shalt  }
0x77: {  	_ =	shalt  }
0x78: {  	_ =	shalt  }
0x79: {  	_ =	shalt  }
0x7a: {  	_ =	shalt  }
0x7b: {  	_ =	shalt  }
0x7c: {  	_ =	shalt  }
0x7d: {  	_ =	shalt  }
0x7e: {  	_ =	shalt  }
0x7f: {  	_ =	shalt  }
0x80: {  	_ =	shalt  }
0x81: {  	_ =	shalt  }
0x82: {  	_ =	shalt  }
0x83: {  	_ =	shalt  }
0x84: {  	_ =	shalt  }
0x85: {  	_ =	shalt  }
0x86: {  	_ =	shalt  }
0x87: {  	_ =	shalt  }
.Lfunc_end0:
.L_simem_size_0:
called_computation.1_lowered:
.L_overlay_start_0:
0x88: {  	s2 =	sld [smem:$0x3FD9]  }
0x89: {  	s3 =	sld [smem:$0x3FFE];
	_ =	sdelay $0x1  }
0x8a: {  	s1 =	srdreg.scid  }
0x8b: {  	s0 =	sand.u32 $0x1, s1  }
0x8c: {  	s17 =	sshll.u32 s0, $0xA;
	s2 =	sadd.s32 s3, s2  }
0x8d: {  	s2 =	sadd.s32 s2, s17  }
0x8e: {  	[smem:$0x3FB8] =	sst s2  }
0x8f: {  	_ = 	snop  }
0x90: {  	s2 =	sld [smem:$0x3FC6]  }
0x91: {  	s18 =	sld [smem:$0x3FC5]  }
0x92: {  	s4 =	sld [smem:$0x3FC0]  }
0x93: {  	s5 =	sld [smem:$0x3FBF];
	(tm) =	ssettm $0x1  }
0x94: {  	s6 =	sld [smem:$0x3FFB];
	_ =	sdelay $0x3  }
0x95: {  	_ =	strace s6  }
0x96: {  	s6 =	sld [smem:$0x3FFC];
	_ =	sdelay $0x3  }
0x97: {  	_ =	strace s6  }
0x98: {  	s6 =	sld [smem:$0x3FFD];
	_ =	sdelay $0x3  }
0x99: {  	_ =	strace s6  }
0x9a: {  	_ =	strace $0x8FFFFFFF  }
0x9b: {  	s19 =	sld [smem:$0x3FDB];
	_ =	sdelay $0x1  }
0x9c: {  	s7 =	simm.s32 $_scs_section_size  }
0x9d: {  	s8 =	simm.s32 $_size__tile_overlayer_lowered;
	s9 =	simm.s32 $_tile_overlayer_lowered  }
0x9e: {  	s22 =	simm.s32 $0x1BFF;
	s21 =	sshll.u32 s9, $0x1;
	s6 =	sadd.s32 s7, s19  }
0x9f: {  	s10 =	simm.s32 $0x0;
	s20 =	sshll.u32 s8, $0x1;
	s8 =	sadd.s32 s21, s6  }
0xa0: {  	[timem:s10], [sflag:s22] =	dma.local [hbm:s8], s20  }
0xa1: {  	_ =	swait.ge [sflag:s22], s20  }
0xa2: {  	s7 =	ssub.s32 $0x0, s20;
	[sflag:s22] =	ssyncset.done $0x0  }
0xa3: {  	[sflag:s22] =	ssyncadd.s32 s7;
	_ =	sdelay $0x1  }
0xa4: {  	s23 =	simm.s32 $0x1B8B  }
0xa5: {  	_ =	swait.ge [sflag:s23], $0x1  }
0xa6: {  	[sflag:s23] =	ssyncset.done $0x0  }
0xa7: {  	s25 =	simm.s32 $0x1B8E;
	s24 =	sld [smem:$0x3FFE];
	[sflag:s23] =	ssyncadd.s32 $0xFFFFFFFF  }
0xa8: {  	s26 =	simm.s32 $execute0_lowered;
	[smem:$0x3FD2] =	sst s25  }
0xa9: {  	s8 =	sshll.u32 s26, $0x1;
	_ =	strace $0x80000049;
	[dreg:$0x1] =	wrdreg $0xFFFFFFFF  }
0xaa: {  	s28 =	simm.s32 $_size_execute0_lowered;
	s6 =	sadd.s32 s6, s8;
	[dreg:$0x0] =	wrdreg $0x0  }
0xab: {  	s8 =	sshll.u32 s28, $0x1;
	[dreg:$0x2] =	wrdreg s6  }
0xac: {  	[dreg:$0x3] =	wrdreg s8  }
0xad: {  	[dreg:$0x4] =	wrdreg $0xC0  }
0xae: {  	_ =	task [dreg:s10], $0x5FFFF  }
0xaf: {  	[dreg:$0x1] =	wrdreg $0xFFFFFFFF  }
0xb0: {  	[dreg:$0x0] =	wrdreg $0x60  }
0xb1: {  	[dreg:$0x2] =	wrdreg s24  }
0xb2: {  	[dreg:$0x3] =	wrdreg s2  }
0xb3: {  	[dreg:$0x4] =	wrdreg s18  }
0xb4: {  	[dreg:$0x5] =	wrdreg s4  }
0xb5: {  	[dreg:$0x6] =	wrdreg s5  }
0xb6: {  	[dreg:$0x7] =	wrdreg $0x9  }
0xb7: {  	_ =	task.clear_ibuf [dreg:s10], $0x8FFFF;
	_ =	strace $0x90000049  }
0xb8: {  	s29 =	simm.s32 $0x9;
	_ =	strace $0x8000004B  }
0xb9: {  	_ =	swait.ge [sflag:s29], $0x1  }
0xba: {  	[sflag:s29] =	ssyncadd.s32 $0xFFFFFFFF  }
0xbb: {  	_ =	strace $0x9000004B  }
0xbc: {  	_ =	sfence  }
0xbd: {  	s30 =	sld [smem:$0x0];
	_ =	sdelay $0x2  }
0xbe: {  	s31 =	sshll.u32 s1, $0xD;
	s1 =	sshrl.u32 s1, $0x2  }
0xbf: {  	s3 =	sand.u32 $0x4000, s31;
	s1 =	sadd.s32 s1, s30  }
0xc0: {  	s0 =	sor.u32 s3, s0;
	s1 =	sshll.u32 s1, $0x11  }
0xc1: {  	s0 =	sor.u32 s1, s0  }
0xc2: {  	s0 =	sadd.s32 $0x8F2B, s0  }
0xc3: {  	[sflag:s0] =	ssyncadd.remote.s32 $0x1  }
0xc4: {  	_ =	sfence.sel $0xFFFF  }
0xc5: {  	[dreg:$0x0] =	wrdreg $0xFFFFFFFF;
	(pc) =	sbr.abs _section_cstart, $3  }
0xc6: {  	[dreg:$0x1] =	wrdreg $0xFFFFFFFF  }
0xc7: {  	_ =	task.clear_ibuf [dreg:s10], $0x2FFFF;
	_ =	strace $0x9FFFFFFF  }
0xc8: {  	(tm) =	ssettm $0x7FFFFFFF  }
0xc9: {  	_ =	shalt  }
tec
execute0_lowered:
.L_overlay_start_1:
0x0: {  	(tag) =	ssettag $0x1  }
0x1: {  	s0 =	rddreg [dreg:$0x0]  }
0x2: {  	s1 =	rddreg [dreg:$0x1]  }
0x3: {  	s8 =	rddreg [dreg:$0x2]  }
0x4: {  	s9 =	rddreg [dreg:$0x3]  }
0x5: {  	s10 =	rddreg [dreg:$0x4];
	s3 =	srdreg.scid  }
0x6: {  	s4 =	stileid.u32;
	s2 =	simm.s32 $0x0;
	s14 =	simm.s32 $0x9  }
0x7: {  	s18 =	simm.s32 $0x9E00;
	s19 =	simm.s32 $0x50;
	s20 =	simm.s32 $0xEE00  }
0x8: {  	s21 =	simm.s32 $0x11600;
	s22 =	simm.s32 $0x18E00;
	s28 =	simm.s32 $0x1B600  }
0x9: {  	s29 =	simm.s32 $0xC600;
	s30 =	simm.s32 $0x4;
	s31 =	simm.s32 $0x8  }
0xa: {  	s15 =	simm.s32 $0x5;
	s7 =	sand.u32 $0x1, s3;
	s23 =	sshll.u32 s4, $0x1  }
0xb: {  	s3 =	sadd.s32 $0x3C00, s0;
	s11 =	sor.u32 s7, s23;
	s12 =	ssub.s32 $0x2, s7  }
0xc: {  	s5 =	sadd.s32 $0x50CE00, s0;
	s4 =	smul.u32 $0x2710, s11;
	s24 =	sshrl.u32 s12, $0x1  }
0xd: {  	s6 =	sadd.s32 $0x4E5C00, s0;
	s7 =	sadd.s32 $0x9EEE00, s0;
	s0 =	ssub.s32 s12, s24  }
0xe: {  	[smem:$0x7FF] =	sst s2;
	s13 =	sshrl.u32 s4, $0x3;
	s0 =	smax.u32 s0, $0x1  }
0xf: {  	_ =	strace $0x8000004A;
	s1 =	sadd.s32 s1, s13;
	[dreg:$0xb] =	wrdreg s0  }
0x10: {  	s23 =	simm.s32 $0x1;
	s9 =	sadd.s32 s9, s13;
	[dreg:$0x6] =	wrdreg s1  }
0x11: {  	s25 =	smul.u32 $0x27100, s11;
	s8 =	sadd.s32 s8, s13;
	[dreg:$0x7] =	wrdreg s9  }
0x12: {  	s24 =	simm.s32 $0x3;
	s26 =	sadd.s32 s10, s13;
	[dreg:$0x8] =	wrdreg s8  }
0x13: {  	s0 =	simm.s32 $0x16600;
	s10 =	simm.s32 $0x0;
	[dreg:$0x9] =	wrdreg s26  }
0x14: {  	s1 =	sadd.s32 s3, s25;
	s25 =	simm.s32 $0x7;
	s26 =	simm.s32 $0x13E00  }
0x15: {  	s8 =	simm.s32 $0x6;
	[dreg:$0xa] =	wrdreg s1;
	s1 =	simm.s32 $0x2  }
.LBB2_1:
0x16: {  	[dreg:$0xc] =	wrdreg s10  }
0x17: {  	s9 =	rddreg [dreg:$0x6]  }
0x18: {  	[tilespmem:s2], [sflag:$0x9] =	stream.linear.gather [hbm4b:s9+s2], $0x2710, $0x38;
	[tilespmem:$0x1DE00] =	vst v63  }
0x19: {  	_ =	swait.ge [sflag:s14], $0x2710  }
0x1a: {  	[sflag:s14] =	ssyncset.done $0x0  }
0x1b: {  	s11 =	simm.s32 $0x2780;
	s10 =	rddreg [dreg:$0x7];
	[sflag:s14] =	ssyncadd.s32 $0xFFFFD8F0  }
0x1c: {  	[tilespmem:s11], [sflag:$0x9] =	stream.linear.gather [hbm4b:s10+s2], $0x2710, $0x38;
	[tilespmem:$0x1DE00] =	vst v63  }
0x1d: {  	_ =	swait.ge [sflag:s14], $0x2710  }
0x1e: {  	[sflag:s14] =	ssyncset.done $0x0  }
0x1f: {  	s13 =	simm.s32 $0x4F00;
	s12 =	rddreg [dreg:$0x8];
	[sflag:s14] =	ssyncadd.s32 $0xFFFFD8F0  }
0x20: {  	[tilespmem:s13], [sflag:$0x9] =	stream.linear.gather [hbm4b:s12+s2], $0x2710, $0x38;
	[tilespmem:$0x1DE00] =	vst v63  }
0x21: {  	_ =	swait.ge [sflag:s14], $0x2710  }
0x22: {  	[sflag:s14] =	ssyncset.done $0x0  }
0x23: {  	s11 =	simm.s32 $0x7680;
	s16 =	rddreg [dreg:$0x9];
	[sflag:s14] =	ssyncadd.s32 $0xFFFFD8F0  }
0x24: {  	[tilespmem:s11], [sflag:$0x9] =	stream.linear.gather [hbm4b:s16+s2], $0x2710, $0x38;
	[tilespmem:$0x1DE00] =	vst v63  }
0x25: {  	_ =	swait.ge [sflag:s14], $0x2710  }
0x26: {  	[sflag:s14] =	ssyncset.done $0x0  }
0x27: {  	s17 =	rddreg [dreg:$0xa];
	[sflag:s14] =	ssyncadd.s32 $0xFFFFD8F0  }
0x28: {  	[tilespmem:s18], [sflag:$0x1] =	stream.linear.gather [hbm4b:s17+s2], $0x2800, $0x38;
	[tilespmem:$0x1DE00] =	vst v63  }
0x29: {  	_ = 	snop  }
0x2a: {  	[tilespmem:s20], [sflag:$0x3] =	stream.indirect.gather [hbm4b:s5+s19], $0x80, s13, s19, $0xb8;
	[tilespmem:$0x1DE00] =	vst v63  }
0x2b: {  	_ = 	snop  }
0x2c: {  	[tilespmem:s21], [sflag:$0x4] =	stream.indirect.gather [hbm4b:s5+s19], $0x80, s11, s19, $0xb8;
	[tilespmem:$0x1DE00] =	vst v63  }
0x2d: {  	s9 =	simm.s32 $0x0  }
0x2e: {  	[tilespmem:s22], [sflag:$0x7] =	stream.indirect.gather [hbm4b:s6+s19], $0x80, s2, s19, $0xb8;
	[tilespmem:$0x1DE00] =	vst v63  }
.LBB2_2:
0x2f: {  	_ =	swait.ge [sflag:s23], $0x2800  }
0x30: {  	[sflag:s23] =	ssyncset.done $0x0  }
0x31: {  	[sflag:s23] =	ssyncadd.s32 $0xFFFFD800  }
0x32: {  	_ =	swait.ge [sflag:s24], $0x2800  }
0x33: {  	s10 =	sshllo.u32 s9, $0x1;
	[sflag:s24] =	ssyncset.done $0x0  }
0x34: {  	s12 =	smul.u32 $0x280, s9;
	s10 =	smin.u32 s10, $0x7C;
	[sflag:s24] =	ssyncadd.s32 $0xFFFFD800  }
0x35: {  	s10 =	smul.u32 $0x50, s10;
	_ =	swait.ge [sflag:s25], $0x2800  }
0x36: {  	s12 =	sshra.s32 s12, $0x2;
	[sflag:s25] =	ssyncset.done $0x0  }
0x37: {  	s11 =	sadd.s32 $0x4F00, s10;
	s13 =	sadd.s32 s4, s10;
	[sflag:s25] =	ssyncadd.s32 $0xFFFFD800  }
0x38: {  	[tilespmem:s26], [sflag:$0x5] =	stream.indirect.gather [hbm4b:s5+s19], $0x80, s11, s19, $0xb8;
	[tilespmem:$0x1DE00] =	vst v63  }
0x39: {  	s17 =	sshll.u32 s13, $0x4;
	s11 =	sadd.s32 $0x2780, s12  }
0x3a: {  	[tilespmem:s28], [sflag:$0x8] =	stream.indirect.gather [hbm4b:s6+s19], $0x80, s11, s19, $0xb8;
	[tilespmem:$0x1DE00] =	vst v63  }
0x3b: {  	s16 =	simm.s32 $0x0;
	s12 =	simm.s32 $0x0;
	s11 =	sadd.s32 s3, s17  }
0x3c: {  	[tilespmem:s29], [sflag:$0x2] =	stream.linear.gather [hbm4b:s11+s16], $0x2800, $0x38;
	[tilespmem:$0x1DE00] =	vst v63  }
0x3d: {  	v4 =	vld [tilespmem:s12+$0xEE00]  }
0x3e: {  	v5 =	vld [tilespmem:s12+$0xEE10]  }
0x3f: {  	v3 =	vld [tilespmem:s12+$0x18E00]  }
0x40: {  	v2 =	vld [tilespmem:s12+$0x18E10]  }
0x41: {  	v0 =	vld [tilespmem:s12+$0x18E20]  }
0x42: {  	v1 =	vld [tilespmem:s12+$0x18E30]  }
0x43: {  	v6 =	vld [tilespmem:s12+$0x9E00]  }
0x44: {  	v7 =	vld [tilespmem:s12+$0x9E10]  }
0x45: {  	s13 =	simm.s32 $0x200;
	s11 =	sshll.u32 s9, $0x1;
	v8 =	vld [tilespmem:s12+$0x9E20]  }
.LBB2_3:
0x46: {  	p0 =	sne.s32 s13, $0x9E00;
	v9 =	vld [tilespmem:s12+$0x9E30]  }
0x47: {  	v10 =	vld [tilespmem:s12+$0xEE20]  }
0x48: {  	s16 =	sshra.s32 s13, $0x2;
	v3 =	vadd.f32 v3, v6;
	v6 =	vld [tilespmem:s12+$0xEE30]  }
0x49: {  	v11 =	vld [tilespmem:s16+$0xEE00];
	v2 =	vadd.f32 v2, v7  }
0x4a: {  	v7 =	vld [tilespmem:s16+$0xEE10];
	v4 =	vsub.f32 v3, v4;
	v0 =	vadd.f32 v0, v8  }
0x4b: {  	v3 =	vld [tilespmem:s16+$0x18E00];
	v5 =	vsub.f32 v2, v5;
	v1 =	vadd.f32 v1, v9  }
0x4c: {  	v2 =	vld [tilespmem:s16+$0x18E10];
	v12 =	vmax.f32 v4, $0.0e+00;
	v8 =	vsub.f32 v0, v10  }
.Ltmp0:
0x4d: {  	v0 =	vld [tilespmem:s16+$0x18E20];
	[tilespmem:s12+$0x9E00] =	vst v12;
	v9 =	vmax.f32 v5, $0.0e+00;
	v10 =	vsub.f32 v1, v6;
	(pc) =	sbr.rel @p0 .LBB2_3-.Ltmp0, $4  }
0x4e: {  	v1 =	vld [tilespmem:s16+$0x18E30];
	[tilespmem:s12+$0x9E10] =	vst v9;
	v8 =	vmax.f32 v8, $0.0e+00;
	v4 =	vmov v11  }
0x4f: {  	v6 =	vld [tilespmem:s16+$0x9E00];
	[tilespmem:s12+$0x9E20] =	vst v8;
	v8 =	vmax.f32 v10, $0.0e+00;
	v5 =	vmov v7  }
0x50: {  	v7 =	vld [tilespmem:s16+$0x9E10];
	[tilespmem:s12+$0x9E30] =	vst v8;
	s12 =	smov.u32 s16  }
0x51: {  	s13 =	sadd.s32 $0x200, s13;
	v8 =	vld [tilespmem:s12+$0x9E20]  }
0x52: {  	v9 =	vld [tilespmem:s12+$0x9E30]  }
0x53: {  	v10 =	vld [tilespmem:s12+$0xEE20]  }
0x54: {  	v3 =	vadd.f32 v3, v6;
	v6 =	vld [tilespmem:s12+$0xEE30]  }
0x55: {  	v2 =	vadd.f32 v2, v7  }
0x56: {  	v3 =	vsub.f32 v3, v4;
	v0 =	vadd.f32 v0, v8  }
0x57: {  	v2 =	vsub.f32 v2, v5;
	v1 =	vadd.f32 v1, v9  }
0x58: {  	v3 =	vmax.f32 v3, $0.0e+00;
	v0 =	vsub.f32 v0, v10  }
0x59: {  	[tilespmem:s12+$0x9E00] =	vst v3;
	v2 =	vmax.f32 v2, $0.0e+00;
	v1 =	vsub.f32 v1, v6  }
0x5a: {  	[tilespmem:s12+$0x9E10] =	vst v2;
	v0 =	vmax.f32 v0, $0.0e+00  }
0x5b: {  	[tilespmem:s12+$0x9E20] =	vst v0;
	v0 =	vmax.f32 v1, $0.0e+00  }
0x5c: {  	[tilespmem:s12+$0x9E30] =	vst v0  }
0x5d: {  	_ =	swait.ge [sflag:s30], $0x2800  }
0x5e: {  	[sflag:s30] =	ssyncset.done $0x0  }
0x5f: {  	[sflag:s30] =	ssyncadd.s32 $0xFFFFD800  }
0x60: {  	_ =	swait.ge [sflag:s31], $0x2800  }
0x61: {  	[sflag:s31] =	ssyncset.done $0x0  }
0x62: {  	s16 =	sadd.s32 $0x7680, s10;
	[sflag:s31] =	ssyncadd.s32 $0xFFFFD800  }
0x63: {  	[tilespmem:s0], [sflag:$0x6] =	stream.indirect.gather [hbm4b:s5+s19], $0x80, s16, s19, $0xb8;
	[tilespmem:$0x1DE00] =	vst v63  }
0x64: {  	s12 =	simm.s32 $0x0  }
0x65: {  	[tilespmem:s22], [sflag:$0x7] =	stream.indirect.gather [hbm4b:s6+s19], $0x80, s10, s19, $0xb8;
	[tilespmem:$0x1DE00] =	vst v63  }
0x66: {  	v4 =	vld [tilespmem:s12+$0x11640]  }
0x67: {  	v5 =	vld [tilespmem:s12+$0x11650]  }
0x68: {  	v3 =	vld [tilespmem:s12+$0x1B640]  }
0x69: {  	v2 =	vld [tilespmem:s12+$0x1B650]  }
0x6a: {  	v0 =	vld [tilespmem:s12+$0x1B660]  }
0x6b: {  	v1 =	vld [tilespmem:s12+$0x1B670]  }
0x6c: {  	v7 =	vld [tilespmem:s12+$0x9E40]  }
0x6d: {  	v8 =	vld [tilespmem:s12+$0x9E50]  }
0x6e: {  	s13 =	simm.s32 $0x200;
	v6 =	vld [tilespmem:s12+$0x9E60]  }
.LBB2_5:
0x6f: {  	p0 =	sne.s32 s13, $0x9E00;
	v9 =	vld [tilespmem:s12+$0x9E70]  }
0x70: {  	v10 =	vld [tilespmem:s12+$0x11660]  }
0x71: {  	s16 =	sshra.s32 s13, $0x2;
	v3 =	vadd.f32 v3, v7;
	v7 =	vld [tilespmem:s12+$0x11670]  }
0x72: {  	v11 =	vld [tilespmem:s16+$0x11640];
	v2 =	vadd.f32 v2, v8  }
0x73: {  	v8 =	vld [tilespmem:s16+$0x11650];
	v4 =	vsub.f32 v3, v4;
	v0 =	vadd.f32 v0, v6  }
0x74: {  	v3 =	vld [tilespmem:s16+$0x1B640];
	v5 =	vsub.f32 v2, v5;
	v1 =	vadd.f32 v1, v9  }
0x75: {  	v2 =	vld [tilespmem:s16+$0x1B650];
	v12 =	vmax.f32 v4, $0.0e+00;
	v6 =	vsub.f32 v0, v10  }
.Ltmp1:
0x76: {  	v0 =	vld [tilespmem:s16+$0x1B660];
	[tilespmem:s12+$0x9E40] =	vst v12;
	v9 =	vmax.f32 v5, $0.0e+00;
	v10 =	vsub.f32 v1, v7;
	(pc) =	sbr.rel @p0 .LBB2_5-.Ltmp1, $4  }
0x77: {  	v1 =	vld [tilespmem:s16+$0x1B670];
	[tilespmem:s12+$0x9E50] =	vst v9;
	v6 =	vmax.f32 v6, $0.0e+00;
	v4 =	vmov v11  }
0x78: {  	v7 =	vld [tilespmem:s16+$0x9E40];
	[tilespmem:s12+$0x9E60] =	vst v6;
	v6 =	vmax.f32 v10, $0.0e+00;
	v5 =	vmov v8  }
0x79: {  	v8 =	vld [tilespmem:s16+$0x9E50];
	[tilespmem:s12+$0x9E70] =	vst v6;
	s12 =	smov.u32 s16  }
0x7a: {  	s13 =	sadd.s32 $0x200, s13;
	v6 =	vld [tilespmem:s12+$0x9E60]  }
0x7b: {  	v9 =	vld [tilespmem:s12+$0x9E70]  }
0x7c: {  	v10 =	vld [tilespmem:s12+$0x11660]  }
0x7d: {  	v3 =	vadd.f32 v3, v7;
	v7 =	vld [tilespmem:s12+$0x11670]  }
0x7e: {  	v2 =	vadd.f32 v2, v8  }
0x7f: {  	v3 =	vsub.f32 v3, v4;
	v0 =	vadd.f32 v0, v6  }
0x80: {  	v2 =	vsub.f32 v2, v5;
	v1 =	vadd.f32 v1, v9  }
0x81: {  	s13 =	smul.u32 $0xA0, s9;
	v3 =	vmax.f32 v3, $0.0e+00;
	v0 =	vsub.f32 v0, v10  }
0x82: {  	[tilespmem:s12+$0x9E40] =	vst v3;
	v2 =	vmax.f32 v2, $0.0e+00;
	v1 =	vsub.f32 v1, v7  }
0x83: {  	s13 =	sadd.s32 s4, s13;
	[tilespmem:s12+$0x9E50] =	vst v2;
	v0 =	vmax.f32 v0, $0.0e+00  }
0x84: {  	s13 =	sshll.u32 s13, $0x4;
	[tilespmem:s12+$0x9E60] =	vst v0;
	v0 =	vmax.f32 v1, $0.0e+00  }
0x85: {  	s16 =	sadd.s32 s7, s13;
	s13 =	simm.s32 $0x0;
	[tilespmem:s12+$0x9E70] =	vst v0  }
0x86: {  	[hbm4b:s16+s13] =	stream.linear.scatter [tilespmem:s18], [sflag:$0x9], $0x2800, $0x38;
	[tilespmem:$0x1DE00] =	vst v63  }
0x87: {  	_ =	swait.ge [sflag:s14], $0x2800  }
0x88: {  	[sflag:s14] =	ssyncset.done $0x0  }
0x89: {  	[sflag:s14] =	ssyncadd.s32 $0xFFFFD800  }
0x8a: {  	_ =	swait.ge [sflag:s1], $0x2800  }
0x8b: {  	[sflag:s1] =	ssyncset.done $0x0  }
0x8c: {  	[sflag:s1] =	ssyncadd.s32 $0xFFFFD800  }
0x8d: {  	_ =	swait.ge [sflag:s15], $0x2800  }
0x8e: {  	[sflag:s15] =	ssyncset.done $0x0  }
0x8f: {  	s11 =	smin.u32 s11, $0x7A;
	[sflag:s15] =	ssyncadd.s32 $0xFFFFD800  }
0x90: {  	s11 =	smul.u32 $0x50, s11;
	_ =	swait.ge [sflag:s25], $0x2800  }
0x91: {  	[sflag:s25] =	ssyncset.done $0x0  }
0x92: {  	s16 =	sadd.s32 $0x4FA0, s11;
	s11 =	sadd.s32 $0xA0, s11;
	[sflag:s25] =	ssyncadd.s32 $0xFFFFD800  }
0x93: {  	[tilespmem:s20], [sflag:$0x3] =	stream.indirect.gather [hbm4b:s5+s19], $0x80, s16, s19, $0xb8;
	[tilespmem:$0x1DE00] =	vst v63  }
0x94: {  	s10 =	sadd.s32 $0x2780, s10;
	s16 =	sadd.s32 s4, s11  }
0x95: {  	[tilespmem:s28], [sflag:$0x8] =	stream.indirect.gather [hbm4b:s6+s19], $0x80, s10, s19, $0xb8;
	[tilespmem:$0x1DE00] =	vst v63  }
0x96: {  	s10 =	sshll.u32 s16, $0x4  }
0x97: {  	s10 =	sadd.s32 s3, s10  }
0x98: {  	[tilespmem:s18], [sflag:$0x1] =	stream.linear.gather [hbm4b:s10+s13], $0x2800, $0x38;
	[tilespmem:$0x1DE00] =	vst v63  }
0x99: {  	s10 =	simm.s32 $0x0  }
0x9a: {  	v4 =	vld [tilespmem:s10+$0x13E00]  }
0x9b: {  	v5 =	vld [tilespmem:s10+$0x13E10]  }
0x9c: {  	v3 =	vld [tilespmem:s10+$0x18E00]  }
0x9d: {  	v2 =	vld [tilespmem:s10+$0x18E10]  }
0x9e: {  	v0 =	vld [tilespmem:s10+$0x18E20]  }
0x9f: {  	v1 =	vld [tilespmem:s10+$0x18E30]  }
0xa0: {  	v7 =	vld [tilespmem:s10+$0xC600]  }
0xa1: {  	v8 =	vld [tilespmem:s10+$0xC610]  }
0xa2: {  	s12 =	simm.s32 $0x200;
	v6 =	vld [tilespmem:s10+$0xC620]  }
.LBB2_7:
0xa3: {  	p0 =	sne.s32 s12, $0x9E00;
	v9 =	vld [tilespmem:s10+$0xC630]  }
0xa4: {  	v10 =	vld [tilespmem:s10+$0x13E20]  }
0xa5: {  	s13 =	sshra.s32 s12, $0x2;
	v3 =	vadd.f32 v3, v7;
	v7 =	vld [tilespmem:s10+$0x13E30]  }
0xa6: {  	v11 =	vld [tilespmem:s13+$0x13E00];
	v2 =	vadd.f32 v2, v8  }
0xa7: {  	v8 =	vld [tilespmem:s13+$0x13E10];
	v4 =	vsub.f32 v3, v4;
	v0 =	vadd.f32 v0, v6  }
0xa8: {  	v3 =	vld [tilespmem:s13+$0x18E00];
	v5 =	vsub.f32 v2, v5;
	v1 =	vadd.f32 v1, v9  }
0xa9: {  	v2 =	vld [tilespmem:s13+$0x18E10];
	v12 =	vmax.f32 v4, $0.0e+00;
	v6 =	vsub.f32 v0, v10  }
.Ltmp2:
0xaa: {  	v0 =	vld [tilespmem:s13+$0x18E20];
	[tilespmem:s10+$0xC600] =	vst v12;
	v9 =	vmax.f32 v5, $0.0e+00;
	v10 =	vsub.f32 v1, v7;
	(pc) =	sbr.rel @p0 .LBB2_7-.Ltmp2, $4  }
0xab: {  	v1 =	vld [tilespmem:s13+$0x18E30];
	[tilespmem:s10+$0xC610] =	vst v9;
	v6 =	vmax.f32 v6, $0.0e+00;
	v4 =	vmov v11  }
0xac: {  	v7 =	vld [tilespmem:s13+$0xC600];
	[tilespmem:s10+$0xC620] =	vst v6;
	v6 =	vmax.f32 v10, $0.0e+00;
	v5 =	vmov v8  }
0xad: {  	v8 =	vld [tilespmem:s13+$0xC610];
	[tilespmem:s10+$0xC630] =	vst v6;
	s10 =	smov.u32 s13  }
0xae: {  	s12 =	sadd.s32 $0x200, s12;
	v6 =	vld [tilespmem:s10+$0xC620]  }
0xaf: {  	v9 =	vld [tilespmem:s10+$0xC630]  }
0xb0: {  	v10 =	vld [tilespmem:s10+$0x13E20]  }
0xb1: {  	v3 =	vadd.f32 v3, v7;
	v7 =	vld [tilespmem:s10+$0x13E30]  }
0xb2: {  	v2 =	vadd.f32 v2, v8  }
0xb3: {  	v3 =	vsub.f32 v3, v4;
	v0 =	vadd.f32 v0, v6  }
0xb4: {  	v2 =	vsub.f32 v2, v5;
	v1 =	vadd.f32 v1, v9  }
0xb5: {  	v3 =	vmax.f32 v3, $0.0e+00;
	v0 =	vsub.f32 v0, v10  }
0xb6: {  	[tilespmem:s10+$0xC600] =	vst v3;
	v2 =	vmax.f32 v2, $0.0e+00;
	v1 =	vsub.f32 v1, v7  }
0xb7: {  	[tilespmem:s10+$0xC610] =	vst v2;
	v0 =	vmax.f32 v0, $0.0e+00  }
0xb8: {  	[tilespmem:s10+$0xC620] =	vst v0;
	v0 =	vmax.f32 v1, $0.0e+00  }
0xb9: {  	[tilespmem:s10+$0xC630] =	vst v0  }
0xba: {  	_ =	swait.ge [sflag:s8], $0x2800  }
0xbb: {  	[sflag:s8] =	ssyncset.done $0x0  }
0xbc: {  	[sflag:s8] =	ssyncadd.s32 $0xFFFFD800  }
0xbd: {  	_ =	swait.ge [sflag:s31], $0x2800  }
0xbe: {  	[sflag:s31] =	ssyncset.done $0x0  }
0xbf: {  	s16 =	sadd.s32 $0x7680, s11;
	[sflag:s31] =	ssyncadd.s32 $0xFFFFD800  }
0xc0: {  	[tilespmem:s21], [sflag:$0x4] =	stream.indirect.gather [hbm4b:s5+s19], $0x80, s16, s19, $0xb8;
	[tilespmem:$0x1DE00] =	vst v63  }
0xc1: {  	s10 =	simm.s32 $0x0  }
0xc2: {  	[tilespmem:s22], [sflag:$0x7] =	stream.indirect.gather [hbm4b:s6+s19], $0x80, s11, s19, $0xb8;
	[tilespmem:$0x1DE00] =	vst v63  }
0xc3: {  	v4 =	vld [tilespmem:s10+$0x16640]  }
0xc4: {  	v5 =	vld [tilespmem:s10+$0x16650]  }
0xc5: {  	v3 =	vld [tilespmem:s10+$0x1B640]  }
0xc6: {  	v2 =	vld [tilespmem:s10+$0x1B650]  }
0xc7: {  	v0 =	vld [tilespmem:s10+$0x1B660]  }
0xc8: {  	v1 =	vld [tilespmem:s10+$0x1B670]  }
0xc9: {  	v7 =	vld [tilespmem:s10+$0xC640]  }
0xca: {  	v8 =	vld [tilespmem:s10+$0xC650]  }
0xcb: {  	s11 =	simm.s32 $0x200;
	v6 =	vld [tilespmem:s10+$0xC660]  }
.LBB2_9:
0xcc: {  	p0 =	sne.s32 s11, $0x9E00;
	v9 =	vld [tilespmem:s10+$0xC670]  }
0xcd: {  	v10 =	vld [tilespmem:s10+$0x16660]  }
0xce: {  	s12 =	sshra.s32 s11, $0x2;
	v3 =	vadd.f32 v3, v7;
	v7 =	vld [tilespmem:s10+$0x16670]  }
0xcf: {  	v11 =	vld [tilespmem:s12+$0x16640];
	v2 =	vadd.f32 v2, v8  }
0xd0: {  	v8 =	vld [tilespmem:s12+$0x16650];
	v4 =	vsub.f32 v3, v4;
	v0 =	vadd.f32 v0, v6  }
0xd1: {  	v3 =	vld [tilespmem:s12+$0x1B640];
	v5 =	vsub.f32 v2, v5;
	v1 =	vadd.f32 v1, v9  }
0xd2: {  	v2 =	vld [tilespmem:s12+$0x1B650];
	v12 =	vmax.f32 v4, $0.0e+00;
	v6 =	vsub.f32 v0, v10  }
.Ltmp3:
0xd3: {  	v0 =	vld [tilespmem:s12+$0x1B660];
	[tilespmem:s10+$0xC640] =	vst v12;
	v9 =	vmax.f32 v5, $0.0e+00;
	v10 =	vsub.f32 v1, v7;
	(pc) =	sbr.rel @p0 .LBB2_9-.Ltmp3, $4  }
0xd4: {  	v1 =	vld [tilespmem:s12+$0x1B670];
	[tilespmem:s10+$0xC650] =	vst v9;
	v6 =	vmax.f32 v6, $0.0e+00;
	v4 =	vmov v11  }
0xd5: {  	v7 =	vld [tilespmem:s12+$0xC640];
	[tilespmem:s10+$0xC660] =	vst v6;
	v6 =	vmax.f32 v10, $0.0e+00;
	v5 =	vmov v8  }
0xd6: {  	v8 =	vld [tilespmem:s12+$0xC650];
	[tilespmem:s10+$0xC670] =	vst v6;
	s10 =	smov.u32 s12  }
0xd7: {  	s11 =	sadd.s32 $0x200, s11;
	v6 =	vld [tilespmem:s10+$0xC660]  }
0xd8: {  	v9 =	vld [tilespmem:s10+$0xC670]  }
0xd9: {  	v10 =	vld [tilespmem:s10+$0x16660]  }
0xda: {  	v62 =	vld [tilespmem:s10+$0x16670];
	v3 =	vadd.f32 v3, v7  }
0xdb: {  	v2 =	vadd.f32 v2, v8  }
0xdc: {  	v3 =	vsub.f32 v3, v4;
	v0 =	vadd.f32 v0, v6  }
0xdd: {  	v2 =	vsub.f32 v2, v5;
	v1 =	vadd.f32 v1, v9  }
0xde: {  	v3 =	vmax.f32 v3, $0.0e+00;
	v0 =	vsub.f32 v0, v10  }
0xdf: {  	[tilespmem:s10+$0xC640] =	vst v3;
	v2 =	vmax.f32 v2, $0.0e+00;
	v1 =	vsub.f32 v1, v62  }
0xe0: {  	s9 =	sadd.s32 $0x1, s9;
	[tilespmem:s10+$0xC650] =	vst v2;
	v0 =	vmax.f32 v0, $0.0e+00  }
0xe1: {  	p0 =	sne.s32 s9, $0x3F;
	[tilespmem:s10+$0xC660] =	vst v0;
	v63 =	vmax.f32 v1, $0.0e+00  }
.Ltmp4:
0xe2: {  	s17 =	sadd.s32 s7, s17;
	[tilespmem:s10+$0xC670] =	vst v63;
	(pc) =	sbr.rel @p0 .LBB2_2-.Ltmp4, $4  }
0xe3: {  	[hbm4b:s17+s2] =	stream.linear.scatter [tilespmem:s29], [sflag:$0x9], $0x2800, $0x38;
	[tilespmem:$0x1DE00] =	vst v63  }
0xe4: {  	_ =	swait.ge [sflag:s14], $0x2800  }
0xe5: {  	[sflag:s14] =	ssyncset.done $0x0  }
0xe6: {  	[sflag:s14] =	ssyncadd.s32 $0xFFFFD800  }
0xe7: {  	_ =	swait.ge [sflag:s23], $0x2800  }
0xe8: {  	[sflag:s23] =	ssyncset.done $0x0  }
0xe9: {  	[sflag:s23] =	ssyncadd.s32 $0xFFFFD800  }
0xea: {  	_ =	swait.ge [sflag:s24], $0x2800  }
0xeb: {  	[sflag:s24] =	ssyncset.done $0x0  }
0xec: {  	[sflag:s24] =	ssyncadd.s32 $0xFFFFD800  }
0xed: {  	_ =	swait.ge [sflag:s30], $0x2800  }
0xee: {  	[sflag:s30] =	ssyncset.done $0x0  }
0xef: {  	[sflag:s30] =	ssyncadd.s32 $0xFFFFD800  }
0xf0: {  	_ =	swait.ge [sflag:s25], $0x2800  }
0xf1: {  	s10 =	rddreg [dreg:$0xc]  }
0xf2: {  	s9 =	rddreg [dreg:$0xb];
	s10 =	sadd.s32 $0x1, s10  }
0xf3: {  	p0 =	sne.s32 s10, s9  }
.Ltmp5:
0xf4: {  	_ = 	snop;
	(pc) =	sbr.rel @p0 .LBB2_1-.Ltmp5, $3  }
0xf5: {  	_ =	sdelay $0x1  }
0xf6: {  	[sflag:s25] =	ssyncset.done $0x0  }
0xf7: {  	[sflag:s25] =	ssyncadd.s32 $0xFFFFD800  }
0xf8: {  	_ =	sfence.sel $0x180000  }
0xf9: {  	[bflag:$0x0] =	sbarrier.arrive $0xFFFF  }
0xfa: {  	_ =	strace $0x9000004A  }
0xfb: {  	s0 =	stileid.u32;
	[bflag:$0x2] =	sbarrier.arrive $0xFFFF  }
0xfc: {  	p0 =	sne.s32 s0, $0x0;
	s0 =	rddreg [dreg:$0x5]  }
0xfd: {  	s0 =	sadd.s32 @!p0 $0x100000, s0  }
0xfe: {  	[sflag:s0] =	ssyncadd.tile.s32 @!p0 $0x1;
	_ =	shalt  }
.Lfunc_end2:
_tile_overlayer_lowered:
.L_overlay_start_2:
0xff: {  	(tag) =	ssettag $0x2  }
0x100: {  	s0 =	rddreg [dreg:$0x0];
	s2 =	stileid.u32  }
0x101: {  	s1 =	rddreg [dreg:$0x1];
	p0 =	sne.s32 s2, $0x0  }
0x102: {  	s3 =	rddreg [dreg:$0x2];
	[bflag:$0x3] =	sbarrier.arrive $0xFFFF;
	s2 =	simm.s32 @!p0 $0x1C09  }
0x103: {  	[timem:s3], [sflag:s2] =	dma.local @!p0 [hbm:s0], s1  }
0x104: {  	s0 =	simm.s32 @!p0 $0x9  }
0x105: {  	_ =	swait.ge @!p0 [sflag:s0], s1  }
0x106: {  	s1 =	ssub.s32 @!p0 $0x0, s1;
	[sflag:s0] =	ssyncset.done @!p0 $0x0  }
0x107: {  	[sflag:s0] =	ssyncadd.s32 @!p0 s1  }
0x108: {  	[bflag:$0x3] =	sbarrier.arrive $0xFFFF  }
0x109: {  	_ =	shalt  }

// kernel: kernel.20.cloned.1.call-start
scs
__scs_entry_jumppad:
0x0: {  	(pc) =	sbr.rel $0x88, $3  }
0x1: {  	(tag) =	ssettag $0x0;
	lr =	simm.s32 $0x1  }
0x2: {  	[smem:$0x3F91] =	sst lr;
	_ =	strace $0xD0000000  }
0x3: {  	_ = 	snop  }
0x4: {  	_ = 	snop  }
0x5: {  	_ = 	snop  }
0x6: {  	_ = 	snop  }
0x7: {  	_ = 	snop  }
__scs_overlays_trampoline_lowered:
0x8: {  	[smem:$0x3FA0] =	sst s0  }
0x9: {  	[smem:$0x3FA1] =	sst s1  }
0xa: {  	[smem:$0x3FA2] =	sst s2  }
0xb: {  	[smem:$0x3FA3] =	sst s3  }
0xc: {  	[smem:$0x3FA4] =	sst s4  }
0xd: {  	[smem:$0x3FA5] =	sst s5  }
0xe: {  	[smem:$0x3FA6] =	sst s6  }
0xf: {  	[smem:$0x3FA7] =	sst s7  }
0x10: {  	[smem:$0x3FA8] =	sst s8  }
0x11: {  	[smem:$0x3FA9] =	sst s9;
	s0 =	simm.s32 @!p0 $0x0  }
0x12: {  	s1 =	sld [smem:$0x3F8F];
	s0 =	simm.s32 @p0 $0x1  }
0x13: {  	[smem:$0x3FAA] =	sst s0;
	s0 =	simm.s32 @!p1 $0x0  }
0x14: {  	s2 =	sld [smem:$0x3F8E];
	s0 =	simm.s32 @p1 $0x1  }
0x15: {  	[smem:$0x3FAB] =	sst s0;
	s0 =	simm.s32 @!p2 $0x0  }
0x16: {  	s3 =	sld [smem:$0x3FDB];
	s0 =	simm.s32 @p2 $0x1  }
0x17: {  	s4 =	simm.s32 $0x1BF5;
	[smem:$0x3FAD] =	sst s0  }
0x18: {  	s0 =	sld [smem:$0x3F90];
	_ =	swait.ge [sflag:s4], $0x0  }
0x19: {  	s7 =	sld [smem:$0x3F91]  }
0x1a: {  	s8 =	sadd.s32 $0xFFFFE003, lr  }
0x1b: {  	s9 =	sadd.s32 $0xFFFFFEF7, lr;
	s5 =	simm.s32 $0xFFFFFFFF;
	p2 =	slt.u32 s8, $0xFFFFF086  }
0x1c: {  	p1 =	slt.u32 s9, $0xF7A;
	s5 =	simm.s32 @!p2 $0x0  }
0x1d: {  	s5 =	simm.s32 @p1 $0x1;
	p0 =	seq.s32 s7, s2  }
0x1e: {  	s7 =	smul.u32 @!p0 $0xF7A, s2;
	p2 =	seq.s32 @!p0 s5, $0x0  }
0x1f: {  	s9 =	smul.u32 $0xF7A, s1;
	s8 =	simm.s32 @!p0 $0x1BF5;
	p2 =	por !p2, p0  }
0x20: {  	[sflag:s8] =	ssyncset.s32 @!p0 $0xFFFFF086;
	s6 =	sadd.s32 @!p0 s3, s7;
	s7 =	simm.s32 @!p0 $0x108  }
0x21: {  	s3 =	sadd.s32 s3, s9;
	s6 =	sadd.s32 @!p0 $0x88, s6;
	s7 =	simm.s32 @p2 $0x1082  }
0x22: {  	[simem:s7], [sflag:s8] =	dma.local @!p0 [hbm:s6], $0xF7A  }
0x23: {  	s9 =	sor.u32 $0xD0000000, s2;
	s6 =	simm.s32 $0x108;
	_ =	swait.ge @!p0 [sflag:s8], $0x0  }
0x24: {  	s3 =	sadd.s32 $0x88, s3;
	s6 =	simm.s32 @!p1 $0x1082;
	[sflag:s4] =	ssyncset.s32 $0xFFFFF086  }
0x25: {  	[simem:s6], [sflag:s4] =	dma.local [hbm:s3], $0xF7A  }
0x26: {  	[smem:$0x3F91] =	sst s1;
	(tag) =	ssettag s2;
	_ =	strace s9  }
0x27: {  	s1 =	sld [smem:$0x3FA1]  }
0x28: {  	s2 =	sld [smem:$0x3FA2]  }
0x29: {  	s4 =	sld [smem:$0x3FA4]  }
0x2a: {  	p0 =	seq.s32 s5, $0x0;
	s5 =	sld [smem:$0x3FA5]  }
0x2b: {  	s6 =	sld [smem:$0x3FA6]  }
0x2c: {  	s7 =	sld [smem:$0x3FA7]  }
0x2d: {  	s3 =	simm.s32 $0x108;
	s8 =	sld [smem:$0x3FA8]  }
0x2e: {  	s3 =	simm.s32 @!p0 $0x1082;
	s9 =	sld [smem:$0x3FA9]  }
0x2f: {  	lr =	sadd.s32 s0, s3;
	s0 =	sld [smem:$0x3FA0]  }
0x30: {  	s3 =	sld [smem:$0x3FA3]  }
0x31: {  	[smem:$0x3FAC] =	sst s10  }
0x32: {  	s10 =	sld [smem:$0x3FAA];
	_ =	sdelay $0x3  }
0x33: {  	p0 =	seq.s32 s10, $0x1;
	s10 =	sld [smem:$0x3FAC];
	_ =	sdelay $0x3  }
0x34: {  	[smem:$0x3FAC] =	sst s10  }
0x35: {  	s10 =	sld [smem:$0x3FAB];
	_ =	sdelay $0x3  }
0x36: {  	p1 =	seq.s32 s10, $0x1;
	s10 =	sld [smem:$0x3FAC];
	_ =	sdelay $0x3  }
0x37: {  	[smem:$0x3FAC] =	sst s10  }
0x38: {  	s10 =	sld [smem:$0x3FAD]  }
0x39: {  	_ = 	snop;
	(pc) =	sbr.ind lr, $3  }
0x3a: {  	_ = 	snop  }
0x3b: {  	_ = 	snop  }
0x3c: {  	p2 =	seq.s32 s10, $0x1;
	s10 =	sld [smem:$0x3FAC]  }
0x3d: {  	_ =	shalt  }
0x3e: {  	_ =	shalt  }
0x3f: {  	_ =	shalt  }
0x40: {  	_ =	shalt  }
0x41: {  	_ =	shalt  }
0x42: {  	_ =	shalt  }
0x43: {  	_ =	shalt  }
0x44: {  	_ =	shalt  }
0x45: {  	_ =	shalt  }
0x46: {  	_ =	shalt  }
0x47: {  	_ =	shalt  }
0x48: {  	_ =	shalt  }
0x49: {  	_ =	shalt  }
0x4a: {  	_ =	shalt  }
0x4b: {  	_ =	shalt  }
0x4c: {  	_ =	shalt  }
0x4d: {  	_ =	shalt  }
0x4e: {  	_ =	shalt  }
0x4f: {  	_ =	shalt  }
0x50: {  	_ =	shalt  }
0x51: {  	_ =	shalt  }
0x52: {  	_ =	shalt  }
0x53: {  	_ =	shalt  }
0x54: {  	_ =	shalt  }
0x55: {  	_ =	shalt  }
0x56: {  	_ =	shalt  }
0x57: {  	_ =	shalt  }
0x58: {  	_ =	shalt  }
0x59: {  	_ =	shalt  }
0x5a: {  	_ =	shalt  }
0x5b: {  	_ =	shalt  }
0x5c: {  	_ =	shalt  }
0x5d: {  	_ =	shalt  }
0x5e: {  	_ =	shalt  }
0x5f: {  	_ =	shalt  }
0x60: {  	_ =	shalt  }
0x61: {  	_ =	shalt  }
0x62: {  	_ =	shalt  }
0x63: {  	_ =	shalt  }
0x64: {  	_ =	shalt  }
0x65: {  	_ =	shalt  }
0x66: {  	_ =	shalt  }
0x67: {  	_ =	shalt  }
0x68: {  	_ =	shalt  }
0x69: {  	_ =	shalt  }
0x6a: {  	_ =	shalt  }
0x6b: {  	_ =	shalt  }
0x6c: {  	_ =	shalt  }
0x6d: {  	_ =	shalt  }
0x6e: {  	_ =	shalt  }
0x6f: {  	_ =	shalt  }
0x70: {  	_ =	shalt  }
0x71: {  	_ =	shalt  }
0x72: {  	_ =	shalt  }
0x73: {  	_ =	shalt  }
0x74: {  	_ =	shalt  }
0x75: {  	_ =	shalt  }
0x76: {  	_ =	shalt  }
0x77: {  	_ =	shalt  }
0x78: {  	_ =	shalt  }
0x79: {  	_ =	shalt  }
0x7a: {  	_ =	shalt  }
0x7b: {  	_ =	shalt  }
0x7c: {  	_ =	shalt  }
0x7d: {  	_ =	shalt  }
0x7e: {  	_ =	shalt  }
0x7f: {  	_ =	shalt  }
0x80: {  	_ =	shalt  }
0x81: {  	_ =	shalt  }
0x82: {  	_ =	shalt  }
0x83: {  	_ =	shalt  }
0x84: {  	_ =	shalt  }
0x85: {  	_ =	shalt  }
0x86: {  	_ =	shalt  }
0x87: {  	_ =	shalt  }
.Lfunc_end0:
.L_simem_size_0:
called_computation.2_lowered:
.L_overlay_start_0:
0x88: {  	s2 =	sld [smem:$0x3FD9]  }
0x89: {  	s3 =	sld [smem:$0x3FFE];
	_ =	sdelay $0x1  }
0x8a: {  	s1 =	srdreg.scid  }
0x8b: {  	s0 =	sand.u32 $0x1, s1  }
0x8c: {  	s14 =	sshll.u32 s0, $0xA;
	s2 =	sadd.s32 s3, s2  }
0x8d: {  	s2 =	sadd.s32 s2, s14  }
0x8e: {  	[smem:$0x3FB8] =	sst s2  }
0x8f: {  	_ = 	snop  }
0x90: {  	s2 =	sld [smem:$0x3FD0];
	_ =	sdelay $0x2  }
0x91: {  	s15 =	simm.s32 $0xA;
	s4 =	simm.s32 $0x10  }
0x92: {  	[smem:s4], [sflag:s15] =	dma.local [hbm:s2], $0x1  }
0x93: {  	_ =	swait.eq [sflag:s15], $0x1  }
0x94: {  	[sflag:s15] =	ssyncset.done $0x0  }
0x95: {  	s16 =	sld [smem:$0x12];
	[sflag:s15] =	ssyncadd.s32 $0xFFFFFFFF  }
0x96: {  	s17 =	sld [smem:$0x13];
	(tm) =	ssettm $0x1  }
0x97: {  	s18 =	sld [smem:$0x3FFB];
	_ =	sdelay $0x3  }
0x98: {  	_ =	strace s18  }
0x99: {  	s4 =	sld [smem:$0x3FFC];
	_ =	sdelay $0x3  }
0x9a: {  	_ =	strace s4  }
0x9b: {  	s4 =	sld [smem:$0x3FFD];
	_ =	sdelay $0x3  }
0x9c: {  	_ =	strace s4  }
0x9d: {  	_ =	strace $0x8FFFFFFF  }
0x9e: {  	s19 =	sld [smem:$0x3FDB];
	_ =	sdelay $0x1  }
0x9f: {  	s5 =	simm.s32 $_scs_section_size  }
0xa0: {  	s6 =	simm.s32 $_size__tile_overlayer_lowered;
	s7 =	simm.s32 $_tile_overlayer_lowered  }
0xa1: {  	s22 =	simm.s32 $0x1BFF;
	s21 =	sshll.u32 s7, $0x1;
	s4 =	sadd.s32 s5, s19  }
0xa2: {  	s8 =	simm.s32 $0x0;
	s20 =	sshll.u32 s6, $0x1;
	s6 =	sadd.s32 s21, s4  }
0xa3: {  	[timem:s8], [sflag:s22] =	dma.local [hbm:s6], s20  }
0xa4: {  	_ =	swait.ge [sflag:s22], s20  }
0xa5: {  	s5 =	ssub.s32 $0x0, s20;
	[sflag:s22] =	ssyncset.done $0x0  }
0xa6: {  	[sflag:s22] =	ssyncadd.s32 s5;
	_ =	sdelay $0x1  }
0xa7: {  	s23 =	simm.s32 $0x1B8B  }
0xa8: {  	_ =	swait.ge [sflag:s23], $0x1  }
0xa9: {  	[sflag:s23] =	ssyncset.done $0x0  }
0xaa: {  	s25 =	simm.s32 $0x1B8E;
	s24 =	sld [smem:$0x3FFE];
	[sflag:s23] =	ssyncadd.s32 $0xFFFFFFFF  }
0xab: {  	s26 =	simm.s32 $execute0_lowered;
	[smem:$0x3FD2] =	sst s25  }
0xac: {  	s6 =	sshll.u32 s26, $0x1;
	_ =	strace $0x8000004C;
	[dreg:$0x1] =	wrdreg $0xFFFFFFFF  }
0xad: {  	s28 =	simm.s32 $_size_execute0_lowered;
	s4 =	sadd.s32 s4, s6;
	[dreg:$0x0] =	wrdreg $0x0  }
0xae: {  	s6 =	sshll.u32 s28, $0x1;
	[dreg:$0x2] =	wrdreg s4  }
0xaf: {  	[dreg:$0x3] =	wrdreg s6  }
0xb0: {  	[dreg:$0x4] =	wrdreg $0xC0  }
0xb1: {  	_ =	task [dreg:s8], $0x5FFFF  }
0xb2: {  	[dreg:$0x1] =	wrdreg $0xFFFFFFFF  }
0xb3: {  	[dreg:$0x0] =	wrdreg $0x60  }
0xb4: {  	[dreg:$0x2] =	wrdreg s24  }
0xb5: {  	[dreg:$0x3] =	wrdreg s17  }
0xb6: {  	[dreg:$0x4] =	wrdreg s16  }
0xb7: {  	[dreg:$0x5] =	wrdreg $0x9  }
0xb8: {  	_ =	task.clear_ibuf [dreg:s8], $0x6FFFF;
	_ =	strace $0x9000004C  }
0xb9: {  	s29 =	simm.s32 $0x9;
	_ =	strace $0x8000004E  }
0xba: {  	_ =	swait.ge [sflag:s29], $0x1  }
0xbb: {  	[sflag:s29] =	ssyncadd.s32 $0xFFFFFFFF  }
0xbc: {  	_ =	strace $0x9000004E  }
0xbd: {  	_ =	sfence  }
0xbe: {  	s30 =	sld [smem:$0x0];
	_ =	sdelay $0x2  }
0xbf: {  	s31 =	sshll.u32 s1, $0xD;
	s1 =	sshrl.u32 s1, $0x2  }
0xc0: {  	s3 =	sand.u32 $0x4000, s31;
	s1 =	sadd.s32 s1, s30  }
0xc1: {  	s0 =	sor.u32 s3, s0;
	s1 =	sshll.u32 s1, $0x11  }
0xc2: {  	s0 =	sor.u32 s1, s0  }
0xc3: {  	s0 =	sadd.s32 $0x8F2B, s0  }
0xc4: {  	[sflag:s0] =	ssyncadd.remote.s32 $0x1  }
0xc5: {  	_ =	sfence.sel $0xFFFF  }
0xc6: {  	[dreg:$0x0] =	wrdreg $0xFFFFFFFF;
	(pc) =	sbr.abs _section_cstart, $3  }
0xc7: {  	[dreg:$0x1] =	wrdreg $0xFFFFFFFF  }
0xc8: {  	_ =	task.clear_ibuf [dreg:s8], $0x2FFFF;
	_ =	strace $0x9FFFFFFF  }
0xc9: {  	(tm) =	ssettm $0x7FFFFFFF  }
tec
execute0_lowered:
.L_overlay_start_1:
0x0: {  	(tag) =	ssettag $0x1  }
0x1: {  	s5 =	rddreg [dreg:$0x0]  }
0x2: {  	s7 =	rddreg [dreg:$0x1];
	s1 =	srdreg.scid  }
0x3: {  	s0 =	stileid.u32;
	s8 =	rddreg [dreg:$0x2]  }
0x4: {  	s2 =	simm.s32 $0x0;
	s13 =	simm.s32 $0x100;
	s14 =	simm.s32 $0x5000  }
0x5: {  	s15 =	simm.s32 $0x1;
	s16 =	simm.s32 $0xD000;
	s17 =	simm.s32 $0x2  }
0x6: {  	s18 =	simm.s32 $0x15000;
	s6 =	sand.u32 $0x1, s1;
	s3 =	sshll.u32 s0, $0x1  }
0x7: {  	s19 =	simm.s32 $0x0;
	s1 =	rddreg [dreg:$0x3];
	s3 =	sor.u32 s6, s3  }
0x8: {  	[smem:$0x7FF] =	sst s2;
	s9 =	ssub.s32 $0x2, s6;
	s3 =	smul.u32 $0x140, s3  }
0x9: {  	s4 =	sadd.s32 $0x9EEE00, s5;
	s5 =	sadd.s32 $0x4E5C00, s5;
	s10 =	sshrl.u32 s9, $0x1  }
0xa: {  	_ =	strace $0x8000004D;
	s10 =	ssub.s32 s9, s10;
	s6 =	smin.u32 s3, $0x25D0  }
0xb: {  	s10 =	smax.u32 s10, $0x1;
	s11 =	sshll.u32 s6, $0x2;
	s12 =	ssub.s32 s3, s6  }
0xc: {  	s7 =	sadd.s32 s7, s11;
	s31 =	sshll.u32 s12, $0x7;
	s8 =	sadd.s32 s8, s11  }
0xd: {  	s11 =	simm.s32 $0x3;
	s12 =	simm.s32 $0x2800;
	s9 =	sshra.s32 s31, $0x2  }
.LBB2_1:
0xe: {  	[tilespmem:s2], [sflag:$0x3] =	stream.linear.gather [hbm4b:s7+s2], $0x2800, $0x38;
	[tilespmem:$0x15400] =	vst v63  }
0xf: {  	_ =	swait.ge [sflag:s11], $0x2800  }
0x10: {  	[sflag:s11] =	ssyncset.done $0x0  }
0x11: {  	[sflag:s11] =	ssyncadd.s32 $0xFFFFD800  }
0x12: {  	[tilespmem:s12], [sflag:$0x3] =	stream.linear.gather [hbm4b:s8+s2], $0x2800, $0x38;
	[tilespmem:$0x15400] =	vst v63  }
0x13: {  	_ =	swait.ge [sflag:s11], $0x2800  }
0x14: {  	[sflag:s11] =	ssyncset.done $0x0  }
0x15: {  	s20 =	simm.s32 $0x0;
	[sflag:s11] =	ssyncadd.s32 $0xFFFFD800  }
0x16: {  	[tilespmem:s14], [sflag:$0x1] =	stream.indirect.gather [hbm4b:s4+s13], $0x80, s9, s13, $0xb8;
	[tilespmem:$0x15400] =	vst v63  }
.LBB2_2:
0x17: {  	s21 =	sshll.u32 s20, $0x3  }
0x18: {  	s21 =	sadd.s32 s3, s21  }
0x19: {  	s21 =	smin.u32 s21, $0x2708  }
0x1a: {  	s22 =	ssub.s32 s21, s6  }
0x1b: {  	_ =	swait.ge [sflag:s15], $0x8000;
	s22 =	sshll.u32 s22, $0x7  }
0x1c: {  	[sflag:s15] =	ssyncset.done $0x0;
	s22 =	sshra.s32 s22, $0x2  }
0x1d: {  	[sflag:s15] =	ssyncadd.s32 $0xFFFF8000;
	s22 =	sadd.s32 $0x2800, s22  }
0x1e: {  	[tilespmem:s16], [sflag:$0x2] =	stream.indirect.gather [hbm4b:s4+s13], $0x80, s22, s13, $0xb8;
	[tilespmem:$0x15400] =	vst v63  }
0x1f: {  	s23 =	simm.s32 $0x5020;
	s22 =	simm.s32 $0x0  }
.LBB2_3:
0x20: {  	v2 =	vmov s23;
	_ =	sdelay $0x3  }
0x21: {  	s25 =	simm.s32 $0x0  }
0x22: {  	v0 =	vld.idx.msk [tilespmem:v2+s25+$0x10 ss:$0x1], $0xffff  }
0x23: {  	v3 =	vld.idx.msk [tilespmem:v2+s25+$0xFFFFFFE0 ss:$0x1], $0xffff  }
0x24: {  	v1 =	vimm.f32 $0.0e+00;
	v4 =	vld.idx.msk [tilespmem:v2+s25+$0xFFFFFFF0 ss:$0x1], $0xffff  }
0x25: {  	s24 =	simm.s32 $0x200;
	v8 =	vimm.f32 $0.0e+00;
	v7 =	vimm.f32 $0.0e+00;
	v6 =	vimm.f32 $0.0e+00;
	v5 =	vld.idx.msk [tilespmem:v2+s25+$0x0 ss:$0x1], $0xffff  }
.LBB2_4:
0x26: {  	p0 =	sne.s32 s24, $0x3E00  }
.Ltmp0:
0x27: {  	s25 =	sshra.s32 s24, $0x2;
	s24 =	sadd.s32 $0x200, s24;
	(pc) =	sbr.rel @p0 .LBB2_4-.Ltmp0, $4  }
0x28: {  	v1 =	vadd.f32 v0, v1;
	v0 =	vld.idx.msk [tilespmem:v2+s25+$0x10 ss:$0x1], $0xffff  }
0x29: {  	v8 =	vadd.f32 v3, v8;
	v3 =	vld.idx.msk [tilespmem:v2+s25+$0xFFFFFFE0 ss:$0x1], $0xffff  }
0x2a: {  	v7 =	vadd.f32 v4, v7;
	v4 =	vld.idx.msk [tilespmem:v2+s25+$0xFFFFFFF0 ss:$0x1], $0xffff  }
0x2b: {  	v6 =	vadd.f32 v5, v6;
	v5 =	vld.idx.msk [tilespmem:v2+s25+$0x0 ss:$0x1], $0xffff  }
0x2c: {  	s24 =	sshll.u32 s22, $0x7;
	s22 =	sadd.s32 $0x1, s22  }
0x2d: {  	v0 =	vadd.f32 v0, v1;
	p0 =	sne.s32 s22, $0x8  }
.Ltmp1:
0x2e: {  	s24 =	sand.u32 $0x3FFFFF80, s24;
	v2 =	vadd.f32 v3, v8;
	(pc) =	sbr.rel @p0 .LBB2_3-.Ltmp1, $4  }
0x2f: {  	v62 =	vadd.f32 v4, v7;
	[tilespmem:s24+$0x15030] =	vst v0  }
0x30: {  	v63 =	vadd.f32 v5, v6;
	[tilespmem:s24+$0x15000] =	vst v2  }
0x31: {  	[tilespmem:s24+$0x15010] =	vst v62  }
0x32: {  	s23 =	sadd.s32 $0x1000, s23;
	[tilespmem:s24+$0x15020] =	vst v63  }
0x33: {  	s20 =	sadd.s32 $0x1, s20  }
0x34: {  	p0 =	seq.s32 s20, $0x28;
	s22 =	sshll.u32 s20, $0x3  }
0x35: {  	s22 =	simm.s32 @p0 $0x0  }
0x36: {  	s22 =	sadd.s32 s3, s22  }
0x37: {  	s22 =	smin.u32 s22, $0x2708  }
0x38: {  	_ =	swait.ge [sflag:s17], $0x8000;
	s22 =	ssub.s32 s22, s6  }
0x39: {  	[sflag:s17] =	ssyncset.done $0x0;
	s22 =	sshll.u32 s22, $0x7  }
0x3a: {  	[sflag:s17] =	ssyncadd.s32 $0xFFFF8000;
	s22 =	sshra.s32 s22, $0x2  }
0x3b: {  	[tilespmem:s14], [sflag:$0x1] =	stream.indirect.gather [hbm4b:s4+s13], $0x80, s22, s13, $0xb8;
	[tilespmem:$0x15400] =	vst v63  }
0x3c: {  	s23 =	simm.s32 $0xD040;
	s22 =	simm.s32 $0x0  }
.LBB2_7:
0x3d: {  	v2 =	vmov s23;
	_ =	sdelay $0x3  }
0x3e: {  	s25 =	simm.s32 $0x0  }
0x3f: {  	v0 =	vld.idx.msk [tilespmem:v2+s25+$0x30 ss:$0x1], $0xffff  }
0x40: {  	v3 =	vld.idx.msk [tilespmem:v2+s25+$0x0 ss:$0x1], $0xffff  }
0x41: {  	v1 =	vimm.f32 $0.0e+00;
	v4 =	vld.idx.msk [tilespmem:v2+s25+$0x10 ss:$0x1], $0xffff  }
0x42: {  	s24 =	simm.s32 $0x200;
	v8 =	vimm.f32 $0.0e+00;
	v7 =	vimm.f32 $0.0e+00;
	v6 =	vimm.f32 $0.0e+00;
	v5 =	vld.idx.msk [tilespmem:v2+s25+$0x20 ss:$0x1], $0xffff  }
.LBB2_8:
0x43: {  	p0 =	sne.s32 s24, $0x3E00  }
.Ltmp2:
0x44: {  	s25 =	sshra.s32 s24, $0x2;
	s24 =	sadd.s32 $0x200, s24;
	(pc) =	sbr.rel @p0 .LBB2_8-.Ltmp2, $4  }
0x45: {  	v1 =	vadd.f32 v0, v1;
	v0 =	vld.idx.msk [tilespmem:v2+s25+$0x30 ss:$0x1], $0xffff  }
0x46: {  	v8 =	vadd.f32 v3, v8;
	v3 =	vld.idx.msk [tilespmem:v2+s25+$0x0 ss:$0x1], $0xffff  }
0x47: {  	v7 =	vadd.f32 v4, v7;
	v4 =	vld.idx.msk [tilespmem:v2+s25+$0x10 ss:$0x1], $0xffff  }
0x48: {  	v6 =	vadd.f32 v5, v6;
	v5 =	vld.idx.msk [tilespmem:v2+s25+$0x20 ss:$0x1], $0xffff  }
0x49: {  	s24 =	sshll.u32 s22, $0x7;
	s22 =	sadd.s32 $0x1, s22  }
0x4a: {  	v0 =	vadd.f32 v0, v1;
	p0 =	sne.s32 s22, $0x8  }
.Ltmp3:
0x4b: {  	s24 =	sand.u32 $0x3FFFFF80, s24;
	v2 =	vadd.f32 v3, v8;
	(pc) =	sbr.rel @p0 .LBB2_7-.Ltmp3, $4  }
0x4c: {  	v62 =	vadd.f32 v4, v7;
	[tilespmem:s24+$0x15070] =	vst v0  }
0x4d: {  	v63 =	vadd.f32 v5, v6;
	[tilespmem:s24+$0x15040] =	vst v2  }
0x4e: {  	[tilespmem:s24+$0x15050] =	vst v62  }
0x4f: {  	s23 =	sadd.s32 $0x1000, s23;
	[tilespmem:s24+$0x15060] =	vst v63  }
0x50: {  	s21 =	sshll.u32 s21, $0x4;
	p0 =	sne.s32 s20, $0x28  }
.Ltmp4:
0x51: {  	s21 =	sadd.s32 s5, s21;
	(pc) =	sbr.rel @p0 .LBB2_2-.Ltmp4, $4  }
0x52: {  	[hbm4b:s21+s2] =	stream.linear.scatter [tilespmem:s18], [sflag:$0x3], $0x400, $0x38;
	[tilespmem:$0x15400] =	vst v63  }
0x53: {  	_ =	swait.ge [sflag:s11], $0x400  }
0x54: {  	[sflag:s11] =	ssyncset.done $0x0  }
0x55: {  	[sflag:s11] =	ssyncadd.s32 $0xFFFFFC00  }
0x56: {  	s19 =	sadd.s32 $0x1, s19  }
0x57: {  	p0 =	sne.s32 s19, s10  }
.Ltmp5:
0x58: {  	_ = 	snop;
	(pc) =	sbr.rel @p0 .LBB2_1-.Ltmp5, $4  }
0x59: {  	_ = 	snop  }
0x5a: {  	_ =	swait.ge [sflag:s15], $0x8000  }
0x5b: {  	[sflag:s15] =	ssyncset.done $0x0  }
0x5c: {  	[sflag:s15] =	ssyncadd.s32 $0xFFFF8000  }
0x5d: {  	_ =	sfence.sel $0x180000  }
0x5e: {  	[bflag:$0x0] =	sbarrier.arrive $0xFFFF  }
0x5f: {  	p0 =	sne.s32 s0, $0x0;
	_ =	strace $0x9000004D  }
0x60: {  	s0 =	sadd.s32 @!p0 $0x100000, s1;
	[bflag:$0x2] =	sbarrier.arrive $0xFFFF  }
0x61: {  	[sflag:s0] =	ssyncadd.tile.s32 @!p0 $0x1;
	_ =	shalt  }
.Lfunc_end2:
_tile_overlayer_lowered:
.L_overlay_start_2:
0x62: {  	(tag) =	ssettag $0x2  }
0x63: {  	s0 =	rddreg [dreg:$0x0];
	s2 =	stileid.u32  }
0x64: {  	s1 =	rddreg [dreg:$0x1];
	p0 =	sne.s32 s2, $0x0  }
0x65: {  	s3 =	rddreg [dreg:$0x2];
	[bflag:$0x3] =	sbarrier.arrive $0xFFFF;
	s2 =	simm.s32 @!p0 $0x1C03  }
0x66: {  	[timem:s3], [sflag:s2] =	dma.local @!p0 [hbm:s0], s1  }
0x67: {  	s0 =	simm.s32 @!p0 $0x3  }
0x68: {  	_ =	swait.ge @!p0 [sflag:s0], s1  }
0x69: {  	s1 =	ssub.s32 @!p0 $0x0, s1;
	[sflag:s0] =	ssyncset.done @!p0 $0x0  }
0x6a: {  	[sflag:s0] =	ssyncadd.s32 @!p0 s1  }
0x6b: {  	[bflag:$0x3] =	sbarrier.arrive $0xFFFF  }
0x6c: {  	_ =	shalt  }

// kernel: kernel.23.cloned.1.call-start
scs
__scs_entry_jumppad:
0x0: {  	(pc) =	sbr.rel $0x88, $3  }
0x1: {  	(tag) =	ssettag $0x0;
	lr =	simm.s32 $0x1  }
0x2: {  	[smem:$0x3F91] =	sst lr;
	_ =	strace $0xD0000000  }
0x3: {  	_ = 	snop  }
0x4: {  	_ = 	snop  }
0x5: {  	_ = 	snop  }
0x6: {  	_ = 	snop  }
0x7: {  	_ = 	snop  }
__scs_overlays_trampoline_lowered:
0x8: {  	[smem:$0x3FA0] =	sst s0  }
0x9: {  	[smem:$0x3FA1] =	sst s1  }
0xa: {  	[smem:$0x3FA2] =	sst s2  }
0xb: {  	[smem:$0x3FA3] =	sst s3  }
0xc: {  	[smem:$0x3FA4] =	sst s4  }
0xd: {  	[smem:$0x3FA5] =	sst s5  }
0xe: {  	[smem:$0x3FA6] =	sst s6  }
0xf: {  	[smem:$0x3FA7] =	sst s7  }
0x10: {  	[smem:$0x3FA8] =	sst s8  }
0x11: {  	[smem:$0x3FA9] =	sst s9;
	s0 =	simm.s32 @!p0 $0x0  }
0x12: {  	s1 =	sld [smem:$0x3F8F];
	s0 =	simm.s32 @p0 $0x1  }
0x13: {  	[smem:$0x3FAA] =	sst s0;
	s0 =	simm.s32 @!p1 $0x0  }
0x14: {  	s2 =	sld [smem:$0x3F8E];
	s0 =	simm.s32 @p1 $0x1  }
0x15: {  	[smem:$0x3FAB] =	sst s0;
	s0 =	simm.s32 @!p2 $0x0  }
0x16: {  	s3 =	sld [smem:$0x3FDB];
	s0 =	simm.s32 @p2 $0x1  }
0x17: {  	s4 =	simm.s32 $0x1BF5;
	[smem:$0x3FAD] =	sst s0  }
0x18: {  	s0 =	sld [smem:$0x3F90];
	_ =	swait.ge [sflag:s4], $0x0  }
0x19: {  	s7 =	sld [smem:$0x3F91]  }
0x1a: {  	s8 =	sadd.s32 $0xFFFFE003, lr  }
0x1b: {  	s9 =	sadd.s32 $0xFFFFFEF7, lr;
	s5 =	simm.s32 $0xFFFFFFFF;
	p2 =	slt.u32 s8, $0xFFFFF086  }
0x1c: {  	p1 =	slt.u32 s9, $0xF7A;
	s5 =	simm.s32 @!p2 $0x0  }
0x1d: {  	s5 =	simm.s32 @p1 $0x1;
	p0 =	seq.s32 s7, s2  }
0x1e: {  	s7 =	smul.u32 @!p0 $0xF7A, s2;
	p2 =	seq.s32 @!p0 s5, $0x0  }
0x1f: {  	s9 =	smul.u32 $0xF7A, s1;
	s8 =	simm.s32 @!p0 $0x1BF5;
	p2 =	por !p2, p0  }
0x20: {  	[sflag:s8] =	ssyncset.s32 @!p0 $0xFFFFF086;
	s6 =	sadd.s32 @!p0 s3, s7;
	s7 =	simm.s32 @!p0 $0x108  }
0x21: {  	s3 =	sadd.s32 s3, s9;
	s6 =	sadd.s32 @!p0 $0x88, s6;
	s7 =	simm.s32 @p2 $0x1082  }
0x22: {  	[simem:s7], [sflag:s8] =	dma.local @!p0 [hbm:s6], $0xF7A  }
0x23: {  	s9 =	sor.u32 $0xD0000000, s2;
	s6 =	simm.s32 $0x108;
	_ =	swait.ge @!p0 [sflag:s8], $0x0  }
0x24: {  	s3 =	sadd.s32 $0x88, s3;
	s6 =	simm.s32 @!p1 $0x1082;
	[sflag:s4] =	ssyncset.s32 $0xFFFFF086  }
0x25: {  	[simem:s6], [sflag:s4] =	dma.local [hbm:s3], $0xF7A  }
0x26: {  	[smem:$0x3F91] =	sst s1;
	(tag) =	ssettag s2;
	_ =	strace s9  }
0x27: {  	s1 =	sld [smem:$0x3FA1]  }
0x28: {  	s2 =	sld [smem:$0x3FA2]  }
0x29: {  	s4 =	sld [smem:$0x3FA4]  }
0x2a: {  	p0 =	seq.s32 s5, $0x0;
	s5 =	sld [smem:$0x3FA5]  }
0x2b: {  	s6 =	sld [smem:$0x3FA6]  }
0x2c: {  	s7 =	sld [smem:$0x3FA7]  }
0x2d: {  	s3 =	simm.s32 $0x108;
	s8 =	sld [smem:$0x3FA8]  }
0x2e: {  	s3 =	simm.s32 @!p0 $0x1082;
	s9 =	sld [smem:$0x3FA9]  }
0x2f: {  	lr =	sadd.s32 s0, s3;
	s0 =	sld [smem:$0x3FA0]  }
0x30: {  	s3 =	sld [smem:$0x3FA3]  }
0x31: {  	[smem:$0x3FAC] =	sst s10  }
0x32: {  	s10 =	sld [smem:$0x3FAA];
	_ =	sdelay $0x3  }
0x33: {  	p0 =	seq.s32 s10, $0x1;
	s10 =	sld [smem:$0x3FAC];
	_ =	sdelay $0x3  }
0x34: {  	[smem:$0x3FAC] =	sst s10  }
0x35: {  	s10 =	sld [smem:$0x3FAB];
	_ =	sdelay $0x3  }
0x36: {  	p1 =	seq.s32 s10, $0x1;
	s10 =	sld [smem:$0x3FAC];
	_ =	sdelay $0x3  }
0x37: {  	[smem:$0x3FAC] =	sst s10  }
0x38: {  	s10 =	sld [smem:$0x3FAD]  }
0x39: {  	_ = 	snop;
	(pc) =	sbr.ind lr, $3  }
0x3a: {  	_ = 	snop  }
0x3b: {  	_ = 	snop  }
0x3c: {  	p2 =	seq.s32 s10, $0x1;
	s10 =	sld [smem:$0x3FAC]  }
0x3d: {  	_ =	shalt  }
0x3e: {  	_ =	shalt  }
0x3f: {  	_ =	shalt  }
0x40: {  	_ =	shalt  }
0x41: {  	_ =	shalt  }
0x42: {  	_ =	shalt  }
0x43: {  	_ =	shalt  }
0x44: {  	_ =	shalt  }
0x45: {  	_ =	shalt  }
0x46: {  	_ =	shalt  }
0x47: {  	_ =	shalt  }
0x48: {  	_ =	shalt  }
0x49: {  	_ =	shalt  }
0x4a: {  	_ =	shalt  }
0x4b: {  	_ =	shalt  }
0x4c: {  	_ =	shalt  }
0x4d: {  	_ =	shalt  }
0x4e: {  	_ =	shalt  }
0x4f: {  	_ =	shalt  }
0x50: {  	_ =	shalt  }
0x51: {  	_ =	shalt  }
0x52: {  	_ =	shalt  }
0x53: {  	_ =	shalt  }
0x54: {  	_ =	shalt  }
0x55: {  	_ =	shalt  }
0x56: {  	_ =	shalt  }
0x57: {  	_ =	shalt  }
0x58: {  	_ =	shalt  }
0x59: {  	_ =	shalt  }
0x5a: {  	_ =	shalt  }
0x5b: {  	_ =	shalt  }
0x5c: {  	_ =	shalt  }
0x5d: {  	_ =	shalt  }
0x5e: {  	_ =	shalt  }
0x5f: {  	_ =	shalt  }
0x60: {  	_ =	shalt  }
0x61: {  	_ =	shalt  }
0x62: {  	_ =	shalt  }
0x63: {  	_ =	shalt  }
0x64: {  	_ =	shalt  }
0x65: {  	_ =	shalt  }
0x66: {  	_ =	shalt  }
0x67: {  	_ =	shalt  }
0x68: {  	_ =	shalt  }
0x69: {  	_ =	shalt  }
0x6a: {  	_ =	shalt  }
0x6b: {  	_ =	shalt  }
0x6c: {  	_ =	shalt  }
0x6d: {  	_ =	shalt  }
0x6e: {  	_ =	shalt  }
0x6f: {  	_ =	shalt  }
0x70: {  	_ =	shalt  }
0x71: {  	_ =	shalt  }
0x72: {  	_ =	shalt  }
0x73: {  	_ =	shalt  }
0x74: {  	_ =	shalt  }
0x75: {  	_ =	shalt  }
0x76: {  	_ =	shalt  }
0x77: {  	_ =	shalt  }
0x78: {  	_ =	shalt  }
0x79: {  	_ =	shalt  }
0x7a: {  	_ =	shalt  }
0x7b: {  	_ =	shalt  }
0x7c: {  	_ =	shalt  }
0x7d: {  	_ =	shalt  }
0x7e: {  	_ =	shalt  }
0x7f: {  	_ =	shalt  }
0x80: {  	_ =	shalt  }
0x81: {  	_ =	shalt  }
0x82: {  	_ =	shalt  }
0x83: {  	_ =	shalt  }
0x84: {  	_ =	shalt  }
0x85: {  	_ =	shalt  }
0x86: {  	_ =	shalt  }
0x87: {  	_ =	shalt  }
.Lfunc_end0:
.L_simem_size_0:
called_computation.3_lowered:
.L_overlay_start_0:
0x88: {  	s2 =	sld [smem:$0x3FD9]  }
0x89: {  	s3 =	sld [smem:$0x3FFE];
	_ =	sdelay $0x1  }
0x8a: {  	s1 =	srdreg.scid  }
0x8b: {  	s0 =	sand.u32 $0x1, s1  }
0x8c: {  	s17 =	sshll.u32 s0, $0xA;
	s2 =	sadd.s32 s3, s2  }
0x8d: {  	s2 =	sadd.s32 s2, s17  }
0x8e: {  	[smem:$0x3FB8] =	sst s2  }
0x8f: {  	_ = 	snop  }
0x90: {  	s2 =	sld [smem:$0x3FC6]  }
0x91: {  	s18 =	sld [smem:$0x3FC5]  }
0x92: {  	s4 =	sld [smem:$0x3FC0]  }
0x93: {  	s5 =	sld [smem:$0x3FBF];
	(tm) =	ssettm $0x1  }
0x94: {  	s6 =	sld [smem:$0x3FFB];
	_ =	sdelay $0x3  }
0x95: {  	_ =	strace s6  }
0x96: {  	s6 =	sld [smem:$0x3FFC];
	_ =	sdelay $0x3  }
0x97: {  	_ =	strace s6  }
0x98: {  	s6 =	sld [smem:$0x3FFD];
	_ =	sdelay $0x3  }
0x99: {  	_ =	strace s6  }
0x9a: {  	_ =	strace $0x8FFFFFFF  }
0x9b: {  	s19 =	sld [smem:$0x3FDB];
	_ =	sdelay $0x1  }
0x9c: {  	s7 =	simm.s32 $_scs_section_size  }
0x9d: {  	s8 =	simm.s32 $_size__tile_overlayer_lowered;
	s9 =	simm.s32 $_tile_overlayer_lowered  }
0x9e: {  	s22 =	simm.s32 $0x1BFF;
	s21 =	sshll.u32 s9, $0x1;
	s6 =	sadd.s32 s7, s19  }
0x9f: {  	s10 =	simm.s32 $0x0;
	s20 =	sshll.u32 s8, $0x1;
	s8 =	sadd.s32 s21, s6  }
0xa0: {  	[timem:s10], [sflag:s22] =	dma.local [hbm:s8], s20  }
0xa1: {  	_ =	swait.ge [sflag:s22], s20  }
0xa2: {  	s7 =	ssub.s32 $0x0, s20;
	[sflag:s22] =	ssyncset.done $0x0  }
0xa3: {  	[sflag:s22] =	ssyncadd.s32 s7;
	_ =	sdelay $0x1  }
0xa4: {  	s23 =	simm.s32 $0x1B8B  }
0xa5: {  	_ =	swait.ge [sflag:s23], $0x1  }
0xa6: {  	[sflag:s23] =	ssyncset.done $0x0  }
0xa7: {  	s25 =	simm.s32 $0x1B8E;
	s24 =	sld [smem:$0x3FFE];
	[sflag:s23] =	ssyncadd.s32 $0xFFFFFFFF  }
0xa8: {  	s26 =	simm.s32 $execute0_lowered;
	[smem:$0x3FD2] =	sst s25  }
0xa9: {  	s8 =	sshll.u32 s26, $0x1;
	_ =	strace $0x8000004F;
	[dreg:$0x1] =	wrdreg $0xFFFFFFFF  }
0xaa: {  	s28 =	simm.s32 $_size_execute0_lowered;
	s6 =	sadd.s32 s6, s8;
	[dreg:$0x0] =	wrdreg $0x0  }
0xab: {  	s8 =	sshll.u32 s28, $0x1;
	[dreg:$0x2] =	wrdreg s6  }
0xac: {  	[dreg:$0x3] =	wrdreg s8  }
0xad: {  	[dreg:$0x4] =	wrdreg $0xC0  }
0xae: {  	_ =	task [dreg:s10], $0x5FFFF  }
0xaf: {  	[dreg:$0x1] =	wrdreg $0xFFFFFFFF  }
0xb0: {  	[dreg:$0x0] =	wrdreg $0x60  }
0xb1: {  	[dreg:$0x2] =	wrdreg s24  }
0xb2: {  	[dreg:$0x3] =	wrdreg s2  }
0xb3: {  	[dreg:$0x4] =	wrdreg s18  }
0xb4: {  	[dreg:$0x5] =	wrdreg s4  }
0xb5: {  	[dreg:$0x6] =	wrdreg s5  }
0xb6: {  	[dreg:$0x7] =	wrdreg $0x9  }
0xb7: {  	_ =	task.clear_ibuf [dreg:s10], $0x8FFFF;
	_ =	strace $0x9000004F  }
0xb8: {  	s29 =	simm.s32 $0x9;
	_ =	strace $0x80000051  }
0xb9: {  	_ =	swait.ge [sflag:s29], $0x1  }
0xba: {  	[sflag:s29] =	ssyncadd.s32 $0xFFFFFFFF  }
0xbb: {  	_ =	strace $0x90000051  }
0xbc: {  	_ =	sfence  }
0xbd: {  	s30 =	sld [smem:$0x0];
	_ =	sdelay $0x2  }
0xbe: {  	s31 =	sshll.u32 s1, $0xD;
	s1 =	sshrl.u32 s1, $0x2  }
0xbf: {  	s3 =	sand.u32 $0x4000, s31;
	s1 =	sadd.s32 s1, s30  }
0xc0: {  	s0 =	sor.u32 s3, s0;
	s1 =	sshll.u32 s1, $0x11  }
0xc1: {  	s0 =	sor.u32 s1, s0  }
0xc2: {  	s0 =	sadd.s32 $0x8F2B, s0  }
0xc3: {  	[sflag:s0] =	ssyncadd.remote.s32 $0x1  }
0xc4: {  	_ =	sfence.sel $0xFFFF  }
0xc5: {  	[dreg:$0x0] =	wrdreg $0xFFFFFFFF;
	(pc) =	sbr.abs _section_cstart, $3  }
0xc6: {  	[dreg:$0x1] =	wrdreg $0xFFFFFFFF  }
0xc7: {  	_ =	task.clear_ibuf [dreg:s10], $0x2FFFF;
	_ =	strace $0x9FFFFFFF  }
0xc8: {  	(tm) =	ssettm $0x7FFFFFFF  }
0xc9: {  	_ =	shalt  }
tec
execute0_lowered:
.L_overlay_start_1:
0x0: {  	(tag) =	ssettag $0x1  }
0x1: {  	s0 =	rddreg [dreg:$0x0]  }
0x2: {  	s1 =	rddreg [dreg:$0x1]  }
0x3: {  	s8 =	rddreg [dreg:$0x2]  }
0x4: {  	s9 =	rddreg [dreg:$0x3]  }
0x5: {  	s10 =	rddreg [dreg:$0x4];
	s3 =	srdreg.scid  }
0x6: {  	s4 =	stileid.u32;
	s2 =	simm.s32 $0x0;
	s14 =	simm.s32 $0x9  }
0x7: {  	s18 =	simm.s32 $0x9E00;
	s19 =	simm.s32 $0x50;
	s20 =	simm.s32 $0xEE00  }
0x8: {  	s21 =	simm.s32 $0x11600;
	s22 =	simm.s32 $0x18E00;
	s28 =	simm.s32 $0x1B600  }
0x9: {  	s29 =	simm.s32 $0xC600;
	s30 =	simm.s32 $0x4;
	s31 =	simm.s32 $0x8  }
0xa: {  	s15 =	simm.s32 $0x5;
	s7 =	sand.u32 $0x1, s3;
	s23 =	sshll.u32 s4, $0x1  }
0xb: {  	s3 =	sadd.s32 $0x3C00, s0;
	s11 =	sor.u32 s7, s23;
	s12 =	ssub.s32 $0x2, s7  }
0xc: {  	s5 =	sadd.s32 $0x50CE00, s0;
	s4 =	smul.u32 $0x2710, s11;
	s24 =	sshrl.u32 s12, $0x1  }
0xd: {  	s6 =	sadd.s32 $0x4E5C00, s0;
	s7 =	sadd.s32 $0x9EEE00, s0;
	s0 =	ssub.s32 s12, s24  }
0xe: {  	[smem:$0x7FF] =	sst s2;
	s13 =	sshrl.u32 s4, $0x3;
	s0 =	smax.u32 s0, $0x1  }
0xf: {  	_ =	strace $0x80000050;
	s1 =	sadd.s32 s1, s13;
	[dreg:$0xb] =	wrdreg s0  }
0x10: {  	s23 =	simm.s32 $0x1;
	s9 =	sadd.s32 s9, s13;
	[dreg:$0x6] =	wrdreg s1  }
0x11: {  	s25 =	smul.u32 $0x27100, s11;
	s8 =	sadd.s32 s8, s13;
	[dreg:$0x7] =	wrdreg s9  }
0x12: {  	s24 =	simm.s32 $0x3;
	s26 =	sadd.s32 s10, s13;
	[dreg:$0x8] =	wrdreg s8  }
0x13: {  	s0 =	simm.s32 $0x16600;
	s10 =	simm.s32 $0x0;
	[dreg:$0x9] =	wrdreg s26  }
0x14: {  	s1 =	sadd.s32 s3, s25;
	s25 =	simm.s32 $0x7;
	s26 =	simm.s32 $0x13E00  }
0x15: {  	s8 =	simm.s32 $0x6;
	[dreg:$0xa] =	wrdreg s1;
	s1 =	simm.s32 $0x2  }
.LBB2_1:
0x16: {  	[dreg:$0xc] =	wrdreg s10  }
0x17: {  	s9 =	rddreg [dreg:$0x6]  }
0x18: {  	[tilespmem:s2], [sflag:$0x9] =	stream.linear.gather [hbm4b:s9+s2], $0x2710, $0x38;
	[tilespmem:$0x1DE00] =	vst v63  }
0x19: {  	_ =	swait.ge [sflag:s14], $0x2710  }
0x1a: {  	[sflag:s14] =	ssyncset.done $0x0  }
0x1b: {  	s11 =	simm.s32 $0x2780;
	s10 =	rddreg [dreg:$0x7];
	[sflag:s14] =	ssyncadd.s32 $0xFFFFD8F0  }
0x1c: {  	[tilespmem:s11], [sflag:$0x9] =	stream.linear.gather [hbm4b:s10+s2], $0x2710, $0x38;
	[tilespmem:$0x1DE00] =	vst v63  }
0x1d: {  	_ =	swait.ge [sflag:s14], $0x2710  }
0x1e: {  	[sflag:s14] =	ssyncset.done $0x0  }
0x1f: {  	s13 =	simm.s32 $0x4F00;
	s12 =	rddreg [dreg:$0x8];
	[sflag:s14] =	ssyncadd.s32 $0xFFFFD8F0  }
0x20: {  	[tilespmem:s13], [sflag:$0x9] =	stream.linear.gather [hbm4b:s12+s2], $0x2710, $0x38;
	[tilespmem:$0x1DE00] =	vst v63  }
0x21: {  	_ =	swait.ge [sflag:s14], $0x2710  }
0x22: {  	[sflag:s14] =	ssyncset.done $0x0  }
0x23: {  	s11 =	simm.s32 $0x7680;
	s16 =	rddreg [dreg:$0x9];
	[sflag:s14] =	ssyncadd.s32 $0xFFFFD8F0  }
0x24: {  	[tilespmem:s11], [sflag:$0x9] =	stream.linear.gather [hbm4b:s16+s2], $0x2710, $0x38;
	[tilespmem:$0x1DE00] =	vst v63  }
0x25: {  	_ =	swait.ge [sflag:s14], $0x2710  }
0x26: {  	[sflag:s14] =	ssyncset.done $0x0  }
0x27: {  	s17 =	rddreg [dreg:$0xa];
	[sflag:s14] =	ssyncadd.s32 $0xFFFFD8F0  }
0x28: {  	[tilespmem:s18], [sflag:$0x1] =	stream.linear.gather [hbm4b:s17+s2], $0x2800, $0x38;
	[tilespmem:$0x1DE00] =	vst v63  }
0x29: {  	_ = 	snop  }
0x2a: {  	[tilespmem:s20], [sflag:$0x3] =	stream.indirect.gather [hbm4b:s5+s19], $0x80, s13, s19, $0xb8;
	[tilespmem:$0x1DE00] =	vst v63  }
0x2b: {  	_ = 	snop  }
0x2c: {  	[tilespmem:s21], [sflag:$0x4] =	stream.indirect.gather [hbm4b:s5+s19], $0x80, s11, s19, $0xb8;
	[tilespmem:$0x1DE00] =	vst v63  }
0x2d: {  	s9 =	simm.s32 $0x0  }
0x2e: {  	[tilespmem:s22], [sflag:$0x7] =	stream.indirect.gather [hbm4b:s6+s19], $0x80, s2, s19, $0xb8;
	[tilespmem:$0x1DE00] =	vst v63  }
.LBB2_2:
0x2f: {  	_ =	swait.ge [sflag:s23], $0x2800  }
0x30: {  	[sflag:s23] =	ssyncset.done $0x0  }
0x31: {  	[sflag:s23] =	ssyncadd.s32 $0xFFFFD800  }
0x32: {  	_ =	swait.ge [sflag:s24], $0x2800  }
0x33: {  	s10 =	sshllo.u32 s9, $0x1;
	[sflag:s24] =	ssyncset.done $0x0  }
0x34: {  	s12 =	smul.u32 $0x280, s9;
	s10 =	smin.u32 s10, $0x7C;
	[sflag:s24] =	ssyncadd.s32 $0xFFFFD800  }
0x35: {  	s10 =	smul.u32 $0x50, s10;
	_ =	swait.ge [sflag:s25], $0x2800  }
0x36: {  	s12 =	sshra.s32 s12, $0x2;
	[sflag:s25] =	ssyncset.done $0x0  }
0x37: {  	s11 =	sadd.s32 $0x4F00, s10;
	s13 =	sadd.s32 s4, s10;
	[sflag:s25] =	ssyncadd.s32 $0xFFFFD800  }
0x38: {  	[tilespmem:s26], [sflag:$0x5] =	stream.indirect.gather [hbm4b:s5+s19], $0x80, s11, s19, $0xb8;
	[tilespmem:$0x1DE00] =	vst v63  }
0x39: {  	s17 =	sshll.u32 s13, $0x4;
	s11 =	sadd.s32 $0x2780, s12  }
0x3a: {  	[tilespmem:s28], [sflag:$0x8] =	stream.indirect.gather [hbm4b:s6+s19], $0x80, s11, s19, $0xb8;
	[tilespmem:$0x1DE00] =	vst v63  }
0x3b: {  	s16 =	simm.s32 $0x0;
	s12 =	simm.s32 $0x0;
	s11 =	sadd.s32 s3, s17  }
0x3c: {  	[tilespmem:s29], [sflag:$0x2] =	stream.linear.gather [hbm4b:s11+s16], $0x2800, $0x38;
	[tilespmem:$0x1DE00] =	vst v63  }
0x3d: {  	v4 =	vld [tilespmem:s12+$0xEE00]  }
0x3e: {  	v5 =	vld [tilespmem:s12+$0xEE10]  }
0x3f: {  	v3 =	vld [tilespmem:s12+$0x18E00]  }
0x40: {  	v2 =	vld [tilespmem:s12+$0x18E10]  }
0x41: {  	v0 =	vld [tilespmem:s12+$0x18E20]  }
0x42: {  	v1 =	vld [tilespmem:s12+$0x18E30]  }
0x43: {  	v6 =	vld [tilespmem:s12+$0x9E00]  }
0x44: {  	v7 =	vld [tilespmem:s12+$0x9E10]  }
0x45: {  	s13 =	simm.s32 $0x200;
	s11 =	sshll.u32 s9, $0x1;
	v8 =	vld [tilespmem:s12+$0x9E20]  }
.LBB2_3:
0x46: {  	p0 =	sne.s32 s13, $0x9E00;
	v9 =	vld [tilespmem:s12+$0x9E30]  }
0x47: {  	v10 =	vld [tilespmem:s12+$0xEE20]  }
0x48: {  	s16 =	sshra.s32 s13, $0x2;
	v3 =	vadd.f32 v3, v6;
	v6 =	vld [tilespmem:s12+$0xEE30]  }
0x49: {  	v11 =	vld [tilespmem:s16+$0xEE00];
	v2 =	vadd.f32 v2, v7  }
0x4a: {  	v7 =	vld [tilespmem:s16+$0xEE10];
	v4 =	vsub.f32 v3, v4;
	v0 =	vadd.f32 v0, v8  }
0x4b: {  	v3 =	vld [tilespmem:s16+$0x18E00];
	v5 =	vsub.f32 v2, v5;
	v1 =	vadd.f32 v1, v9  }
0x4c: {  	v2 =	vld [tilespmem:s16+$0x18E10];
	v12 =	vmax.f32 v4, $0.0e+00;
	v8 =	vsub.f32 v0, v10  }
.Ltmp0:
0x4d: {  	v0 =	vld [tilespmem:s16+$0x18E20];
	[tilespmem:s12+$0x9E00] =	vst v12;
	v9 =	vmax.f32 v5, $0.0e+00;
	v10 =	vsub.f32 v1, v6;
	(pc) =	sbr.rel @p0 .LBB2_3-.Ltmp0, $4  }
0x4e: {  	v1 =	vld [tilespmem:s16+$0x18E30];
	[tilespmem:s12+$0x9E10] =	vst v9;
	v8 =	vmax.f32 v8, $0.0e+00;
	v4 =	vmov v11  }
0x4f: {  	v6 =	vld [tilespmem:s16+$0x9E00];
	[tilespmem:s12+$0x9E20] =	vst v8;
	v8 =	vmax.f32 v10, $0.0e+00;
	v5 =	vmov v7  }
0x50: {  	v7 =	vld [tilespmem:s16+$0x9E10];
	[tilespmem:s12+$0x9E30] =	vst v8;
	s12 =	smov.u32 s16  }
0x51: {  	s13 =	sadd.s32 $0x200, s13;
	v8 =	vld [tilespmem:s12+$0x9E20]  }
0x52: {  	v9 =	vld [tilespmem:s12+$0x9E30]  }
0x53: {  	v10 =	vld [tilespmem:s12+$0xEE20]  }
0x54: {  	v3 =	vadd.f32 v3, v6;
	v6 =	vld [tilespmem:s12+$0xEE30]  }
0x55: {  	v2 =	vadd.f32 v2, v7  }
0x56: {  	v3 =	vsub.f32 v3, v4;
	v0 =	vadd.f32 v0, v8  }
0x57: {  	v2 =	vsub.f32 v2, v5;
	v1 =	vadd.f32 v1, v9  }
0x58: {  	v3 =	vmax.f32 v3, $0.0e+00;
	v0 =	vsub.f32 v0, v10  }
0x59: {  	[tilespmem:s12+$0x9E00] =	vst v3;
	v2 =	vmax.f32 v2, $0.0e+00;
	v1 =	vsub.f32 v1, v6  }
0x5a: {  	[tilespmem:s12+$0x9E10] =	vst v2;
	v0 =	vmax.f32 v0, $0.0e+00  }
0x5b: {  	[tilespmem:s12+$0x9E20] =	vst v0;
	v0 =	vmax.f32 v1, $0.0e+00  }
0x5c: {  	[tilespmem:s12+$0x9E30] =	vst v0  }
0x5d: {  	_ =	swait.ge [sflag:s30], $0x2800  }
0x5e: {  	[sflag:s30] =	ssyncset.done $0x0  }
0x5f: {  	[sflag:s30] =	ssyncadd.s32 $0xFFFFD800  }
0x60: {  	_ =	swait.ge [sflag:s31], $0x2800  }
0x61: {  	[sflag:s31] =	ssyncset.done $0x0  }
0x62: {  	s16 =	sadd.s32 $0x7680, s10;
	[sflag:s31] =	ssyncadd.s32 $0xFFFFD800  }
0x63: {  	[tilespmem:s0], [sflag:$0x6] =	stream.indirect.gather [hbm4b:s5+s19], $0x80, s16, s19, $0xb8;
	[tilespmem:$0x1DE00] =	vst v63  }
0x64: {  	s12 =	simm.s32 $0x0  }
0x65: {  	[tilespmem:s22], [sflag:$0x7] =	stream.indirect.gather [hbm4b:s6+s19], $0x80, s10, s19, $0xb8;
	[tilespmem:$0x1DE00] =	vst v63  }
0x66: {  	v4 =	vld [tilespmem:s12+$0x11640]  }
0x67: {  	v5 =	vld [tilespmem:s12+$0x11650]  }
0x68: {  	v3 =	vld [tilespmem:s12+$0x1B640]  }
0x69: {  	v2 =	vld [tilespmem:s12+$0x1B650]  }
0x6a: {  	v0 =	vld [tilespmem:s12+$0x1B660]  }
0x6b: {  	v1 =	vld [tilespmem:s12+$0x1B670]  }
0x6c: {  	v7 =	vld [tilespmem:s12+$0x9E40]  }
0x6d: {  	v8 =	vld [tilespmem:s12+$0x9E50]  }
0x6e: {  	s13 =	simm.s32 $0x200;
	v6 =	vld [tilespmem:s12+$0x9E60]  }
.LBB2_5:
0x6f: {  	p0 =	sne.s32 s13, $0x9E00;
	v9 =	vld [tilespmem:s12+$0x9E70]  }
0x70: {  	v10 =	vld [tilespmem:s12+$0x11660]  }
0x71: {  	s16 =	sshra.s32 s13, $0x2;
	v3 =	vadd.f32 v3, v7;
	v7 =	vld [tilespmem:s12+$0x11670]  }
0x72: {  	v11 =	vld [tilespmem:s16+$0x11640];
	v2 =	vadd.f32 v2, v8  }
0x73: {  	v8 =	vld [tilespmem:s16+$0x11650];
	v4 =	vsub.f32 v3, v4;
	v0 =	vadd.f32 v0, v6  }
0x74: {  	v3 =	vld [tilespmem:s16+$0x1B640];
	v5 =	vsub.f32 v2, v5;
	v1 =	vadd.f32 v1, v9  }
0x75: {  	v2 =	vld [tilespmem:s16+$0x1B650];
	v12 =	vmax.f32 v4, $0.0e+00;
	v6 =	vsub.f32 v0, v10  }
.Ltmp1:
0x76: {  	v0 =	vld [tilespmem:s16+$0x1B660];
	[tilespmem:s12+$0x9E40] =	vst v12;
	v9 =	vmax.f32 v5, $0.0e+00;
	v10 =	vsub.f32 v1, v7;
	(pc) =	sbr.rel @p0 .LBB2_5-.Ltmp1, $4  }
0x77: {  	v1 =	vld [tilespmem:s16+$0x1B670];
	[tilespmem:s12+$0x9E50] =	vst v9;
	v6 =	vmax.f32 v6, $0.0e+00;
	v4 =	vmov v11  }
0x78: {  	v7 =	vld [tilespmem:s16+$0x9E40];
	[tilespmem:s12+$0x9E60] =	vst v6;
	v6 =	vmax.f32 v10, $0.0e+00;
	v5 =	vmov v8  }
0x79: {  	v8 =	vld [tilespmem:s16+$0x9E50];
	[tilespmem:s12+$0x9E70] =	vst v6;
	s12 =	smov.u32 s16  }
0x7a: {  	s13 =	sadd.s32 $0x200, s13;
	v6 =	vld [tilespmem:s12+$0x9E60]  }
0x7b: {  	v9 =	vld [tilespmem:s12+$0x9E70]  }
0x7c: {  	v10 =	vld [tilespmem:s12+$0x11660]  }
0x7d: {  	v3 =	vadd.f32 v3, v7;
	v7 =	vld [tilespmem:s12+$0x11670]  }
0x7e: {  	v2 =	vadd.f32 v2, v8  }
0x7f: {  	v3 =	vsub.f32 v3, v4;
	v0 =	vadd.f32 v0, v6  }
0x80: {  	v2 =	vsub.f32 v2, v5;
	v1 =	vadd.f32 v1, v9  }
0x81: {  	s13 =	smul.u32 $0xA0, s9;
	v3 =	vmax.f32 v3, $0.0e+00;
	v0 =	vsub.f32 v0, v10  }
0x82: {  	[tilespmem:s12+$0x9E40] =	vst v3;
	v2 =	vmax.f32 v2, $0.0e+00;
	v1 =	vsub.f32 v1, v7  }
0x83: {  	s13 =	sadd.s32 s4, s13;
	[tilespmem:s12+$0x9E50] =	vst v2;
	v0 =	vmax.f32 v0, $0.0e+00  }
0x84: {  	s13 =	sshll.u32 s13, $0x4;
	[tilespmem:s12+$0x9E60] =	vst v0;
	v0 =	vmax.f32 v1, $0.0e+00  }
0x85: {  	s16 =	sadd.s32 s7, s13;
	s13 =	simm.s32 $0x0;
	[tilespmem:s12+$0x9E70] =	vst v0  }
0x86: {  	[hbm4b:s16+s13] =	stream.linear.scatter [tilespmem:s18], [sflag:$0x9], $0x2800, $0x38;
	[tilespmem:$0x1DE00] =	vst v63  }
0x87: {  	_ =	swait.ge [sflag:s14], $0x2800  }
0x88: {  	[sflag:s14] =	ssyncset.done $0x0  }
0x89: {  	[sflag:s14] =	ssyncadd.s32 $0xFFFFD800  }
0x8a: {  	_ =	swait.ge [sflag:s1], $0x2800  }
0x8b: {  	[sflag:s1] =	ssyncset.done $0x0  }
0x8c: {  	[sflag:s1] =	ssyncadd.s32 $0xFFFFD800  }
0x8d: {  	_ =	swait.ge [sflag:s15], $0x2800  }
0x8e: {  	[sflag:s15] =	ssyncset.done $0x0  }
0x8f: {  	s11 =	smin.u32 s11, $0x7A;
	[sflag:s15] =	ssyncadd.s32 $0xFFFFD800  }
0x90: {  	s11 =	smul.u32 $0x50, s11;
	_ =	swait.ge [sflag:s25], $0x2800  }
0x91: {  	[sflag:s25] =	ssyncset.done $0x0  }
0x92: {  	s16 =	sadd.s32 $0x4FA0, s11;
	s11 =	sadd.s32 $0xA0, s11;
	[sflag:s25] =	ssyncadd.s32 $0xFFFFD800  }
0x93: {  	[tilespmem:s20], [sflag:$0x3] =	stream.indirect.gather [hbm4b:s5+s19], $0x80, s16, s19, $0xb8;
	[tilespmem:$0x1DE00] =	vst v63  }
0x94: {  	s10 =	sadd.s32 $0x2780, s10;
	s16 =	sadd.s32 s4, s11  }
0x95: {  	[tilespmem:s28], [sflag:$0x8] =	stream.indirect.gather [hbm4b:s6+s19], $0x80, s10, s19, $0xb8;
	[tilespmem:$0x1DE00] =	vst v63  }
0x96: {  	s10 =	sshll.u32 s16, $0x4  }
0x97: {  	s10 =	sadd.s32 s3, s10  }
0x98: {  	[tilespmem:s18], [sflag:$0x1] =	stream.linear.gather [hbm4b:s10+s13], $0x2800, $0x38;
	[tilespmem:$0x1DE00] =	vst v63  }
0x99: {  	s10 =	simm.s32 $0x0  }
0x9a: {  	v4 =	vld [tilespmem:s10+$0x13E00]  }
0x9b: {  	v5 =	vld [tilespmem:s10+$0x13E10]  }
0x9c: {  	v3 =	vld [tilespmem:s10+$0x18E00]  }
0x9d: {  	v2 =	vld [tilespmem:s10+$0x18E10]  }
0x9e: {  	v0 =	vld [tilespmem:s10+$0x18E20]  }
0x9f: {  	v1 =	vld [tilespmem:s10+$0x18E30]  }
0xa0: {  	v7 =	vld [tilespmem:s10+$0xC600]  }
0xa1: {  	v8 =	vld [tilespmem:s10+$0xC610]  }
0xa2: {  	s12 =	simm.s32 $0x200;
	v6 =	vld [tilespmem:s10+$0xC620]  }
.LBB2_7:
0xa3: {  	p0 =	sne.s32 s12, $0x9E00;
	v9 =	vld [tilespmem:s10+$0xC630]  }
0xa4: {  	v10 =	vld [tilespmem:s10+$0x13E20]  }
0xa5: {  	s13 =	sshra.s32 s12, $0x2;
	v3 =	vadd.f32 v3, v7;
	v7 =	vld [tilespmem:s10+$0x13E30]  }
0xa6: {  	v11 =	vld [tilespmem:s13+$0x13E00];
	v2 =	vadd.f32 v2, v8  }
0xa7: {  	v8 =	vld [tilespmem:s13+$0x13E10];
	v4 =	vsub.f32 v3, v4;
	v0 =	vadd.f32 v0, v6  }
0xa8: {  	v3 =	vld [tilespmem:s13+$0x18E00];
	v5 =	vsub.f32 v2, v5;
	v1 =	vadd.f32 v1, v9  }
0xa9: {  	v2 =	vld [tilespmem:s13+$0x18E10];
	v12 =	vmax.f32 v4, $0.0e+00;
	v6 =	vsub.f32 v0, v10  }
.Ltmp2:
0xaa: {  	v0 =	vld [tilespmem:s13+$0x18E20];
	[tilespmem:s10+$0xC600] =	vst v12;
	v9 =	vmax.f32 v5, $0.0e+00;
	v10 =	vsub.f32 v1, v7;
	(pc) =	sbr.rel @p0 .LBB2_7-.Ltmp2, $4  }
0xab: {  	v1 =	vld [tilespmem:s13+$0x18E30];
	[tilespmem:s10+$0xC610] =	vst v9;
	v6 =	vmax.f32 v6, $0.0e+00;
	v4 =	vmov v11  }
0xac: {  	v7 =	vld [tilespmem:s13+$0xC600];
	[tilespmem:s10+$0xC620] =	vst v6;
	v6 =	vmax.f32 v10, $0.0e+00;
	v5 =	vmov v8  }
0xad: {  	v8 =	vld [tilespmem:s13+$0xC610];
	[tilespmem:s10+$0xC630] =	vst v6;
	s10 =	smov.u32 s13  }
0xae: {  	s12 =	sadd.s32 $0x200, s12;
	v6 =	vld [tilespmem:s10+$0xC620]  }
0xaf: {  	v9 =	vld [tilespmem:s10+$0xC630]  }
0xb0: {  	v10 =	vld [tilespmem:s10+$0x13E20]  }
0xb1: {  	v3 =	vadd.f32 v3, v7;
	v7 =	vld [tilespmem:s10+$0x13E30]  }
0xb2: {  	v2 =	vadd.f32 v2, v8  }
0xb3: {  	v3 =	vsub.f32 v3, v4;
	v0 =	vadd.f32 v0, v6  }
0xb4: {  	v2 =	vsub.f32 v2, v5;
	v1 =	vadd.f32 v1, v9  }
0xb5: {  	v3 =	vmax.f32 v3, $0.0e+00;
	v0 =	vsub.f32 v0, v10  }
0xb6: {  	[tilespmem:s10+$0xC600] =	vst v3;
	v2 =	vmax.f32 v2, $0.0e+00;
	v1 =	vsub.f32 v1, v7  }
0xb7: {  	[tilespmem:s10+$0xC610] =	vst v2;
	v0 =	vmax.f32 v0, $0.0e+00  }
0xb8: {  	[tilespmem:s10+$0xC620] =	vst v0;
	v0 =	vmax.f32 v1, $0.0e+00  }
0xb9: {  	[tilespmem:s10+$0xC630] =	vst v0  }
0xba: {  	_ =	swait.ge [sflag:s8], $0x2800  }
0xbb: {  	[sflag:s8] =	ssyncset.done $0x0  }
0xbc: {  	[sflag:s8] =	ssyncadd.s32 $0xFFFFD800  }
0xbd: {  	_ =	swait.ge [sflag:s31], $0x2800  }
0xbe: {  	[sflag:s31] =	ssyncset.done $0x0  }
0xbf: {  	s16 =	sadd.s32 $0x7680, s11;
	[sflag:s31] =	ssyncadd.s32 $0xFFFFD800  }
0xc0: {  	[tilespmem:s21], [sflag:$0x4] =	stream.indirect.gather [hbm4b:s5+s19], $0x80, s16, s19, $0xb8;
	[tilespmem:$0x1DE00] =	vst v63  }
0xc1: {  	s10 =	simm.s32 $0x0  }
0xc2: {  	[tilespmem:s22], [sflag:$0x7] =	stream.indirect.gather [hbm4b:s6+s19], $0x80, s11, s19, $0xb8;
	[tilespmem:$0x1DE00] =	vst v63  }
0xc3: {  	v4 =	vld [tilespmem:s10+$0x16640]  }
0xc4: {  	v5 =	vld [tilespmem:s10+$0x16650]  }
0xc5: {  	v3 =	vld [tilespmem:s10+$0x1B640]  }
0xc6: {  	v2 =	vld [tilespmem:s10+$0x1B650]  }
0xc7: {  	v0 =	vld [tilespmem:s10+$0x1B660]  }
0xc8: {  	v1 =	vld [tilespmem:s10+$0x1B670]  }
0xc9: {  	v7 =	vld [tilespmem:s10+$0xC640]  }
0xca: {  	v8 =	vld [tilespmem:s10+$0xC650]  }
0xcb: {  	s11 =	simm.s32 $0x200;
	v6 =	vld [tilespmem:s10+$0xC660]  }
.LBB2_9:
0xcc: {  	p0 =	sne.s32 s11, $0x9E00;
	v9 =	vld [tilespmem:s10+$0xC670]  }
0xcd: {  	v10 =	vld [tilespmem:s10+$0x16660]  }
0xce: {  	s12 =	sshra.s32 s11, $0x2;
	v3 =	vadd.f32 v3, v7;
	v7 =	vld [tilespmem:s10+$0x16670]  }
0xcf: {  	v11 =	vld [tilespmem:s12+$0x16640];
	v2 =	vadd.f32 v2, v8  }
0xd0: {  	v8 =	vld [tilespmem:s12+$0x16650];
	v4 =	vsub.f32 v3, v4;
	v0 =	vadd.f32 v0, v6  }
0xd1: {  	v3 =	vld [tilespmem:s12+$0x1B640];
	v5 =	vsub.f32 v2, v5;
	v1 =	vadd.f32 v1, v9  }
0xd2: {  	v2 =	vld [tilespmem:s12+$0x1B650];
	v12 =	vmax.f32 v4, $0.0e+00;
	v6 =	vsub.f32 v0, v10  }
.Ltmp3:
0xd3: {  	v0 =	vld [tilespmem:s12+$0x1B660];
	[tilespmem:s10+$0xC640] =	vst v12;
	v9 =	vmax.f32 v5, $0.0e+00;
	v10 =	vsub.f32 v1, v7;
	(pc) =	sbr.rel @p0 .LBB2_9-.Ltmp3, $4  }
0xd4: {  	v1 =	vld [tilespmem:s12+$0x1B670];
	[tilespmem:s10+$0xC650] =	vst v9;
	v6 =	vmax.f32 v6, $0.0e+00;
	v4 =	vmov v11  }
0xd5: {  	v7 =	vld [tilespmem:s12+$0xC640];
	[tilespmem:s10+$0xC660] =	vst v6;
	v6 =	vmax.f32 v10, $0.0e+00;
	v5 =	vmov v8  }
0xd6: {  	v8 =	vld [tilespmem:s12+$0xC650];
	[tilespmem:s10+$0xC670] =	vst v6;
	s10 =	smov.u32 s12  }
0xd7: {  	s11 =	sadd.s32 $0x200, s11;
	v6 =	vld [tilespmem:s10+$0xC660]  }
0xd8: {  	v9 =	vld [tilespmem:s10+$0xC670]  }
0xd9: {  	v10 =	vld [tilespmem:s10+$0x16660]  }
0xda: {  	v62 =	vld [tilespmem:s10+$0x16670];
	v3 =	vadd.f32 v3, v7  }
0xdb: {  	v2 =	vadd.f32 v2, v8  }
0xdc: {  	v3 =	vsub.f32 v3, v4;
	v0 =	vadd.f32 v0, v6  }
0xdd: {  	v2 =	vsub.f32 v2, v5;
	v1 =	vadd.f32 v1, v9  }
0xde: {  	v3 =	vmax.f32 v3, $0.0e+00;
	v0 =	vsub.f32 v0, v10  }
0xdf: {  	[tilespmem:s10+$0xC640] =	vst v3;
	v2 =	vmax.f32 v2, $0.0e+00;
	v1 =	vsub.f32 v1, v62  }
0xe0: {  	s9 =	sadd.s32 $0x1, s9;
	[tilespmem:s10+$0xC650] =	vst v2;
	v0 =	vmax.f32 v0, $0.0e+00  }
0xe1: {  	p0 =	sne.s32 s9, $0x3F;
	[tilespmem:s10+$0xC660] =	vst v0;
	v63 =	vmax.f32 v1, $0.0e+00  }
.Ltmp4:
0xe2: {  	s17 =	sadd.s32 s7, s17;
	[tilespmem:s10+$0xC670] =	vst v63;
	(pc) =	sbr.rel @p0 .LBB2_2-.Ltmp4, $4  }
0xe3: {  	[hbm4b:s17+s2] =	stream.linear.scatter [tilespmem:s29], [sflag:$0x9], $0x2800, $0x38;
	[tilespmem:$0x1DE00] =	vst v63  }
0xe4: {  	_ =	swait.ge [sflag:s14], $0x2800  }
0xe5: {  	[sflag:s14] =	ssyncset.done $0x0  }
0xe6: {  	[sflag:s14] =	ssyncadd.s32 $0xFFFFD800  }
0xe7: {  	_ =	swait.ge [sflag:s23], $0x2800  }
0xe8: {  	[sflag:s23] =	ssyncset.done $0x0  }
0xe9: {  	[sflag:s23] =	ssyncadd.s32 $0xFFFFD800  }
0xea: {  	_ =	swait.ge [sflag:s24], $0x2800  }
0xeb: {  	[sflag:s24] =	ssyncset.done $0x0  }
0xec: {  	[sflag:s24] =	ssyncadd.s32 $0xFFFFD800  }
0xed: {  	_ =	swait.ge [sflag:s30], $0x2800  }
0xee: {  	[sflag:s30] =	ssyncset.done $0x0  }
0xef: {  	[sflag:s30] =	ssyncadd.s32 $0xFFFFD800  }
0xf0: {  	_ =	swait.ge [sflag:s25], $0x2800  }
0xf1: {  	s10 =	rddreg [dreg:$0xc]  }
0xf2: {  	s9 =	rddreg [dreg:$0xb];
	s10 =	sadd.s32 $0x1, s10  }
0xf3: {  	p0 =	sne.s32 s10, s9  }
.Ltmp5:
0xf4: {  	_ = 	snop;
	(pc) =	sbr.rel @p0 .LBB2_1-.Ltmp5, $3  }
0xf5: {  	_ =	sdelay $0x1  }
0xf6: {  	[sflag:s25] =	ssyncset.done $0x0  }
0xf7: {  	[sflag:s25] =	ssyncadd.s32 $0xFFFFD800  }
0xf8: {  	_ =	sfence.sel $0x180000  }
0xf9: {  	[bflag:$0x0] =	sbarrier.arrive $0xFFFF  }
0xfa: {  	_ =	strace $0x90000050  }
0xfb: {  	s0 =	stileid.u32;
	[bflag:$0x2] =	sbarrier.arrive $0xFFFF  }
0xfc: {  	p0 =	sne.s32 s0, $0x0;
	s0 =	rddreg [dreg:$0x5]  }
0xfd: {  	s0 =	sadd.s32 @!p0 $0x100000, s0  }
0xfe: {  	[sflag:s0] =	ssyncadd.tile.s32 @!p0 $0x1;
	_ =	shalt  }
.Lfunc_end2:
_tile_overlayer_lowered:
.L_overlay_start_2:
0xff: {  	(tag) =	ssettag $0x2  }
0x100: {  	s0 =	rddreg [dreg:$0x0];
	s2 =	stileid.u32  }
0x101: {  	s1 =	rddreg [dreg:$0x1];
	p0 =	sne.s32 s2, $0x0  }
0x102: {  	s3 =	rddreg [dreg:$0x2];
	[bflag:$0x3] =	sbarrier.arrive $0xFFFF;
	s2 =	simm.s32 @!p0 $0x1C09  }
0x103: {  	[timem:s3], [sflag:s2] =	dma.local @!p0 [hbm:s0], s1  }
0x104: {  	s0 =	simm.s32 @!p0 $0x9  }
0x105: {  	_ =	swait.ge @!p0 [sflag:s0], s1  }
0x106: {  	s1 =	ssub.s32 @!p0 $0x0, s1;
	[sflag:s0] =	ssyncset.done @!p0 $0x0  }
0x107: {  	[sflag:s0] =	ssyncadd.s32 @!p0 s1  }
0x108: {  	[bflag:$0x3] =	sbarrier.arrive $0xFFFF  }
0x109: {  	_ =	shalt  }

// kernel: kernel.26.cloned.1.call-start
scs
__scs_entry_jumppad:
0x0: {  	(pc) =	sbr.rel $0x88, $3  }
0x1: {  	(tag) =	ssettag $0x0;
	lr =	simm.s32 $0x1  }
0x2: {  	[smem:$0x3F91] =	sst lr;
	_ =	strace $0xD0000000  }
0x3: {  	_ = 	snop  }
0x4: {  	_ = 	snop  }
0x5: {  	_ = 	snop  }
0x6: {  	_ = 	snop  }
0x7: {  	_ = 	snop  }
__scs_overlays_trampoline_lowered:
0x8: {  	[smem:$0x3FA0] =	sst s0  }
0x9: {  	[smem:$0x3FA1] =	sst s1  }
0xa: {  	[smem:$0x3FA2] =	sst s2  }
0xb: {  	[smem:$0x3FA3] =	sst s3  }
0xc: {  	[smem:$0x3FA4] =	sst s4  }
0xd: {  	[smem:$0x3FA5] =	sst s5  }
0xe: {  	[smem:$0x3FA6] =	sst s6  }
0xf: {  	[smem:$0x3FA7] =	sst s7  }
0x10: {  	[smem:$0x3FA8] =	sst s8  }
0x11: {  	[smem:$0x3FA9] =	sst s9;
	s0 =	simm.s32 @!p0 $0x0  }
0x12: {  	s1 =	sld [smem:$0x3F8F];
	s0 =	simm.s32 @p0 $0x1  }
0x13: {  	[smem:$0x3FAA] =	sst s0;
	s0 =	simm.s32 @!p1 $0x0  }
0x14: {  	s2 =	sld [smem:$0x3F8E];
	s0 =	simm.s32 @p1 $0x1  }
0x15: {  	[smem:$0x3FAB] =	sst s0;
	s0 =	simm.s32 @!p2 $0x0  }
0x16: {  	s3 =	sld [smem:$0x3FDB];
	s0 =	simm.s32 @p2 $0x1  }
0x17: {  	s4 =	simm.s32 $0x1BF5;
	[smem:$0x3FAD] =	sst s0  }
0x18: {  	s0 =	sld [smem:$0x3F90];
	_ =	swait.ge [sflag:s4], $0x0  }
0x19: {  	s7 =	sld [smem:$0x3F91]  }
0x1a: {  	s8 =	sadd.s32 $0xFFFFE003, lr  }
0x1b: {  	s9 =	sadd.s32 $0xFFFFFEF7, lr;
	s5 =	simm.s32 $0xFFFFFFFF;
	p2 =	slt.u32 s8, $0xFFFFF086  }
0x1c: {  	p1 =	slt.u32 s9, $0xF7A;
	s5 =	simm.s32 @!p2 $0x0  }
0x1d: {  	s5 =	simm.s32 @p1 $0x1;
	p0 =	seq.s32 s7, s2  }
0x1e: {  	s7 =	smul.u32 @!p0 $0xF7A, s2;
	p2 =	seq.s32 @!p0 s5, $0x0  }
0x1f: {  	s9 =	smul.u32 $0xF7A, s1;
	s8 =	simm.s32 @!p0 $0x1BF5;
	p2 =	por !p2, p0  }
0x20: {  	[sflag:s8] =	ssyncset.s32 @!p0 $0xFFFFF086;
	s6 =	sadd.s32 @!p0 s3, s7;
	s7 =	simm.s32 @!p0 $0x108  }
0x21: {  	s3 =	sadd.s32 s3, s9;
	s6 =	sadd.s32 @!p0 $0x88, s6;
	s7 =	simm.s32 @p2 $0x1082  }
0x22: {  	[simem:s7], [sflag:s8] =	dma.local @!p0 [hbm:s6], $0xF7A  }
0x23: {  	s9 =	sor.u32 $0xD0000000, s2;
	s6 =	simm.s32 $0x108;
	_ =	swait.ge @!p0 [sflag:s8], $0x0  }
0x24: {  	s3 =	sadd.s32 $0x88, s3;
	s6 =	simm.s32 @!p1 $0x1082;
	[sflag:s4] =	ssyncset.s32 $0xFFFFF086  }
0x25: {  	[simem:s6], [sflag:s4] =	dma.local [hbm:s3], $0xF7A  }
0x26: {  	[smem:$0x3F91] =	sst s1;
	(tag) =	ssettag s2;
	_ =	strace s9  }
0x27: {  	s1 =	sld [smem:$0x3FA1]  }
0x28: {  	s2 =	sld [smem:$0x3FA2]  }
0x29: {  	s4 =	sld [smem:$0x3FA4]  }
0x2a: {  	p0 =	seq.s32 s5, $0x0;
	s5 =	sld [smem:$0x3FA5]  }
0x2b: {  	s6 =	sld [smem:$0x3FA6]  }
0x2c: {  	s7 =	sld [smem:$0x3FA7]  }
0x2d: {  	s3 =	simm.s32 $0x108;
	s8 =	sld [smem:$0x3FA8]  }
0x2e: {  	s3 =	simm.s32 @!p0 $0x1082;
	s9 =	sld [smem:$0x3FA9]  }
0x2f: {  	lr =	sadd.s32 s0, s3;
	s0 =	sld [smem:$0x3FA0]  }
0x30: {  	s3 =	sld [smem:$0x3FA3]  }
0x31: {  	[smem:$0x3FAC] =	sst s10  }
0x32: {  	s10 =	sld [smem:$0x3FAA];
	_ =	sdelay $0x3  }
0x33: {  	p0 =	seq.s32 s10, $0x1;
	s10 =	sld [smem:$0x3FAC];
	_ =	sdelay $0x3  }
0x34: {  	[smem:$0x3FAC] =	sst s10  }
0x35: {  	s10 =	sld [smem:$0x3FAB];
	_ =	sdelay $0x3  }
0x36: {  	p1 =	seq.s32 s10, $0x1;
	s10 =	sld [smem:$0x3FAC];
	_ =	sdelay $0x3  }
0x37: {  	[smem:$0x3FAC] =	sst s10  }
0x38: {  	s10 =	sld [smem:$0x3FAD]  }
0x39: {  	_ = 	snop;
	(pc) =	sbr.ind lr, $3  }
0x3a: {  	_ = 	snop  }
0x3b: {  	_ = 	snop  }
0x3c: {  	p2 =	seq.s32 s10, $0x1;
	s10 =	sld [smem:$0x3FAC]  }
0x3d: {  	_ =	shalt  }
0x3e: {  	_ =	shalt  }
0x3f: {  	_ =	shalt  }
0x40: {  	_ =	shalt  }
0x41: {  	_ =	shalt  }
0x42: {  	_ =	shalt  }
0x43: {  	_ =	shalt  }
0x44: {  	_ =	shalt  }
0x45: {  	_ =	shalt  }
0x46: {  	_ =	shalt  }
0x47: {  	_ =	shalt  }
0x48: {  	_ =	shalt  }
0x49: {  	_ =	shalt  }
0x4a: {  	_ =	shalt  }
0x4b: {  	_ =	shalt  }
0x4c: {  	_ =	shalt  }
0x4d: {  	_ =	shalt  }
0x4e: {  	_ =	shalt  }
0x4f: {  	_ =	shalt  }
0x50: {  	_ =	shalt  }
0x51: {  	_ =	shalt  }
0x52: {  	_ =	shalt  }
0x53: {  	_ =	shalt  }
0x54: {  	_ =	shalt  }
0x55: {  	_ =	shalt  }
0x56: {  	_ =	shalt  }
0x57: {  	_ =	shalt  }
0x58: {  	_ =	shalt  }
0x59: {  	_ =	shalt  }
0x5a: {  	_ =	shalt  }
0x5b: {  	_ =	shalt  }
0x5c: {  	_ =	shalt  }
0x5d: {  	_ =	shalt  }
0x5e: {  	_ =	shalt  }
0x5f: {  	_ =	shalt  }
0x60: {  	_ =	shalt  }
0x61: {  	_ =	shalt  }
0x62: {  	_ =	shalt  }
0x63: {  	_ =	shalt  }
0x64: {  	_ =	shalt  }
0x65: {  	_ =	shalt  }
0x66: {  	_ =	shalt  }
0x67: {  	_ =	shalt  }
0x68: {  	_ =	shalt  }
0x69: {  	_ =	shalt  }
0x6a: {  	_ =	shalt  }
0x6b: {  	_ =	shalt  }
0x6c: {  	_ =	shalt  }
0x6d: {  	_ =	shalt  }
0x6e: {  	_ =	shalt  }
0x6f: {  	_ =	shalt  }
0x70: {  	_ =	shalt  }
0x71: {  	_ =	shalt  }
0x72: {  	_ =	shalt  }
0x73: {  	_ =	shalt  }
0x74: {  	_ =	shalt  }
0x75: {  	_ =	shalt  }
0x76: {  	_ =	shalt  }
0x77: {  	_ =	shalt  }
0x78: {  	_ =	shalt  }
0x79: {  	_ =	shalt  }
0x7a: {  	_ =	shalt  }
0x7b: {  	_ =	shalt  }
0x7c: {  	_ =	shalt  }
0x7d: {  	_ =	shalt  }
0x7e: {  	_ =	shalt  }
0x7f: {  	_ =	shalt  }
0x80: {  	_ =	shalt  }
0x81: {  	_ =	shalt  }
0x82: {  	_ =	shalt  }
0x83: {  	_ =	shalt  }
0x84: {  	_ =	shalt  }
0x85: {  	_ =	shalt  }
0x86: {  	_ =	shalt  }
0x87: {  	_ =	shalt  }
.Lfunc_end0:
.L_simem_size_0:
called_computation.4_lowered:
.L_overlay_start_0:
0x88: {  	s2 =	sld [smem:$0x3FD9]  }
0x89: {  	s3 =	sld [smem:$0x3FFE];
	_ =	sdelay $0x1  }
0x8a: {  	s1 =	srdreg.scid  }
0x8b: {  	s0 =	sand.u32 $0x1, s1  }
0x8c: {  	s14 =	sshll.u32 s0, $0xA;
	s2 =	sadd.s32 s3, s2  }
0x8d: {  	s2 =	sadd.s32 s2, s14  }
0x8e: {  	[smem:$0x3FB8] =	sst s2  }
0x8f: {  	_ = 	snop  }
0x90: {  	s2 =	sld [smem:$0x3FD0];
	_ =	sdelay $0x2  }
0x91: {  	s15 =	simm.s32 $0xA;
	s4 =	simm.s32 $0x10  }
0x92: {  	[smem:s4], [sflag:s15] =	dma.local [hbm:s2], $0x1  }
0x93: {  	_ =	swait.eq [sflag:s15], $0x1  }
0x94: {  	[sflag:s15] =	ssyncset.done $0x0  }
0x95: {  	s16 =	sld [smem:$0x12];
	[sflag:s15] =	ssyncadd.s32 $0xFFFFFFFF  }
0x96: {  	s17 =	sld [smem:$0x13];
	(tm) =	ssettm $0x1  }
0x97: {  	s18 =	sld [smem:$0x3FFB];
	_ =	sdelay $0x3  }
0x98: {  	_ =	strace s18  }
0x99: {  	s4 =	sld [smem:$0x3FFC];
	_ =	sdelay $0x3  }
0x9a: {  	_ =	strace s4  }
0x9b: {  	s4 =	sld [smem:$0x3FFD];
	_ =	sdelay $0x3  }
0x9c: {  	_ =	strace s4  }
0x9d: {  	_ =	strace $0x8FFFFFFF  }
0x9e: {  	s19 =	sld [smem:$0x3FDB];
	_ =	sdelay $0x1  }
0x9f: {  	s5 =	simm.s32 $_scs_section_size  }
0xa0: {  	s6 =	simm.s32 $_size__tile_overlayer_lowered;
	s7 =	simm.s32 $_tile_overlayer_lowered  }
0xa1: {  	s22 =	simm.s32 $0x1BFF;
	s21 =	sshll.u32 s7, $0x1;
	s4 =	sadd.s32 s5, s19  }
0xa2: {  	s8 =	simm.s32 $0x0;
	s20 =	sshll.u32 s6, $0x1;
	s6 =	sadd.s32 s21, s4  }
0xa3: {  	[timem:s8], [sflag:s22] =	dma.local [hbm:s6], s20  }
0xa4: {  	_ =	swait.ge [sflag:s22], s20  }
0xa5: {  	s5 =	ssub.s32 $0x0, s20;
	[sflag:s22] =	ssyncset.done $0x0  }
0xa6: {  	[sflag:s22] =	ssyncadd.s32 s5;
	_ =	sdelay $0x1  }
0xa7: {  	s23 =	simm.s32 $0x1B8B  }
0xa8: {  	_ =	swait.ge [sflag:s23], $0x1  }
0xa9: {  	[sflag:s23] =	ssyncset.done $0x0  }
0xaa: {  	s25 =	simm.s32 $0x1B8E;
	s24 =	sld [smem:$0x3FFE];
	[sflag:s23] =	ssyncadd.s32 $0xFFFFFFFF  }
0xab: {  	s26 =	simm.s32 $execute0_lowered;
	[smem:$0x3FD2] =	sst s25  }
0xac: {  	s6 =	sshll.u32 s26, $0x1;
	_ =	strace $0x80000052;
	[dreg:$0x1] =	wrdreg $0xFFFFFFFF  }
0xad: {  	s28 =	simm.s32 $_size_execute0_lowered;
	s4 =	sadd.s32 s4, s6;
	[dreg:$0x0] =	wrdreg $0x0  }
0xae: {  	s6 =	sshll.u32 s28, $0x1;
	[dreg:$0x2] =	wrdreg s4  }
0xaf: {  	[dreg:$0x3] =	wrdreg s6  }
0xb0: {  	[dreg:$0x4] =	wrdreg $0xC0  }
0xb1: {  	_ =	task [dreg:s8], $0x5FFFF  }
0xb2: {  	[dreg:$0x1] =	wrdreg $0xFFFFFFFF  }
0xb3: {  	[dreg:$0x0] =	wrdreg $0x60  }
0xb4: {  	[dreg:$0x2] =	wrdreg s24  }
0xb5: {  	[dreg:$0x3] =	wrdreg s17  }
0xb6: {  	[dreg:$0x4] =	wrdreg s16  }
0xb7: {  	[dreg:$0x5] =	wrdreg $0x9  }
0xb8: {  	_ =	task.clear_ibuf [dreg:s8], $0x6FFFF;
	_ =	strace $0x90000052  }
0xb9: {  	s29 =	simm.s32 $0x9;
	_ =	strace $0x80000054  }
0xba: {  	_ =	swait.ge [sflag:s29], $0x1  }
0xbb: {  	[sflag:s29] =	ssyncadd.s32 $0xFFFFFFFF  }
0xbc: {  	_ =	strace $0x90000054  }
0xbd: {  	_ =	sfence  }
0xbe: {  	s30 =	sld [smem:$0x0];
	_ =	sdelay $0x2  }
0xbf: {  	s31 =	sshll.u32 s1, $0xD;
	s1 =	sshrl.u32 s1, $0x2  }
0xc0: {  	s3 =	sand.u32 $0x4000, s31;
	s1 =	sadd.s32 s1, s30  }
0xc1: {  	s0 =	sor.u32 s3, s0;
	s1 =	sshll.u32 s1, $0x11  }
0xc2: {  	s0 =	sor.u32 s1, s0  }
0xc3: {  	s0 =	sadd.s32 $0x8F2B, s0  }
0xc4: {  	[sflag:s0] =	ssyncadd.remote.s32 $0x1  }
0xc5: {  	_ =	sfence.sel $0xFFFF  }
0xc6: {  	[dreg:$0x0] =	wrdreg $0xFFFFFFFF;
	(pc) =	sbr.abs _section_cstart, $3  }
0xc7: {  	[dreg:$0x1] =	wrdreg $0xFFFFFFFF  }
0xc8: {  	_ =	task.clear_ibuf [dreg:s8], $0x2FFFF;
	_ =	strace $0x9FFFFFFF  }
0xc9: {  	(tm) =	ssettm $0x7FFFFFFF  }
tec
execute0_lowered:
.L_overlay_start_1:
0x0: {  	(tag) =	ssettag $0x1  }
0x1: {  	s5 =	rddreg [dreg:$0x0]  }
0x2: {  	s7 =	rddreg [dreg:$0x1];
	s1 =	srdreg.scid  }
0x3: {  	s0 =	stileid.u32;
	s8 =	rddreg [dreg:$0x2]  }
0x4: {  	s2 =	simm.s32 $0x0;
	s13 =	simm.s32 $0x100;
	s14 =	simm.s32 $0x5000  }
0x5: {  	s15 =	simm.s32 $0x1;
	s16 =	simm.s32 $0xD000;
	s17 =	simm.s32 $0x2  }
0x6: {  	s18 =	simm.s32 $0x15000;
	s6 =	sand.u32 $0x1, s1;
	s3 =	sshll.u32 s0, $0x1  }
0x7: {  	s19 =	simm.s32 $0x0;
	s1 =	rddreg [dreg:$0x3];
	s3 =	sor.u32 s6, s3  }
0x8: {  	[smem:$0x7FF] =	sst s2;
	s9 =	ssub.s32 $0x2, s6;
	s3 =	smul.u32 $0x140, s3  }
0x9: {  	s4 =	sadd.s32 $0x9EEE00, s5;
	s5 =	sadd.s32 $0x3C00, s5;
	s10 =	sshrl.u32 s9, $0x1  }
0xa: {  	_ =	strace $0x80000053;
	s10 =	ssub.s32 s9, s10;
	s6 =	smin.u32 s3, $0x25D0  }
0xb: {  	s10 =	smax.u32 s10, $0x1;
	s11 =	sshll.u32 s6, $0x2;
	s12 =	ssub.s32 s3, s6  }
0xc: {  	s7 =	sadd.s32 s7, s11;
	s31 =	sshll.u32 s12, $0x7;
	s8 =	sadd.s32 s8, s11  }
0xd: {  	s11 =	simm.s32 $0x3;
	s12 =	simm.s32 $0x2800;
	s9 =	sshra.s32 s31, $0x2  }
.LBB2_1:
0xe: {  	[tilespmem:s2], [sflag:$0x3] =	stream.linear.gather [hbm4b:s7+s2], $0x2800, $0x38;
	[tilespmem:$0x15400] =	vst v63  }
0xf: {  	_ =	swait.ge [sflag:s11], $0x2800  }
0x10: {  	[sflag:s11] =	ssyncset.done $0x0  }
0x11: {  	[sflag:s11] =	ssyncadd.s32 $0xFFFFD800  }
0x12: {  	[tilespmem:s12], [sflag:$0x3] =	stream.linear.gather [hbm4b:s8+s2], $0x2800, $0x38;
	[tilespmem:$0x15400] =	vst v63  }
0x13: {  	_ =	swait.ge [sflag:s11], $0x2800  }
0x14: {  	[sflag:s11] =	ssyncset.done $0x0  }
0x15: {  	s20 =	simm.s32 $0x0;
	[sflag:s11] =	ssyncadd.s32 $0xFFFFD800  }
0x16: {  	[tilespmem:s14], [sflag:$0x1] =	stream.indirect.gather [hbm4b:s4+s13], $0x80, s9, s13, $0xb8;
	[tilespmem:$0x15400] =	vst v63  }
.LBB2_2:
0x17: {  	s21 =	sshll.u32 s20, $0x3  }
0x18: {  	s21 =	sadd.s32 s3, s21  }
0x19: {  	s21 =	smin.u32 s21, $0x2708  }
0x1a: {  	s22 =	ssub.s32 s21, s6  }
0x1b: {  	_ =	swait.ge [sflag:s15], $0x8000;
	s22 =	sshll.u32 s22, $0x7  }
0x1c: {  	[sflag:s15] =	ssyncset.done $0x0;
	s22 =	sshra.s32 s22, $0x2  }
0x1d: {  	[sflag:s15] =	ssyncadd.s32 $0xFFFF8000;
	s22 =	sadd.s32 $0x2800, s22  }
0x1e: {  	[tilespmem:s16], [sflag:$0x2] =	stream.indirect.gather [hbm4b:s4+s13], $0x80, s22, s13, $0xb8;
	[tilespmem:$0x15400] =	vst v63  }
0x1f: {  	s23 =	simm.s32 $0x5020;
	s22 =	simm.s32 $0x0  }
.LBB2_3:
0x20: {  	v2 =	vmov s23;
	_ =	sdelay $0x3  }
0x21: {  	s25 =	simm.s32 $0x0  }
0x22: {  	v0 =	vld.idx.msk [tilespmem:v2+s25+$0x10 ss:$0x1], $0xffff  }
0x23: {  	v3 =	vld.idx.msk [tilespmem:v2+s25+$0xFFFFFFE0 ss:$0x1], $0xffff  }
0x24: {  	v1 =	vimm.f32 $0.0e+00;
	v4 =	vld.idx.msk [tilespmem:v2+s25+$0xFFFFFFF0 ss:$0x1], $0xffff  }
0x25: {  	s24 =	simm.s32 $0x200;
	v8 =	vimm.f32 $0.0e+00;
	v7 =	vimm.f32 $0.0e+00;
	v6 =	vimm.f32 $0.0e+00;
	v5 =	vld.idx.msk [tilespmem:v2+s25+$0x0 ss:$0x1], $0xffff  }
.LBB2_4:
0x26: {  	p0 =	sne.s32 s24, $0x3E00  }
.Ltmp0:
0x27: {  	s25 =	sshra.s32 s24, $0x2;
	s24 =	sadd.s32 $0x200, s24;
	(pc) =	sbr.rel @p0 .LBB2_4-.Ltmp0, $4  }
0x28: {  	v1 =	vadd.f32 v0, v1;
	v0 =	vld.idx.msk [tilespmem:v2+s25+$0x10 ss:$0x1], $0xffff  }
0x29: {  	v8 =	vadd.f32 v3, v8;
	v3 =	vld.idx.msk [tilespmem:v2+s25+$0xFFFFFFE0 ss:$0x1], $0xffff  }
0x2a: {  	v7 =	vadd.f32 v4, v7;
	v4 =	vld.idx.msk [tilespmem:v2+s25+$0xFFFFFFF0 ss:$0x1], $0xffff  }
0x2b: {  	v6 =	vadd.f32 v5, v6;
	v5 =	vld.idx.msk [tilespmem:v2+s25+$0x0 ss:$0x1], $0xffff  }
0x2c: {  	s24 =	sshll.u32 s22, $0x7;
	s22 =	sadd.s32 $0x1, s22  }
0x2d: {  	v0 =	vadd.f32 v0, v1;
	p0 =	sne.s32 s22, $0x8  }
.Ltmp1:
0x2e: {  	s24 =	sand.u32 $0x3FFFFF80, s24;
	v2 =	vadd.f32 v3, v8;
	(pc) =	sbr.rel @p0 .LBB2_3-.Ltmp1, $4  }
0x2f: {  	v62 =	vadd.f32 v4, v7;
	[tilespmem:s24+$0x15030] =	vst v0  }
0x30: {  	v63 =	vadd.f32 v5, v6;
	[tilespmem:s24+$0x15000] =	vst v2  }
0x31: {  	[tilespmem:s24+$0x15010] =	vst v62  }
0x32: {  	s23 =	sadd.s32 $0x1000, s23;
	[tilespmem:s24+$0x15020] =	vst v63  }
0x33: {  	s20 =	sadd.s32 $0x1, s20  }
0x34: {  	p0 =	seq.s32 s20, $0x28;
	s22 =	sshll.u32 s20, $0x3  }
0x35: {  	s22 =	simm.s32 @p0 $0x0  }
0x36: {  	s22 =	sadd.s32 s3, s22  }
0x37: {  	s22 =	smin.u32 s22, $0x2708  }
0x38: {  	_ =	swait.ge [sflag:s17], $0x8000;
	s22 =	ssub.s32 s22, s6  }
0x39: {  	[sflag:s17] =	ssyncset.done $0x0;
	s22 =	sshll.u32 s22, $0x7  }
0x3a: {  	[sflag:s17] =	ssyncadd.s32 $0xFFFF8000;
	s22 =	sshra.s32 s22, $0x2  }
0x3b: {  	[tilespmem:s14], [sflag:$0x1] =	stream.indirect.gather [hbm4b:s4+s13], $0x80, s22, s13, $0xb8;
	[tilespmem:$0x15400] =	vst v63  }
0x3c: {  	s23 =	simm.s32 $0xD040;
	s22 =	simm.s32 $0x0  }
.LBB2_7:
0x3d: {  	v2 =	vmov s23;
	_ =	sdelay $0x3  }
0x3e: {  	s25 =	simm.s32 $0x0  }
0x3f: {  	v0 =	vld.idx.msk [tilespmem:v2+s25+$0x30 ss:$0x1], $0xffff  }
0x40: {  	v3 =	vld.idx.msk [tilespmem:v2+s25+$0x0 ss:$0x1], $0xffff  }
0x41: {  	v1 =	vimm.f32 $0.0e+00;
	v4 =	vld.idx.msk [tilespmem:v2+s25+$0x10 ss:$0x1], $0xffff  }
0x42: {  	s24 =	simm.s32 $0x200;
	v8 =	vimm.f32 $0.0e+00;
	v7 =	vimm.f32 $0.0e+00;
	v6 =	vimm.f32 $0.0e+00;
	v5 =	vld.idx.msk [tilespmem:v2+s25+$0x20 ss:$0x1], $0xffff  }
.LBB2_8:
0x43: {  	p0 =	sne.s32 s24, $0x3E00  }
.Ltmp2:
0x44: {  	s25 =	sshra.s32 s24, $0x2;
	s24 =	sadd.s32 $0x200, s24;
	(pc) =	sbr.rel @p0 .LBB2_8-.Ltmp2, $4  }
0x45: {  	v1 =	vadd.f32 v0, v1;
	v0 =	vld.idx.msk [tilespmem:v2+s25+$0x30 ss:$0x1], $0xffff  }
0x46: {  	v8 =	vadd.f32 v3, v8;
	v3 =	vld.idx.msk [tilespmem:v2+s25+$0x0 ss:$0x1], $0xffff  }
0x47: {  	v7 =	vadd.f32 v4, v7;
	v4 =	vld.idx.msk [tilespmem:v2+s25+$0x10 ss:$0x1], $0xffff  }
0x48: {  	v6 =	vadd.f32 v5, v6;
	v5 =	vld.idx.msk [tilespmem:v2+s25+$0x20 ss:$0x1], $0xffff  }
0x49: {  	s24 =	sshll.u32 s22, $0x7;
	s22 =	sadd.s32 $0x1, s22  }
0x4a: {  	v0 =	vadd.f32 v0, v1;
	p0 =	sne.s32 s22, $0x8  }
.Ltmp3:
0x4b: {  	s24 =	sand.u32 $0x3FFFFF80, s24;
	v2 =	vadd.f32 v3, v8;
	(pc) =	sbr.rel @p0 .LBB2_7-.Ltmp3, $4  }
0x4c: {  	v62 =	vadd.f32 v4, v7;
	[tilespmem:s24+$0x15070] =	vst v0  }
0x4d: {  	v63 =	vadd.f32 v5, v6;
	[tilespmem:s24+$0x15040] =	vst v2  }
0x4e: {  	[tilespmem:s24+$0x15050] =	vst v62  }
0x4f: {  	s23 =	sadd.s32 $0x1000, s23;
	[tilespmem:s24+$0x15060] =	vst v63  }
0x50: {  	s21 =	sshll.u32 s21, $0x4;
	p0 =	sne.s32 s20, $0x28  }
.Ltmp4:
0x51: {  	s21 =	sadd.s32 s5, s21;
	(pc) =	sbr.rel @p0 .LBB2_2-.Ltmp4, $4  }
0x52: {  	[hbm4b:s21+s2] =	stream.linear.scatter [tilespmem:s18], [sflag:$0x3], $0x400, $0x38;
	[tilespmem:$0x15400] =	vst v63  }
0x53: {  	_ =	swait.ge [sflag:s11], $0x400  }
0x54: {  	[sflag:s11] =	ssyncset.done $0x0  }
0x55: {  	[sflag:s11] =	ssyncadd.s32 $0xFFFFFC00  }
0x56: {  	s19 =	sadd.s32 $0x1, s19  }
0x57: {  	p0 =	sne.s32 s19, s10  }
.Ltmp5:
0x58: {  	_ = 	snop;
	(pc) =	sbr.rel @p0 .LBB2_1-.Ltmp5, $4  }
0x59: {  	_ = 	snop  }
0x5a: {  	_ =	swait.ge [sflag:s15], $0x8000  }
0x5b: {  	[sflag:s15] =	ssyncset.done $0x0  }
0x5c: {  	[sflag:s15] =	ssyncadd.s32 $0xFFFF8000  }
0x5d: {  	_ =	sfence.sel $0x180000  }
0x5e: {  	[bflag:$0x0] =	sbarrier.arrive $0xFFFF  }
0x5f: {  	p0 =	sne.s32 s0, $0x0;
	_ =	strace $0x90000053  }
0x60: {  	s0 =	sadd.s32 @!p0 $0x100000, s1;
	[bflag:$0x2] =	sbarrier.arrive $0xFFFF  }
0x61: {  	[sflag:s0] =	ssyncadd.tile.s32 @!p0 $0x1;
	_ =	shalt  }
.Lfunc_end2:
_tile_overlayer_lowered:
.L_overlay_start_2:
0x62: {  	(tag) =	ssettag $0x2  }
0x63: {  	s0 =	rddreg [dreg:$0x0];
	s2 =	stileid.u32  }
0x64: {  	s1 =	rddreg [dreg:$0x1];
	p0 =	sne.s32 s2, $0x0  }
0x65: {  	s3 =	rddreg [dreg:$0x2];
	[bflag:$0x3] =	sbarrier.arrive $0xFFFF;
	s2 =	simm.s32 @!p0 $0x1C03  }
0x66: {  	[timem:s3], [sflag:s2] =	dma.local @!p0 [hbm:s0], s1  }
0x67: {  	s0 =	simm.s32 @!p0 $0x3  }
0x68: {  	_ =	swait.ge @!p0 [sflag:s0], s1  }
0x69: {  	s1 =	ssub.s32 @!p0 $0x0, s1;
	[sflag:s0] =	ssyncset.done @!p0 $0x0  }
0x6a: {  	[sflag:s0] =	ssyncadd.s32 @!p0 s1  }
0x6b: {  	[bflag:$0x3] =	sbarrier.arrive $0xFFFF  }
0x6c: {  	_ =	shalt  }

</sc_bundles>
